<compile_context>
chip_gen: v7x
topology: tpu7x:2x2x1
jax: 0.10.2.dev20260603
libtpu: 0.0.44.dev20260713+nightly
codegen_flags: <defaults>
</compile_context>

<pallas_src>
import functools

import jax
import jax.numpy as jnp
from jax import lax
from jax.experimental import pallas as pl
from jax.experimental.pallas import tpu as pltpu
from jax.experimental.pallas import tpu_sc as plsc

B = 16384
L = 50
EMBED = 16
NCLS = 3
VOCAB = 1000000

NC = 2
NS = 16
NW = NC * NS
S_PER_W = B // NW
BURST = 100
CHUNK_S = 32
CHUNK_ROWS = CHUNK_S * L
BURSTS = CHUNK_ROWS // BURST
N_CHUNKS = S_PER_W // CHUNK_S
SG = 8
X_ROWS_PER_W = S_PER_W * L // BURST


def _body(x2d, table, w3, b16, out,
          idx0, idx1, rows0, rows1, wv, bv, stage, outbuf, sem0, sem1):
  wid = lax.axis_index("s") * NC + lax.axis_index("c")
  xr0 = wid * X_ROWS_PER_W

  pltpu.sync_copy(w3, wv)
  pltpu.sync_copy(b16, bv)

  idx_bufs = (idx0, idx1)
  rows_bufs = (rows0, rows1)
  sems = (sem0, sem1)

  def fire(g, slot):
    pltpu.sync_copy(x2d.at[pl.ds(xr0 + g * BURSTS, BURSTS)], idx_bufs[slot])
    for j in range(BURSTS):
      pltpu.async_copy(table.at[idx_bufs[slot].at[j]],
                       rows_bufs[slot].at[pl.ds(j * BURST, BURST)],
                       sems[slot])

  def drain(slot):
    pltpu.make_async_copy(table.at[pl.ds(0, CHUNK_ROWS)],
                          rows_bufs[slot], sems[slot]).wait()

  lane = lax.iota(jnp.int32, EMBED)

  def _perm(v, idx):
    return lax.gather(
        v, idx[:, None],
        lax.GatherDimensionNumbers(
            offset_dims=(), collapsed_slice_dims=(0,), start_index_map=(0,)),
        (1,), mode=lax.GatherScatterMode.PROMISE_IN_BOUNDS)

  def _pairsum(u, v, s):
    m = (lane & s) == 0
    return jnp.where(m, u + _perm(u, lane ^ s), v + _perm(v, lane ^ s))

  def _reduce8(vs):
    while len(vs) > 1:
      s = {8: 1, 4: 2, 2: 4}[len(vs)]
      vs = [_pairsum(vs[2 * i], vs[2 * i + 1], s) for i in range(len(vs) // 2)]
    f = vs[0]
    return f + _perm(f, lane ^ SG)

  def compute(g, slot):
    rows = rows_bufs[slot]

    def sg_accs(m):
      def l_body(l, accs):
        w0 = wv[0, l]
        w1 = wv[1, l]
        w2 = wv[2, l]
        base = m * (SG * L) + l
        new = []
        for si in range(SG):
          row = rows[base + si * L]
          a0, a1, a2 = accs[3 * si:3 * si + 3]
          new.extend((a0 + row * w0, a1 + row * w1, a2 + row * w2))
        return tuple(new)

      zeros = jnp.zeros((EMBED,), jnp.float32)
      accs = lax.fori_loop(0, L, l_body, (zeros,) * (3 * SG))
      return [_reduce8([accs[3 * si + c] for si in range(SG)])
              for c in range(NCLS)]

    def pair_body(mm, _):
      fa = sg_accs(2 * mm)
      fb = sg_accs(2 * mm + 1)
      low = lane < SG
      for c in range(NCLS):
        stage[c, pl.ds(g * CHUNK_S + mm * EMBED, EMBED)] = (
            jnp.where(low, fa[c], fb[c]))
      return 0

    lax.fori_loop(0, CHUNK_S // (2 * SG), pair_body, 0)

  fire(0, 0)

  def gg_body(gg, _):
    g0 = 2 * gg
    fire(g0 + 1, 1)
    drain(0)
    compute(g0, 0)

    @pl.when(g0 + 2 < N_CHUNKS)
    def _():
      fire(g0 + 2, 0)

    drain(1)
    compute(g0 + 1, 1)
    return 0

  lax.fori_loop(0, N_CHUNKS // 2, gg_body, 0)

  def sm_body(r, _):
    sl = pl.ds(r * EMBED, EMBED)
    a = stage[0, sl] + bv[0]
    bb = stage[1, sl] + bv[1]
    cc = stage[2, sl] + bv[2]
    m = jnp.maximum(jnp.maximum(a, bb), cc)
    s = jnp.exp(a - m) + jnp.exp(bb - m) + jnp.exp(cc - m)
    t = (s - 1.0) / (s + 1.0)
    t2 = t * t
    y = 2.0 * t * (1.0 + t2 * (0.33333334 + t2 * 0.2))
    y = y + s * jnp.exp(-y) - 1.0
    y = y + s * jnp.exp(-y) - 1.0
    outbuf[0, sl] = a - m - y
    outbuf[1, sl] = bb - m - y
    outbuf[2, sl] = cc - m - y
    return 0

  lax.fori_loop(0, S_PER_W // EMBED, sm_body, 0)

  for c in range(NCLS):
    pltpu.sync_copy(outbuf.at[pl.ds(c, 1)],
                    out.at[pl.ds(c, 1), pl.ds(wid * S_PER_W, S_PER_W)])


@functools.partial(jax.jit, donate_argnums=())
def kernel(x, table, W, b):
  x2d = x.reshape(B * L // BURST, BURST).astype(jnp.int32)
  w3 = W.reshape(NCLS, L, EMBED)
  b16 = jnp.broadcast_to(b[:, None], (NCLS, EMBED))

  mesh = plsc.VectorSubcoreMesh(core_axis_name="c", subcore_axis_name="s",
                                num_cores=NC, num_subcores=NS)

  run = pl.kernel(
      _body,
      out_type=jax.ShapeDtypeStruct((NCLS, B), jnp.float32),
      mesh=mesh,
      compiler_params=pltpu.CompilerParams(use_tc_tiling_on_sc=False),
      scratch_types=[
          pltpu.VMEM((BURSTS, BURST), jnp.int32),
          pltpu.VMEM((BURSTS, BURST), jnp.int32),
          pltpu.VMEM((CHUNK_ROWS, EMBED), jnp.float32),
          pltpu.VMEM((CHUNK_ROWS, EMBED), jnp.float32),
          pltpu.VMEM((NCLS, L, EMBED), jnp.float32),
          pltpu.VMEM((NCLS, EMBED), jnp.float32),
          pltpu.VMEM((NCLS, S_PER_W), jnp.float32),
          pltpu.VMEM((NCLS, S_PER_W), jnp.float32),
          pltpu.SemaphoreType.DMA,
          pltpu.SemaphoreType.DMA,
      ],
  )
  res = run(x2d, table, w3, b16)
  return res.T

# --- scband reference (transcript-rebuilt; emitter-appended) ---
"""Pipeline reference for scband-embed-net-23373212025316 (READ-ONLY COPY).

The authoritative reference and input builder live on the scoring server;
editing this copy changes nothing except your own understanding.
"""

import jax, jax.numpy as jnp
import numpy as np

B = 16384
L = 50
VOCAB = 1000000
EMBED = 16
HIDDEN = L * EMBED  # 800
NCLS = 3


def setup_inputs(seed: int = 0) -> dict:
    key = jax.random.key(seed)
    k1, k2, k3 = jax.random.split(key, 3)
    x = jax.random.randint(k1, (B, L), 0, VOCAB, dtype=jnp.int64) if jax.config.jax_enable_x64 else jax.random.randint(k1, (B, L), 0, VOCAB, dtype=jnp.int32)
    table = jax.random.normal(k2, (VOCAB, EMBED), dtype=jnp.float32) * 0.02
    W = jax.random.normal(k3, (NCLS, HIDDEN), dtype=jnp.float32) * 0.05
    b = jnp.zeros((NCLS,), dtype=jnp.float32)
    return {"x": x, "table": table, "W": W, "b": b}


def reference(x, table, W, b):
    # embedding lookup: gather rows of table
    emb = jnp.take(table, x, axis=0)           # [B, L, EMBED]
    flat = emb.reshape(x.shape[0], -1)          # [B, L*EMBED]
    logits = flat @ W.T + b                     # [B, 3]
    return jax.nn.log_softmax(logits, axis=-1)

if __name__ == "__main__":
    import jax
    _d = setup_inputs()
    print(jax.jit(kernel)(*tuple(_d.values())))

</pallas_src>

<mosaic_0001>
#map = affine_map<(d0, d1) -> (0, 0)>
#map1 = affine_map<(d0, d1) -> (0, 0, 0)>
module attributes {stable_mosaic.version = 14 : i64} {
  func.func @_body(%arg0: i32, %arg1: i32, %arg2: memref<8192x100xi32, #tpu.memory_space<hbm>>, %arg3: memref<1000000x16xf32, #tpu.memory_space<hbm>>, %arg4: memref<3x50x16xf32, #tpu.memory_space<hbm>>, %arg5: memref<3x16xf32, #tpu.memory_space<hbm>>, %arg6: memref<3x16384xf32, #tpu.memory_space<hbm>>, %arg7: memref<16x100xi32, #tpu.memory_space<vmem>>, %arg8: memref<16x100xi32, #tpu.memory_space<vmem>>, %arg9: memref<1600x16xf32, #tpu.memory_space<vmem>>, %arg10: memref<1600x16xf32, #tpu.memory_space<vmem>>, %arg11: memref<3x50x16xf32, #tpu.memory_space<vmem>>, %arg12: memref<3x16xf32, #tpu.memory_space<vmem>>, %arg13: memref<3x512xf32, #tpu.memory_space<vmem>>, %arg14: memref<3x512xf32, #tpu.memory_space<vmem>>, %arg15: memref<!tpu.dma_semaphore, #tpu.memory_space<semaphore_mem>>, %arg16: memref<!tpu.dma_semaphore, #tpu.memory_space<semaphore_mem>>) attributes {dimension_semantics = [#tpu.dimension_semantics<core_parallel>, #tpu.dimension_semantics<subcore_parallel>], iteration_bounds = array<i64: 2, 16>, scalar_prefetch = 0 : i64, scratch_operands = 10 : i64, tpu.core_type = #tpu.core_type<sc_vector_subcore>, window_params = [{transform_indices = #map}, {transform_indices = #map}, {transform_indices = #map1}, {transform_indices = #map}, {transform_indices = #map}]} {
    %mul3A = arith.constant 2 : i32
    %mul3A_0 = arith.muli %arg1, %mul3A : i32
    %add3A = arith.addi %mul3A_0, %arg0 : i32
    %mul3A_1 = arith.constant 256 : i32
    %mul3A_2 = arith.muli %add3A, %mul3A_1 : i32
    "tpu.region"() ({
      %run_scoped3A = tpu.sem_alloc : memref<!tpu.dma_semaphore, #tpu.memory_space<semaphore_mem>>
      tpu.enqueue_dma source(%arg4 : memref<3x50x16xf32, #tpu.memory_space<hbm>>) target(%arg11 : memref<3x50x16xf32, #tpu.memory_space<vmem>>) target_semaphore(%run_scoped3A : memref<!tpu.dma_semaphore, #tpu.memory_space<semaphore_mem>>)
      tpu.wait_dma2 semaphore(%run_scoped3A : memref<!tpu.dma_semaphore, #tpu.memory_space<semaphore_mem>>) src(%arg4 : memref<3x50x16xf32, #tpu.memory_space<hbm>>) dst(%arg11 : memref<3x50x16xf32, #tpu.memory_space<vmem>>)
      tpu.yield
    }) : () -> ()
    "tpu.region"() ({
      %run_scoped3A = tpu.sem_alloc : memref<!tpu.dma_semaphore, #tpu.memory_space<semaphore_mem>>
      tpu.enqueue_dma source(%arg5 : memref<3x16xf32, #tpu.memory_space<hbm>>) target(%arg12 : memref<3x16xf32, #tpu.memory_space<vmem>>) target_semaphore(%run_scoped3A : memref<!tpu.dma_semaphore, #tpu.memory_space<semaphore_mem>>)
      tpu.wait_dma2 semaphore(%run_scoped3A : memref<!tpu.dma_semaphore, #tpu.memory_space<semaphore_mem>>) src(%arg5 : memref<3x16xf32, #tpu.memory_space<hbm>>) dst(%arg12 : memref<3x16xf32, #tpu.memory_space<vmem>>)
      tpu.yield
    }) : () -> ()
    %iota3A = tpu.iota {dimensions = array<i32: 0>} : vector<16xi32>
    %add3A_3 = arith.constant 0 : i32
    %add3A_4 = arith.addi %mul3A_2, %add3A_3 : i32
    "tpu.region"() ({
      %run_scoped3A = tpu.sem_alloc : memref<!tpu.dma_semaphore, #tpu.memory_space<semaphore_mem>>
      %dma_start3A_183 = arith.constant 0 : i32
      %dma_start3A_184 = tpu.memref_slice %arg2[%add3A_4, %dma_start3A_183] : memref<8192x100xi32, #tpu.memory_space<hbm>> -> memref<16x100xi32, #tpu.memory_space<hbm>>
      %dma_start3A_185 = arith.constant 0 : i32
      %dma_start3A_186 = tpu.memref_slice %arg2[%add3A_4, %dma_start3A_185] : memref<8192x100xi32, #tpu.memory_space<hbm>> -> memref<16x100xi32, #tpu.memory_space<hbm>>
      tpu.enqueue_dma source(%dma_start3A_186 : memref<16x100xi32, #tpu.memory_space<hbm>>) target(%arg7 : memref<16x100xi32, #tpu.memory_space<vmem>>) target_semaphore(%run_scoped3A : memref<!tpu.dma_semaphore, #tpu.memory_space<semaphore_mem>>)
      %dma_wait3A = arith.constant 0 : i32
      %dma_wait3A_187 = tpu.memref_slice %arg2[%add3A_4, %dma_wait3A] : memref<8192x100xi32, #tpu.memory_space<hbm>> -> memref<16x100xi32, #tpu.memory_space<hbm>>
      %dma_wait3A_188 = arith.constant 0 : i32
      %dma_wait3A_189 = tpu.memref_slice %arg2[%add3A_4, %dma_wait3A_188] : memref<8192x100xi32, #tpu.memory_space<hbm>> -> memref<16x100xi32, #tpu.memory_space<hbm>>
      tpu.wait_dma2 semaphore(%run_scoped3A : memref<!tpu.dma_semaphore, #tpu.memory_space<semaphore_mem>>) src(%dma_wait3A_189 : memref<16x100xi32, #tpu.memory_space<hbm>>) dst(%arg7 : memref<16x100xi32, #tpu.memory_space<vmem>>)
      tpu.yield
    }) : () -> ()
    %dma_start3A = arith.constant 0 : i32
    %dma_start3A_5 = arith.constant 0 : i32
    %dma_start3A_6 = arith.constant 0 : i32
    %dma_start3A_7 = tpu.memref_slice %arg9[%dma_start3A_5, %dma_start3A_6] : memref<1600x16xf32, #tpu.memory_space<vmem>> -> memref<100x16xf32, #tpu.memory_space<vmem>>
    %dma_start3A_8 = arith.constant 0 : i32
    %dma_start3A_9 = tpu.memref_slice %arg7[%dma_start3A, %dma_start3A_8] : memref<16x100xi32, #tpu.memory_space<vmem>> -> memref<1x100xi32, #tpu.memory_space<vmem>>
    %dma_start3A_10 = tpu.memref_squeeze %dma_start3A_9 : memref<1x100xi32, #tpu.memory_space<vmem>> -> memref<100xi32, #tpu.memory_space<vmem>>
    %dma_start3A_11 = arith.constant 0 : i32
    %dma_start3A_12 = arith.constant 0 : i32
    %dma_start3A_13 = tpu.memref_slice %arg3[%dma_start3A_11, %dma_start3A_12] : memref<1000000x16xf32, #tpu.memory_space<hbm>> -> memref<1000000x16xf32, #tpu.memory_space<hbm>>
    tpu.enqueue_indirect_dma source(%dma_start3A_13 : memref<1000000x16xf32, #tpu.memory_space<hbm>>) target(%dma_start3A_7 : memref<100x16xf32, #tpu.memory_space<vmem>>) offsets(%dma_start3A_10 : memref<100xi32, #tpu.memory_space<vmem>>) semaphore(%arg15 : memref<!tpu.dma_semaphore, #tpu.memory_space<semaphore_mem>>)
    %dma_start3A_14 = arith.constant 1 : i32
    %dma_start3A_15 = arith.constant 100 : i32
    %dma_start3A_16 = arith.constant 0 : i32
    %dma_start3A_17 = tpu.memref_slice %arg9[%dma_start3A_15, %dma_start3A_16] : memref<1600x16xf32, #tpu.memory_space<vmem>> -> memref<100x16xf32, #tpu.memory_space<vmem>>
    %dma_start3A_18 = arith.constant 0 : i32
    %dma_start3A_19 = tpu.memref_slice %arg7[%dma_start3A_14, %dma_start3A_18] : memref<16x100xi32, #tpu.memory_space<vmem>> -> memref<1x100xi32, #tpu.memory_space<vmem>>
    %dma_start3A_20 = tpu.memref_squeeze %dma_start3A_19 : memref<1x100xi32, #tpu.memory_space<vmem>> -> memref<100xi32, #tpu.memory_space<vmem>>
    %dma_start3A_21 = arith.constant 0 : i32
    %dma_start3A_22 = arith.constant 0 : i32
    %dma_start3A_23 = tpu.memref_slice %arg3[%dma_start3A_21, %dma_start3A_22] : memref<1000000x16xf32, #tpu.memory_space<hbm>> -> memref<1000000x16xf32, #tpu.memory_space<hbm>>
    tpu.enqueue_indirect_dma source(%dma_start3A_23 : memref<1000000x16xf32, #tpu.memory_space<hbm>>) target(%dma_start3A_17 : memref<100x16xf32, #tpu.memory_space<vmem>>) offsets(%dma_start3A_20 : memref<100xi32, #tpu.memory_space<vmem>>) semaphore(%arg15 : memref<!tpu.dma_semaphore, #tpu.memory_space<semaphore_mem>>)
    %dma_start3A_24 = arith.constant 2 : i32
    %dma_start3A_25 = arith.constant 200 : i32
    %dma_start3A_26 = arith.constant 0 : i32
    %dma_start3A_27 = tpu.memref_slice %arg9[%dma_start3A_25, %dma_start3A_26] : memref<1600x16xf32, #tpu.memory_space<vmem>> -> memref<100x16xf32, #tpu.memory_space<vmem>>
    %dma_start3A_28 = arith.constant 0 : i32
    %dma_start3A_29 = tpu.memref_slice %arg7[%dma_start3A_24, %dma_start3A_28] : memref<16x100xi32, #tpu.memory_space<vmem>> -> memref<1x100xi32, #tpu.memory_space<vmem>>
    %dma_start3A_30 = tpu.memref_squeeze %dma_start3A_29 : memref<1x100xi32, #tpu.memory_space<vmem>> -> memref<100xi32, #tpu.memory_space<vmem>>
    %dma_start3A_31 = arith.constant 0 : i32
    %dma_start3A_32 = arith.constant 0 : i32
    %dma_start3A_33 = tpu.memref_slice %arg3[%dma_start3A_31, %dma_start3A_32] : memref<1000000x16xf32, #tpu.memory_space<hbm>> -> memref<1000000x16xf32, #tpu.memory_space<hbm>>
    tpu.enqueue_indirect_dma source(%dma_start3A_33 : memref<1000000x16xf32, #tpu.memory_space<hbm>>) target(%dma_start3A_27 : memref<100x16xf32, #tpu.memory_space<vmem>>) offsets(%dma_start3A_30 : memref<100xi32, #tpu.memory_space<vmem>>) semaphore(%arg15 : memref<!tpu.dma_semaphore, #tpu.memory_space<semaphore_mem>>)
    %dma_start3A_34 = arith.constant 3 : i32
    %dma_start3A_35 = arith.constant 300 : i32
    %dma_start3A_36 = arith.constant 0 : i32
    %dma_start3A_37 = tpu.memref_slice %arg9[%dma_start3A_35, %dma_start3A_36] : memref<1600x16xf32, #tpu.memory_space<vmem>> -> memref<100x16xf32, #tpu.memory_space<vmem>>
    %dma_start3A_38 = arith.constant 0 : i32
    %dma_start3A_39 = tpu.memref_slice %arg7[%dma_start3A_34, %dma_start3A_38] : memref<16x100xi32, #tpu.memory_space<vmem>> -> memref<1x100xi32, #tpu.memory_space<vmem>>
    %dma_start3A_40 = tpu.memref_squeeze %dma_start3A_39 : memref<1x100xi32, #tpu.memory_space<vmem>> -> memref<100xi32, #tpu.memory_space<vmem>>
    %dma_start3A_41 = arith.constant 0 : i32
    %dma_start3A_42 = arith.constant 0 : i32
    %dma_start3A_43 = tpu.memref_slice %arg3[%dma_start3A_41, %dma_start3A_42] : memref<1000000x16xf32, #tpu.memory_space<hbm>> -> memref<1000000x16xf32, #tpu.memory_space<hbm>>
    tpu.enqueue_indirect_dma source(%dma_start3A_43 : memref<1000000x16xf32, #tpu.memory_space<hbm>>) target(%dma_start3A_37 : memref<100x16xf32, #tpu.memory_space<vmem>>) offsets(%dma_start3A_40 : memref<100xi32, #tpu.memory_space<vmem>>) semaphore(%arg15 : memref<!tpu.dma_semaphore, #tpu.memory_space<semaphore_mem>>)
    %dma_start3A_44 = arith.constant 4 : i32
    %dma_start3A_45 = arith.constant 400 : i32
    %dma_start3A_46 = arith.constant 0 : i32
    %dma_start3A_47 = tpu.memref_slice %arg9[%dma_start3A_45, %dma_start3A_46] : memref<1600x16xf32, #tpu.memory_space<vmem>> -> memref<100x16xf32, #tpu.memory_space<vmem>>
    %dma_start3A_48 = arith.constant 0 : i32
    %dma_start3A_49 = tpu.memref_slice %arg7[%dma_start3A_44, %dma_start3A_48] : memref<16x100xi32, #tpu.memory_space<vmem>> -> memref<1x100xi32, #tpu.memory_space<vmem>>
    %dma_start3A_50 = tpu.memref_squeeze %dma_start3A_49 : memref<1x100xi32, #tpu.memory_space<vmem>> -> memref<100xi32, #tpu.memory_space<vmem>>
    %dma_start3A_51 = arith.constant 0 : i32
    %dma_start3A_52 = arith.constant 0 : i32
    %dma_start3A_53 = tpu.memref_slice %arg3[%dma_start3A_51, %dma_start3A_52] : memref<1000000x16xf32, #tpu.memory_space<hbm>> -> memref<1000000x16xf32, #tpu.memory_space<hbm>>
    tpu.enqueue_indirect_dma source(%dma_start3A_53 : memref<1000000x16xf32, #tpu.memory_space<hbm>>) target(%dma_start3A_47 : memref<100x16xf32, #tpu.memory_space<vmem>>) offsets(%dma_start3A_50 : memref<100xi32, #tpu.memory_space<vmem>>) semaphore(%arg15 : memref<!tpu.dma_semaphore, #tpu.memory_space<semaphore_mem>>)
    %dma_start3A_54 = arith.constant 5 : i32
    %dma_start3A_55 = arith.constant 500 : i32
    %dma_start3A_56 = arith.constant 0 : i32
    %dma_start3A_57 = tpu.memref_slice %arg9[%dma_start3A_55, %dma_start3A_56] : memref<1600x16xf32, #tpu.memory_space<vmem>> -> memref<100x16xf32, #tpu.memory_space<vmem>>
    %dma_start3A_58 = arith.constant 0 : i32
    %dma_start3A_59 = tpu.memref_slice %arg7[%dma_start3A_54, %dma_start3A_58] : memref<16x100xi32, #tpu.memory_space<vmem>> -> memref<1x100xi32, #tpu.memory_space<vmem>>
    %dma_start3A_60 = tpu.memref_squeeze %dma_start3A_59 : memref<1x100xi32, #tpu.memory_space<vmem>> -> memref<100xi32, #tpu.memory_space<vmem>>
    %dma_start3A_61 = arith.constant 0 : i32
    %dma_start3A_62 = arith.constant 0 : i32
    %dma_start3A_63 = tpu.memref_slice %arg3[%dma_start3A_61, %dma_start3A_62] : memref<1000000x16xf32, #tpu.memory_space<hbm>> -> memref<1000000x16xf32, #tpu.memory_space<hbm>>
    tpu.enqueue_indirect_dma source(%dma_start3A_63 : memref<1000000x16xf32, #tpu.memory_space<hbm>>) target(%dma_start3A_57 : memref<100x16xf32, #tpu.memory_space<vmem>>) offsets(%dma_start3A_60 : memref<100xi32, #tpu.memory_space<vmem>>) semaphore(%arg15 : memref<!tpu.dma_semaphore, #tpu.memory_space<semaphore_mem>>)
    %dma_start3A_64 = arith.constant 6 : i32
    %dma_start3A_65 = arith.constant 600 : i32
    %dma_start3A_66 = arith.constant 0 : i32
    %dma_start3A_67 = tpu.memref_slice %arg9[%dma_start3A_65, %dma_start3A_66] : memref<1600x16xf32, #tpu.memory_space<vmem>> -> memref<100x16xf32, #tpu.memory_space<vmem>>
    %dma_start3A_68 = arith.constant 0 : i32
    %dma_start3A_69 = tpu.memref_slice %arg7[%dma_start3A_64, %dma_start3A_68] : memref<16x100xi32, #tpu.memory_space<vmem>> -> memref<1x100xi32, #tpu.memory_space<vmem>>
    %dma_start3A_70 = tpu.memref_squeeze %dma_start3A_69 : memref<1x100xi32, #tpu.memory_space<vmem>> -> memref<100xi32, #tpu.memory_space<vmem>>
    %dma_start3A_71 = arith.constant 0 : i32
    %dma_start3A_72 = arith.constant 0 : i32
    %dma_start3A_73 = tpu.memref_slice %arg3[%dma_start3A_71, %dma_start3A_72] : memref<1000000x16xf32, #tpu.memory_space<hbm>> -> memref<1000000x16xf32, #tpu.memory_space<hbm>>
    tpu.enqueue_indirect_dma source(%dma_start3A_73 : memref<1000000x16xf32, #tpu.memory_space<hbm>>) target(%dma_start3A_67 : memref<100x16xf32, #tpu.memory_space<vmem>>) offsets(%dma_start3A_70 : memref<100xi32, #tpu.memory_space<vmem>>) semaphore(%arg15 : memref<!tpu.dma_semaphore, #tpu.memory_space<semaphore_mem>>)
    %dma_start3A_74 = arith.constant 7 : i32
    %dma_start3A_75 = arith.constant 700 : i32
    %dma_start3A_76 = arith.constant 0 : i32
    %dma_start3A_77 = tpu.memref_slice %arg9[%dma_start3A_75, %dma_start3A_76] : memref<1600x16xf32, #tpu.memory_space<vmem>> -> memref<100x16xf32, #tpu.memory_space<vmem>>
    %dma_start3A_78 = arith.constant 0 : i32
    %dma_start3A_79 = tpu.memref_slice %arg7[%dma_start3A_74, %dma_start3A_78] : memref<16x100xi32, #tpu.memory_space<vmem>> -> memref<1x100xi32, #tpu.memory_space<vmem>>
    %dma_start3A_80 = tpu.memref_squeeze %dma_start3A_79 : memref<1x100xi32, #tpu.memory_space<vmem>> -> memref<100xi32, #tpu.memory_space<vmem>>
    %dma_start3A_81 = arith.constant 0 : i32
    %dma_start3A_82 = arith.constant 0 : i32
    %dma_start3A_83 = tpu.memref_slice %arg3[%dma_start3A_81, %dma_start3A_82] : memref<1000000x16xf32, #tpu.memory_space<hbm>> -> memref<1000000x16xf32, #tpu.memory_space<hbm>>
    tpu.enqueue_indirect_dma source(%dma_start3A_83 : memref<1000000x16xf32, #tpu.memory_space<hbm>>) target(%dma_start3A_77 : memref<100x16xf32, #tpu.memory_space<vmem>>) offsets(%dma_start3A_80 : memref<100xi32, #tpu.memory_space<vmem>>) semaphore(%arg15 : memref<!tpu.dma_semaphore, #tpu.memory_space<semaphore_mem>>)
    %dma_start3A_84 = arith.constant 8 : i32
    %dma_start3A_85 = arith.constant 800 : i32
    %dma_start3A_86 = arith.constant 0 : i32
    %dma_start3A_87 = tpu.memref_slice %arg9[%dma_start3A_85, %dma_start3A_86] : memref<1600x16xf32, #tpu.memory_space<vmem>> -> memref<100x16xf32, #tpu.memory_space<vmem>>
    %dma_start3A_88 = arith.constant 0 : i32
    %dma_start3A_89 = tpu.memref_slice %arg7[%dma_start3A_84, %dma_start3A_88] : memref<16x100xi32, #tpu.memory_space<vmem>> -> memref<1x100xi32, #tpu.memory_space<vmem>>
    %dma_start3A_90 = tpu.memref_squeeze %dma_start3A_89 : memref<1x100xi32, #tpu.memory_space<vmem>> -> memref<100xi32, #tpu.memory_space<vmem>>
    %dma_start3A_91 = arith.constant 0 : i32
    %dma_start3A_92 = arith.constant 0 : i32
    %dma_start3A_93 = tpu.memref_slice %arg3[%dma_start3A_91, %dma_start3A_92] : memref<1000000x16xf32, #tpu.memory_space<hbm>> -> memref<1000000x16xf32, #tpu.memory_space<hbm>>
    tpu.enqueue_indirect_dma source(%dma_start3A_93 : memref<1000000x16xf32, #tpu.memory_space<hbm>>) target(%dma_start3A_87 : memref<100x16xf32, #tpu.memory_space<vmem>>) offsets(%dma_start3A_90 : memref<100xi32, #tpu.memory_space<vmem>>) semaphore(%arg15 : memref<!tpu.dma_semaphore, #tpu.memory_space<semaphore_mem>>)
    %dma_start3A_94 = arith.constant 9 : i32
    %dma_start3A_95 = arith.constant 900 : i32
    %dma_start3A_96 = arith.constant 0 : i32
    %dma_start3A_97 = tpu.memref_slice %arg9[%dma_start3A_95, %dma_start3A_96] : memref<1600x16xf32, #tpu.memory_space<vmem>> -> memref<100x16xf32, #tpu.memory_space<vmem>>
    %dma_start3A_98 = arith.constant 0 : i32
    %dma_start3A_99 = tpu.memref_slice %arg7[%dma_start3A_94, %dma_start3A_98] : memref<16x100xi32, #tpu.memory_space<vmem>> -> memref<1x100xi32, #tpu.memory_space<vmem>>
    %dma_start3A_100 = tpu.memref_squeeze %dma_start3A_99 : memref<1x100xi32, #tpu.memory_space<vmem>> -> memref<100xi32, #tpu.memory_space<vmem>>
    %dma_start3A_101 = arith.constant 0 : i32
    %dma_start3A_102 = arith.constant 0 : i32
    %dma_start3A_103 = tpu.memref_slice %arg3[%dma_start3A_101, %dma_start3A_102] : memref<1000000x16xf32, #tpu.memory_space<hbm>> -> memref<1000000x16xf32, #tpu.memory_space<hbm>>
    tpu.enqueue_indirect_dma source(%dma_start3A_103 : memref<1000000x16xf32, #tpu.memory_space<hbm>>) target(%dma_start3A_97 : memref<100x16xf32, #tpu.memory_space<vmem>>) offsets(%dma_start3A_100 : memref<100xi32, #tpu.memory_space<vmem>>) semaphore(%arg15 : memref<!tpu.dma_semaphore, #tpu.memory_space<semaphore_mem>>)
    %dma_start3A_104 = arith.constant 10 : i32
    %dma_start3A_105 = arith.constant 1000 : i32
    %dma_start3A_106 = arith.constant 0 : i32
    %dma_start3A_107 = tpu.memref_slice %arg9[%dma_start3A_105, %dma_start3A_106] : memref<1600x16xf32, #tpu.memory_space<vmem>> -> memref<100x16xf32, #tpu.memory_space<vmem>>
    %dma_start3A_108 = arith.constant 0 : i32
    %dma_start3A_109 = tpu.memref_slice %arg7[%dma_start3A_104, %dma_start3A_108] : memref<16x100xi32, #tpu.memory_space<vmem>> -> memref<1x100xi32, #tpu.memory_space<vmem>>
    %dma_start3A_110 = tpu.memref_squeeze %dma_start3A_109 : memref<1x100xi32, #tpu.memory_space<vmem>> -> memref<100xi32, #tpu.memory_space<vmem>>
    %dma_start3A_111 = arith.constant 0 : i32
    %dma_start3A_112 = arith.constant 0 : i32
    %dma_start3A_113 = tpu.memref_slice %arg3[%dma_start3A_111, %dma_start3A_112] : memref<1000000x16xf32, #tpu.memory_space<hbm>> -> memref<1000000x16xf32, #tpu.memory_space<hbm>>
    tpu.enqueue_indirect_dma source(%dma_start3A_113 : memref<1000000x16xf32, #tpu.memory_space<hbm>>) target(%dma_start3A_107 : memref<100x16xf32, #tpu.memory_space<vmem>>) offsets(%dma_start3A_110 : memref<100xi32, #tpu.memory_space<vmem>>) semaphore(%arg15 : memref<!tpu.dma_semaphore, #tpu.memory_space<semaphore_mem>>)
    %dma_start3A_114 = arith.constant 11 : i32
    %dma_start3A_115 = arith.constant 1100 : i32
    %dma_start3A_116 = arith.constant 0 : i32
    %dma_start3A_117 = tpu.memref_slice %arg9[%dma_start3A_115, %dma_start3A_116] : memref<1600x16xf32, #tpu.memory_space<vmem>> -> memref<100x16xf32, #tpu.memory_space<vmem>>
    %dma_start3A_118 = arith.constant 0 : i32
    %dma_start3A_119 = tpu.memref_slice %arg7[%dma_start3A_114, %dma_start3A_118] : memref<16x100xi32, #tpu.memory_space<vmem>> -> memref<1x100xi32, #tpu.memory_space<vmem>>
    %dma_start3A_120 = tpu.memref_squeeze %dma_start3A_119 : memref<1x100xi32, #tpu.memory_space<vmem>> -> memref<100xi32, #tpu.memory_space<vmem>>
    %dma_start3A_121 = arith.constant 0 : i32
    %dma_start3A_122 = arith.constant 0 : i32
    %dma_start3A_123 = tpu.memref_slice %arg3[%dma_start3A_121, %dma_start3A_122] : memref<1000000x16xf32, #tpu.memory_space<hbm>> -> memref<1000000x16xf32, #tpu.memory_space<hbm>>
    tpu.enqueue_indirect_dma source(%dma_start3A_123 : memref<1000000x16xf32, #tpu.memory_space<hbm>>) target(%dma_start3A_117 : memref<100x16xf32, #tpu.memory_space<vmem>>) offsets(%dma_start3A_120 : memref<100xi32, #tpu.memory_space<vmem>>) semaphore(%arg15 : memref<!tpu.dma_semaphore, #tpu.memory_space<semaphore_mem>>)
    %dma_start3A_124 = arith.constant 12 : i32
    %dma_start3A_125 = arith.constant 1200 : i32
    %dma_start3A_126 = arith.constant 0 : i32
    %dma_start3A_127 = tpu.memref_slice %arg9[%dma_start3A_125, %dma_start3A_126] : memref<1600x16xf32, #tpu.memory_space<vmem>> -> memref<100x16xf32, #tpu.memory_space<vmem>>
    %dma_start3A_128 = arith.constant 0 : i32
    %dma_start3A_129 = tpu.memref_slice %arg7[%dma_start3A_124, %dma_start3A_128] : memref<16x100xi32, #tpu.memory_space<vmem>> -> memref<1x100xi32, #tpu.memory_space<vmem>>
    %dma_start3A_130 = tpu.memref_squeeze %dma_start3A_129 : memref<1x100xi32, #tpu.memory_space<vmem>> -> memref<100xi32, #tpu.memory_space<vmem>>
    %dma_start3A_131 = arith.constant 0 : i32
    %dma_start3A_132 = arith.constant 0 : i32
    %dma_start3A_133 = tpu.memref_slice %arg3[%dma_start3A_131, %dma_start3A_132] : memref<1000000x16xf32, #tpu.memory_space<hbm>> -> memref<1000000x16xf32, #tpu.memory_space<hbm>>
    tpu.enqueue_indirect_dma source(%dma_start3A_133 : memref<1000000x16xf32, #tpu.memory_space<hbm>>) target(%dma_start3A_127 : memref<100x16xf32, #tpu.memory_space<vmem>>) offsets(%dma_start3A_130 : memref<100xi32, #tpu.memory_space<vmem>>) semaphore(%arg15 : memref<!tpu.dma_semaphore, #tpu.memory_space<semaphore_mem>>)
    %dma_start3A_134 = arith.constant 13 : i32
    %dma_start3A_135 = arith.constant 1300 : i32
    %dma_start3A_136 = arith.constant 0 : i32
    %dma_start3A_137 = tpu.memref_slice %arg9[%dma_start3A_135, %dma_start3A_136] : memref<1600x16xf32, #tpu.memory_space<vmem>> -> memref<100x16xf32, #tpu.memory_space<vmem>>
    %dma_start3A_138 = arith.constant 0 : i32
    %dma_start3A_139 = tpu.memref_slice %arg7[%dma_start3A_134, %dma_start3A_138] : memref<16x100xi32, #tpu.memory_space<vmem>> -> memref<1x100xi32, #tpu.memory_space<vmem>>
    %dma_start3A_140 = tpu.memref_squeeze %dma_start3A_139 : memref<1x100xi32, #tpu.memory_space<vmem>> -> memref<100xi32, #tpu.memory_space<vmem>>
    %dma_start3A_141 = arith.constant 0 : i32
    %dma_start3A_142 = arith.constant 0 : i32
    %dma_start3A_143 = tpu.memref_slice %arg3[%dma_start3A_141, %dma_start3A_142] : memref<1000000x16xf32, #tpu.memory_space<hbm>> -> memref<1000000x16xf32, #tpu.memory_space<hbm>>
    tpu.enqueue_indirect_dma source(%dma_start3A_143 : memref<1000000x16xf32, #tpu.memory_space<hbm>>) target(%dma_start3A_137 : memref<100x16xf32, #tpu.memory_space<vmem>>) offsets(%dma_start3A_140 : memref<100xi32, #tpu.memory_space<vmem>>) semaphore(%arg15 : memref<!tpu.dma_semaphore, #tpu.memory_space<semaphore_mem>>)
    %dma_start3A_144 = arith.constant 14 : i32
    %dma_start3A_145 = arith.constant 1400 : i32
    %dma_start3A_146 = arith.constant 0 : i32
    %dma_start3A_147 = tpu.memref_slice %arg9[%dma_start3A_145, %dma_start3A_146] : memref<1600x16xf32, #tpu.memory_space<vmem>> -> memref<100x16xf32, #tpu.memory_space<vmem>>
    %dma_start3A_148 = arith.constant 0 : i32
    %dma_start3A_149 = tpu.memref_slice %arg7[%dma_start3A_144, %dma_start3A_148] : memref<16x100xi32, #tpu.memory_space<vmem>> -> memref<1x100xi32, #tpu.memory_space<vmem>>
    %dma_start3A_150 = tpu.memref_squeeze %dma_start3A_149 : memref<1x100xi32, #tpu.memory_space<vmem>> -> memref<100xi32, #tpu.memory_space<vmem>>
    %dma_start3A_151 = arith.constant 0 : i32
    %dma_start3A_152 = arith.constant 0 : i32
    %dma_start3A_153 = tpu.memref_slice %arg3[%dma_start3A_151, %dma_start3A_152] : memref<1000000x16xf32, #tpu.memory_space<hbm>> -> memref<1000000x16xf32, #tpu.memory_space<hbm>>
    tpu.enqueue_indirect_dma source(%dma_start3A_153 : memref<1000000x16xf32, #tpu.memory_space<hbm>>) target(%dma_start3A_147 : memref<100x16xf32, #tpu.memory_space<vmem>>) offsets(%dma_start3A_150 : memref<100xi32, #tpu.memory_space<vmem>>) semaphore(%arg15 : memref<!tpu.dma_semaphore, #tpu.memory_space<semaphore_mem>>)
    %dma_start3A_154 = arith.constant 15 : i32
    %dma_start3A_155 = arith.constant 1500 : i32
    %dma_start3A_156 = arith.constant 0 : i32
    %dma_start3A_157 = tpu.memref_slice %arg9[%dma_start3A_155, %dma_start3A_156] : memref<1600x16xf32, #tpu.memory_space<vmem>> -> memref<100x16xf32, #tpu.memory_space<vmem>>
    %dma_start3A_158 = arith.constant 0 : i32
    %dma_start3A_159 = tpu.memref_slice %arg7[%dma_start3A_154, %dma_start3A_158] : memref<16x100xi32, #tpu.memory_space<vmem>> -> memref<1x100xi32, #tpu.memory_space<vmem>>
    %dma_start3A_160 = tpu.memref_squeeze %dma_start3A_159 : memref<1x100xi32, #tpu.memory_space<vmem>> -> memref<100xi32, #tpu.memory_space<vmem>>
    %dma_start3A_161 = arith.constant 0 : i32
    %dma_start3A_162 = arith.constant 0 : i32
    %dma_start3A_163 = tpu.memref_slice %arg3[%dma_start3A_161, %dma_start3A_162] : memref<1000000x16xf32, #tpu.memory_space<hbm>> -> memref<1000000x16xf32, #tpu.memory_space<hbm>>
    tpu.enqueue_indirect_dma source(%dma_start3A_163 : memref<1000000x16xf32, #tpu.memory_space<hbm>>) target(%dma_start3A_157 : memref<100x16xf32, #tpu.memory_space<vmem>>) offsets(%dma_start3A_160 : memref<100xi32, #tpu.memory_space<vmem>>) semaphore(%arg15 : memref<!tpu.dma_semaphore, #tpu.memory_space<semaphore_mem>>)
    %scan3A = arith.constant 0 : i32
    %scan3A_164 = arith.constant 0 : i32
    %scan3A_165 = arith.constant 8 : i32
    %scan3A_166 = arith.addi %scan3A_164, %scan3A_165 : i32
    %scan3A_167 = arith.constant 1 : i32
    %scan3A_168 = scf.for %scan3A_183 = %scan3A_164 to %scan3A_166 step %scan3A_167 iter_args(%scan3A_184 = %scan3A) -> (i32)  : i32 {
      %mul3A_185 = arith.constant 2 : i32
      %mul3A_186 = arith.muli %mul3A_185, %scan3A_183 : i32
      %add3A_187 = arith.constant 1 : i32
      %add3A_188 = arith.addi %mul3A_186, %add3A_187 : i32
      %mul3A_189 = arith.constant 16 : i32
      %mul3A_190 = arith.muli %add3A_188, %mul3A_189 : i32
      %add3A_191 = arith.addi %mul3A_2, %mul3A_190 : i32
      "tpu.region"() ({
        %run_scoped3A = tpu.sem_alloc : memref<!tpu.dma_semaphore, #tpu.memory_space<semaphore_mem>>
        %dma_start3A_384 = arith.constant 0 : i32
        %dma_start3A_385 = tpu.memref_slice %arg2[%add3A_191, %dma_start3A_384] : memref<8192x100xi32, #tpu.memory_space<hbm>> -> memref<16x100xi32, #tpu.memory_space<hbm>>
        %dma_start3A_386 = arith.constant 0 : i32
        %dma_start3A_387 = tpu.memref_slice %arg2[%add3A_191, %dma_start3A_386] : memref<8192x100xi32, #tpu.memory_space<hbm>> -> memref<16x100xi32, #tpu.memory_space<hbm>>
        tpu.enqueue_dma source(%dma_start3A_387 : memref<16x100xi32, #tpu.memory_space<hbm>>) target(%arg8 : memref<16x100xi32, #tpu.memory_space<vmem>>) target_semaphore(%run_scoped3A : memref<!tpu.dma_semaphore, #tpu.memory_space<semaphore_mem>>)
        %dma_wait3A_388 = arith.constant 0 : i32
        %dma_wait3A_389 = tpu.memref_slice %arg2[%add3A_191, %dma_wait3A_388] : memref<8192x100xi32, #tpu.memory_space<hbm>> -> memref<16x100xi32, #tpu.memory_space<hbm>>
        %dma_wait3A_390 = arith.constant 0 : i32
        %dma_wait3A_391 = tpu.memref_slice %arg2[%add3A_191, %dma_wait3A_390] : memref<8192x100xi32, #tpu.memory_space<hbm>> -> memref<16x100xi32, #tpu.memory_space<hbm>>
        tpu.wait_dma2 semaphore(%run_scoped3A : memref<!tpu.dma_semaphore, #tpu.memory_space<semaphore_mem>>) src(%dma_wait3A_391 : memref<16x100xi32, #tpu.memory_space<hbm>>) dst(%arg8 : memref<16x100xi32, #tpu.memory_space<vmem>>)
        tpu.yield
      }) : () -> ()
      %dma_start3A_192 = arith.constant 0 : i32
      %dma_start3A_193 = arith.constant 0 : i32
      %dma_start3A_194 = arith.constant 0 : i32
      %dma_start3A_195 = tpu.memref_slice %arg10[%dma_start3A_193, %dma_start3A_194] : memref<1600x16xf32, #tpu.memory_space<vmem>> -> memref<100x16xf32, #tpu.memory_space<vmem>>
      %dma_start3A_196 = arith.constant 0 : i32
      %dma_start3A_197 = tpu.memref_slice %arg8[%dma_start3A_192, %dma_start3A_196] : memref<16x100xi32, #tpu.memory_space<vmem>> -> memref<1x100xi32, #tpu.memory_space<vmem>>
      %dma_start3A_198 = tpu.memref_squeeze %dma_start3A_197 : memref<1x100xi32, #tpu.memory_space<vmem>> -> memref<100xi32, #tpu.memory_space<vmem>>
      %dma_start3A_199 = arith.constant 0 : i32
      %dma_start3A_200 = arith.constant 0 : i32
      %dma_start3A_201 = tpu.memref_slice %arg3[%dma_start3A_199, %dma_start3A_200] : memref<1000000x16xf32, #tpu.memory_space<hbm>> -> memref<1000000x16xf32, #tpu.memory_space<hbm>>
      tpu.enqueue_indirect_dma source(%dma_start3A_201 : memref<1000000x16xf32, #tpu.memory_space<hbm>>) target(%dma_start3A_195 : memref<100x16xf32, #tpu.memory_space<vmem>>) offsets(%dma_start3A_198 : memref<100xi32, #tpu.memory_space<vmem>>) semaphore(%arg16 : memref<!tpu.dma_semaphore, #tpu.memory_space<semaphore_mem>>)
      %dma_start3A_202 = arith.constant 1 : i32
      %dma_start3A_203 = arith.constant 100 : i32
      %dma_start3A_204 = arith.constant 0 : i32
      %dma_start3A_205 = tpu.memref_slice %arg10[%dma_start3A_203, %dma_start3A_204] : memref<1600x16xf32, #tpu.memory_space<vmem>> -> memref<100x16xf32, #tpu.memory_space<vmem>>
      %dma_start3A_206 = arith.constant 0 : i32
      %dma_start3A_207 = tpu.memref_slice %arg8[%dma_start3A_202, %dma_start3A_206] : memref<16x100xi32, #tpu.memory_space<vmem>> -> memref<1x100xi32, #tpu.memory_space<vmem>>
      %dma_start3A_208 = tpu.memref_squeeze %dma_start3A_207 : memref<1x100xi32, #tpu.memory_space<vmem>> -> memref<100xi32, #tpu.memory_space<vmem>>
      %dma_start3A_209 = arith.constant 0 : i32
      %dma_start3A_210 = arith.constant 0 : i32
      %dma_start3A_211 = tpu.memref_slice %arg3[%dma_start3A_209, %dma_start3A_210] : memref<1000000x16xf32, #tpu.memory_space<hbm>> -> memref<1000000x16xf32, #tpu.memory_space<hbm>>
      tpu.enqueue_indirect_dma source(%dma_start3A_211 : memref<1000000x16xf32, #tpu.memory_space<hbm>>) target(%dma_start3A_205 : memref<100x16xf32, #tpu.memory_space<vmem>>) offsets(%dma_start3A_208 : memref<100xi32, #tpu.memory_space<vmem>>) semaphore(%arg16 : memref<!tpu.dma_semaphore, #tpu.memory_space<semaphore_mem>>)
      %dma_start3A_212 = arith.constant 2 : i32
      %dma_start3A_213 = arith.constant 200 : i32
      %dma_start3A_214 = arith.constant 0 : i32
      %dma_start3A_215 = tpu.memref_slice %arg10[%dma_start3A_213, %dma_start3A_214] : memref<1600x16xf32, #tpu.memory_space<vmem>> -> memref<100x16xf32, #tpu.memory_space<vmem>>
      %dma_start3A_216 = arith.constant 0 : i32
      %dma_start3A_217 = tpu.memref_slice %arg8[%dma_start3A_212, %dma_start3A_216] : memref<16x100xi32, #tpu.memory_space<vmem>> -> memref<1x100xi32, #tpu.memory_space<vmem>>
      %dma_start3A_218 = tpu.memref_squeeze %dma_start3A_217 : memref<1x100xi32, #tpu.memory_space<vmem>> -> memref<100xi32, #tpu.memory_space<vmem>>
      %dma_start3A_219 = arith.constant 0 : i32
      %dma_start3A_220 = arith.constant 0 : i32
      %dma_start3A_221 = tpu.memref_slice %arg3[%dma_start3A_219, %dma_start3A_220] : memref<1000000x16xf32, #tpu.memory_space<hbm>> -> memref<1000000x16xf32, #tpu.memory_space<hbm>>
      tpu.enqueue_indirect_dma source(%dma_start3A_221 : memref<1000000x16xf32, #tpu.memory_space<hbm>>) target(%dma_start3A_215 : memref<100x16xf32, #tpu.memory_space<vmem>>) offsets(%dma_start3A_218 : memref<100xi32, #tpu.memory_space<vmem>>) semaphore(%arg16 : memref<!tpu.dma_semaphore, #tpu.memory_space<semaphore_mem>>)
      %dma_start3A_222 = arith.constant 3 : i32
      %dma_start3A_223 = arith.constant 300 : i32
      %dma_start3A_224 = arith.constant 0 : i32
      %dma_start3A_225 = tpu.memref_slice %arg10[%dma_start3A_223, %dma_start3A_224] : memref<1600x16xf32, #tpu.memory_space<vmem>> -> memref<100x16xf32, #tpu.memory_space<vmem>>
      %dma_start3A_226 = arith.constant 0 : i32
      %dma_start3A_227 = tpu.memref_slice %arg8[%dma_start3A_222, %dma_start3A_226] : memref<16x100xi32, #tpu.memory_space<vmem>> -> memref<1x100xi32, #tpu.memory_space<vmem>>
      %dma_start3A_228 = tpu.memref_squeeze %dma_start3A_227 : memref<1x100xi32, #tpu.memory_space<vmem>> -> memref<100xi32, #tpu.memory_space<vmem>>
      %dma_start3A_229 = arith.constant 0 : i32
      %dma_start3A_230 = arith.constant 0 : i32
      %dma_start3A_231 = tpu.memref_slice %arg3[%dma_start3A_229, %dma_start3A_230] : memref<1000000x16xf32, #tpu.memory_space<hbm>> -> memref<1000000x16xf32, #tpu.memory_space<hbm>>
      tpu.enqueue_indirect_dma source(%dma_start3A_231 : memref<1000000x16xf32, #tpu.memory_space<hbm>>) target(%dma_start3A_225 : memref<100x16xf32, #tpu.memory_space<vmem>>) offsets(%dma_start3A_228 : memref<100xi32, #tpu.memory_space<vmem>>) semaphore(%arg16 : memref<!tpu.dma_semaphore, #tpu.memory_space<semaphore_mem>>)
      %dma_start3A_232 = arith.constant 4 : i32
      %dma_start3A_233 = arith.constant 400 : i32
      %dma_start3A_234 = arith.constant 0 : i32
      %dma_start3A_235 = tpu.memref_slice %arg10[%dma_start3A_233, %dma_start3A_234] : memref<1600x16xf32, #tpu.memory_space<vmem>> -> memref<100x16xf32, #tpu.memory_space<vmem>>
      %dma_start3A_236 = arith.constant 0 : i32
      %dma_start3A_237 = tpu.memref_slice %arg8[%dma_start3A_232, %dma_start3A_236] : memref<16x100xi32, #tpu.memory_space<vmem>> -> memref<1x100xi32, #tpu.memory_space<vmem>>
      %dma_start3A_238 = tpu.memref_squeeze %dma_start3A_237 : memref<1x100xi32, #tpu.memory_space<vmem>> -> memref<100xi32, #tpu.memory_space<vmem>>
      %dma_start3A_239 = arith.constant 0 : i32
      %dma_start3A_240 = arith.constant 0 : i32
      %dma_start3A_241 = tpu.memref_slice %arg3[%dma_start3A_239, %dma_start3A_240] : memref<1000000x16xf32, #tpu.memory_space<hbm>> -> memref<1000000x16xf32, #tpu.memory_space<hbm>>
      tpu.enqueue_indirect_dma source(%dma_start3A_241 : memref<1000000x16xf32, #tpu.memory_space<hbm>>) target(%dma_start3A_235 : memref<100x16xf32, #tpu.memory_space<vmem>>) offsets(%dma_start3A_238 : memref<100xi32, #tpu.memory_space<vmem>>) semaphore(%arg16 : memref<!tpu.dma_semaphore, #tpu.memory_space<semaphore_mem>>)
      %dma_start3A_242 = arith.constant 5 : i32
      %dma_start3A_243 = arith.constant 500 : i32
      %dma_start3A_244 = arith.constant 0 : i32
      %dma_start3A_245 = tpu.memref_slice %arg10[%dma_start3A_243, %dma_start3A_244] : memref<1600x16xf32, #tpu.memory_space<vmem>> -> memref<100x16xf32, #tpu.memory_space<vmem>>
      %dma_start3A_246 = arith.constant 0 : i32
      %dma_start3A_247 = tpu.memref_slice %arg8[%dma_start3A_242, %dma_start3A_246] : memref<16x100xi32, #tpu.memory_space<vmem>> -> memref<1x100xi32, #tpu.memory_space<vmem>>
      %dma_start3A_248 = tpu.memref_squeeze %dma_start3A_247 : memref<1x100xi32, #tpu.memory_space<vmem>> -> memref<100xi32, #tpu.memory_space<vmem>>
      %dma_start3A_249 = arith.constant 0 : i32
      %dma_start3A_250 = arith.constant 0 : i32
      %dma_start3A_251 = tpu.memref_slice %arg3[%dma_start3A_249, %dma_start3A_250] : memref<1000000x16xf32, #tpu.memory_space<hbm>> -> memref<1000000x16xf32, #tpu.memory_space<hbm>>
      tpu.enqueue_indirect_dma source(%dma_start3A_251 : memref<1000000x16xf32, #tpu.memory_space<hbm>>) target(%dma_start3A_245 : memref<100x16xf32, #tpu.memory_space<vmem>>) offsets(%dma_start3A_248 : memref<100xi32, #tpu.memory_space<vmem>>) semaphore(%arg16 : memref<!tpu.dma_semaphore, #tpu.memory_space<semaphore_mem>>)
      %dma_start3A_252 = arith.constant 6 : i32
      %dma_start3A_253 = arith.constant 600 : i32
      %dma_start3A_254 = arith.constant 0 : i32
      %dma_start3A_255 = tpu.memref_slice %arg10[%dma_start3A_253, %dma_start3A_254] : memref<1600x16xf32, #tpu.memory_space<vmem>> -> memref<100x16xf32, #tpu.memory_space<vmem>>
      %dma_start3A_256 = arith.constant 0 : i32
      %dma_start3A_257 = tpu.memref_slice %arg8[%dma_start3A_252, %dma_start3A_256] : memref<16x100xi32, #tpu.memory_space<vmem>> -> memref<1x100xi32, #tpu.memory_space<vmem>>
      %dma_start3A_258 = tpu.memref_squeeze %dma_start3A_257 : memref<1x100xi32, #tpu.memory_space<vmem>> -> memref<100xi32, #tpu.memory_space<vmem>>
      %dma_start3A_259 = arith.constant 0 : i32
      %dma_start3A_260 = arith.constant 0 : i32
      %dma_start3A_261 = tpu.memref_slice %arg3[%dma_start3A_259, %dma_start3A_260] : memref<1000000x16xf32, #tpu.memory_space<hbm>> -> memref<1000000x16xf32, #tpu.memory_space<hbm>>
      tpu.enqueue_indirect_dma source(%dma_start3A_261 : memref<1000000x16xf32, #tpu.memory_space<hbm>>) target(%dma_start3A_255 : memref<100x16xf32, #tpu.memory_space<vmem>>) offsets(%dma_start3A_258 : memref<100xi32, #tpu.memory_space<vmem>>) semaphore(%arg16 : memref<!tpu.dma_semaphore, #tpu.memory_space<semaphore_mem>>)
      %dma_start3A_262 = arith.constant 7 : i32
      %dma_start3A_263 = arith.constant 700 : i32
      %dma_start3A_264 = arith.constant 0 : i32
      %dma_start3A_265 = tpu.memref_slice %arg10[%dma_start3A_263, %dma_start3A_264] : memref<1600x16xf32, #tpu.memory_space<vmem>> -> memref<100x16xf32, #tpu.memory_space<vmem>>
      %dma_start3A_266 = arith.constant 0 : i32
      %dma_start3A_267 = tpu.memref_slice %arg8[%dma_start3A_262, %dma_start3A_266] : memref<16x100xi32, #tpu.memory_space<vmem>> -> memref<1x100xi32, #tpu.memory_space<vmem>>
      %dma_start3A_268 = tpu.memref_squeeze %dma_start3A_267 : memref<1x100xi32, #tpu.memory_space<vmem>> -> memref<100xi32, #tpu.memory_space<vmem>>
      %dma_start3A_269 = arith.constant 0 : i32
      %dma_start3A_270 = arith.constant 0 : i32
      %dma_start3A_271 = tpu.memref_slice %arg3[%dma_start3A_269, %dma_start3A_270] : memref<1000000x16xf32, #tpu.memory_space<hbm>> -> memref<1000000x16xf32, #tpu.memory_space<hbm>>
      tpu.enqueue_indirect_dma source(%dma_start3A_271 : memref<1000000x16xf32, #tpu.memory_space<hbm>>) target(%dma_start3A_265 : memref<100x16xf32, #tpu.memory_space<vmem>>) offsets(%dma_start3A_268 : memref<100xi32, #tpu.memory_space<vmem>>) semaphore(%arg16 : memref<!tpu.dma_semaphore, #tpu.memory_space<semaphore_mem>>)
      %dma_start3A_272 = arith.constant 8 : i32
      %dma_start3A_273 = arith.constant 800 : i32
      %dma_start3A_274 = arith.constant 0 : i32
      %dma_start3A_275 = tpu.memref_slice %arg10[%dma_start3A_273, %dma_start3A_274] : memref<1600x16xf32, #tpu.memory_space<vmem>> -> memref<100x16xf32, #tpu.memory_space<vmem>>
      %dma_start3A_276 = arith.constant 0 : i32
      %dma_start3A_277 = tpu.memref_slice %arg8[%dma_start3A_272, %dma_start3A_276] : memref<16x100xi32, #tpu.memory_space<vmem>> -> memref<1x100xi32, #tpu.memory_space<vmem>>
      %dma_start3A_278 = tpu.memref_squeeze %dma_start3A_277 : memref<1x100xi32, #tpu.memory_space<vmem>> -> memref<100xi32, #tpu.memory_space<vmem>>
      %dma_start3A_279 = arith.constant 0 : i32
      %dma_start3A_280 = arith.constant 0 : i32
      %dma_start3A_281 = tpu.memref_slice %arg3[%dma_start3A_279, %dma_start3A_280] : memref<1000000x16xf32, #tpu.memory_space<hbm>> -> memref<1000000x16xf32, #tpu.memory_space<hbm>>
      tpu.enqueue_indirect_dma source(%dma_start3A_281 : memref<1000000x16xf32, #tpu.memory_space<hbm>>) target(%dma_start3A_275 : memref<100x16xf32, #tpu.memory_space<vmem>>) offsets(%dma_start3A_278 : memref<100xi32, #tpu.memory_space<vmem>>) semaphore(%arg16 : memref<!tpu.dma_semaphore, #tpu.memory_space<semaphore_mem>>)
      %dma_start3A_282 = arith.constant 9 : i32
      %dma_start3A_283 = arith.constant 900 : i32
      %dma_start3A_284 = arith.constant 0 : i32
      %dma_start3A_285 = tpu.memref_slice %arg10[%dma_start3A_283, %dma_start3A_284] : memref<1600x16xf32, #tpu.memory_space<vmem>> -> memref<100x16xf32, #tpu.memory_space<vmem>>
      %dma_start3A_286 = arith.constant 0 : i32
      %dma_start3A_287 = tpu.memref_slice %arg8[%dma_start3A_282, %dma_start3A_286] : memref<16x100xi32, #tpu.memory_space<vmem>> -> memref<1x100xi32, #tpu.memory_space<vmem>>
      %dma_start3A_288 = tpu.memref_squeeze %dma_start3A_287 : memref<1x100xi32, #tpu.memory_space<vmem>> -> memref<100xi32, #tpu.memory_space<vmem>>
      %dma_start3A_289 = arith.constant 0 : i32
      %dma_start3A_290 = arith.constant 0 : i32
      %dma_start3A_291 = tpu.memref_slice %arg3[%dma_start3A_289, %dma_start3A_290] : memref<1000000x16xf32, #tpu.memory_space<hbm>> -> memref<1000000x16xf32, #tpu.memory_space<hbm>>
      tpu.enqueue_indirect_dma source(%dma_start3A_291 : memref<1000000x16xf32, #tpu.memory_space<hbm>>) target(%dma_start3A_285 : memref<100x16xf32, #tpu.memory_space<vmem>>) offsets(%dma_start3A_288 : memref<100xi32, #tpu.memory_space<vmem>>) semaphore(%arg16 : memref<!tpu.dma_semaphore, #tpu.memory_space<semaphore_mem>>)
      %dma_start3A_292 = arith.constant 10 : i32
      %dma_start3A_293 = arith.constant 1000 : i32
      %dma_start3A_294 = arith.constant 0 : i32
      %dma_start3A_295 = tpu.memref_slice %arg10[%dma_start3A_293, %dma_start3A_294] : memref<1600x16xf32, #tpu.memory_space<vmem>> -> memref<100x16xf32, #tpu.memory_space<vmem>>
      %dma_start3A_296 = arith.constant 0 : i32
      %dma_start3A_297 = tpu.memref_slice %arg8[%dma_start3A_292, %dma_start3A_296] : memref<16x100xi32, #tpu.memory_space<vmem>> -> memref<1x100xi32, #tpu.memory_space<vmem>>
      %dma_start3A_298 = tpu.memref_squeeze %dma_start3A_297 : memref<1x100xi32, #tpu.memory_space<vmem>> -> memref<100xi32, #tpu.memory_space<vmem>>
      %dma_start3A_299 = arith.constant 0 : i32
      %dma_start3A_300 = arith.constant 0 : i32
      %dma_start3A_301 = tpu.memref_slice %arg3[%dma_start3A_299, %dma_start3A_300] : memref<1000000x16xf32, #tpu.memory_space<hbm>> -> memref<1000000x16xf32, #tpu.memory_space<hbm>>
      tpu.enqueue_indirect_dma source(%dma_start3A_301 : memref<1000000x16xf32, #tpu.memory_space<hbm>>) target(%dma_start3A_295 : memref<100x16xf32, #tpu.memory_space<vmem>>) offsets(%dma_start3A_298 : memref<100xi32, #tpu.memory_space<vmem>>) semaphore(%arg16 : memref<!tpu.dma_semaphore, #tpu.memory_space<semaphore_mem>>)
      %dma_start3A_302 = arith.constant 11 : i32
      %dma_start3A_303 = arith.constant 1100 : i32
      %dma_start3A_304 = arith.constant 0 : i32
      %dma_start3A_305 = tpu.memref_slice %arg10[%dma_start3A_303, %dma_start3A_304] : memref<1600x16xf32, #tpu.memory_space<vmem>> -> memref<100x16xf32, #tpu.memory_space<vmem>>
      %dma_start3A_306 = arith.constant 0 : i32
      %dma_start3A_307 = tpu.memref_slice %arg8[%dma_start3A_302, %dma_start3A_306] : memref<16x100xi32, #tpu.memory_space<vmem>> -> memref<1x100xi32, #tpu.memory_space<vmem>>
      %dma_start3A_308 = tpu.memref_squeeze %dma_start3A_307 : memref<1x100xi32, #tpu.memory_space<vmem>> -> memref<100xi32, #tpu.memory_space<vmem>>
      %dma_start3A_309 = arith.constant 0 : i32
      %dma_start3A_310 = arith.constant 0 : i32
      %dma_start3A_311 = tpu.memref_slice %arg3[%dma_start3A_309, %dma_start3A_310] : memref<1000000x16xf32, #tpu.memory_space<hbm>> -> memref<1000000x16xf32, #tpu.memory_space<hbm>>
      tpu.enqueue_indirect_dma source(%dma_start3A_311 : memref<1000000x16xf32, #tpu.memory_space<hbm>>) target(%dma_start3A_305 : memref<100x16xf32, #tpu.memory_space<vmem>>) offsets(%dma_start3A_308 : memref<100xi32, #tpu.memory_space<vmem>>) semaphore(%arg16 : memref<!tpu.dma_semaphore, #tpu.memory_space<semaphore_mem>>)
      %dma_start3A_312 = arith.constant 12 : i32
      %dma_start3A_313 = arith.constant 1200 : i32
      %dma_start3A_314 = arith.constant 0 : i32
      %dma_start3A_315 = tpu.memref_slice %arg10[%dma_start3A_313, %dma_start3A_314] : memref<1600x16xf32, #tpu.memory_space<vmem>> -> memref<100x16xf32, #tpu.memory_space<vmem>>
      %dma_start3A_316 = arith.constant 0 : i32
      %dma_start3A_317 = tpu.memref_slice %arg8[%dma_start3A_312, %dma_start3A_316] : memref<16x100xi32, #tpu.memory_space<vmem>> -> memref<1x100xi32, #tpu.memory_space<vmem>>
      %dma_start3A_318 = tpu.memref_squeeze %dma_start3A_317 : memref<1x100xi32, #tpu.memory_space<vmem>> -> memref<100xi32, #tpu.memory_space<vmem>>
      %dma_start3A_319 = arith.constant 0 : i32
      %dma_start3A_320 = arith.constant 0 : i32
      %dma_start3A_321 = tpu.memref_slice %arg3[%dma_start3A_319, %dma_start3A_320] : memref<1000000x16xf32, #tpu.memory_space<hbm>> -> memref<1000000x16xf32, #tpu.memory_space<hbm>>
      tpu.enqueue_indirect_dma source(%dma_start3A_321 : memref<1000000x16xf32, #tpu.memory_space<hbm>>) target(%dma_start3A_315 : memref<100x16xf32, #tpu.memory_space<vmem>>) offsets(%dma_start3A_318 : memref<100xi32, #tpu.memory_space<vmem>>) semaphore(%arg16 : memref<!tpu.dma_semaphore, #tpu.memory_space<semaphore_mem>>)
      %dma_start3A_322 = arith.constant 13 : i32
      %dma_start3A_323 = arith.constant 1300 : i32
      %dma_start3A_324 = arith.constant 0 : i32
      %dma_start3A_325 = tpu.memref_slice %arg10[%dma_start3A_323, %dma_start3A_324] : memref<1600x16xf32, #tpu.memory_space<vmem>> -> memref<100x16xf32, #tpu.memory_space<vmem>>
      %dma_start3A_326 = arith.constant 0 : i32
      %dma_start3A_327 = tpu.memref_slice %arg8[%dma_start3A_322, %dma_start3A_326] : memref<16x100xi32, #tpu.memory_space<vmem>> -> memref<1x100xi32, #tpu.memory_space<vmem>>
      %dma_start3A_328 = tpu.memref_squeeze %dma_start3A_327 : memref<1x100xi32, #tpu.memory_space<vmem>> -> memref<100xi32, #tpu.memory_space<vmem>>
      %dma_start3A_329 = arith.constant 0 : i32
      %dma_start3A_330 = arith.constant 0 : i32
      %dma_start3A_331 = tpu.memref_slice %arg3[%dma_start3A_329, %dma_start3A_330] : memref<1000000x16xf32, #tpu.memory_space<hbm>> -> memref<1000000x16xf32, #tpu.memory_space<hbm>>
      tpu.enqueue_indirect_dma source(%dma_start3A_331 : memref<1000000x16xf32, #tpu.memory_space<hbm>>) target(%dma_start3A_325 : memref<100x16xf32, #tpu.memory_space<vmem>>) offsets(%dma_start3A_328 : memref<100xi32, #tpu.memory_space<vmem>>) semaphore(%arg16 : memref<!tpu.dma_semaphore, #tpu.memory_space<semaphore_mem>>)
      %dma_start3A_332 = arith.constant 14 : i32
      %dma_start3A_333 = arith.constant 1400 : i32
      %dma_start3A_334 = arith.constant 0 : i32
      %dma_start3A_335 = tpu.memref_slice %arg10[%dma_start3A_333, %dma_start3A_334] : memref<1600x16xf32, #tpu.memory_space<vmem>> -> memref<100x16xf32, #tpu.memory_space<vmem>>
      %dma_start3A_336 = arith.constant 0 : i32
      %dma_start3A_337 = tpu.memref_slice %arg8[%dma_start3A_332, %dma_start3A_336] : memref<16x100xi32, #tpu.memory_space<vmem>> -> memref<1x100xi32, #tpu.memory_space<vmem>>
      %dma_start3A_338 = tpu.memref_squeeze %dma_start3A_337 : memref<1x100xi32, #tpu.memory_space<vmem>> -> memref<100xi32, #tpu.memory_space<vmem>>
      %dma_start3A_339 = arith.constant 0 : i32
      %dma_start3A_340 = arith.constant 0 : i32
      %dma_start3A_341 = tpu.memref_slice %arg3[%dma_start3A_339, %dma_start3A_340] : memref<1000000x16xf32, #tpu.memory_space<hbm>> -> memref<1000000x16xf32, #tpu.memory_space<hbm>>
      tpu.enqueue_indirect_dma source(%dma_start3A_341 : memref<1000000x16xf32, #tpu.memory_space<hbm>>) target(%dma_start3A_335 : memref<100x16xf32, #tpu.memory_space<vmem>>) offsets(%dma_start3A_338 : memref<100xi32, #tpu.memory_space<vmem>>) semaphore(%arg16 : memref<!tpu.dma_semaphore, #tpu.memory_space<semaphore_mem>>)
      %dma_start3A_342 = arith.constant 15 : i32
      %dma_start3A_343 = arith.constant 1500 : i32
      %dma_start3A_344 = arith.constant 0 : i32
      %dma_start3A_345 = tpu.memref_slice %arg10[%dma_start3A_343, %dma_start3A_344] : memref<1600x16xf32, #tpu.memory_space<vmem>> -> memref<100x16xf32, #tpu.memory_space<vmem>>
      %dma_start3A_346 = arith.constant 0 : i32
      %dma_start3A_347 = tpu.memref_slice %arg8[%dma_start3A_342, %dma_start3A_346] : memref<16x100xi32, #tpu.memory_space<vmem>> -> memref<1x100xi32, #tpu.memory_space<vmem>>
      %dma_start3A_348 = tpu.memref_squeeze %dma_start3A_347 : memref<1x100xi32, #tpu.memory_space<vmem>> -> memref<100xi32, #tpu.memory_space<vmem>>
      %dma_start3A_349 = arith.constant 0 : i32
      %dma_start3A_350 = arith.constant 0 : i32
      %dma_start3A_351 = tpu.memref_slice %arg3[%dma_start3A_349, %dma_start3A_350] : memref<1000000x16xf32, #tpu.memory_space<hbm>> -> memref<1000000x16xf32, #tpu.memory_space<hbm>>
      tpu.enqueue_indirect_dma source(%dma_start3A_351 : memref<1000000x16xf32, #tpu.memory_space<hbm>>) target(%dma_start3A_345 : memref<100x16xf32, #tpu.memory_space<vmem>>) offsets(%dma_start3A_348 : memref<100xi32, #tpu.memory_space<vmem>>) semaphore(%arg16 : memref<!tpu.dma_semaphore, #tpu.memory_space<semaphore_mem>>)
      %dma_wait3A = arith.constant 0 : i32
      %dma_wait3A_352 = arith.constant 0 : i32
      %dma_wait3A_353 = tpu.memref_slice %arg3[%dma_wait3A, %dma_wait3A_352] : memref<1000000x16xf32, #tpu.memory_space<hbm>> -> memref<1600x16xf32, #tpu.memory_space<hbm>>
      %dma_wait3A_354 = arith.constant 0 : i32
      %dma_wait3A_355 = arith.constant 0 : i32
      %dma_wait3A_356 = tpu.memref_slice %arg3[%dma_wait3A_354, %dma_wait3A_355] : memref<1000000x16xf32, #tpu.memory_space<hbm>> -> memref<1600x16xf32, #tpu.memory_space<hbm>>
      tpu.wait_dma2 semaphore(%arg15 : memref<!tpu.dma_semaphore, #tpu.memory_space<semaphore_mem>>) src(%dma_wait3A_356 : memref<1600x16xf32, #tpu.memory_space<hbm>>) dst(%arg9 : memref<1600x16xf32, #tpu.memory_space<vmem>>)
      %scan3A_357 = arith.constant 0 : i32
      %scan3A_358 = arith.constant 0 : i32
      %scan3A_359 = arith.constant 2 : i32
      %scan3A_360 = arith.addi %scan3A_358, %scan3A_359 : i32
      %scan3A_361 = arith.constant 1 : i32
      %scan3A_362 = scf.for %scan3A_384 = %scan3A_358 to %scan3A_360 step %scan3A_361 iter_args(%scan3A_385 = %scan3A_357) -> (i32)  : i32 {
        %mul3A_386 = arith.constant 2 : i32
        %mul3A_387 = arith.muli %mul3A_386, %scan3A_384 : i32
        %broadcast_in_dim3A = arith.constant 0.000000e+00 : f32
        %broadcast_in_dim3A_388 = vector.broadcast %broadcast_in_dim3A : f32 to vector<16xf32>
        %scan3A_389 = arith.constant 0 : i32
        %scan3A_390 = arith.constant 50 : i32
        %scan3A_391 = arith.addi %scan3A_389, %scan3A_390 : i32
        %scan3A_392 = arith.constant 1 : i32
        %scan3A_393:24 = scf.for %scan3A_1365 = %scan3A_389 to %scan3A_391 step %scan3A_392 iter_args(%scan3A_1366 = %broadcast_in_dim3A_388, %scan3A_1367 = %broadcast_in_dim3A_388, %scan3A_1368 = %broadcast_in_dim3A_388, %scan3A_1369 = %broadcast_in_dim3A_388, %scan3A_1370 = %broadcast_in_dim3A_388, %scan3A_1371 = %broadcast_in_dim3A_388, %scan3A_1372 = %broadcast_in_dim3A_388, %scan3A_1373 = %broadcast_in_dim3A_388, %scan3A_1374 = %broadcast_in_dim3A_388, %scan3A_1375 = %broadcast_in_dim3A_388, %scan3A_1376 = %broadcast_in_dim3A_388, %scan3A_1377 = %broadcast_in_dim3A_388, %scan3A_1378 = %broadcast_in_dim3A_388, %scan3A_1379 = %broadcast_in_dim3A_388, %scan3A_1380 = %broadcast_in_dim3A_388, %scan3A_1381 = %broadcast_in_dim3A_388, %scan3A_1382 = %broadcast_in_dim3A_388, %scan3A_1383 = %broadcast_in_dim3A_388, %scan3A_1384 = %broadcast_in_dim3A_388, %scan3A_1385 = %broadcast_in_dim3A_388, %scan3A_1386 = %broadcast_in_dim3A_388, %scan3A_1387 = %broadcast_in_dim3A_388, %scan3A_1388 = %broadcast_in_dim3A_388, %scan3A_1389 = %broadcast_in_dim3A_388) -> (vector<16xf32>, vector<16xf32>, vector<16xf32>, vector<16xf32>, vector<16xf32>, vector<16xf32>, vector<16xf32>, vector<16xf32>, vector<16xf32>, vector<16xf32>, vector<16xf32>, vector<16xf32>, vector<16xf32>, vector<16xf32>, vector<16xf32>, vector<16xf32>, vector<16xf32>, vector<16xf32>, vector<16xf32>, vector<16xf32>, vector<16xf32>, vector<16xf32>, vector<16xf32>, vector<16xf32>)  : i32 {
          %get3A = arith.constant 0 : i32
          %get3A_1390 = arith.index_cast %get3A : i32 to index
          %get3A_1391 = arith.index_cast %scan3A_1365 : i32 to index
          %get3A_1392 = arith.constant 0 : index
          %get3A_1393 = tpu.vector_load %arg11[%get3A_1390, %get3A_1391, %get3A_1392] {strides = array<i32>} : memref<3x50x16xf32, #tpu.memory_space<vmem>>, vector<1x1x16xf32>,
          %get3A_1394 = vector.shape_cast %get3A_1393 : vector<1x1x16xf32> to vector<16xf32>
          %get3A_1395 = arith.constant 1 : i32
          %get3A_1396 = arith.index_cast %get3A_1395 : i32 to index
          %get3A_1397 = arith.index_cast %scan3A_1365 : i32 to index
          %get3A_1398 = arith.constant 0 : index
          %get3A_1399 = tpu.vector_load %arg11[%get3A_1396, %get3A_1397, %get3A_1398] {strides = array<i32>} : memref<3x50x16xf32, #tpu.memory_space<vmem>>, vector<1x1x16xf32>,
          %get3A_1400 = vector.shape_cast %get3A_1399 : vector<1x1x16xf32> to vector<16xf32>
          %get3A_1401 = arith.constant 2 : i32
          %get3A_1402 = arith.index_cast %get3A_1401 : i32 to index
          %get3A_1403 = arith.index_cast %scan3A_1365 : i32 to index
          %get3A_1404 = arith.constant 0 : index
          %get3A_1405 = tpu.vector_load %arg11[%get3A_1402, %get3A_1403, %get3A_1404] {strides = array<i32>} : memref<3x50x16xf32, #tpu.memory_space<vmem>>, vector<1x1x16xf32>,
          %get3A_1406 = vector.shape_cast %get3A_1405 : vector<1x1x16xf32> to vector<16xf32>
          %mul3A_1407 = arith.constant 400 : i32
          %mul3A_1408 = arith.muli %mul3A_387, %mul3A_1407 : i32
          %add3A_1409 = arith.addi %mul3A_1408, %scan3A_1365 : i32
          %add3A_1410 = arith.constant 0 : i32
          %add3A_1411 = arith.addi %add3A_1409, %add3A_1410 : i32
          %get3A_1412 = arith.index_cast %add3A_1411 : i32 to index
          %get3A_1413 = arith.constant 0 : index
          %get3A_1414 = tpu.vector_load %arg9[%get3A_1412, %get3A_1413] {strides = array<i32>} : memref<1600x16xf32, #tpu.memory_space<vmem>>, vector<1x16xf32>,
          %get3A_1415 = vector.shape_cast %get3A_1414 : vector<1x16xf32> to vector<16xf32>
          %mul3A_1416 = arith.mulf %get3A_1415, %get3A_1394 : vector<16xf32>
          %add3A_1417 = arith.addf %scan3A_1366, %mul3A_1416 : vector<16xf32>
          %mul3A_1418 = arith.mulf %get3A_1415, %get3A_1400 : vector<16xf32>
          %add3A_1419 = arith.addf %scan3A_1367, %mul3A_1418 : vector<16xf32>
          %mul3A_1420 = arith.mulf %get3A_1415, %get3A_1406 : vector<16xf32>
          %add3A_1421 = arith.addf %scan3A_1368, %mul3A_1420 : vector<16xf32>
          %add3A_1422 = arith.constant 50 : i32
          %add3A_1423 = arith.addi %add3A_1409, %add3A_1422 : i32
          %get3A_1424 = arith.index_cast %add3A_1423 : i32 to index
          %get3A_1425 = arith.constant 0 : index
          %get3A_1426 = tpu.vector_load %arg9[%get3A_1424, %get3A_1425] {strides = array<i32>} : memref<1600x16xf32, #tpu.memory_space<vmem>>, vector<1x16xf32>,
          %get3A_1427 = vector.shape_cast %get3A_1426 : vector<1x16xf32> to vector<16xf32>
          %mul3A_1428 = arith.mulf %get3A_1427, %get3A_1394 : vector<16xf32>
          %add3A_1429 = arith.addf %scan3A_1369, %mul3A_1428 : vector<16xf32>
          %mul3A_1430 = arith.mulf %get3A_1427, %get3A_1400 : vector<16xf32>
          %add3A_1431 = arith.addf %scan3A_1370, %mul3A_1430 : vector<16xf32>
          %mul3A_1432 = arith.mulf %get3A_1427, %get3A_1406 : vector<16xf32>
          %add3A_1433 = arith.addf %scan3A_1371, %mul3A_1432 : vector<16xf32>
          %add3A_1434 = arith.constant 100 : i32
          %add3A_1435 = arith.addi %add3A_1409, %add3A_1434 : i32
          %get3A_1436 = arith.index_cast %add3A_1435 : i32 to index
          %get3A_1437 = arith.constant 0 : index
          %get3A_1438 = tpu.vector_load %arg9[%get3A_1436, %get3A_1437] {strides = array<i32>} : memref<1600x16xf32, #tpu.memory_space<vmem>>, vector<1x16xf32>,
          %get3A_1439 = vector.shape_cast %get3A_1438 : vector<1x16xf32> to vector<16xf32>
          %mul3A_1440 = arith.mulf %get3A_1439, %get3A_1394 : vector<16xf32>
          %add3A_1441 = arith.addf %scan3A_1372, %mul3A_1440 : vector<16xf32>
          %mul3A_1442 = arith.mulf %get3A_1439, %get3A_1400 : vector<16xf32>
          %add3A_1443 = arith.addf %scan3A_1373, %mul3A_1442 : vector<16xf32>
          %mul3A_1444 = arith.mulf %get3A_1439, %get3A_1406 : vector<16xf32>
          %add3A_1445 = arith.addf %scan3A_1374, %mul3A_1444 : vector<16xf32>
          %add3A_1446 = arith.constant 150 : i32
          %add3A_1447 = arith.addi %add3A_1409, %add3A_1446 : i32
          %get3A_1448 = arith.index_cast %add3A_1447 : i32 to index
          %get3A_1449 = arith.constant 0 : index
          %get3A_1450 = tpu.vector_load %arg9[%get3A_1448, %get3A_1449] {strides = array<i32>} : memref<1600x16xf32, #tpu.memory_space<vmem>>, vector<1x16xf32>,
          %get3A_1451 = vector.shape_cast %get3A_1450 : vector<1x16xf32> to vector<16xf32>
          %mul3A_1452 = arith.mulf %get3A_1451, %get3A_1394 : vector<16xf32>
          %add3A_1453 = arith.addf %scan3A_1375, %mul3A_1452 : vector<16xf32>
          %mul3A_1454 = arith.mulf %get3A_1451, %get3A_1400 : vector<16xf32>
          %add3A_1455 = arith.addf %scan3A_1376, %mul3A_1454 : vector<16xf32>
          %mul3A_1456 = arith.mulf %get3A_1451, %get3A_1406 : vector<16xf32>
          %add3A_1457 = arith.addf %scan3A_1377, %mul3A_1456 : vector<16xf32>
          %add3A_1458 = arith.constant 200 : i32
          %add3A_1459 = arith.addi %add3A_1409, %add3A_1458 : i32
          %get3A_1460 = arith.index_cast %add3A_1459 : i32 to index
          %get3A_1461 = arith.constant 0 : index
          %get3A_1462 = tpu.vector_load %arg9[%get3A_1460, %get3A_1461] {strides = array<i32>} : memref<1600x16xf32, #tpu.memory_space<vmem>>, vector<1x16xf32>,
          %get3A_1463 = vector.shape_cast %get3A_1462 : vector<1x16xf32> to vector<16xf32>
          %mul3A_1464 = arith.mulf %get3A_1463, %get3A_1394 : vector<16xf32>
          %add3A_1465 = arith.addf %scan3A_1378, %mul3A_1464 : vector<16xf32>
          %mul3A_1466 = arith.mulf %get3A_1463, %get3A_1400 : vector<16xf32>
          %add3A_1467 = arith.addf %scan3A_1379, %mul3A_1466 : vector<16xf32>
          %mul3A_1468 = arith.mulf %get3A_1463, %get3A_1406 : vector<16xf32>
          %add3A_1469 = arith.addf %scan3A_1380, %mul3A_1468 : vector<16xf32>
          %add3A_1470 = arith.constant 250 : i32
          %add3A_1471 = arith.addi %add3A_1409, %add3A_1470 : i32
          %get3A_1472 = arith.index_cast %add3A_1471 : i32 to index
          %get3A_1473 = arith.constant 0 : index
          %get3A_1474 = tpu.vector_load %arg9[%get3A_1472, %get3A_1473] {strides = array<i32>} : memref<1600x16xf32, #tpu.memory_space<vmem>>, vector<1x16xf32>,
          %get3A_1475 = vector.shape_cast %get3A_1474 : vector<1x16xf32> to vector<16xf32>
          %mul3A_1476 = arith.mulf %get3A_1475, %get3A_1394 : vector<16xf32>
          %add3A_1477 = arith.addf %scan3A_1381, %mul3A_1476 : vector<16xf32>
          %mul3A_1478 = arith.mulf %get3A_1475, %get3A_1400 : vector<16xf32>
          %add3A_1479 = arith.addf %scan3A_1382, %mul3A_1478 : vector<16xf32>
          %mul3A_1480 = arith.mulf %get3A_1475, %get3A_1406 : vector<16xf32>
          %add3A_1481 = arith.addf %scan3A_1383, %mul3A_1480 : vector<16xf32>
          %add3A_1482 = arith.constant 300 : i32
          %add3A_1483 = arith.addi %add3A_1409, %add3A_1482 : i32
          %get3A_1484 = arith.index_cast %add3A_1483 : i32 to index
          %get3A_1485 = arith.constant 0 : index
          %get3A_1486 = tpu.vector_load %arg9[%get3A_1484, %get3A_1485] {strides = array<i32>} : memref<1600x16xf32, #tpu.memory_space<vmem>>, vector<1x16xf32>,
          %get3A_1487 = vector.shape_cast %get3A_1486 : vector<1x16xf32> to vector<16xf32>
          %mul3A_1488 = arith.mulf %get3A_1487, %get3A_1394 : vector<16xf32>
          %add3A_1489 = arith.addf %scan3A_1384, %mul3A_1488 : vector<16xf32>
          %mul3A_1490 = arith.mulf %get3A_1487, %get3A_1400 : vector<16xf32>
          %add3A_1491 = arith.addf %scan3A_1385, %mul3A_1490 : vector<16xf32>
          %mul3A_1492 = arith.mulf %get3A_1487, %get3A_1406 : vector<16xf32>
          %add3A_1493 = arith.addf %scan3A_1386, %mul3A_1492 : vector<16xf32>
          %add3A_1494 = arith.constant 350 : i32
          %add3A_1495 = arith.addi %add3A_1409, %add3A_1494 : i32
          %get3A_1496 = arith.index_cast %add3A_1495 : i32 to index
          %get3A_1497 = arith.constant 0 : index
          %get3A_1498 = tpu.vector_load %arg9[%get3A_1496, %get3A_1497] {strides = array<i32>} : memref<1600x16xf32, #tpu.memory_space<vmem>>, vector<1x16xf32>,
          %get3A_1499 = vector.shape_cast %get3A_1498 : vector<1x16xf32> to vector<16xf32>
          %mul3A_1500 = arith.mulf %get3A_1499, %get3A_1394 : vector<16xf32>
          %add3A_1501 = arith.addf %scan3A_1387, %mul3A_1500 : vector<16xf32>
          %mul3A_1502 = arith.mulf %get3A_1499, %get3A_1400 : vector<16xf32>
          %add3A_1503 = arith.addf %scan3A_1388, %mul3A_1502 : vector<16xf32>
          %mul3A_1504 = arith.mulf %get3A_1499, %get3A_1406 : vector<16xf32>
          %add3A_1505 = arith.addf %scan3A_1389, %mul3A_1504 : vector<16xf32>
          scf.yield %add3A_1417, %add3A_1419, %add3A_1421, %add3A_1429, %add3A_1431, %add3A_1433, %add3A_1441, %add3A_1443, %add3A_1445, %add3A_1453, %add3A_1455, %add3A_1457, %add3A_1465, %add3A_1467, %add3A_1469, %add3A_1477, %add3A_1479, %add3A_1481, %add3A_1489, %add3A_1491, %add3A_1493, %add3A_1501, %add3A_1503, %add3A_1505 : vector<16xf32>, vector<16xf32>, vector<16xf32>, vector<16xf32>, vector<16xf32>, vector<16xf32>, vector<16xf32>, vector<16xf32>, vector<16xf32>, vector<16xf32>, vector<16xf32>, vector<16xf32>, vector<16xf32>, vector<16xf32>, vector<16xf32>, vector<16xf32>, vector<16xf32>, vector<16xf32>, vector<16xf32>, vector<16xf32>, vector<16xf32>, vector<16xf32>, vector<16xf32>, vector<16xf32>
        }
        %scan3A_394 = arith.constant 50 : i32
        %and3A = arith.constant 1 : i32
        %and3A_395 = vector.broadcast %and3A : i32 to vector<16xi32>
        %and3A_396 = arith.andi %iota3A, %and3A_395 : vector<16xi32>
        %eq3A = arith.constant 0 : i32
        %eq3A_397 = vector.broadcast %eq3A : i32 to vector<16xi32>
        %eq3A_398 = arith.cmpi eq, %and3A_396, %eq3A_397 : vector<16xi32>
        %xor3A = arith.constant 1 : i32
        %xor3A_399 = vector.broadcast %xor3A : i32 to vector<16xi32>
        %xor3A_400 = arith.xori %iota3A, %xor3A_399 : vector<16xi32>
        %broadcast_in_dim3A_401 = vector.shape_cast %xor3A_400 : vector<16xi32> to vector<16x1xi32>
        %gather3A = vector.shape_cast %broadcast_in_dim3A_401 : vector<16x1xi32> to vector<16xi32>
        %gather3A_402 = tpu.dynamic_gather %scan3A_393#0[%gather3A] in [0] : vector<16xf32>, vector<16xi32> -> vector<16xf32>
        %add3A_403 = arith.addf %scan3A_393#0, %gather3A_402 : vector<16xf32>
        %xor3A_404 = arith.constant 1 : i32
        %xor3A_405 = vector.broadcast %xor3A_404 : i32 to vector<16xi32>
        %xor3A_406 = arith.xori %iota3A, %xor3A_405 : vector<16xi32>
        %broadcast_in_dim3A_407 = vector.shape_cast %xor3A_406 : vector<16xi32> to vector<16x1xi32>
        %gather3A_408 = vector.shape_cast %broadcast_in_dim3A_407 : vector<16x1xi32> to vector<16xi32>
        %gather3A_409 = tpu.dynamic_gather %scan3A_393#3[%gather3A_408] in [0] : vector<16xf32>, vector<16xi32> -> vector<16xf32>
        %add3A_410 = arith.addf %scan3A_393#3, %gather3A_409 : vector<16xf32>
        %select_n3A = arith.select %eq3A_398, %add3A_403, %add3A_410 : vector<16xi1>, vector<16xf32>
        %and3A_411 = arith.constant 1 : i32
        %and3A_412 = vector.broadcast %and3A_411 : i32 to vector<16xi32>
        %and3A_413 = arith.andi %iota3A, %and3A_412 : vector<16xi32>
        %eq3A_414 = arith.constant 0 : i32
        %eq3A_415 = vector.broadcast %eq3A_414 : i32 to vector<16xi32>
        %eq3A_416 = arith.cmpi eq, %and3A_413, %eq3A_415 : vector<16xi32>
        %xor3A_417 = arith.constant 1 : i32
        %xor3A_418 = vector.broadcast %xor3A_417 : i32 to vector<16xi32>
        %xor3A_419 = arith.xori %iota3A, %xor3A_418 : vector<16xi32>
        %broadcast_in_dim3A_420 = vector.shape_cast %xor3A_419 : vector<16xi32> to vector<16x1xi32>
        %gather3A_421 = vector.shape_cast %broadcast_in_dim3A_420 : vector<16x1xi32> to vector<16xi32>
        %gather3A_422 = tpu.dynamic_gather %scan3A_393#6[%gather3A_421] in [0] : vector<16xf32>, vector<16xi32> -> vector<16xf32>
        %add3A_423 = arith.addf %scan3A_393#6, %gather3A_422 : vector<16xf32>
        %xor3A_424 = arith.constant 1 : i32
        %xor3A_425 = vector.broadcast %xor3A_424 : i32 to vector<16xi32>
        %xor3A_426 = arith.xori %iota3A, %xor3A_425 : vector<16xi32>
        %broadcast_in_dim3A_427 = vector.shape_cast %xor3A_426 : vector<16xi32> to vector<16x1xi32>
        %gather3A_428 = vector.shape_cast %broadcast_in_dim3A_427 : vector<16x1xi32> to vector<16xi32>
        %gather3A_429 = tpu.dynamic_gather %scan3A_393#9[%gather3A_428] in [0] : vector<16xf32>, vector<16xi32> -> vector<16xf32>
        %add3A_430 = arith.addf %scan3A_393#9, %gather3A_429 : vector<16xf32>
        %select_n3A_431 = arith.select %eq3A_416, %add3A_423, %add3A_430 : vector<16xi1>, vector<16xf32>
        %and3A_432 = arith.constant 1 : i32
        %and3A_433 = vector.broadcast %and3A_432 : i32 to vector<16xi32>
        %and3A_434 = arith.andi %iota3A, %and3A_433 : vector<16xi32>
        %eq3A_435 = arith.constant 0 : i32
        %eq3A_436 = vector.broadcast %eq3A_435 : i32 to vector<16xi32>
        %eq3A_437 = arith.cmpi eq, %and3A_434, %eq3A_436 : vector<16xi32>
        %xor3A_438 = arith.constant 1 : i32
        %xor3A_439 = vector.broadcast %xor3A_438 : i32 to vector<16xi32>
        %xor3A_440 = arith.xori %iota3A, %xor3A_439 : vector<16xi32>
        %broadcast_in_dim3A_441 = vector.shape_cast %xor3A_440 : vector<16xi32> to vector<16x1xi32>
        %gather3A_442 = vector.shape_cast %broadcast_in_dim3A_441 : vector<16x1xi32> to vector<16xi32>
        %gather3A_443 = tpu.dynamic_gather %scan3A_393#12[%gather3A_442] in [0] : vector<16xf32>, vector<16xi32> -> vector<16xf32>
        %add3A_444 = arith.addf %scan3A_393#12, %gather3A_443 : vector<16xf32>
        %xor3A_445 = arith.constant 1 : i32
        %xor3A_446 = vector.broadcast %xor3A_445 : i32 to vector<16xi32>
        %xor3A_447 = arith.xori %iota3A, %xor3A_446 : vector<16xi32>
        %broadcast_in_dim3A_448 = vector.shape_cast %xor3A_447 : vector<16xi32> to vector<16x1xi32>
        %gather3A_449 = vector.shape_cast %broadcast_in_dim3A_448 : vector<16x1xi32> to vector<16xi32>
        %gather3A_450 = tpu.dynamic_gather %scan3A_393#15[%gather3A_449] in [0] : vector<16xf32>, vector<16xi32> -> vector<16xf32>
        %add3A_451 = arith.addf %scan3A_393#15, %gather3A_450 : vector<16xf32>
        %select_n3A_452 = arith.select %eq3A_437, %add3A_444, %add3A_451 : vector<16xi1>, vector<16xf32>
        %and3A_453 = arith.constant 1 : i32
        %and3A_454 = vector.broadcast %and3A_453 : i32 to vector<16xi32>
        %and3A_455 = arith.andi %iota3A, %and3A_454 : vector<16xi32>
        %eq3A_456 = arith.constant 0 : i32
        %eq3A_457 = vector.broadcast %eq3A_456 : i32 to vector<16xi32>
        %eq3A_458 = arith.cmpi eq, %and3A_455, %eq3A_457 : vector<16xi32>
        %xor3A_459 = arith.constant 1 : i32
        %xor3A_460 = vector.broadcast %xor3A_459 : i32 to vector<16xi32>
        %xor3A_461 = arith.xori %iota3A, %xor3A_460 : vector<16xi32>
        %broadcast_in_dim3A_462 = vector.shape_cast %xor3A_461 : vector<16xi32> to vector<16x1xi32>
        %gather3A_463 = vector.shape_cast %broadcast_in_dim3A_462 : vector<16x1xi32> to vector<16xi32>
        %gather3A_464 = tpu.dynamic_gather %scan3A_393#18[%gather3A_463] in [0] : vector<16xf32>, vector<16xi32> -> vector<16xf32>
        %add3A_465 = arith.addf %scan3A_393#18, %gather3A_464 : vector<16xf32>
        %xor3A_466 = arith.constant 1 : i32
        %xor3A_467 = vector.broadcast %xor3A_466 : i32 to vector<16xi32>
        %xor3A_468 = arith.xori %iota3A, %xor3A_467 : vector<16xi32>
        %broadcast_in_dim3A_469 = vector.shape_cast %xor3A_468 : vector<16xi32> to vector<16x1xi32>
        %gather3A_470 = vector.shape_cast %broadcast_in_dim3A_469 : vector<16x1xi32> to vector<16xi32>
        %gather3A_471 = tpu.dynamic_gather %scan3A_393#21[%gather3A_470] in [0] : vector<16xf32>, vector<16xi32> -> vector<16xf32>
        %add3A_472 = arith.addf %scan3A_393#21, %gather3A_471 : vector<16xf32>
        %select_n3A_473 = arith.select %eq3A_458, %add3A_465, %add3A_472 : vector<16xi1>, vector<16xf32>
        %and3A_474 = arith.constant 2 : i32
        %and3A_475 = vector.broadcast %and3A_474 : i32 to vector<16xi32>
        %and3A_476 = arith.andi %iota3A, %and3A_475 : vector<16xi32>
        %eq3A_477 = arith.constant 0 : i32
        %eq3A_478 = vector.broadcast %eq3A_477 : i32 to vector<16xi32>
        %eq3A_479 = arith.cmpi eq, %and3A_476, %eq3A_478 : vector<16xi32>
        %xor3A_480 = arith.constant 2 : i32
        %xor3A_481 = vector.broadcast %xor3A_480 : i32 to vector<16xi32>
        %xor3A_482 = arith.xori %iota3A, %xor3A_481 : vector<16xi32>
        %broadcast_in_dim3A_483 = vector.shape_cast %xor3A_482 : vector<16xi32> to vector<16x1xi32>
        %gather3A_484 = vector.shape_cast %broadcast_in_dim3A_483 : vector<16x1xi32> to vector<16xi32>
        %gather3A_485 = tpu.dynamic_gather %select_n3A[%gather3A_484] in [0] : vector<16xf32>, vector<16xi32> -> vector<16xf32>
        %add3A_486 = arith.addf %select_n3A, %gather3A_485 : vector<16xf32>
        %xor3A_487 = arith.constant 2 : i32
        %xor3A_488 = vector.broadcast %xor3A_487 : i32 to vector<16xi32>
        %xor3A_489 = arith.xori %iota3A, %xor3A_488 : vector<16xi32>
        %broadcast_in_dim3A_490 = vector.shape_cast %xor3A_489 : vector<16xi32> to vector<16x1xi32>
        %gather3A_491 = vector.shape_cast %broadcast_in_dim3A_490 : vector<16x1xi32> to vector<16xi32>
        %gather3A_492 = tpu.dynamic_gather %select_n3A_431[%gather3A_491] in [0] : vector<16xf32>, vector<16xi32> -> vector<16xf32>
        %add3A_493 = arith.addf %select_n3A_431, %gather3A_492 : vector<16xf32>
        %select_n3A_494 = arith.select %eq3A_479, %add3A_486, %add3A_493 : vector<16xi1>, vector<16xf32>
        %and3A_495 = arith.constant 2 : i32
        %and3A_496 = vector.broadcast %and3A_495 : i32 to vector<16xi32>
        %and3A_497 = arith.andi %iota3A, %and3A_496 : vector<16xi32>
        %eq3A_498 = arith.constant 0 : i32
        %eq3A_499 = vector.broadcast %eq3A_498 : i32 to vector<16xi32>
        %eq3A_500 = arith.cmpi eq, %and3A_497, %eq3A_499 : vector<16xi32>
        %xor3A_501 = arith.constant 2 : i32
        %xor3A_502 = vector.broadcast %xor3A_501 : i32 to vector<16xi32>
        %xor3A_503 = arith.xori %iota3A, %xor3A_502 : vector<16xi32>
        %broadcast_in_dim3A_504 = vector.shape_cast %xor3A_503 : vector<16xi32> to vector<16x1xi32>
        %gather3A_505 = vector.shape_cast %broadcast_in_dim3A_504 : vector<16x1xi32> to vector<16xi32>
        %gather3A_506 = tpu.dynamic_gather %select_n3A_452[%gather3A_505] in [0] : vector<16xf32>, vector<16xi32> -> vector<16xf32>
        %add3A_507 = arith.addf %select_n3A_452, %gather3A_506 : vector<16xf32>
        %xor3A_508 = arith.constant 2 : i32
        %xor3A_509 = vector.broadcast %xor3A_508 : i32 to vector<16xi32>
        %xor3A_510 = arith.xori %iota3A, %xor3A_509 : vector<16xi32>
        %broadcast_in_dim3A_511 = vector.shape_cast %xor3A_510 : vector<16xi32> to vector<16x1xi32>
        %gather3A_512 = vector.shape_cast %broadcast_in_dim3A_511 : vector<16x1xi32> to vector<16xi32>
        %gather3A_513 = tpu.dynamic_gather %select_n3A_473[%gather3A_512] in [0] : vector<16xf32>, vector<16xi32> -> vector<16xf32>
        %add3A_514 = arith.addf %select_n3A_473, %gather3A_513 : vector<16xf32>
        %select_n3A_515 = arith.select %eq3A_500, %add3A_507, %add3A_514 : vector<16xi1>, vector<16xf32>
        %and3A_516 = arith.constant 4 : i32
        %and3A_517 = vector.broadcast %and3A_516 : i32 to vector<16xi32>
        %and3A_518 = arith.andi %iota3A, %and3A_517 : vector<16xi32>
        %eq3A_519 = arith.constant 0 : i32
        %eq3A_520 = vector.broadcast %eq3A_519 : i32 to vector<16xi32>
        %eq3A_521 = arith.cmpi eq, %and3A_518, %eq3A_520 : vector<16xi32>
        %xor3A_522 = arith.constant 4 : i32
        %xor3A_523 = vector.broadcast %xor3A_522 : i32 to vector<16xi32>
        %xor3A_524 = arith.xori %iota3A, %xor3A_523 : vector<16xi32>
        %broadcast_in_dim3A_525 = vector.shape_cast %xor3A_524 : vector<16xi32> to vector<16x1xi32>
        %gather3A_526 = vector.shape_cast %broadcast_in_dim3A_525 : vector<16x1xi32> to vector<16xi32>
        %gather3A_527 = tpu.dynamic_gather %select_n3A_494[%gather3A_526] in [0] : vector<16xf32>, vector<16xi32> -> vector<16xf32>
        %add3A_528 = arith.addf %select_n3A_494, %gather3A_527 : vector<16xf32>
        %xor3A_529 = arith.constant 4 : i32
        %xor3A_530 = vector.broadcast %xor3A_529 : i32 to vector<16xi32>
        %xor3A_531 = arith.xori %iota3A, %xor3A_530 : vector<16xi32>
        %broadcast_in_dim3A_532 = vector.shape_cast %xor3A_531 : vector<16xi32> to vector<16x1xi32>
        %gather3A_533 = vector.shape_cast %broadcast_in_dim3A_532 : vector<16x1xi32> to vector<16xi32>
        %gather3A_534 = tpu.dynamic_gather %select_n3A_515[%gather3A_533] in [0] : vector<16xf32>, vector<16xi32> -> vector<16xf32>
        %add3A_535 = arith.addf %select_n3A_515, %gather3A_534 : vector<16xf32>
        %select_n3A_536 = arith.select %eq3A_521, %add3A_528, %add3A_535 : vector<16xi1>, vector<16xf32>
        %xor3A_537 = arith.constant 8 : i32
        %xor3A_538 = vector.broadcast %xor3A_537 : i32 to vector<16xi32>
        %xor3A_539 = arith.xori %iota3A, %xor3A_538 : vector<16xi32>
        %broadcast_in_dim3A_540 = vector.shape_cast %xor3A_539 : vector<16xi32> to vector<16x1xi32>
        %gather3A_541 = vector.shape_cast %broadcast_in_dim3A_540 : vector<16x1xi32> to vector<16xi32>
        %gather3A_542 = tpu.dynamic_gather %select_n3A_536[%gather3A_541] in [0] : vector<16xf32>, vector<16xi32> -> vector<16xf32>
        %add3A_543 = arith.addf %select_n3A_536, %gather3A_542 : vector<16xf32>
        %and3A_544 = arith.constant 1 : i32
        %and3A_545 = vector.broadcast %and3A_544 : i32 to vector<16xi32>
        %and3A_546 = arith.andi %iota3A, %and3A_545 : vector<16xi32>
        %eq3A_547 = arith.constant 0 : i32
        %eq3A_548 = vector.broadcast %eq3A_547 : i32 to vector<16xi32>
        %eq3A_549 = arith.cmpi eq, %and3A_546, %eq3A_548 : vector<16xi32>
        %xor3A_550 = arith.constant 1 : i32
        %xor3A_551 = vector.broadcast %xor3A_550 : i32 to vector<16xi32>
        %xor3A_552 = arith.xori %iota3A, %xor3A_551 : vector<16xi32>
        %broadcast_in_dim3A_553 = vector.shape_cast %xor3A_552 : vector<16xi32> to vector<16x1xi32>
        %gather3A_554 = vector.shape_cast %broadcast_in_dim3A_553 : vector<16x1xi32> to vector<16xi32>
        %gather3A_555 = tpu.dynamic_gather %scan3A_393#1[%gather3A_554] in [0] : vector<16xf32>, vector<16xi32> -> vector<16xf32>
        %add3A_556 = arith.addf %scan3A_393#1, %gather3A_555 : vector<16xf32>
        %xor3A_557 = arith.constant 1 : i32
        %xor3A_558 = vector.broadcast %xor3A_557 : i32 to vector<16xi32>
        %xor3A_559 = arith.xori %iota3A, %xor3A_558 : vector<16xi32>
        %broadcast_in_dim3A_560 = vector.shape_cast %xor3A_559 : vector<16xi32> to vector<16x1xi32>
        %gather3A_561 = vector.shape_cast %broadcast_in_dim3A_560 : vector<16x1xi32> to vector<16xi32>
        %gather3A_562 = tpu.dynamic_gather %scan3A_393#4[%gather3A_561] in [0] : vector<16xf32>, vector<16xi32> -> vector<16xf32>
        %add3A_563 = arith.addf %scan3A_393#4, %gather3A_562 : vector<16xf32>
        %select_n3A_564 = arith.select %eq3A_549, %add3A_556, %add3A_563 : vector<16xi1>, vector<16xf32>
        %and3A_565 = arith.constant 1 : i32
        %and3A_566 = vector.broadcast %and3A_565 : i32 to vector<16xi32>
        %and3A_567 = arith.andi %iota3A, %and3A_566 : vector<16xi32>
        %eq3A_568 = arith.constant 0 : i32
        %eq3A_569 = vector.broadcast %eq3A_568 : i32 to vector<16xi32>
        %eq3A_570 = arith.cmpi eq, %and3A_567, %eq3A_569 : vector<16xi32>
        %xor3A_571 = arith.constant 1 : i32
        %xor3A_572 = vector.broadcast %xor3A_571 : i32 to vector<16xi32>
        %xor3A_573 = arith.xori %iota3A, %xor3A_572 : vector<16xi32>
        %broadcast_in_dim3A_574 = vector.shape_cast %xor3A_573 : vector<16xi32> to vector<16x1xi32>
        %gather3A_575 = vector.shape_cast %broadcast_in_dim3A_574 : vector<16x1xi32> to vector<16xi32>
        %gather3A_576 = tpu.dynamic_gather %scan3A_393#7[%gather3A_575] in [0] : vector<16xf32>, vector<16xi32> -> vector<16xf32>
        %add3A_577 = arith.addf %scan3A_393#7, %gather3A_576 : vector<16xf32>
        %xor3A_578 = arith.constant 1 : i32
        %xor3A_579 = vector.broadcast %xor3A_578 : i32 to vector<16xi32>
        %xor3A_580 = arith.xori %iota3A, %xor3A_579 : vector<16xi32>
        %broadcast_in_dim3A_581 = vector.shape_cast %xor3A_580 : vector<16xi32> to vector<16x1xi32>
        %gather3A_582 = vector.shape_cast %broadcast_in_dim3A_581 : vector<16x1xi32> to vector<16xi32>
        %gather3A_583 = tpu.dynamic_gather %scan3A_393#10[%gather3A_582] in [0] : vector<16xf32>, vector<16xi32> -> vector<16xf32>
        %add3A_584 = arith.addf %scan3A_393#10, %gather3A_583 : vector<16xf32>
        %select_n3A_585 = arith.select %eq3A_570, %add3A_577, %add3A_584 : vector<16xi1>, vector<16xf32>
        %and3A_586 = arith.constant 1 : i32
        %and3A_587 = vector.broadcast %and3A_586 : i32 to vector<16xi32>
        %and3A_588 = arith.andi %iota3A, %and3A_587 : vector<16xi32>
        %eq3A_589 = arith.constant 0 : i32
        %eq3A_590 = vector.broadcast %eq3A_589 : i32 to vector<16xi32>
        %eq3A_591 = arith.cmpi eq, %and3A_588, %eq3A_590 : vector<16xi32>
        %xor3A_592 = arith.constant 1 : i32
        %xor3A_593 = vector.broadcast %xor3A_592 : i32 to vector<16xi32>
        %xor3A_594 = arith.xori %iota3A, %xor3A_593 : vector<16xi32>
        %broadcast_in_dim3A_595 = vector.shape_cast %xor3A_594 : vector<16xi32> to vector<16x1xi32>
        %gather3A_596 = vector.shape_cast %broadcast_in_dim3A_595 : vector<16x1xi32> to vector<16xi32>
        %gather3A_597 = tpu.dynamic_gather %scan3A_393#13[%gather3A_596] in [0] : vector<16xf32>, vector<16xi32> -> vector<16xf32>
        %add3A_598 = arith.addf %scan3A_393#13, %gather3A_597 : vector<16xf32>
        %xor3A_599 = arith.constant 1 : i32
        %xor3A_600 = vector.broadcast %xor3A_599 : i32 to vector<16xi32>
        %xor3A_601 = arith.xori %iota3A, %xor3A_600 : vector<16xi32>
        %broadcast_in_dim3A_602 = vector.shape_cast %xor3A_601 : vector<16xi32> to vector<16x1xi32>
        %gather3A_603 = vector.shape_cast %broadcast_in_dim3A_602 : vector<16x1xi32> to vector<16xi32>
        %gather3A_604 = tpu.dynamic_gather %scan3A_393#16[%gather3A_603] in [0] : vector<16xf32>, vector<16xi32> -> vector<16xf32>
        %add3A_605 = arith.addf %scan3A_393#16, %gather3A_604 : vector<16xf32>
        %select_n3A_606 = arith.select %eq3A_591, %add3A_598, %add3A_605 : vector<16xi1>, vector<16xf32>
        %and3A_607 = arith.constant 1 : i32
        %and3A_608 = vector.broadcast %and3A_607 : i32 to vector<16xi32>
        %and3A_609 = arith.andi %iota3A, %and3A_608 : vector<16xi32>
        %eq3A_610 = arith.constant 0 : i32
        %eq3A_611 = vector.broadcast %eq3A_610 : i32 to vector<16xi32>
        %eq3A_612 = arith.cmpi eq, %and3A_609, %eq3A_611 : vector<16xi32>
        %xor3A_613 = arith.constant 1 : i32
        %xor3A_614 = vector.broadcast %xor3A_613 : i32 to vector<16xi32>
        %xor3A_615 = arith.xori %iota3A, %xor3A_614 : vector<16xi32>
        %broadcast_in_dim3A_616 = vector.shape_cast %xor3A_615 : vector<16xi32> to vector<16x1xi32>
        %gather3A_617 = vector.shape_cast %broadcast_in_dim3A_616 : vector<16x1xi32> to vector<16xi32>
        %gather3A_618 = tpu.dynamic_gather %scan3A_393#19[%gather3A_617] in [0] : vector<16xf32>, vector<16xi32> -> vector<16xf32>
        %add3A_619 = arith.addf %scan3A_393#19, %gather3A_618 : vector<16xf32>
        %xor3A_620 = arith.constant 1 : i32
        %xor3A_621 = vector.broadcast %xor3A_620 : i32 to vector<16xi32>
        %xor3A_622 = arith.xori %iota3A, %xor3A_621 : vector<16xi32>
        %broadcast_in_dim3A_623 = vector.shape_cast %xor3A_622 : vector<16xi32> to vector<16x1xi32>
        %gather3A_624 = vector.shape_cast %broadcast_in_dim3A_623 : vector<16x1xi32> to vector<16xi32>
        %gather3A_625 = tpu.dynamic_gather %scan3A_393#22[%gather3A_624] in [0] : vector<16xf32>, vector<16xi32> -> vector<16xf32>
        %add3A_626 = arith.addf %scan3A_393#22, %gather3A_625 : vector<16xf32>
        %select_n3A_627 = arith.select %eq3A_612, %add3A_619, %add3A_626 : vector<16xi1>, vector<16xf32>
        %and3A_628 = arith.constant 2 : i32
        %and3A_629 = vector.broadcast %and3A_628 : i32 to vector<16xi32>
        %and3A_630 = arith.andi %iota3A, %and3A_629 : vector<16xi32>
        %eq3A_631 = arith.constant 0 : i32
        %eq3A_632 = vector.broadcast %eq3A_631 : i32 to vector<16xi32>
        %eq3A_633 = arith.cmpi eq, %and3A_630, %eq3A_632 : vector<16xi32>
        %xor3A_634 = arith.constant 2 : i32
        %xor3A_635 = vector.broadcast %xor3A_634 : i32 to vector<16xi32>
        %xor3A_636 = arith.xori %iota3A, %xor3A_635 : vector<16xi32>
        %broadcast_in_dim3A_637 = vector.shape_cast %xor3A_636 : vector<16xi32> to vector<16x1xi32>
        %gather3A_638 = vector.shape_cast %broadcast_in_dim3A_637 : vector<16x1xi32> to vector<16xi32>
        %gather3A_639 = tpu.dynamic_gather %select_n3A_564[%gather3A_638] in [0] : vector<16xf32>, vector<16xi32> -> vector<16xf32>
        %add3A_640 = arith.addf %select_n3A_564, %gather3A_639 : vector<16xf32>
        %xor3A_641 = arith.constant 2 : i32
        %xor3A_642 = vector.broadcast %xor3A_641 : i32 to vector<16xi32>
        %xor3A_643 = arith.xori %iota3A, %xor3A_642 : vector<16xi32>
        %broadcast_in_dim3A_644 = vector.shape_cast %xor3A_643 : vector<16xi32> to vector<16x1xi32>
        %gather3A_645 = vector.shape_cast %broadcast_in_dim3A_644 : vector<16x1xi32> to vector<16xi32>
        %gather3A_646 = tpu.dynamic_gather %select_n3A_585[%gather3A_645] in [0] : vector<16xf32>, vector<16xi32> -> vector<16xf32>
        %add3A_647 = arith.addf %select_n3A_585, %gather3A_646 : vector<16xf32>
        %select_n3A_648 = arith.select %eq3A_633, %add3A_640, %add3A_647 : vector<16xi1>, vector<16xf32>
        %and3A_649 = arith.constant 2 : i32
        %and3A_650 = vector.broadcast %and3A_649 : i32 to vector<16xi32>
        %and3A_651 = arith.andi %iota3A, %and3A_650 : vector<16xi32>
        %eq3A_652 = arith.constant 0 : i32
        %eq3A_653 = vector.broadcast %eq3A_652 : i32 to vector<16xi32>
        %eq3A_654 = arith.cmpi eq, %and3A_651, %eq3A_653 : vector<16xi32>
        %xor3A_655 = arith.constant 2 : i32
        %xor3A_656 = vector.broadcast %xor3A_655 : i32 to vector<16xi32>
        %xor3A_657 = arith.xori %iota3A, %xor3A_656 : vector<16xi32>
        %broadcast_in_dim3A_658 = vector.shape_cast %xor3A_657 : vector<16xi32> to vector<16x1xi32>
        %gather3A_659 = vector.shape_cast %broadcast_in_dim3A_658 : vector<16x1xi32> to vector<16xi32>
        %gather3A_660 = tpu.dynamic_gather %select_n3A_606[%gather3A_659] in [0] : vector<16xf32>, vector<16xi32> -> vector<16xf32>
        %add3A_661 = arith.addf %select_n3A_606, %gather3A_660 : vector<16xf32>
        %xor3A_662 = arith.constant 2 : i32
        %xor3A_663 = vector.broadcast %xor3A_662 : i32 to vector<16xi32>
        %xor3A_664 = arith.xori %iota3A, %xor3A_663 : vector<16xi32>
        %broadcast_in_dim3A_665 = vector.shape_cast %xor3A_664 : vector<16xi32> to vector<16x1xi32>
        %gather3A_666 = vector.shape_cast %broadcast_in_dim3A_665 : vector<16x1xi32> to vector<16xi32>
        %gather3A_667 = tpu.dynamic_gather %select_n3A_627[%gather3A_666] in [0] : vector<16xf32>, vector<16xi32> -> vector<16xf32>
        %add3A_668 = arith.addf %select_n3A_627, %gather3A_667 : vector<16xf32>
        %select_n3A_669 = arith.select %eq3A_654, %add3A_661, %add3A_668 : vector<16xi1>, vector<16xf32>
        %and3A_670 = arith.constant 4 : i32
        %and3A_671 = vector.broadcast %and3A_670 : i32 to vector<16xi32>
        %and3A_672 = arith.andi %iota3A, %and3A_671 : vector<16xi32>
        %eq3A_673 = arith.constant 0 : i32
        %eq3A_674 = vector.broadcast %eq3A_673 : i32 to vector<16xi32>
        %eq3A_675 = arith.cmpi eq, %and3A_672, %eq3A_674 : vector<16xi32>
        %xor3A_676 = arith.constant 4 : i32
        %xor3A_677 = vector.broadcast %xor3A_676 : i32 to vector<16xi32>
        %xor3A_678 = arith.xori %iota3A, %xor3A_677 : vector<16xi32>
        %broadcast_in_dim3A_679 = vector.shape_cast %xor3A_678 : vector<16xi32> to vector<16x1xi32>
        %gather3A_680 = vector.shape_cast %broadcast_in_dim3A_679 : vector<16x1xi32> to vector<16xi32>
        %gather3A_681 = tpu.dynamic_gather %select_n3A_648[%gather3A_680] in [0] : vector<16xf32>, vector<16xi32> -> vector<16xf32>
        %add3A_682 = arith.addf %select_n3A_648, %gather3A_681 : vector<16xf32>
        %xor3A_683 = arith.constant 4 : i32
        %xor3A_684 = vector.broadcast %xor3A_683 : i32 to vector<16xi32>
        %xor3A_685 = arith.xori %iota3A, %xor3A_684 : vector<16xi32>
        %broadcast_in_dim3A_686 = vector.shape_cast %xor3A_685 : vector<16xi32> to vector<16x1xi32>
        %gather3A_687 = vector.shape_cast %broadcast_in_dim3A_686 : vector<16x1xi32> to vector<16xi32>
        %gather3A_688 = tpu.dynamic_gather %select_n3A_669[%gather3A_687] in [0] : vector<16xf32>, vector<16xi32> -> vector<16xf32>
        %add3A_689 = arith.addf %select_n3A_669, %gather3A_688 : vector<16xf32>
        %select_n3A_690 = arith.select %eq3A_675, %add3A_682, %add3A_689 : vector<16xi1>, vector<16xf32>
        %xor3A_691 = arith.constant 8 : i32
        %xor3A_692 = vector.broadcast %xor3A_691 : i32 to vector<16xi32>
        %xor3A_693 = arith.xori %iota3A, %xor3A_692 : vector<16xi32>
        %broadcast_in_dim3A_694 = vector.shape_cast %xor3A_693 : vector<16xi32> to vector<16x1xi32>
        %gather3A_695 = vector.shape_cast %broadcast_in_dim3A_694 : vector<16x1xi32> to vector<16xi32>
        %gather3A_696 = tpu.dynamic_gather %select_n3A_690[%gather3A_695] in [0] : vector<16xf32>, vector<16xi32> -> vector<16xf32>
        %add3A_697 = arith.addf %select_n3A_690, %gather3A_696 : vector<16xf32>
        %and3A_698 = arith.constant 1 : i32
        %and3A_699 = vector.broadcast %and3A_698 : i32 to vector<16xi32>
        %and3A_700 = arith.andi %iota3A, %and3A_699 : vector<16xi32>
        %eq3A_701 = arith.constant 0 : i32
        %eq3A_702 = vector.broadcast %eq3A_701 : i32 to vector<16xi32>
        %eq3A_703 = arith.cmpi eq, %and3A_700, %eq3A_702 : vector<16xi32>
        %xor3A_704 = arith.constant 1 : i32
        %xor3A_705 = vector.broadcast %xor3A_704 : i32 to vector<16xi32>
        %xor3A_706 = arith.xori %iota3A, %xor3A_705 : vector<16xi32>
        %broadcast_in_dim3A_707 = vector.shape_cast %xor3A_706 : vector<16xi32> to vector<16x1xi32>
        %gather3A_708 = vector.shape_cast %broadcast_in_dim3A_707 : vector<16x1xi32> to vector<16xi32>
        %gather3A_709 = tpu.dynamic_gather %scan3A_393#2[%gather3A_708] in [0] : vector<16xf32>, vector<16xi32> -> vector<16xf32>
        %add3A_710 = arith.addf %scan3A_393#2, %gather3A_709 : vector<16xf32>
        %xor3A_711 = arith.constant 1 : i32
        %xor3A_712 = vector.broadcast %xor3A_711 : i32 to vector<16xi32>
        %xor3A_713 = arith.xori %iota3A, %xor3A_712 : vector<16xi32>
        %broadcast_in_dim3A_714 = vector.shape_cast %xor3A_713 : vector<16xi32> to vector<16x1xi32>
        %gather3A_715 = vector.shape_cast %broadcast_in_dim3A_714 : vector<16x1xi32> to vector<16xi32>
        %gather3A_716 = tpu.dynamic_gather %scan3A_393#5[%gather3A_715] in [0] : vector<16xf32>, vector<16xi32> -> vector<16xf32>
        %add3A_717 = arith.addf %scan3A_393#5, %gather3A_716 : vector<16xf32>
        %select_n3A_718 = arith.select %eq3A_703, %add3A_710, %add3A_717 : vector<16xi1>, vector<16xf32>
        %and3A_719 = arith.constant 1 : i32
        %and3A_720 = vector.broadcast %and3A_719 : i32 to vector<16xi32>
        %and3A_721 = arith.andi %iota3A, %and3A_720 : vector<16xi32>
        %eq3A_722 = arith.constant 0 : i32
        %eq3A_723 = vector.broadcast %eq3A_722 : i32 to vector<16xi32>
        %eq3A_724 = arith.cmpi eq, %and3A_721, %eq3A_723 : vector<16xi32>
        %xor3A_725 = arith.constant 1 : i32
        %xor3A_726 = vector.broadcast %xor3A_725 : i32 to vector<16xi32>
        %xor3A_727 = arith.xori %iota3A, %xor3A_726 : vector<16xi32>
        %broadcast_in_dim3A_728 = vector.shape_cast %xor3A_727 : vector<16xi32> to vector<16x1xi32>
        %gather3A_729 = vector.shape_cast %broadcast_in_dim3A_728 : vector<16x1xi32> to vector<16xi32>
        %gather3A_730 = tpu.dynamic_gather %scan3A_393#8[%gather3A_729] in [0] : vector<16xf32>, vector<16xi32> -> vector<16xf32>
        %add3A_731 = arith.addf %scan3A_393#8, %gather3A_730 : vector<16xf32>
        %xor3A_732 = arith.constant 1 : i32
        %xor3A_733 = vector.broadcast %xor3A_732 : i32 to vector<16xi32>
        %xor3A_734 = arith.xori %iota3A, %xor3A_733 : vector<16xi32>
        %broadcast_in_dim3A_735 = vector.shape_cast %xor3A_734 : vector<16xi32> to vector<16x1xi32>
        %gather3A_736 = vector.shape_cast %broadcast_in_dim3A_735 : vector<16x1xi32> to vector<16xi32>
        %gather3A_737 = tpu.dynamic_gather %scan3A_393#11[%gather3A_736] in [0] : vector<16xf32>, vector<16xi32> -> vector<16xf32>
        %add3A_738 = arith.addf %scan3A_393#11, %gather3A_737 : vector<16xf32>
        %select_n3A_739 = arith.select %eq3A_724, %add3A_731, %add3A_738 : vector<16xi1>, vector<16xf32>
        %and3A_740 = arith.constant 1 : i32
        %and3A_741 = vector.broadcast %and3A_740 : i32 to vector<16xi32>
        %and3A_742 = arith.andi %iota3A, %and3A_741 : vector<16xi32>
        %eq3A_743 = arith.constant 0 : i32
        %eq3A_744 = vector.broadcast %eq3A_743 : i32 to vector<16xi32>
        %eq3A_745 = arith.cmpi eq, %and3A_742, %eq3A_744 : vector<16xi32>
        %xor3A_746 = arith.constant 1 : i32
        %xor3A_747 = vector.broadcast %xor3A_746 : i32 to vector<16xi32>
        %xor3A_748 = arith.xori %iota3A, %xor3A_747 : vector<16xi32>
        %broadcast_in_dim3A_749 = vector.shape_cast %xor3A_748 : vector<16xi32> to vector<16x1xi32>
        %gather3A_750 = vector.shape_cast %broadcast_in_dim3A_749 : vector<16x1xi32> to vector<16xi32>
        %gather3A_751 = tpu.dynamic_gather %scan3A_393#14[%gather3A_750] in [0] : vector<16xf32>, vector<16xi32> -> vector<16xf32>
        %add3A_752 = arith.addf %scan3A_393#14, %gather3A_751 : vector<16xf32>
        %xor3A_753 = arith.constant 1 : i32
        %xor3A_754 = vector.broadcast %xor3A_753 : i32 to vector<16xi32>
        %xor3A_755 = arith.xori %iota3A, %xor3A_754 : vector<16xi32>
        %broadcast_in_dim3A_756 = vector.shape_cast %xor3A_755 : vector<16xi32> to vector<16x1xi32>
        %gather3A_757 = vector.shape_cast %broadcast_in_dim3A_756 : vector<16x1xi32> to vector<16xi32>
        %gather3A_758 = tpu.dynamic_gather %scan3A_393#17[%gather3A_757] in [0] : vector<16xf32>, vector<16xi32> -> vector<16xf32>
        %add3A_759 = arith.addf %scan3A_393#17, %gather3A_758 : vector<16xf32>
        %select_n3A_760 = arith.select %eq3A_745, %add3A_752, %add3A_759 : vector<16xi1>, vector<16xf32>
        %and3A_761 = arith.constant 1 : i32
        %and3A_762 = vector.broadcast %and3A_761 : i32 to vector<16xi32>
        %and3A_763 = arith.andi %iota3A, %and3A_762 : vector<16xi32>
        %eq3A_764 = arith.constant 0 : i32
        %eq3A_765 = vector.broadcast %eq3A_764 : i32 to vector<16xi32>
        %eq3A_766 = arith.cmpi eq, %and3A_763, %eq3A_765 : vector<16xi32>
        %xor3A_767 = arith.constant 1 : i32
        %xor3A_768 = vector.broadcast %xor3A_767 : i32 to vector<16xi32>
        %xor3A_769 = arith.xori %iota3A, %xor3A_768 : vector<16xi32>
        %broadcast_in_dim3A_770 = vector.shape_cast %xor3A_769 : vector<16xi32> to vector<16x1xi32>
        %gather3A_771 = vector.shape_cast %broadcast_in_dim3A_770 : vector<16x1xi32> to vector<16xi32>
        %gather3A_772 = tpu.dynamic_gather %scan3A_393#20[%gather3A_771] in [0] : vector<16xf32>, vector<16xi32> -> vector<16xf32>
        %add3A_773 = arith.addf %scan3A_393#20, %gather3A_772 : vector<16xf32>
        %xor3A_774 = arith.constant 1 : i32
        %xor3A_775 = vector.broadcast %xor3A_774 : i32 to vector<16xi32>
        %xor3A_776 = arith.xori %iota3A, %xor3A_775 : vector<16xi32>
        %broadcast_in_dim3A_777 = vector.shape_cast %xor3A_776 : vector<16xi32> to vector<16x1xi32>
        %gather3A_778 = vector.shape_cast %broadcast_in_dim3A_777 : vector<16x1xi32> to vector<16xi32>
        %gather3A_779 = tpu.dynamic_gather %scan3A_393#23[%gather3A_778] in [0] : vector<16xf32>, vector<16xi32> -> vector<16xf32>
        %add3A_780 = arith.addf %scan3A_393#23, %gather3A_779 : vector<16xf32>
        %select_n3A_781 = arith.select %eq3A_766, %add3A_773, %add3A_780 : vector<16xi1>, vector<16xf32>
        %and3A_782 = arith.constant 2 : i32
        %and3A_783 = vector.broadcast %and3A_782 : i32 to vector<16xi32>
        %and3A_784 = arith.andi %iota3A, %and3A_783 : vector<16xi32>
        %eq3A_785 = arith.constant 0 : i32
        %eq3A_786 = vector.broadcast %eq3A_785 : i32 to vector<16xi32>
        %eq3A_787 = arith.cmpi eq, %and3A_784, %eq3A_786 : vector<16xi32>
        %xor3A_788 = arith.constant 2 : i32
        %xor3A_789 = vector.broadcast %xor3A_788 : i32 to vector<16xi32>
        %xor3A_790 = arith.xori %iota3A, %xor3A_789 : vector<16xi32>
        %broadcast_in_dim3A_791 = vector.shape_cast %xor3A_790 : vector<16xi32> to vector<16x1xi32>
        %gather3A_792 = vector.shape_cast %broadcast_in_dim3A_791 : vector<16x1xi32> to vector<16xi32>
        %gather3A_793 = tpu.dynamic_gather %select_n3A_718[%gather3A_792] in [0] : vector<16xf32>, vector<16xi32> -> vector<16xf32>
        %add3A_794 = arith.addf %select_n3A_718, %gather3A_793 : vector<16xf32>
        %xor3A_795 = arith.constant 2 : i32
        %xor3A_796 = vector.broadcast %xor3A_795 : i32 to vector<16xi32>
        %xor3A_797 = arith.xori %iota3A, %xor3A_796 : vector<16xi32>
        %broadcast_in_dim3A_798 = vector.shape_cast %xor3A_797 : vector<16xi32> to vector<16x1xi32>
        %gather3A_799 = vector.shape_cast %broadcast_in_dim3A_798 : vector<16x1xi32> to vector<16xi32>
        %gather3A_800 = tpu.dynamic_gather %select_n3A_739[%gather3A_799] in [0] : vector<16xf32>, vector<16xi32> -> vector<16xf32>
        %add3A_801 = arith.addf %select_n3A_739, %gather3A_800 : vector<16xf32>
        %select_n3A_802 = arith.select %eq3A_787, %add3A_794, %add3A_801 : vector<16xi1>, vector<16xf32>
        %and3A_803 = arith.constant 2 : i32
        %and3A_804 = vector.broadcast %and3A_803 : i32 to vector<16xi32>
        %and3A_805 = arith.andi %iota3A, %and3A_804 : vector<16xi32>
        %eq3A_806 = arith.constant 0 : i32
        %eq3A_807 = vector.broadcast %eq3A_806 : i32 to vector<16xi32>
        %eq3A_808 = arith.cmpi eq, %and3A_805, %eq3A_807 : vector<16xi32>
        %xor3A_809 = arith.constant 2 : i32
        %xor3A_810 = vector.broadcast %xor3A_809 : i32 to vector<16xi32>
        %xor3A_811 = arith.xori %iota3A, %xor3A_810 : vector<16xi32>
        %broadcast_in_dim3A_812 = vector.shape_cast %xor3A_811 : vector<16xi32> to vector<16x1xi32>
        %gather3A_813 = vector.shape_cast %broadcast_in_dim3A_812 : vector<16x1xi32> to vector<16xi32>
        %gather3A_814 = tpu.dynamic_gather %select_n3A_760[%gather3A_813] in [0] : vector<16xf32>, vector<16xi32> -> vector<16xf32>
        %add3A_815 = arith.addf %select_n3A_760, %gather3A_814 : vector<16xf32>
        %xor3A_816 = arith.constant 2 : i32
        %xor3A_817 = vector.broadcast %xor3A_816 : i32 to vector<16xi32>
        %xor3A_818 = arith.xori %iota3A, %xor3A_817 : vector<16xi32>
        %broadcast_in_dim3A_819 = vector.shape_cast %xor3A_818 : vector<16xi32> to vector<16x1xi32>
        %gather3A_820 = vector.shape_cast %broadcast_in_dim3A_819 : vector<16x1xi32> to vector<16xi32>
        %gather3A_821 = tpu.dynamic_gather %select_n3A_781[%gather3A_820] in [0] : vector<16xf32>, vector<16xi32> -> vector<16xf32>
        %add3A_822 = arith.addf %select_n3A_781, %gather3A_821 : vector<16xf32>
        %select_n3A_823 = arith.select %eq3A_808, %add3A_815, %add3A_822 : vector<16xi1>, vector<16xf32>
        %and3A_824 = arith.constant 4 : i32
        %and3A_825 = vector.broadcast %and3A_824 : i32 to vector<16xi32>
        %and3A_826 = arith.andi %iota3A, %and3A_825 : vector<16xi32>
        %eq3A_827 = arith.constant 0 : i32
        %eq3A_828 = vector.broadcast %eq3A_827 : i32 to vector<16xi32>
        %eq3A_829 = arith.cmpi eq, %and3A_826, %eq3A_828 : vector<16xi32>
        %xor3A_830 = arith.constant 4 : i32
        %xor3A_831 = vector.broadcast %xor3A_830 : i32 to vector<16xi32>
        %xor3A_832 = arith.xori %iota3A, %xor3A_831 : vector<16xi32>
        %broadcast_in_dim3A_833 = vector.shape_cast %xor3A_832 : vector<16xi32> to vector<16x1xi32>
        %gather3A_834 = vector.shape_cast %broadcast_in_dim3A_833 : vector<16x1xi32> to vector<16xi32>
        %gather3A_835 = tpu.dynamic_gather %select_n3A_802[%gather3A_834] in [0] : vector<16xf32>, vector<16xi32> -> vector<16xf32>
        %add3A_836 = arith.addf %select_n3A_802, %gather3A_835 : vector<16xf32>
        %xor3A_837 = arith.constant 4 : i32
        %xor3A_838 = vector.broadcast %xor3A_837 : i32 to vector<16xi32>
        %xor3A_839 = arith.xori %iota3A, %xor3A_838 : vector<16xi32>
        %broadcast_in_dim3A_840 = vector.shape_cast %xor3A_839 : vector<16xi32> to vector<16x1xi32>
        %gather3A_841 = vector.shape_cast %broadcast_in_dim3A_840 : vector<16x1xi32> to vector<16xi32>
        %gather3A_842 = tpu.dynamic_gather %select_n3A_823[%gather3A_841] in [0] : vector<16xf32>, vector<16xi32> -> vector<16xf32>
        %add3A_843 = arith.addf %select_n3A_823, %gather3A_842 : vector<16xf32>
        %select_n3A_844 = arith.select %eq3A_829, %add3A_836, %add3A_843 : vector<16xi1>, vector<16xf32>
        %xor3A_845 = arith.constant 8 : i32
        %xor3A_846 = vector.broadcast %xor3A_845 : i32 to vector<16xi32>
        %xor3A_847 = arith.xori %iota3A, %xor3A_846 : vector<16xi32>
        %broadcast_in_dim3A_848 = vector.shape_cast %xor3A_847 : vector<16xi32> to vector<16x1xi32>
        %gather3A_849 = vector.shape_cast %broadcast_in_dim3A_848 : vector<16x1xi32> to vector<16xi32>
        %gather3A_850 = tpu.dynamic_gather %select_n3A_844[%gather3A_849] in [0] : vector<16xf32>, vector<16xi32> -> vector<16xf32>
        %add3A_851 = arith.addf %select_n3A_844, %gather3A_850 : vector<16xf32>
        %mul3A_852 = arith.constant 2 : i32
        %mul3A_853 = arith.muli %mul3A_852, %scan3A_384 : i32
        %add3A_854 = arith.constant 1 : i32
        %add3A_855 = arith.addi %mul3A_853, %add3A_854 : i32
        %broadcast_in_dim3A_856 = arith.constant 0.000000e+00 : f32
        %broadcast_in_dim3A_857 = vector.broadcast %broadcast_in_dim3A_856 : f32 to vector<16xf32>
        %scan3A_858 = arith.constant 0 : i32
        %scan3A_859 = arith.constant 50 : i32
        %scan3A_860 = arith.addi %scan3A_858, %scan3A_859 : i32
        %scan3A_861 = arith.constant 1 : i32
        %scan3A_862:24 = scf.for %scan3A_1365 = %scan3A_858 to %scan3A_860 step %scan3A_861 iter_args(%scan3A_1366 = %broadcast_in_dim3A_857, %scan3A_1367 = %broadcast_in_dim3A_857, %scan3A_1368 = %broadcast_in_dim3A_857, %scan3A_1369 = %broadcast_in_dim3A_857, %scan3A_1370 = %broadcast_in_dim3A_857, %scan3A_1371 = %broadcast_in_dim3A_857, %scan3A_1372 = %broadcast_in_dim3A_857, %scan3A_1373 = %broadcast_in_dim3A_857, %scan3A_1374 = %broadcast_in_dim3A_857, %scan3A_1375 = %broadcast_in_dim3A_857, %scan3A_1376 = %broadcast_in_dim3A_857, %scan3A_1377 = %broadcast_in_dim3A_857, %scan3A_1378 = %broadcast_in_dim3A_857, %scan3A_1379 = %broadcast_in_dim3A_857, %scan3A_1380 = %broadcast_in_dim3A_857, %scan3A_1381 = %broadcast_in_dim3A_857, %scan3A_1382 = %broadcast_in_dim3A_857, %scan3A_1383 = %broadcast_in_dim3A_857, %scan3A_1384 = %broadcast_in_dim3A_857, %scan3A_1385 = %broadcast_in_dim3A_857, %scan3A_1386 = %broadcast_in_dim3A_857, %scan3A_1387 = %broadcast_in_dim3A_857, %scan3A_1388 = %broadcast_in_dim3A_857, %scan3A_1389 = %broadcast_in_dim3A_857) -> (vector<16xf32>, vector<16xf32>, vector<16xf32>, vector<16xf32>, vector<16xf32>, vector<16xf32>, vector<16xf32>, vector<16xf32>, vector<16xf32>, vector<16xf32>, vector<16xf32>, vector<16xf32>, vector<16xf32>, vector<16xf32>, vector<16xf32>, vector<16xf32>, vector<16xf32>, vector<16xf32>, vector<16xf32>, vector<16xf32>, vector<16xf32>, vector<16xf32>, vector<16xf32>, vector<16xf32>)  : i32 {
          %get3A = arith.constant 0 : i32
          %get3A_1390 = arith.index_cast %get3A : i32 to index
          %get3A_1391 = arith.index_cast %scan3A_1365 : i32 to index
          %get3A_1392 = arith.constant 0 : index
          %get3A_1393 = tpu.vector_load %arg11[%get3A_1390, %get3A_1391, %get3A_1392] {strides = array<i32>} : memref<3x50x16xf32, #tpu.memory_space<vmem>>, vector<1x1x16xf32>,
          %get3A_1394 = vector.shape_cast %get3A_1393 : vector<1x1x16xf32> to vector<16xf32>
          %get3A_1395 = arith.constant 1 : i32
          %get3A_1396 = arith.index_cast %get3A_1395 : i32 to index
          %get3A_1397 = arith.index_cast %scan3A_1365 : i32 to index
          %get3A_1398 = arith.constant 0 : index
          %get3A_1399 = tpu.vector_load %arg11[%get3A_1396, %get3A_1397, %get3A_1398] {strides = array<i32>} : memref<3x50x16xf32, #tpu.memory_space<vmem>>, vector<1x1x16xf32>,
          %get3A_1400 = vector.shape_cast %get3A_1399 : vector<1x1x16xf32> to vector<16xf32>
          %get3A_1401 = arith.constant 2 : i32
          %get3A_1402 = arith.index_cast %get3A_1401 : i32 to index
          %get3A_1403 = arith.index_cast %scan3A_1365 : i32 to index
          %get3A_1404 = arith.constant 0 : index
          %get3A_1405 = tpu.vector_load %arg11[%get3A_1402, %get3A_1403, %get3A_1404] {strides = array<i32>} : memref<3x50x16xf32, #tpu.memory_space<vmem>>, vector<1x1x16xf32>,
          %get3A_1406 = vector.shape_cast %get3A_1405 : vector<1x1x16xf32> to vector<16xf32>
          %mul3A_1407 = arith.constant 400 : i32
          %mul3A_1408 = arith.muli %add3A_855, %mul3A_1407 : i32
          %add3A_1409 = arith.addi %mul3A_1408, %scan3A_1365 : i32
          %add3A_1410 = arith.constant 0 : i32
          %add3A_1411 = arith.addi %add3A_1409, %add3A_1410 : i32
          %get3A_1412 = arith.index_cast %add3A_1411 : i32 to index
          %get3A_1413 = arith.constant 0 : index
          %get3A_1414 = tpu.vector_load %arg9[%get3A_1412, %get3A_1413] {strides = array<i32>} : memref<1600x16xf32, #tpu.memory_space<vmem>>, vector<1x16xf32>,
          %get3A_1415 = vector.shape_cast %get3A_1414 : vector<1x16xf32> to vector<16xf32>
          %mul3A_1416 = arith.mulf %get3A_1415, %get3A_1394 : vector<16xf32>
          %add3A_1417 = arith.addf %scan3A_1366, %mul3A_1416 : vector<16xf32>
          %mul3A_1418 = arith.mulf %get3A_1415, %get3A_1400 : vector<16xf32>
          %add3A_1419 = arith.addf %scan3A_1367, %mul3A_1418 : vector<16xf32>
          %mul3A_1420 = arith.mulf %get3A_1415, %get3A_1406 : vector<16xf32>
          %add3A_1421 = arith.addf %scan3A_1368, %mul3A_1420 : vector<16xf32>
          %add3A_1422 = arith.constant 50 : i32
          %add3A_1423 = arith.addi %add3A_1409, %add3A_1422 : i32
          %get3A_1424 = arith.index_cast %add3A_1423 : i32 to index
          %get3A_1425 = arith.constant 0 : index
          %get3A_1426 = tpu.vector_load %arg9[%get3A_1424, %get3A_1425] {strides = array<i32>} : memref<1600x16xf32, #tpu.memory_space<vmem>>, vector<1x16xf32>,
          %get3A_1427 = vector.shape_cast %get3A_1426 : vector<1x16xf32> to vector<16xf32>
          %mul3A_1428 = arith.mulf %get3A_1427, %get3A_1394 : vector<16xf32>
          %add3A_1429 = arith.addf %scan3A_1369, %mul3A_1428 : vector<16xf32>
          %mul3A_1430 = arith.mulf %get3A_1427, %get3A_1400 : vector<16xf32>
          %add3A_1431 = arith.addf %scan3A_1370, %mul3A_1430 : vector<16xf32>
          %mul3A_1432 = arith.mulf %get3A_1427, %get3A_1406 : vector<16xf32>
          %add3A_1433 = arith.addf %scan3A_1371, %mul3A_1432 : vector<16xf32>
          %add3A_1434 = arith.constant 100 : i32
          %add3A_1435 = arith.addi %add3A_1409, %add3A_1434 : i32
          %get3A_1436 = arith.index_cast %add3A_1435 : i32 to index
          %get3A_1437 = arith.constant 0 : index
          %get3A_1438 = tpu.vector_load %arg9[%get3A_1436, %get3A_1437] {strides = array<i32>} : memref<1600x16xf32, #tpu.memory_space<vmem>>, vector<1x16xf32>,
          %get3A_1439 = vector.shape_cast %get3A_1438 : vector<1x16xf32> to vector<16xf32>
          %mul3A_1440 = arith.mulf %get3A_1439, %get3A_1394 : vector<16xf32>
          %add3A_1441 = arith.addf %scan3A_1372, %mul3A_1440 : vector<16xf32>
          %mul3A_1442 = arith.mulf %get3A_1439, %get3A_1400 : vector<16xf32>
          %add3A_1443 = arith.addf %scan3A_1373, %mul3A_1442 : vector<16xf32>
          %mul3A_1444 = arith.mulf %get3A_1439, %get3A_1406 : vector<16xf32>
          %add3A_1445 = arith.addf %scan3A_1374, %mul3A_1444 : vector<16xf32>
          %add3A_1446 = arith.constant 150 : i32
          %add3A_1447 = arith.addi %add3A_1409, %add3A_1446 : i32
          %get3A_1448 = arith.index_cast %add3A_1447 : i32 to index
          %get3A_1449 = arith.constant 0 : index
          %get3A_1450 = tpu.vector_load %arg9[%get3A_1448, %get3A_1449] {strides = array<i32>} : memref<1600x16xf32, #tpu.memory_space<vmem>>, vector<1x16xf32>,
          %get3A_1451 = vector.shape_cast %get3A_1450 : vector<1x16xf32> to vector<16xf32>
          %mul3A_1452 = arith.mulf %get3A_1451, %get3A_1394 : vector<16xf32>
          %add3A_1453 = arith.addf %scan3A_1375, %mul3A_1452 : vector<16xf32>
          %mul3A_1454 = arith.mulf %get3A_1451, %get3A_1400 : vector<16xf32>
          %add3A_1455 = arith.addf %scan3A_1376, %mul3A_1454 : vector<16xf32>
          %mul3A_1456 = arith.mulf %get3A_1451, %get3A_1406 : vector<16xf32>
          %add3A_1457 = arith.addf %scan3A_1377, %mul3A_1456 : vector<16xf32>
          %add3A_1458 = arith.constant 200 : i32
          %add3A_1459 = arith.addi %add3A_1409, %add3A_1458 : i32
          %get3A_1460 = arith.index_cast %add3A_1459 : i32 to index
          %get3A_1461 = arith.constant 0 : index
          %get3A_1462 = tpu.vector_load %arg9[%get3A_1460, %get3A_1461] {strides = array<i32>} : memref<1600x16xf32, #tpu.memory_space<vmem>>, vector<1x16xf32>,
          %get3A_1463 = vector.shape_cast %get3A_1462 : vector<1x16xf32> to vector<16xf32>
          %mul3A_1464 = arith.mulf %get3A_1463, %get3A_1394 : vector<16xf32>
          %add3A_1465 = arith.addf %scan3A_1378, %mul3A_1464 : vector<16xf32>
          %mul3A_1466 = arith.mulf %get3A_1463, %get3A_1400 : vector<16xf32>
          %add3A_1467 = arith.addf %scan3A_1379, %mul3A_1466 : vector<16xf32>
          %mul3A_1468 = arith.mulf %get3A_1463, %get3A_1406 : vector<16xf32>
          %add3A_1469 = arith.addf %scan3A_1380, %mul3A_1468 : vector<16xf32>
          %add3A_1470 = arith.constant 250 : i32
          %add3A_1471 = arith.addi %add3A_1409, %add3A_1470 : i32
          %get3A_1472 = arith.index_cast %add3A_1471 : i32 to index
          %get3A_1473 = arith.constant 0 : index
          %get3A_1474 = tpu.vector_load %arg9[%get3A_1472, %get3A_1473] {strides = array<i32>} : memref<1600x16xf32, #tpu.memory_space<vmem>>, vector<1x16xf32>,
          %get3A_1475 = vector.shape_cast %get3A_1474 : vector<1x16xf32> to vector<16xf32>
          %mul3A_1476 = arith.mulf %get3A_1475, %get3A_1394 : vector<16xf32>
          %add3A_1477 = arith.addf %scan3A_1381, %mul3A_1476 : vector<16xf32>
          %mul3A_1478 = arith.mulf %get3A_1475, %get3A_1400 : vector<16xf32>
          %add3A_1479 = arith.addf %scan3A_1382, %mul3A_1478 : vector<16xf32>
          %mul3A_1480 = arith.mulf %get3A_1475, %get3A_1406 : vector<16xf32>
          %add3A_1481 = arith.addf %scan3A_1383, %mul3A_1480 : vector<16xf32>
          %add3A_1482 = arith.constant 300 : i32
          %add3A_1483 = arith.addi %add3A_1409, %add3A_1482 : i32
          %get3A_1484 = arith.index_cast %add3A_1483 : i32 to index
          %get3A_1485 = arith.constant 0 : index
          %get3A_1486 = tpu.vector_load %arg9[%get3A_1484, %get3A_1485] {strides = array<i32>} : memref<1600x16xf32, #tpu.memory_space<vmem>>, vector<1x16xf32>,
          %get3A_1487 = vector.shape_cast %get3A_1486 : vector<1x16xf32> to vector<16xf32>
          %mul3A_1488 = arith.mulf %get3A_1487, %get3A_1394 : vector<16xf32>
          %add3A_1489 = arith.addf %scan3A_1384, %mul3A_1488 : vector<16xf32>
          %mul3A_1490 = arith.mulf %get3A_1487, %get3A_1400 : vector<16xf32>
          %add3A_1491 = arith.addf %scan3A_1385, %mul3A_1490 : vector<16xf32>
          %mul3A_1492 = arith.mulf %get3A_1487, %get3A_1406 : vector<16xf32>
          %add3A_1493 = arith.addf %scan3A_1386, %mul3A_1492 : vector<16xf32>
          %add3A_1494 = arith.constant 350 : i32
          %add3A_1495 = arith.addi %add3A_1409, %add3A_1494 : i32
          %get3A_1496 = arith.index_cast %add3A_1495 : i32 to index
          %get3A_1497 = arith.constant 0 : index
          %get3A_1498 = tpu.vector_load %arg9[%get3A_1496, %get3A_1497] {strides = array<i32>} : memref<1600x16xf32, #tpu.memory_space<vmem>>, vector<1x16xf32>,
          %get3A_1499 = vector.shape_cast %get3A_1498 : vector<1x16xf32> to vector<16xf32>
          %mul3A_1500 = arith.mulf %get3A_1499, %get3A_1394 : vector<16xf32>
          %add3A_1501 = arith.addf %scan3A_1387, %mul3A_1500 : vector<16xf32>
          %mul3A_1502 = arith.mulf %get3A_1499, %get3A_1400 : vector<16xf32>
          %add3A_1503 = arith.addf %scan3A_1388, %mul3A_1502 : vector<16xf32>
          %mul3A_1504 = arith.mulf %get3A_1499, %get3A_1406 : vector<16xf32>
          %add3A_1505 = arith.addf %scan3A_1389, %mul3A_1504 : vector<16xf32>
          scf.yield %add3A_1417, %add3A_1419, %add3A_1421, %add3A_1429, %add3A_1431, %add3A_1433, %add3A_1441, %add3A_1443, %add3A_1445, %add3A_1453, %add3A_1455, %add3A_1457, %add3A_1465, %add3A_1467, %add3A_1469, %add3A_1477, %add3A_1479, %add3A_1481, %add3A_1489, %add3A_1491, %add3A_1493, %add3A_1501, %add3A_1503, %add3A_1505 : vector<16xf32>, vector<16xf32>, vector<16xf32>, vector<16xf32>, vector<16xf32>, vector<16xf32>, vector<16xf32>, vector<16xf32>, vector<16xf32>, vector<16xf32>, vector<16xf32>, vector<16xf32>, vector<16xf32>, vector<16xf32>, vector<16xf32>, vector<16xf32>, vector<16xf32>, vector<16xf32>, vector<16xf32>, vector<16xf32>, vector<16xf32>, vector<16xf32>, vector<16xf32>, vector<16xf32>
        }
        %scan3A_863 = arith.constant 50 : i32
        %and3A_864 = arith.constant 1 : i32
        %and3A_865 = vector.broadcast %and3A_864 : i32 to vector<16xi32>
        %and3A_866 = arith.andi %iota3A, %and3A_865 : vector<16xi32>
        %eq3A_867 = arith.constant 0 : i32
        %eq3A_868 = vector.broadcast %eq3A_867 : i32 to vector<16xi32>
        %eq3A_869 = arith.cmpi eq, %and3A_866, %eq3A_868 : vector<16xi32>
        %xor3A_870 = arith.constant 1 : i32
        %xor3A_871 = vector.broadcast %xor3A_870 : i32 to vector<16xi32>
        %xor3A_872 = arith.xori %iota3A, %xor3A_871 : vector<16xi32>
        %broadcast_in_dim3A_873 = vector.shape_cast %xor3A_872 : vector<16xi32> to vector<16x1xi32>
        %gather3A_874 = vector.shape_cast %broadcast_in_dim3A_873 : vector<16x1xi32> to vector<16xi32>
        %gather3A_875 = tpu.dynamic_gather %scan3A_862#0[%gather3A_874] in [0] : vector<16xf32>, vector<16xi32> -> vector<16xf32>
        %add3A_876 = arith.addf %scan3A_862#0, %gather3A_875 : vector<16xf32>
        %xor3A_877 = arith.constant 1 : i32
        %xor3A_878 = vector.broadcast %xor3A_877 : i32 to vector<16xi32>
        %xor3A_879 = arith.xori %iota3A, %xor3A_878 : vector<16xi32>
        %broadcast_in_dim3A_880 = vector.shape_cast %xor3A_879 : vector<16xi32> to vector<16x1xi32>
        %gather3A_881 = vector.shape_cast %broadcast_in_dim3A_880 : vector<16x1xi32> to vector<16xi32>
        %gather3A_882 = tpu.dynamic_gather %scan3A_862#3[%gather3A_881] in [0] : vector<16xf32>, vector<16xi32> -> vector<16xf32>
        %add3A_883 = arith.addf %scan3A_862#3, %gather3A_882 : vector<16xf32>
        %select_n3A_884 = arith.select %eq3A_869, %add3A_876, %add3A_883 : vector<16xi1>, vector<16xf32>
        %and3A_885 = arith.constant 1 : i32
        %and3A_886 = vector.broadcast %and3A_885 : i32 to vector<16xi32>
        %and3A_887 = arith.andi %iota3A, %and3A_886 : vector<16xi32>
        %eq3A_888 = arith.constant 0 : i32
        %eq3A_889 = vector.broadcast %eq3A_888 : i32 to vector<16xi32>
        %eq3A_890 = arith.cmpi eq, %and3A_887, %eq3A_889 : vector<16xi32>
        %xor3A_891 = arith.constant 1 : i32
        %xor3A_892 = vector.broadcast %xor3A_891 : i32 to vector<16xi32>
        %xor3A_893 = arith.xori %iota3A, %xor3A_892 : vector<16xi32>
        %broadcast_in_dim3A_894 = vector.shape_cast %xor3A_893 : vector<16xi32> to vector<16x1xi32>
        %gather3A_895 = vector.shape_cast %broadcast_in_dim3A_894 : vector<16x1xi32> to vector<16xi32>
        %gather3A_896 = tpu.dynamic_gather %scan3A_862#6[%gather3A_895] in [0] : vector<16xf32>, vector<16xi32> -> vector<16xf32>
        %add3A_897 = arith.addf %scan3A_862#6, %gather3A_896 : vector<16xf32>
        %xor3A_898 = arith.constant 1 : i32
        %xor3A_899 = vector.broadcast %xor3A_898 : i32 to vector<16xi32>
        %xor3A_900 = arith.xori %iota3A, %xor3A_899 : vector<16xi32>
        %broadcast_in_dim3A_901 = vector.shape_cast %xor3A_900 : vector<16xi32> to vector<16x1xi32>
        %gather3A_902 = vector.shape_cast %broadcast_in_dim3A_901 : vector<16x1xi32> to vector<16xi32>
        %gather3A_903 = tpu.dynamic_gather %scan3A_862#9[%gather3A_902] in [0] : vector<16xf32>, vector<16xi32> -> vector<16xf32>
        %add3A_904 = arith.addf %scan3A_862#9, %gather3A_903 : vector<16xf32>
        %select_n3A_905 = arith.select %eq3A_890, %add3A_897, %add3A_904 : vector<16xi1>, vector<16xf32>
        %and3A_906 = arith.constant 1 : i32
        %and3A_907 = vector.broadcast %and3A_906 : i32 to vector<16xi32>
        %and3A_908 = arith.andi %iota3A, %and3A_907 : vector<16xi32>
        %eq3A_909 = arith.constant 0 : i32
        %eq3A_910 = vector.broadcast %eq3A_909 : i32 to vector<16xi32>
        %eq3A_911 = arith.cmpi eq, %and3A_908, %eq3A_910 : vector<16xi32>
        %xor3A_912 = arith.constant 1 : i32
        %xor3A_913 = vector.broadcast %xor3A_912 : i32 to vector<16xi32>
        %xor3A_914 = arith.xori %iota3A, %xor3A_913 : vector<16xi32>
        %broadcast_in_dim3A_915 = vector.shape_cast %xor3A_914 : vector<16xi32> to vector<16x1xi32>
        %gather3A_916 = vector.shape_cast %broadcast_in_dim3A_915 : vector<16x1xi32> to vector<16xi32>
        %gather3A_917 = tpu.dynamic_gather %scan3A_862#12[%gather3A_916] in [0] : vector<16xf32>, vector<16xi32> -> vector<16xf32>
        %add3A_918 = arith.addf %scan3A_862#12, %gather3A_917 : vector<16xf32>
        %xor3A_919 = arith.constant 1 : i32
        %xor3A_920 = vector.broadcast %xor3A_919 : i32 to vector<16xi32>
        %xor3A_921 = arith.xori %iota3A, %xor3A_920 : vector<16xi32>
        %broadcast_in_dim3A_922 = vector.shape_cast %xor3A_921 : vector<16xi32> to vector<16x1xi32>
        %gather3A_923 = vector.shape_cast %broadcast_in_dim3A_922 : vector<16x1xi32> to vector<16xi32>
        %gather3A_924 = tpu.dynamic_gather %scan3A_862#15[%gather3A_923] in [0] : vector<16xf32>, vector<16xi32> -> vector<16xf32>
        %add3A_925 = arith.addf %scan3A_862#15, %gather3A_924 : vector<16xf32>
        %select_n3A_926 = arith.select %eq3A_911, %add3A_918, %add3A_925 : vector<16xi1>, vector<16xf32>
        %and3A_927 = arith.constant 1 : i32
        %and3A_928 = vector.broadcast %and3A_927 : i32 to vector<16xi32>
        %and3A_929 = arith.andi %iota3A, %and3A_928 : vector<16xi32>
        %eq3A_930 = arith.constant 0 : i32
        %eq3A_931 = vector.broadcast %eq3A_930 : i32 to vector<16xi32>
        %eq3A_932 = arith.cmpi eq, %and3A_929, %eq3A_931 : vector<16xi32>
        %xor3A_933 = arith.constant 1 : i32
        %xor3A_934 = vector.broadcast %xor3A_933 : i32 to vector<16xi32>
        %xor3A_935 = arith.xori %iota3A, %xor3A_934 : vector<16xi32>
        %broadcast_in_dim3A_936 = vector.shape_cast %xor3A_935 : vector<16xi32> to vector<16x1xi32>
        %gather3A_937 = vector.shape_cast %broadcast_in_dim3A_936 : vector<16x1xi32> to vector<16xi32>
        %gather3A_938 = tpu.dynamic_gather %scan3A_862#18[%gather3A_937] in [0] : vector<16xf32>, vector<16xi32> -> vector<16xf32>
        %add3A_939 = arith.addf %scan3A_862#18, %gather3A_938 : vector<16xf32>
        %xor3A_940 = arith.constant 1 : i32
        %xor3A_941 = vector.broadcast %xor3A_940 : i32 to vector<16xi32>
        %xor3A_942 = arith.xori %iota3A, %xor3A_941 : vector<16xi32>
        %broadcast_in_dim3A_943 = vector.shape_cast %xor3A_942 : vector<16xi32> to vector<16x1xi32>
        %gather3A_944 = vector.shape_cast %broadcast_in_dim3A_943 : vector<16x1xi32> to vector<16xi32>
        %gather3A_945 = tpu.dynamic_gather %scan3A_862#21[%gather3A_944] in [0] : vector<16xf32>, vector<16xi32> -> vector<16xf32>
        %add3A_946 = arith.addf %scan3A_862#21, %gather3A_945 : vector<16xf32>
        %select_n3A_947 = arith.select %eq3A_932, %add3A_939, %add3A_946 : vector<16xi1>, vector<16xf32>
        %and3A_948 = arith.constant 2 : i32
        %and3A_949 = vector.broadcast %and3A_948 : i32 to vector<16xi32>
        %and3A_950 = arith.andi %iota3A, %and3A_949 : vector<16xi32>
        %eq3A_951 = arith.constant 0 : i32
        %eq3A_952 = vector.broadcast %eq3A_951 : i32 to vector<16xi32>
        %eq3A_953 = arith.cmpi eq, %and3A_950, %eq3A_952 : vector<16xi32>
        %xor3A_954 = arith.constant 2 : i32
        %xor3A_955 = vector.broadcast %xor3A_954 : i32 to vector<16xi32>
        %xor3A_956 = arith.xori %iota3A, %xor3A_955 : vector<16xi32>
        %broadcast_in_dim3A_957 = vector.shape_cast %xor3A_956 : vector<16xi32> to vector<16x1xi32>
        %gather3A_958 = vector.shape_cast %broadcast_in_dim3A_957 : vector<16x1xi32> to vector<16xi32>
        %gather3A_959 = tpu.dynamic_gather %select_n3A_884[%gather3A_958] in [0] : vector<16xf32>, vector<16xi32> -> vector<16xf32>
        %add3A_960 = arith.addf %select_n3A_884, %gather3A_959 : vector<16xf32>
        %xor3A_961 = arith.constant 2 : i32
        %xor3A_962 = vector.broadcast %xor3A_961 : i32 to vector<16xi32>
        %xor3A_963 = arith.xori %iota3A, %xor3A_962 : vector<16xi32>
        %broadcast_in_dim3A_964 = vector.shape_cast %xor3A_963 : vector<16xi32> to vector<16x1xi32>
        %gather3A_965 = vector.shape_cast %broadcast_in_dim3A_964 : vector<16x1xi32> to vector<16xi32>
        %gather3A_966 = tpu.dynamic_gather %select_n3A_905[%gather3A_965] in [0] : vector<16xf32>, vector<16xi32> -> vector<16xf32>
        %add3A_967 = arith.addf %select_n3A_905, %gather3A_966 : vector<16xf32>
        %select_n3A_968 = arith.select %eq3A_953, %add3A_960, %add3A_967 : vector<16xi1>, vector<16xf32>
        %and3A_969 = arith.constant 2 : i32
        %and3A_970 = vector.broadcast %and3A_969 : i32 to vector<16xi32>
        %and3A_971 = arith.andi %iota3A, %and3A_970 : vector<16xi32>
        %eq3A_972 = arith.constant 0 : i32
        %eq3A_973 = vector.broadcast %eq3A_972 : i32 to vector<16xi32>
        %eq3A_974 = arith.cmpi eq, %and3A_971, %eq3A_973 : vector<16xi32>
        %xor3A_975 = arith.constant 2 : i32
        %xor3A_976 = vector.broadcast %xor3A_975 : i32 to vector<16xi32>
        %xor3A_977 = arith.xori %iota3A, %xor3A_976 : vector<16xi32>
        %broadcast_in_dim3A_978 = vector.shape_cast %xor3A_977 : vector<16xi32> to vector<16x1xi32>
        %gather3A_979 = vector.shape_cast %broadcast_in_dim3A_978 : vector<16x1xi32> to vector<16xi32>
        %gather3A_980 = tpu.dynamic_gather %select_n3A_926[%gather3A_979] in [0] : vector<16xf32>, vector<16xi32> -> vector<16xf32>
        %add3A_981 = arith.addf %select_n3A_926, %gather3A_980 : vector<16xf32>
        %xor3A_982 = arith.constant 2 : i32
        %xor3A_983 = vector.broadcast %xor3A_982 : i32 to vector<16xi32>
        %xor3A_984 = arith.xori %iota3A, %xor3A_983 : vector<16xi32>
        %broadcast_in_dim3A_985 = vector.shape_cast %xor3A_984 : vector<16xi32> to vector<16x1xi32>
        %gather3A_986 = vector.shape_cast %broadcast_in_dim3A_985 : vector<16x1xi32> to vector<16xi32>
        %gather3A_987 = tpu.dynamic_gather %select_n3A_947[%gather3A_986] in [0] : vector<16xf32>, vector<16xi32> -> vector<16xf32>
        %add3A_988 = arith.addf %select_n3A_947, %gather3A_987 : vector<16xf32>
        %select_n3A_989 = arith.select %eq3A_974, %add3A_981, %add3A_988 : vector<16xi1>, vector<16xf32>
        %and3A_990 = arith.constant 4 : i32
        %and3A_991 = vector.broadcast %and3A_990 : i32 to vector<16xi32>
        %and3A_992 = arith.andi %iota3A, %and3A_991 : vector<16xi32>
        %eq3A_993 = arith.constant 0 : i32
        %eq3A_994 = vector.broadcast %eq3A_993 : i32 to vector<16xi32>
        %eq3A_995 = arith.cmpi eq, %and3A_992, %eq3A_994 : vector<16xi32>
        %xor3A_996 = arith.constant 4 : i32
        %xor3A_997 = vector.broadcast %xor3A_996 : i32 to vector<16xi32>
        %xor3A_998 = arith.xori %iota3A, %xor3A_997 : vector<16xi32>
        %broadcast_in_dim3A_999 = vector.shape_cast %xor3A_998 : vector<16xi32> to vector<16x1xi32>
        %gather3A_1000 = vector.shape_cast %broadcast_in_dim3A_999 : vector<16x1xi32> to vector<16xi32>
        %gather3A_1001 = tpu.dynamic_gather %select_n3A_968[%gather3A_1000] in [0] : vector<16xf32>, vector<16xi32> -> vector<16xf32>
        %add3A_1002 = arith.addf %select_n3A_968, %gather3A_1001 : vector<16xf32>
        %xor3A_1003 = arith.constant 4 : i32
        %xor3A_1004 = vector.broadcast %xor3A_1003 : i32 to vector<16xi32>
        %xor3A_1005 = arith.xori %iota3A, %xor3A_1004 : vector<16xi32>
        %broadcast_in_dim3A_1006 = vector.shape_cast %xor3A_1005 : vector<16xi32> to vector<16x1xi32>
        %gather3A_1007 = vector.shape_cast %broadcast_in_dim3A_1006 : vector<16x1xi32> to vector<16xi32>
        %gather3A_1008 = tpu.dynamic_gather %select_n3A_989[%gather3A_1007] in [0] : vector<16xf32>, vector<16xi32> -> vector<16xf32>
        %add3A_1009 = arith.addf %select_n3A_989, %gather3A_1008 : vector<16xf32>
        %select_n3A_1010 = arith.select %eq3A_995, %add3A_1002, %add3A_1009 : vector<16xi1>, vector<16xf32>
        %xor3A_1011 = arith.constant 8 : i32
        %xor3A_1012 = vector.broadcast %xor3A_1011 : i32 to vector<16xi32>
        %xor3A_1013 = arith.xori %iota3A, %xor3A_1012 : vector<16xi32>
        %broadcast_in_dim3A_1014 = vector.shape_cast %xor3A_1013 : vector<16xi32> to vector<16x1xi32>
        %gather3A_1015 = vector.shape_cast %broadcast_in_dim3A_1014 : vector<16x1xi32> to vector<16xi32>
        %gather3A_1016 = tpu.dynamic_gather %select_n3A_1010[%gather3A_1015] in [0] : vector<16xf32>, vector<16xi32> -> vector<16xf32>
        %add3A_1017 = arith.addf %select_n3A_1010, %gather3A_1016 : vector<16xf32>
        %and3A_1018 = arith.constant 1 : i32
        %and3A_1019 = vector.broadcast %and3A_1018 : i32 to vector<16xi32>
        %and3A_1020 = arith.andi %iota3A, %and3A_1019 : vector<16xi32>
        %eq3A_1021 = arith.constant 0 : i32
        %eq3A_1022 = vector.broadcast %eq3A_1021 : i32 to vector<16xi32>
        %eq3A_1023 = arith.cmpi eq, %and3A_1020, %eq3A_1022 : vector<16xi32>
        %xor3A_1024 = arith.constant 1 : i32
        %xor3A_1025 = vector.broadcast %xor3A_1024 : i32 to vector<16xi32>
        %xor3A_1026 = arith.xori %iota3A, %xor3A_1025 : vector<16xi32>
        %broadcast_in_dim3A_1027 = vector.shape_cast %xor3A_1026 : vector<16xi32> to vector<16x1xi32>
        %gather3A_1028 = vector.shape_cast %broadcast_in_dim3A_1027 : vector<16x1xi32> to vector<16xi32>
        %gather3A_1029 = tpu.dynamic_gather %scan3A_862#1[%gather3A_1028] in [0] : vector<16xf32>, vector<16xi32> -> vector<16xf32>
        %add3A_1030 = arith.addf %scan3A_862#1, %gather3A_1029 : vector<16xf32>
        %xor3A_1031 = arith.constant 1 : i32
        %xor3A_1032 = vector.broadcast %xor3A_1031 : i32 to vector<16xi32>
        %xor3A_1033 = arith.xori %iota3A, %xor3A_1032 : vector<16xi32>
        %broadcast_in_dim3A_1034 = vector.shape_cast %xor3A_1033 : vector<16xi32> to vector<16x1xi32>
        %gather3A_1035 = vector.shape_cast %broadcast_in_dim3A_1034 : vector<16x1xi32> to vector<16xi32>
        %gather3A_1036 = tpu.dynamic_gather %scan3A_862#4[%gather3A_1035] in [0] : vector<16xf32>, vector<16xi32> -> vector<16xf32>
        %add3A_1037 = arith.addf %scan3A_862#4, %gather3A_1036 : vector<16xf32>
        %select_n3A_1038 = arith.select %eq3A_1023, %add3A_1030, %add3A_1037 : vector<16xi1>, vector<16xf32>
        %and3A_1039 = arith.constant 1 : i32
        %and3A_1040 = vector.broadcast %and3A_1039 : i32 to vector<16xi32>
        %and3A_1041 = arith.andi %iota3A, %and3A_1040 : vector<16xi32>
        %eq3A_1042 = arith.constant 0 : i32
        %eq3A_1043 = vector.broadcast %eq3A_1042 : i32 to vector<16xi32>
        %eq3A_1044 = arith.cmpi eq, %and3A_1041, %eq3A_1043 : vector<16xi32>
        %xor3A_1045 = arith.constant 1 : i32
        %xor3A_1046 = vector.broadcast %xor3A_1045 : i32 to vector<16xi32>
        %xor3A_1047 = arith.xori %iota3A, %xor3A_1046 : vector<16xi32>
        %broadcast_in_dim3A_1048 = vector.shape_cast %xor3A_1047 : vector<16xi32> to vector<16x1xi32>
        %gather3A_1049 = vector.shape_cast %broadcast_in_dim3A_1048 : vector<16x1xi32> to vector<16xi32>
        %gather3A_1050 = tpu.dynamic_gather %scan3A_862#7[%gather3A_1049] in [0] : vector<16xf32>, vector<16xi32> -> vector<16xf32>
        %add3A_1051 = arith.addf %scan3A_862#7, %gather3A_1050 : vector<16xf32>
        %xor3A_1052 = arith.constant 1 : i32
        %xor3A_1053 = vector.broadcast %xor3A_1052 : i32 to vector<16xi32>
        %xor3A_1054 = arith.xori %iota3A, %xor3A_1053 : vector<16xi32>
        %broadcast_in_dim3A_1055 = vector.shape_cast %xor3A_1054 : vector<16xi32> to vector<16x1xi32>
        %gather3A_1056 = vector.shape_cast %broadcast_in_dim3A_1055 : vector<16x1xi32> to vector<16xi32>
        %gather3A_1057 = tpu.dynamic_gather %scan3A_862#10[%gather3A_1056] in [0] : vector<16xf32>, vector<16xi32> -> vector<16xf32>
        %add3A_1058 = arith.addf %scan3A_862#10, %gather3A_1057 : vector<16xf32>
        %select_n3A_1059 = arith.select %eq3A_1044, %add3A_1051, %add3A_1058 : vector<16xi1>, vector<16xf32>
        %and3A_1060 = arith.constant 1 : i32
        %and3A_1061 = vector.broadcast %and3A_1060 : i32 to vector<16xi32>
        %and3A_1062 = arith.andi %iota3A, %and3A_1061 : vector<16xi32>
        %eq3A_1063 = arith.constant 0 : i32
        %eq3A_1064 = vector.broadcast %eq3A_1063 : i32 to vector<16xi32>
        %eq3A_1065 = arith.cmpi eq, %and3A_1062, %eq3A_1064 : vector<16xi32>
        %xor3A_1066 = arith.constant 1 : i32
        %xor3A_1067 = vector.broadcast %xor3A_1066 : i32 to vector<16xi32>
        %xor3A_1068 = arith.xori %iota3A, %xor3A_1067 : vector<16xi32>
        %broadcast_in_dim3A_1069 = vector.shape_cast %xor3A_1068 : vector<16xi32> to vector<16x1xi32>
        %gather3A_1070 = vector.shape_cast %broadcast_in_dim3A_1069 : vector<16x1xi32> to vector<16xi32>
        %gather3A_1071 = tpu.dynamic_gather %scan3A_862#13[%gather3A_1070] in [0] : vector<16xf32>, vector<16xi32> -> vector<16xf32>
        %add3A_1072 = arith.addf %scan3A_862#13, %gather3A_1071 : vector<16xf32>
        %xor3A_1073 = arith.constant 1 : i32
        %xor3A_1074 = vector.broadcast %xor3A_1073 : i32 to vector<16xi32>
        %xor3A_1075 = arith.xori %iota3A, %xor3A_1074 : vector<16xi32>
        %broadcast_in_dim3A_1076 = vector.shape_cast %xor3A_1075 : vector<16xi32> to vector<16x1xi32>
        %gather3A_1077 = vector.shape_cast %broadcast_in_dim3A_1076 : vector<16x1xi32> to vector<16xi32>
        %gather3A_1078 = tpu.dynamic_gather %scan3A_862#16[%gather3A_1077] in [0] : vector<16xf32>, vector<16xi32> -> vector<16xf32>
        %add3A_1079 = arith.addf %scan3A_862#16, %gather3A_1078 : vector<16xf32>
        %select_n3A_1080 = arith.select %eq3A_1065, %add3A_1072, %add3A_1079 : vector<16xi1>, vector<16xf32>
        %and3A_1081 = arith.constant 1 : i32
        %and3A_1082 = vector.broadcast %and3A_1081 : i32 to vector<16xi32>
        %and3A_1083 = arith.andi %iota3A, %and3A_1082 : vector<16xi32>
        %eq3A_1084 = arith.constant 0 : i32
        %eq3A_1085 = vector.broadcast %eq3A_1084 : i32 to vector<16xi32>
        %eq3A_1086 = arith.cmpi eq, %and3A_1083, %eq3A_1085 : vector<16xi32>
        %xor3A_1087 = arith.constant 1 : i32
        %xor3A_1088 = vector.broadcast %xor3A_1087 : i32 to vector<16xi32>
        %xor3A_1089 = arith.xori %iota3A, %xor3A_1088 : vector<16xi32>
        %broadcast_in_dim3A_1090 = vector.shape_cast %xor3A_1089 : vector<16xi32> to vector<16x1xi32>
        %gather3A_1091 = vector.shape_cast %broadcast_in_dim3A_1090 : vector<16x1xi32> to vector<16xi32>
        %gather3A_1092 = tpu.dynamic_gather %scan3A_862#19[%gather3A_1091] in [0] : vector<16xf32>, vector<16xi32> -> vector<16xf32>
        %add3A_1093 = arith.addf %scan3A_862#19, %gather3A_1092 : vector<16xf32>
        %xor3A_1094 = arith.constant 1 : i32
        %xor3A_1095 = vector.broadcast %xor3A_1094 : i32 to vector<16xi32>
        %xor3A_1096 = arith.xori %iota3A, %xor3A_1095 : vector<16xi32>
        %broadcast_in_dim3A_1097 = vector.shape_cast %xor3A_1096 : vector<16xi32> to vector<16x1xi32>
        %gather3A_1098 = vector.shape_cast %broadcast_in_dim3A_1097 : vector<16x1xi32> to vector<16xi32>
        %gather3A_1099 = tpu.dynamic_gather %scan3A_862#22[%gather3A_1098] in [0] : vector<16xf32>, vector<16xi32> -> vector<16xf32>
        %add3A_1100 = arith.addf %scan3A_862#22, %gather3A_1099 : vector<16xf32>
        %select_n3A_1101 = arith.select %eq3A_1086, %add3A_1093, %add3A_1100 : vector<16xi1>, vector<16xf32>
        %and3A_1102 = arith.constant 2 : i32
        %and3A_1103 = vector.broadcast %and3A_1102 : i32 to vector<16xi32>
        %and3A_1104 = arith.andi %iota3A, %and3A_1103 : vector<16xi32>
        %eq3A_1105 = arith.constant 0 : i32
        %eq3A_1106 = vector.broadcast %eq3A_1105 : i32 to vector<16xi32>
        %eq3A_1107 = arith.cmpi eq, %and3A_1104, %eq3A_1106 : vector<16xi32>
        %xor3A_1108 = arith.constant 2 : i32
        %xor3A_1109 = vector.broadcast %xor3A_1108 : i32 to vector<16xi32>
        %xor3A_1110 = arith.xori %iota3A, %xor3A_1109 : vector<16xi32>
        %broadcast_in_dim3A_1111 = vector.shape_cast %xor3A_1110 : vector<16xi32> to vector<16x1xi32>
        %gather3A_1112 = vector.shape_cast %broadcast_in_dim3A_1111 : vector<16x1xi32> to vector<16xi32>
        %gather3A_1113 = tpu.dynamic_gather %select_n3A_1038[%gather3A_1112] in [0] : vector<16xf32>, vector<16xi32> -> vector<16xf32>
        %add3A_1114 = arith.addf %select_n3A_1038, %gather3A_1113 : vector<16xf32>
        %xor3A_1115 = arith.constant 2 : i32
        %xor3A_1116 = vector.broadcast %xor3A_1115 : i32 to vector<16xi32>
        %xor3A_1117 = arith.xori %iota3A, %xor3A_1116 : vector<16xi32>
        %broadcast_in_dim3A_1118 = vector.shape_cast %xor3A_1117 : vector<16xi32> to vector<16x1xi32>
        %gather3A_1119 = vector.shape_cast %broadcast_in_dim3A_1118 : vector<16x1xi32> to vector<16xi32>
        %gather3A_1120 = tpu.dynamic_gather %select_n3A_1059[%gather3A_1119] in [0] : vector<16xf32>, vector<16xi32> -> vector<16xf32>
        %add3A_1121 = arith.addf %select_n3A_1059, %gather3A_1120 : vector<16xf32>
        %select_n3A_1122 = arith.select %eq3A_1107, %add3A_1114, %add3A_1121 : vector<16xi1>, vector<16xf32>
        %and3A_1123 = arith.constant 2 : i32
        %and3A_1124 = vector.broadcast %and3A_1123 : i32 to vector<16xi32>
        %and3A_1125 = arith.andi %iota3A, %and3A_1124 : vector<16xi32>
        %eq3A_1126 = arith.constant 0 : i32
        %eq3A_1127 = vector.broadcast %eq3A_1126 : i32 to vector<16xi32>
        %eq3A_1128 = arith.cmpi eq, %and3A_1125, %eq3A_1127 : vector<16xi32>
        %xor3A_1129 = arith.constant 2 : i32
        %xor3A_1130 = vector.broadcast %xor3A_1129 : i32 to vector<16xi32>
        %xor3A_1131 = arith.xori %iota3A, %xor3A_1130 : vector<16xi32>
        %broadcast_in_dim3A_1132 = vector.shape_cast %xor3A_1131 : vector<16xi32> to vector<16x1xi32>
        %gather3A_1133 = vector.shape_cast %broadcast_in_dim3A_1132 : vector<16x1xi32> to vector<16xi32>
        %gather3A_1134 = tpu.dynamic_gather %select_n3A_1080[%gather3A_1133] in [0] : vector<16xf32>, vector<16xi32> -> vector<16xf32>
        %add3A_1135 = arith.addf %select_n3A_1080, %gather3A_1134 : vector<16xf32>
        %xor3A_1136 = arith.constant 2 : i32
        %xor3A_1137 = vector.broadcast %xor3A_1136 : i32 to vector<16xi32>
        %xor3A_1138 = arith.xori %iota3A, %xor3A_1137 : vector<16xi32>
        %broadcast_in_dim3A_1139 = vector.shape_cast %xor3A_1138 : vector<16xi32> to vector<16x1xi32>
        %gather3A_1140 = vector.shape_cast %broadcast_in_dim3A_1139 : vector<16x1xi32> to vector<16xi32>
        %gather3A_1141 = tpu.dynamic_gather %select_n3A_1101[%gather3A_1140] in [0] : vector<16xf32>, vector<16xi32> -> vector<16xf32>
        %add3A_1142 = arith.addf %select_n3A_1101, %gather3A_1141 : vector<16xf32>
        %select_n3A_1143 = arith.select %eq3A_1128, %add3A_1135, %add3A_1142 : vector<16xi1>, vector<16xf32>
        %and3A_1144 = arith.constant 4 : i32
        %and3A_1145 = vector.broadcast %and3A_1144 : i32 to vector<16xi32>
        %and3A_1146 = arith.andi %iota3A, %and3A_1145 : vector<16xi32>
        %eq3A_1147 = arith.constant 0 : i32
        %eq3A_1148 = vector.broadcast %eq3A_1147 : i32 to vector<16xi32>
        %eq3A_1149 = arith.cmpi eq, %and3A_1146, %eq3A_1148 : vector<16xi32>
        %xor3A_1150 = arith.constant 4 : i32
        %xor3A_1151 = vector.broadcast %xor3A_1150 : i32 to vector<16xi32>
        %xor3A_1152 = arith.xori %iota3A, %xor3A_1151 : vector<16xi32>
        %broadcast_in_dim3A_1153 = vector.shape_cast %xor3A_1152 : vector<16xi32> to vector<16x1xi32>
        %gather3A_1154 = vector.shape_cast %broadcast_in_dim3A_1153 : vector<16x1xi32> to vector<16xi32>
        %gather3A_1155 = tpu.dynamic_gather %select_n3A_1122[%gather3A_1154] in [0] : vector<16xf32>, vector<16xi32> -> vector<16xf32>
        %add3A_1156 = arith.addf %select_n3A_1122, %gather3A_1155 : vector<16xf32>
        %xor3A_1157 = arith.constant 4 : i32
        %xor3A_1158 = vector.broadcast %xor3A_1157 : i32 to vector<16xi32>
        %xor3A_1159 = arith.xori %iota3A, %xor3A_1158 : vector<16xi32>
        %broadcast_in_dim3A_1160 = vector.shape_cast %xor3A_1159 : vector<16xi32> to vector<16x1xi32>
        %gather3A_1161 = vector.shape_cast %broadcast_in_dim3A_1160 : vector<16x1xi32> to vector<16xi32>
        %gather3A_1162 = tpu.dynamic_gather %select_n3A_1143[%gather3A_1161] in [0] : vector<16xf32>, vector<16xi32> -> vector<16xf32>
        %add3A_1163 = arith.addf %select_n3A_1143, %gather3A_1162 : vector<16xf32>
        %select_n3A_1164 = arith.select %eq3A_1149, %add3A_1156, %add3A_1163 : vector<16xi1>, vector<16xf32>
        %xor3A_1165 = arith.constant 8 : i32
        %xor3A_1166 = vector.broadcast %xor3A_1165 : i32 to vector<16xi32>
        %xor3A_1167 = arith.xori %iota3A, %xor3A_1166 : vector<16xi32>
        %broadcast_in_dim3A_1168 = vector.shape_cast %xor3A_1167 : vector<16xi32> to vector<16x1xi32>
        %gather3A_1169 = vector.shape_cast %broadcast_in_dim3A_1168 : vector<16x1xi32> to vector<16xi32>
        %gather3A_1170 = tpu.dynamic_gather %select_n3A_1164[%gather3A_1169] in [0] : vector<16xf32>, vector<16xi32> -> vector<16xf32>
        %add3A_1171 = arith.addf %select_n3A_1164, %gather3A_1170 : vector<16xf32>
        %and3A_1172 = arith.constant 1 : i32
        %and3A_1173 = vector.broadcast %and3A_1172 : i32 to vector<16xi32>
        %and3A_1174 = arith.andi %iota3A, %and3A_1173 : vector<16xi32>
        %eq3A_1175 = arith.constant 0 : i32
        %eq3A_1176 = vector.broadcast %eq3A_1175 : i32 to vector<16xi32>
        %eq3A_1177 = arith.cmpi eq, %and3A_1174, %eq3A_1176 : vector<16xi32>
        %xor3A_1178 = arith.constant 1 : i32
        %xor3A_1179 = vector.broadcast %xor3A_1178 : i32 to vector<16xi32>
        %xor3A_1180 = arith.xori %iota3A, %xor3A_1179 : vector<16xi32>
        %broadcast_in_dim3A_1181 = vector.shape_cast %xor3A_1180 : vector<16xi32> to vector<16x1xi32>
        %gather3A_1182 = vector.shape_cast %broadcast_in_dim3A_1181 : vector<16x1xi32> to vector<16xi32>
        %gather3A_1183 = tpu.dynamic_gather %scan3A_862#2[%gather3A_1182] in [0] : vector<16xf32>, vector<16xi32> -> vector<16xf32>
        %add3A_1184 = arith.addf %scan3A_862#2, %gather3A_1183 : vector<16xf32>
        %xor3A_1185 = arith.constant 1 : i32
        %xor3A_1186 = vector.broadcast %xor3A_1185 : i32 to vector<16xi32>
        %xor3A_1187 = arith.xori %iota3A, %xor3A_1186 : vector<16xi32>
        %broadcast_in_dim3A_1188 = vector.shape_cast %xor3A_1187 : vector<16xi32> to vector<16x1xi32>
        %gather3A_1189 = vector.shape_cast %broadcast_in_dim3A_1188 : vector<16x1xi32> to vector<16xi32>
        %gather3A_1190 = tpu.dynamic_gather %scan3A_862#5[%gather3A_1189] in [0] : vector<16xf32>, vector<16xi32> -> vector<16xf32>
        %add3A_1191 = arith.addf %scan3A_862#5, %gather3A_1190 : vector<16xf32>
        %select_n3A_1192 = arith.select %eq3A_1177, %add3A_1184, %add3A_1191 : vector<16xi1>, vector<16xf32>
        %and3A_1193 = arith.constant 1 : i32
        %and3A_1194 = vector.broadcast %and3A_1193 : i32 to vector<16xi32>
        %and3A_1195 = arith.andi %iota3A, %and3A_1194 : vector<16xi32>
        %eq3A_1196 = arith.constant 0 : i32
        %eq3A_1197 = vector.broadcast %eq3A_1196 : i32 to vector<16xi32>
        %eq3A_1198 = arith.cmpi eq, %and3A_1195, %eq3A_1197 : vector<16xi32>
        %xor3A_1199 = arith.constant 1 : i32
        %xor3A_1200 = vector.broadcast %xor3A_1199 : i32 to vector<16xi32>
        %xor3A_1201 = arith.xori %iota3A, %xor3A_1200 : vector<16xi32>
        %broadcast_in_dim3A_1202 = vector.shape_cast %xor3A_1201 : vector<16xi32> to vector<16x1xi32>
        %gather3A_1203 = vector.shape_cast %broadcast_in_dim3A_1202 : vector<16x1xi32> to vector<16xi32>
        %gather3A_1204 = tpu.dynamic_gather %scan3A_862#8[%gather3A_1203] in [0] : vector<16xf32>, vector<16xi32> -> vector<16xf32>
        %add3A_1205 = arith.addf %scan3A_862#8, %gather3A_1204 : vector<16xf32>
        %xor3A_1206 = arith.constant 1 : i32
        %xor3A_1207 = vector.broadcast %xor3A_1206 : i32 to vector<16xi32>
        %xor3A_1208 = arith.xori %iota3A, %xor3A_1207 : vector<16xi32>
        %broadcast_in_dim3A_1209 = vector.shape_cast %xor3A_1208 : vector<16xi32> to vector<16x1xi32>
        %gather3A_1210 = vector.shape_cast %broadcast_in_dim3A_1209 : vector<16x1xi32> to vector<16xi32>
        %gather3A_1211 = tpu.dynamic_gather %scan3A_862#11[%gather3A_1210] in [0] : vector<16xf32>, vector<16xi32> -> vector<16xf32>
        %add3A_1212 = arith.addf %scan3A_862#11, %gather3A_1211 : vector<16xf32>
        %select_n3A_1213 = arith.select %eq3A_1198, %add3A_1205, %add3A_1212 : vector<16xi1>, vector<16xf32>
        %and3A_1214 = arith.constant 1 : i32
        %and3A_1215 = vector.broadcast %and3A_1214 : i32 to vector<16xi32>
        %and3A_1216 = arith.andi %iota3A, %and3A_1215 : vector<16xi32>
        %eq3A_1217 = arith.constant 0 : i32
        %eq3A_1218 = vector.broadcast %eq3A_1217 : i32 to vector<16xi32>
        %eq3A_1219 = arith.cmpi eq, %and3A_1216, %eq3A_1218 : vector<16xi32>
        %xor3A_1220 = arith.constant 1 : i32
        %xor3A_1221 = vector.broadcast %xor3A_1220 : i32 to vector<16xi32>
        %xor3A_1222 = arith.xori %iota3A, %xor3A_1221 : vector<16xi32>
        %broadcast_in_dim3A_1223 = vector.shape_cast %xor3A_1222 : vector<16xi32> to vector<16x1xi32>
        %gather3A_1224 = vector.shape_cast %broadcast_in_dim3A_1223 : vector<16x1xi32> to vector<16xi32>
        %gather3A_1225 = tpu.dynamic_gather %scan3A_862#14[%gather3A_1224] in [0] : vector<16xf32>, vector<16xi32> -> vector<16xf32>
        %add3A_1226 = arith.addf %scan3A_862#14, %gather3A_1225 : vector<16xf32>
        %xor3A_1227 = arith.constant 1 : i32
        %xor3A_1228 = vector.broadcast %xor3A_1227 : i32 to vector<16xi32>
        %xor3A_1229 = arith.xori %iota3A, %xor3A_1228 : vector<16xi32>
        %broadcast_in_dim3A_1230 = vector.shape_cast %xor3A_1229 : vector<16xi32> to vector<16x1xi32>
        %gather3A_1231 = vector.shape_cast %broadcast_in_dim3A_1230 : vector<16x1xi32> to vector<16xi32>
        %gather3A_1232 = tpu.dynamic_gather %scan3A_862#17[%gather3A_1231] in [0] : vector<16xf32>, vector<16xi32> -> vector<16xf32>
        %add3A_1233 = arith.addf %scan3A_862#17, %gather3A_1232 : vector<16xf32>
        %select_n3A_1234 = arith.select %eq3A_1219, %add3A_1226, %add3A_1233 : vector<16xi1>, vector<16xf32>
        %and3A_1235 = arith.constant 1 : i32
        %and3A_1236 = vector.broadcast %and3A_1235 : i32 to vector<16xi32>
        %and3A_1237 = arith.andi %iota3A, %and3A_1236 : vector<16xi32>
        %eq3A_1238 = arith.constant 0 : i32
        %eq3A_1239 = vector.broadcast %eq3A_1238 : i32 to vector<16xi32>
        %eq3A_1240 = arith.cmpi eq, %and3A_1237, %eq3A_1239 : vector<16xi32>
        %xor3A_1241 = arith.constant 1 : i32
        %xor3A_1242 = vector.broadcast %xor3A_1241 : i32 to vector<16xi32>
        %xor3A_1243 = arith.xori %iota3A, %xor3A_1242 : vector<16xi32>
        %broadcast_in_dim3A_1244 = vector.shape_cast %xor3A_1243 : vector<16xi32> to vector<16x1xi32>
        %gather3A_1245 = vector.shape_cast %broadcast_in_dim3A_1244 : vector<16x1xi32> to vector<16xi32>
        %gather3A_1246 = tpu.dynamic_gather %scan3A_862#20[%gather3A_1245] in [0] : vector<16xf32>, vector<16xi32> -> vector<16xf32>
        %add3A_1247 = arith.addf %scan3A_862#20, %gather3A_1246 : vector<16xf32>
        %xor3A_1248 = arith.constant 1 : i32
        %xor3A_1249 = vector.broadcast %xor3A_1248 : i32 to vector<16xi32>
        %xor3A_1250 = arith.xori %iota3A, %xor3A_1249 : vector<16xi32>
        %broadcast_in_dim3A_1251 = vector.shape_cast %xor3A_1250 : vector<16xi32> to vector<16x1xi32>
        %gather3A_1252 = vector.shape_cast %broadcast_in_dim3A_1251 : vector<16x1xi32> to vector<16xi32>
        %gather3A_1253 = tpu.dynamic_gather %scan3A_862#23[%gather3A_1252] in [0] : vector<16xf32>, vector<16xi32> -> vector<16xf32>
        %add3A_1254 = arith.addf %scan3A_862#23, %gather3A_1253 : vector<16xf32>
        %select_n3A_1255 = arith.select %eq3A_1240, %add3A_1247, %add3A_1254 : vector<16xi1>, vector<16xf32>
        %and3A_1256 = arith.constant 2 : i32
        %and3A_1257 = vector.broadcast %and3A_1256 : i32 to vector<16xi32>
        %and3A_1258 = arith.andi %iota3A, %and3A_1257 : vector<16xi32>
        %eq3A_1259 = arith.constant 0 : i32
        %eq3A_1260 = vector.broadcast %eq3A_1259 : i32 to vector<16xi32>
        %eq3A_1261 = arith.cmpi eq, %and3A_1258, %eq3A_1260 : vector<16xi32>
        %xor3A_1262 = arith.constant 2 : i32
        %xor3A_1263 = vector.broadcast %xor3A_1262 : i32 to vector<16xi32>
        %xor3A_1264 = arith.xori %iota3A, %xor3A_1263 : vector<16xi32>
        %broadcast_in_dim3A_1265 = vector.shape_cast %xor3A_1264 : vector<16xi32> to vector<16x1xi32>
        %gather3A_1266 = vector.shape_cast %broadcast_in_dim3A_1265 : vector<16x1xi32> to vector<16xi32>
        %gather3A_1267 = tpu.dynamic_gather %select_n3A_1192[%gather3A_1266] in [0] : vector<16xf32>, vector<16xi32> -> vector<16xf32>
        %add3A_1268 = arith.addf %select_n3A_1192, %gather3A_1267 : vector<16xf32>
        %xor3A_1269 = arith.constant 2 : i32
        %xor3A_1270 = vector.broadcast %xor3A_1269 : i32 to vector<16xi32>
        %xor3A_1271 = arith.xori %iota3A, %xor3A_1270 : vector<16xi32>
        %broadcast_in_dim3A_1272 = vector.shape_cast %xor3A_1271 : vector<16xi32> to vector<16x1xi32>
        %gather3A_1273 = vector.shape_cast %broadcast_in_dim3A_1272 : vector<16x1xi32> to vector<16xi32>
        %gather3A_1274 = tpu.dynamic_gather %select_n3A_1213[%gather3A_1273] in [0] : vector<16xf32>, vector<16xi32> -> vector<16xf32>
        %add3A_1275 = arith.addf %select_n3A_1213, %gather3A_1274 : vector<16xf32>
        %select_n3A_1276 = arith.select %eq3A_1261, %add3A_1268, %add3A_1275 : vector<16xi1>, vector<16xf32>
        %and3A_1277 = arith.constant 2 : i32
        %and3A_1278 = vector.broadcast %and3A_1277 : i32 to vector<16xi32>
        %and3A_1279 = arith.andi %iota3A, %and3A_1278 : vector<16xi32>
        %eq3A_1280 = arith.constant 0 : i32
        %eq3A_1281 = vector.broadcast %eq3A_1280 : i32 to vector<16xi32>
        %eq3A_1282 = arith.cmpi eq, %and3A_1279, %eq3A_1281 : vector<16xi32>
        %xor3A_1283 = arith.constant 2 : i32
        %xor3A_1284 = vector.broadcast %xor3A_1283 : i32 to vector<16xi32>
        %xor3A_1285 = arith.xori %iota3A, %xor3A_1284 : vector<16xi32>
        %broadcast_in_dim3A_1286 = vector.shape_cast %xor3A_1285 : vector<16xi32> to vector<16x1xi32>
        %gather3A_1287 = vector.shape_cast %broadcast_in_dim3A_1286 : vector<16x1xi32> to vector<16xi32>
        %gather3A_1288 = tpu.dynamic_gather %select_n3A_1234[%gather3A_1287] in [0] : vector<16xf32>, vector<16xi32> -> vector<16xf32>
        %add3A_1289 = arith.addf %select_n3A_1234, %gather3A_1288 : vector<16xf32>
        %xor3A_1290 = arith.constant 2 : i32
        %xor3A_1291 = vector.broadcast %xor3A_1290 : i32 to vector<16xi32>
        %xor3A_1292 = arith.xori %iota3A, %xor3A_1291 : vector<16xi32>
        %broadcast_in_dim3A_1293 = vector.shape_cast %xor3A_1292 : vector<16xi32> to vector<16x1xi32>
        %gather3A_1294 = vector.shape_cast %broadcast_in_dim3A_1293 : vector<16x1xi32> to vector<16xi32>
        %gather3A_1295 = tpu.dynamic_gather %select_n3A_1255[%gather3A_1294] in [0] : vector<16xf32>, vector<16xi32> -> vector<16xf32>
        %add3A_1296 = arith.addf %select_n3A_1255, %gather3A_1295 : vector<16xf32>
        %select_n3A_1297 = arith.select %eq3A_1282, %add3A_1289, %add3A_1296 : vector<16xi1>, vector<16xf32>
        %and3A_1298 = arith.constant 4 : i32
        %and3A_1299 = vector.broadcast %and3A_1298 : i32 to vector<16xi32>
        %and3A_1300 = arith.andi %iota3A, %and3A_1299 : vector<16xi32>
        %eq3A_1301 = arith.constant 0 : i32
        %eq3A_1302 = vector.broadcast %eq3A_1301 : i32 to vector<16xi32>
        %eq3A_1303 = arith.cmpi eq, %and3A_1300, %eq3A_1302 : vector<16xi32>
        %xor3A_1304 = arith.constant 4 : i32
        %xor3A_1305 = vector.broadcast %xor3A_1304 : i32 to vector<16xi32>
        %xor3A_1306 = arith.xori %iota3A, %xor3A_1305 : vector<16xi32>
        %broadcast_in_dim3A_1307 = vector.shape_cast %xor3A_1306 : vector<16xi32> to vector<16x1xi32>
        %gather3A_1308 = vector.shape_cast %broadcast_in_dim3A_1307 : vector<16x1xi32> to vector<16xi32>
        %gather3A_1309 = tpu.dynamic_gather %select_n3A_1276[%gather3A_1308] in [0] : vector<16xf32>, vector<16xi32> -> vector<16xf32>
        %add3A_1310 = arith.addf %select_n3A_1276, %gather3A_1309 : vector<16xf32>
        %xor3A_1311 = arith.constant 4 : i32
        %xor3A_1312 = vector.broadcast %xor3A_1311 : i32 to vector<16xi32>
        %xor3A_1313 = arith.xori %iota3A, %xor3A_1312 : vector<16xi32>
        %broadcast_in_dim3A_1314 = vector.shape_cast %xor3A_1313 : vector<16xi32> to vector<16x1xi32>
        %gather3A_1315 = vector.shape_cast %broadcast_in_dim3A_1314 : vector<16x1xi32> to vector<16xi32>
        %gather3A_1316 = tpu.dynamic_gather %select_n3A_1297[%gather3A_1315] in [0] : vector<16xf32>, vector<16xi32> -> vector<16xf32>
        %add3A_1317 = arith.addf %select_n3A_1297, %gather3A_1316 : vector<16xf32>
        %select_n3A_1318 = arith.select %eq3A_1303, %add3A_1310, %add3A_1317 : vector<16xi1>, vector<16xf32>
        %xor3A_1319 = arith.constant 8 : i32
        %xor3A_1320 = vector.broadcast %xor3A_1319 : i32 to vector<16xi32>
        %xor3A_1321 = arith.xori %iota3A, %xor3A_1320 : vector<16xi32>
        %broadcast_in_dim3A_1322 = vector.shape_cast %xor3A_1321 : vector<16xi32> to vector<16x1xi32>
        %gather3A_1323 = vector.shape_cast %broadcast_in_dim3A_1322 : vector<16x1xi32> to vector<16xi32>
        %gather3A_1324 = tpu.dynamic_gather %select_n3A_1318[%gather3A_1323] in [0] : vector<16xf32>, vector<16xi32> -> vector<16xf32>
        %add3A_1325 = arith.addf %select_n3A_1318, %gather3A_1324 : vector<16xf32>
        %lt3A_1326 = arith.constant 8 : i32
        %lt3A_1327 = vector.broadcast %lt3A_1326 : i32 to vector<16xi32>
        %lt3A_1328 = arith.cmpi slt, %iota3A, %lt3A_1327 : vector<16xi32>
        %select_n3A_1329 = arith.select %lt3A_1328, %add3A_543, %add3A_1017 : vector<16xi1>, vector<16xf32>
        %mul3A_1330 = arith.constant 32 : i32
        %mul3A_1331 = arith.muli %mul3A_186, %mul3A_1330 : i32
        %mul3A_1332 = arith.constant 16 : i32
        %mul3A_1333 = arith.muli %scan3A_384, %mul3A_1332 : i32
        %add3A_1334 = arith.addi %mul3A_1331, %mul3A_1333 : i32
        %swap3A = arith.constant 0 : i32
        %swap3A_1335 = arith.index_cast %swap3A : i32 to index
        %swap3A_1336 = arith.index_cast %add3A_1334 : i32 to index
        %swap3A_1337 = tpu.vector_load %arg13[%swap3A_1335, %swap3A_1336] {strides = array<i32>} : memref<3x512xf32, #tpu.memory_space<vmem>>, vector<1x16xf32>,
        %swap3A_1338 = vector.shape_cast %swap3A_1337 : vector<1x16xf32> to vector<16xf32>
        %swap3A_1339 = vector.shape_cast %select_n3A_1329 : vector<16xf32> to vector<1x16xf32>
        tpu.vector_store %arg13[%swap3A_1335, %swap3A_1336], %swap3A_1339 {strides = array<i32>} : memref<3x512xf32, #tpu.memory_space<vmem>>, vector<1x16xf32>,
        %select_n3A_1340 = arith.select %lt3A_1328, %add3A_697, %add3A_1171 : vector<16xi1>, vector<16xf32>
        %mul3A_1341 = arith.constant 32 : i32
        %mul3A_1342 = arith.muli %mul3A_186, %mul3A_1341 : i32
        %mul3A_1343 = arith.constant 16 : i32
        %mul3A_1344 = arith.muli %scan3A_384, %mul3A_1343 : i32
        %add3A_1345 = arith.addi %mul3A_1342, %mul3A_1344 : i32
        %swap3A_1346 = arith.constant 1 : i32
        %swap3A_1347 = arith.index_cast %swap3A_1346 : i32 to index
        %swap3A_1348 = arith.index_cast %add3A_1345 : i32 to index
        %swap3A_1349 = tpu.vector_load %arg13[%swap3A_1347, %swap3A_1348] {strides = array<i32>} : memref<3x512xf32, #tpu.memory_space<vmem>>, vector<1x16xf32>,
        %swap3A_1350 = vector.shape_cast %swap3A_1349 : vector<1x16xf32> to vector<16xf32>
        %swap3A_1351 = vector.shape_cast %select_n3A_1340 : vector<16xf32> to vector<1x16xf32>
        tpu.vector_store %arg13[%swap3A_1347, %swap3A_1348], %swap3A_1351 {strides = array<i32>} : memref<3x512xf32, #tpu.memory_space<vmem>>, vector<1x16xf32>,
        %select_n3A_1352 = arith.select %lt3A_1328, %add3A_851, %add3A_1325 : vector<16xi1>, vector<16xf32>
        %mul3A_1353 = arith.constant 32 : i32
        %mul3A_1354 = arith.muli %mul3A_186, %mul3A_1353 : i32
        %mul3A_1355 = arith.constant 16 : i32
        %mul3A_1356 = arith.muli %scan3A_384, %mul3A_1355 : i32
        %add3A_1357 = arith.addi %mul3A_1354, %mul3A_1356 : i32
        %swap3A_1358 = arith.constant 2 : i32
        %swap3A_1359 = arith.index_cast %swap3A_1358 : i32 to index
        %swap3A_1360 = arith.index_cast %add3A_1357 : i32 to index
        %swap3A_1361 = tpu.vector_load %arg13[%swap3A_1359, %swap3A_1360] {strides = array<i32>} : memref<3x512xf32, #tpu.memory_space<vmem>>, vector<1x16xf32>,
        %swap3A_1362 = vector.shape_cast %swap3A_1361 : vector<1x16xf32> to vector<16xf32>
        %swap3A_1363 = vector.shape_cast %select_n3A_1352 : vector<16xf32> to vector<1x16xf32>
        tpu.vector_store %arg13[%swap3A_1359, %swap3A_1360], %swap3A_1363 {strides = array<i32>} : memref<3x512xf32, #tpu.memory_space<vmem>>, vector<1x16xf32>,
        %scan3A_1364 = arith.constant 0 : i32
        scf.yield %scan3A_1364 : i32
      }
      %scan3A_363 = arith.constant 2 : i32
      %add3A_364 = arith.constant 2 : i32
      %add3A_365 = arith.addi %mul3A_186, %add3A_364 : i32
      %lt3A = arith.constant 16 : i32
      %lt3A_366 = arith.cmpi slt, %add3A_365, %lt3A : i32
      %convert_element_type3A = arith.extui %lt3A_366 : i1 to i32
      %cond3A = arith.constant 0 : i32
      %cond3A_367 = arith.cmpi ne, %convert_element_type3A, %cond3A : i32
      scf.if %cond3A_367 {
        %add3A_384 = arith.constant 2 : i32
        %add3A_385 = arith.addi %mul3A_186, %add3A_384 : i32
        %mul3A_386 = arith.constant 16 : i32
        %mul3A_387 = arith.muli %add3A_385, %mul3A_386 : i32
        %add3A_388 = arith.addi %mul3A_2, %mul3A_387 : i32
        "tpu.region"() ({
          %run_scoped3A = tpu.sem_alloc : memref<!tpu.dma_semaphore, #tpu.memory_space<semaphore_mem>>
          %dma_start3A_549 = arith.constant 0 : i32
          %dma_start3A_550 = tpu.memref_slice %arg2[%add3A_388, %dma_start3A_549] : memref<8192x100xi32, #tpu.memory_space<hbm>> -> memref<16x100xi32, #tpu.memory_space<hbm>>
          %dma_start3A_551 = arith.constant 0 : i32
          %dma_start3A_552 = tpu.memref_slice %arg2[%add3A_388, %dma_start3A_551] : memref<8192x100xi32, #tpu.memory_space<hbm>> -> memref<16x100xi32, #tpu.memory_space<hbm>>
          tpu.enqueue_dma source(%dma_start3A_552 : memref<16x100xi32, #tpu.memory_space<hbm>>) target(%arg7 : memref<16x100xi32, #tpu.memory_space<vmem>>) target_semaphore(%run_scoped3A : memref<!tpu.dma_semaphore, #tpu.memory_space<semaphore_mem>>)
          %dma_wait3A_553 = arith.constant 0 : i32
          %dma_wait3A_554 = tpu.memref_slice %arg2[%add3A_388, %dma_wait3A_553] : memref<8192x100xi32, #tpu.memory_space<hbm>> -> memref<16x100xi32, #tpu.memory_space<hbm>>
          %dma_wait3A_555 = arith.constant 0 : i32
          %dma_wait3A_556 = tpu.memref_slice %arg2[%add3A_388, %dma_wait3A_555] : memref<8192x100xi32, #tpu.memory_space<hbm>> -> memref<16x100xi32, #tpu.memory_space<hbm>>
          tpu.wait_dma2 semaphore(%run_scoped3A : memref<!tpu.dma_semaphore, #tpu.memory_space<semaphore_mem>>) src(%dma_wait3A_556 : memref<16x100xi32, #tpu.memory_space<hbm>>) dst(%arg7 : memref<16x100xi32, #tpu.memory_space<vmem>>)
          tpu.yield
        }) : () -> ()
        %dma_start3A_389 = arith.constant 0 : i32
        %dma_start3A_390 = arith.constant 0 : i32
        %dma_start3A_391 = arith.constant 0 : i32
        %dma_start3A_392 = tpu.memref_slice %arg9[%dma_start3A_390, %dma_start3A_391] : memref<1600x16xf32, #tpu.memory_space<vmem>> -> memref<100x16xf32, #tpu.memory_space<vmem>>
        %dma_start3A_393 = arith.constant 0 : i32
        %dma_start3A_394 = tpu.memref_slice %arg7[%dma_start3A_389, %dma_start3A_393] : memref<16x100xi32, #tpu.memory_space<vmem>> -> memref<1x100xi32, #tpu.memory_space<vmem>>
        %dma_start3A_395 = tpu.memref_squeeze %dma_start3A_394 : memref<1x100xi32, #tpu.memory_space<vmem>> -> memref<100xi32, #tpu.memory_space<vmem>>
        %dma_start3A_396 = arith.constant 0 : i32
        %dma_start3A_397 = arith.constant 0 : i32
        %dma_start3A_398 = tpu.memref_slice %arg3[%dma_start3A_396, %dma_start3A_397] : memref<1000000x16xf32, #tpu.memory_space<hbm>> -> memref<1000000x16xf32, #tpu.memory_space<hbm>>
        tpu.enqueue_indirect_dma source(%dma_start3A_398 : memref<1000000x16xf32, #tpu.memory_space<hbm>>) target(%dma_start3A_392 : memref<100x16xf32, #tpu.memory_space<vmem>>) offsets(%dma_start3A_395 : memref<100xi32, #tpu.memory_space<vmem>>) semaphore(%arg15 : memref<!tpu.dma_semaphore, #tpu.memory_space<semaphore_mem>>)
        %dma_start3A_399 = arith.constant 1 : i32
        %dma_start3A_400 = arith.constant 100 : i32
        %dma_start3A_401 = arith.constant 0 : i32
        %dma_start3A_402 = tpu.memref_slice %arg9[%dma_start3A_400, %dma_start3A_401] : memref<1600x16xf32, #tpu.memory_space<vmem>> -> memref<100x16xf32, #tpu.memory_space<vmem>>
        %dma_start3A_403 = arith.constant 0 : i32
        %dma_start3A_404 = tpu.memref_slice %arg7[%dma_start3A_399, %dma_start3A_403] : memref<16x100xi32, #tpu.memory_space<vmem>> -> memref<1x100xi32, #tpu.memory_space<vmem>>
        %dma_start3A_405 = tpu.memref_squeeze %dma_start3A_404 : memref<1x100xi32, #tpu.memory_space<vmem>> -> memref<100xi32, #tpu.memory_space<vmem>>
        %dma_start3A_406 = arith.constant 0 : i32
        %dma_start3A_407 = arith.constant 0 : i32
        %dma_start3A_408 = tpu.memref_slice %arg3[%dma_start3A_406, %dma_start3A_407] : memref<1000000x16xf32, #tpu.memory_space<hbm>> -> memref<1000000x16xf32, #tpu.memory_space<hbm>>
        tpu.enqueue_indirect_dma source(%dma_start3A_408 : memref<1000000x16xf32, #tpu.memory_space<hbm>>) target(%dma_start3A_402 : memref<100x16xf32, #tpu.memory_space<vmem>>) offsets(%dma_start3A_405 : memref<100xi32, #tpu.memory_space<vmem>>) semaphore(%arg15 : memref<!tpu.dma_semaphore, #tpu.memory_space<semaphore_mem>>)
        %dma_start3A_409 = arith.constant 2 : i32
        %dma_start3A_410 = arith.constant 200 : i32
        %dma_start3A_411 = arith.constant 0 : i32
        %dma_start3A_412 = tpu.memref_slice %arg9[%dma_start3A_410, %dma_start3A_411] : memref<1600x16xf32, #tpu.memory_space<vmem>> -> memref<100x16xf32, #tpu.memory_space<vmem>>
        %dma_start3A_413 = arith.constant 0 : i32
        %dma_start3A_414 = tpu.memref_slice %arg7[%dma_start3A_409, %dma_start3A_413] : memref<16x100xi32, #tpu.memory_space<vmem>> -> memref<1x100xi32, #tpu.memory_space<vmem>>
        %dma_start3A_415 = tpu.memref_squeeze %dma_start3A_414 : memref<1x100xi32, #tpu.memory_space<vmem>> -> memref<100xi32, #tpu.memory_space<vmem>>
        %dma_start3A_416 = arith.constant 0 : i32
        %dma_start3A_417 = arith.constant 0 : i32
        %dma_start3A_418 = tpu.memref_slice %arg3[%dma_start3A_416, %dma_start3A_417] : memref<1000000x16xf32, #tpu.memory_space<hbm>> -> memref<1000000x16xf32, #tpu.memory_space<hbm>>
        tpu.enqueue_indirect_dma source(%dma_start3A_418 : memref<1000000x16xf32, #tpu.memory_space<hbm>>) target(%dma_start3A_412 : memref<100x16xf32, #tpu.memory_space<vmem>>) offsets(%dma_start3A_415 : memref<100xi32, #tpu.memory_space<vmem>>) semaphore(%arg15 : memref<!tpu.dma_semaphore, #tpu.memory_space<semaphore_mem>>)
        %dma_start3A_419 = arith.constant 3 : i32
        %dma_start3A_420 = arith.constant 300 : i32
        %dma_start3A_421 = arith.constant 0 : i32
        %dma_start3A_422 = tpu.memref_slice %arg9[%dma_start3A_420, %dma_start3A_421] : memref<1600x16xf32, #tpu.memory_space<vmem>> -> memref<100x16xf32, #tpu.memory_space<vmem>>
        %dma_start3A_423 = arith.constant 0 : i32
        %dma_start3A_424 = tpu.memref_slice %arg7[%dma_start3A_419, %dma_start3A_423] : memref<16x100xi32, #tpu.memory_space<vmem>> -> memref<1x100xi32, #tpu.memory_space<vmem>>
        %dma_start3A_425 = tpu.memref_squeeze %dma_start3A_424 : memref<1x100xi32, #tpu.memory_space<vmem>> -> memref<100xi32, #tpu.memory_space<vmem>>
        %dma_start3A_426 = arith.constant 0 : i32
        %dma_start3A_427 = arith.constant 0 : i32
        %dma_start3A_428 = tpu.memref_slice %arg3[%dma_start3A_426, %dma_start3A_427] : memref<1000000x16xf32, #tpu.memory_space<hbm>> -> memref<1000000x16xf32, #tpu.memory_space<hbm>>
        tpu.enqueue_indirect_dma source(%dma_start3A_428 : memref<1000000x16xf32, #tpu.memory_space<hbm>>) target(%dma_start3A_422 : memref<100x16xf32, #tpu.memory_space<vmem>>) offsets(%dma_start3A_425 : memref<100xi32, #tpu.memory_space<vmem>>) semaphore(%arg15 : memref<!tpu.dma_semaphore, #tpu.memory_space<semaphore_mem>>)
        %dma_start3A_429 = arith.constant 4 : i32
        %dma_start3A_430 = arith.constant 400 : i32
        %dma_start3A_431 = arith.constant 0 : i32
        %dma_start3A_432 = tpu.memref_slice %arg9[%dma_start3A_430, %dma_start3A_431] : memref<1600x16xf32, #tpu.memory_space<vmem>> -> memref<100x16xf32, #tpu.memory_space<vmem>>
        %dma_start3A_433 = arith.constant 0 : i32
        %dma_start3A_434 = tpu.memref_slice %arg7[%dma_start3A_429, %dma_start3A_433] : memref<16x100xi32, #tpu.memory_space<vmem>> -> memref<1x100xi32, #tpu.memory_space<vmem>>
        %dma_start3A_435 = tpu.memref_squeeze %dma_start3A_434 : memref<1x100xi32, #tpu.memory_space<vmem>> -> memref<100xi32, #tpu.memory_space<vmem>>
        %dma_start3A_436 = arith.constant 0 : i32
        %dma_start3A_437 = arith.constant 0 : i32
        %dma_start3A_438 = tpu.memref_slice %arg3[%dma_start3A_436, %dma_start3A_437] : memref<1000000x16xf32, #tpu.memory_space<hbm>> -> memref<1000000x16xf32, #tpu.memory_space<hbm>>
        tpu.enqueue_indirect_dma source(%dma_start3A_438 : memref<1000000x16xf32, #tpu.memory_space<hbm>>) target(%dma_start3A_432 : memref<100x16xf32, #tpu.memory_space<vmem>>) offsets(%dma_start3A_435 : memref<100xi32, #tpu.memory_space<vmem>>) semaphore(%arg15 : memref<!tpu.dma_semaphore, #tpu.memory_space<semaphore_mem>>)
        %dma_start3A_439 = arith.constant 5 : i32
        %dma_start3A_440 = arith.constant 500 : i32
        %dma_start3A_441 = arith.constant 0 : i32
        %dma_start3A_442 = tpu.memref_slice %arg9[%dma_start3A_440, %dma_start3A_441] : memref<1600x16xf32, #tpu.memory_space<vmem>> -> memref<100x16xf32, #tpu.memory_space<vmem>>
        %dma_start3A_443 = arith.constant 0 : i32
        %dma_start3A_444 = tpu.memref_slice %arg7[%dma_start3A_439, %dma_start3A_443] : memref<16x100xi32, #tpu.memory_space<vmem>> -> memref<1x100xi32, #tpu.memory_space<vmem>>
        %dma_start3A_445 = tpu.memref_squeeze %dma_start3A_444 : memref<1x100xi32, #tpu.memory_space<vmem>> -> memref<100xi32, #tpu.memory_space<vmem>>
        %dma_start3A_446 = arith.constant 0 : i32
        %dma_start3A_447 = arith.constant 0 : i32
        %dma_start3A_448 = tpu.memref_slice %arg3[%dma_start3A_446, %dma_start3A_447] : memref<1000000x16xf32, #tpu.memory_space<hbm>> -> memref<1000000x16xf32, #tpu.memory_space<hbm>>
        tpu.enqueue_indirect_dma source(%dma_start3A_448 : memref<1000000x16xf32, #tpu.memory_space<hbm>>) target(%dma_start3A_442 : memref<100x16xf32, #tpu.memory_space<vmem>>) offsets(%dma_start3A_445 : memref<100xi32, #tpu.memory_space<vmem>>) semaphore(%arg15 : memref<!tpu.dma_semaphore, #tpu.memory_space<semaphore_mem>>)
        %dma_start3A_449 = arith.constant 6 : i32
        %dma_start3A_450 = arith.constant 600 : i32
        %dma_start3A_451 = arith.constant 0 : i32
        %dma_start3A_452 = tpu.memref_slice %arg9[%dma_start3A_450, %dma_start3A_451] : memref<1600x16xf32, #tpu.memory_space<vmem>> -> memref<100x16xf32, #tpu.memory_space<vmem>>
        %dma_start3A_453 = arith.constant 0 : i32
        %dma_start3A_454 = tpu.memref_slice %arg7[%dma_start3A_449, %dma_start3A_453] : memref<16x100xi32, #tpu.memory_space<vmem>> -> memref<1x100xi32, #tpu.memory_space<vmem>>
        %dma_start3A_455 = tpu.memref_squeeze %dma_start3A_454 : memref<1x100xi32, #tpu.memory_space<vmem>> -> memref<100xi32, #tpu.memory_space<vmem>>
        %dma_start3A_456 = arith.constant 0 : i32
        %dma_start3A_457 = arith.constant 0 : i32
        %dma_start3A_458 = tpu.memref_slice %arg3[%dma_start3A_456, %dma_start3A_457] : memref<1000000x16xf32, #tpu.memory_space<hbm>> -> memref<1000000x16xf32, #tpu.memory_space<hbm>>
        tpu.enqueue_indirect_dma source(%dma_start3A_458 : memref<1000000x16xf32, #tpu.memory_space<hbm>>) target(%dma_start3A_452 : memref<100x16xf32, #tpu.memory_space<vmem>>) offsets(%dma_start3A_455 : memref<100xi32, #tpu.memory_space<vmem>>) semaphore(%arg15 : memref<!tpu.dma_semaphore, #tpu.memory_space<semaphore_mem>>)
        %dma_start3A_459 = arith.constant 7 : i32
        %dma_start3A_460 = arith.constant 700 : i32
        %dma_start3A_461 = arith.constant 0 : i32
        %dma_start3A_462 = tpu.memref_slice %arg9[%dma_start3A_460, %dma_start3A_461] : memref<1600x16xf32, #tpu.memory_space<vmem>> -> memref<100x16xf32, #tpu.memory_space<vmem>>
        %dma_start3A_463 = arith.constant 0 : i32
        %dma_start3A_464 = tpu.memref_slice %arg7[%dma_start3A_459, %dma_start3A_463] : memref<16x100xi32, #tpu.memory_space<vmem>> -> memref<1x100xi32, #tpu.memory_space<vmem>>
        %dma_start3A_465 = tpu.memref_squeeze %dma_start3A_464 : memref<1x100xi32, #tpu.memory_space<vmem>> -> memref<100xi32, #tpu.memory_space<vmem>>
        %dma_start3A_466 = arith.constant 0 : i32
        %dma_start3A_467 = arith.constant 0 : i32
        %dma_start3A_468 = tpu.memref_slice %arg3[%dma_start3A_466, %dma_start3A_467] : memref<1000000x16xf32, #tpu.memory_space<hbm>> -> memref<1000000x16xf32, #tpu.memory_space<hbm>>
        tpu.enqueue_indirect_dma source(%dma_start3A_468 : memref<1000000x16xf32, #tpu.memory_space<hbm>>) target(%dma_start3A_462 : memref<100x16xf32, #tpu.memory_space<vmem>>) offsets(%dma_start3A_465 : memref<100xi32, #tpu.memory_space<vmem>>) semaphore(%arg15 : memref<!tpu.dma_semaphore, #tpu.memory_space<semaphore_mem>>)
        %dma_start3A_469 = arith.constant 8 : i32
        %dma_start3A_470 = arith.constant 800 : i32
        %dma_start3A_471 = arith.constant 0 : i32
        %dma_start3A_472 = tpu.memref_slice %arg9[%dma_start3A_470, %dma_start3A_471] : memref<1600x16xf32, #tpu.memory_space<vmem>> -> memref<100x16xf32, #tpu.memory_space<vmem>>
        %dma_start3A_473 = arith.constant 0 : i32
        %dma_start3A_474 = tpu.memref_slice %arg7[%dma_start3A_469, %dma_start3A_473] : memref<16x100xi32, #tpu.memory_space<vmem>> -> memref<1x100xi32, #tpu.memory_space<vmem>>
        %dma_start3A_475 = tpu.memref_squeeze %dma_start3A_474 : memref<1x100xi32, #tpu.memory_space<vmem>> -> memref<100xi32, #tpu.memory_space<vmem>>
        %dma_start3A_476 = arith.constant 0 : i32
        %dma_start3A_477 = arith.constant 0 : i32
        %dma_start3A_478 = tpu.memref_slice %arg3[%dma_start3A_476, %dma_start3A_477] : memref<1000000x16xf32, #tpu.memory_space<hbm>> -> memref<1000000x16xf32, #tpu.memory_space<hbm>>
        tpu.enqueue_indirect_dma source(%dma_start3A_478 : memref<1000000x16xf32, #tpu.memory_space<hbm>>) target(%dma_start3A_472 : memref<100x16xf32, #tpu.memory_space<vmem>>) offsets(%dma_start3A_475 : memref<100xi32, #tpu.memory_space<vmem>>) semaphore(%arg15 : memref<!tpu.dma_semaphore, #tpu.memory_space<semaphore_mem>>)
        %dma_start3A_479 = arith.constant 9 : i32
        %dma_start3A_480 = arith.constant 900 : i32
        %dma_start3A_481 = arith.constant 0 : i32
        %dma_start3A_482 = tpu.memref_slice %arg9[%dma_start3A_480, %dma_start3A_481] : memref<1600x16xf32, #tpu.memory_space<vmem>> -> memref<100x16xf32, #tpu.memory_space<vmem>>
        %dma_start3A_483 = arith.constant 0 : i32
        %dma_start3A_484 = tpu.memref_slice %arg7[%dma_start3A_479, %dma_start3A_483] : memref<16x100xi32, #tpu.memory_space<vmem>> -> memref<1x100xi32, #tpu.memory_space<vmem>>
        %dma_start3A_485 = tpu.memref_squeeze %dma_start3A_484 : memref<1x100xi32, #tpu.memory_space<vmem>> -> memref<100xi32, #tpu.memory_space<vmem>>
        %dma_start3A_486 = arith.constant 0 : i32
        %dma_start3A_487 = arith.constant 0 : i32
        %dma_start3A_488 = tpu.memref_slice %arg3[%dma_start3A_486, %dma_start3A_487] : memref<1000000x16xf32, #tpu.memory_space<hbm>> -> memref<1000000x16xf32, #tpu.memory_space<hbm>>
        tpu.enqueue_indirect_dma source(%dma_start3A_488 : memref<1000000x16xf32, #tpu.memory_space<hbm>>) target(%dma_start3A_482 : memref<100x16xf32, #tpu.memory_space<vmem>>) offsets(%dma_start3A_485 : memref<100xi32, #tpu.memory_space<vmem>>) semaphore(%arg15 : memref<!tpu.dma_semaphore, #tpu.memory_space<semaphore_mem>>)
        %dma_start3A_489 = arith.constant 10 : i32
        %dma_start3A_490 = arith.constant 1000 : i32
        %dma_start3A_491 = arith.constant 0 : i32
        %dma_start3A_492 = tpu.memref_slice %arg9[%dma_start3A_490, %dma_start3A_491] : memref<1600x16xf32, #tpu.memory_space<vmem>> -> memref<100x16xf32, #tpu.memory_space<vmem>>
        %dma_start3A_493 = arith.constant 0 : i32
        %dma_start3A_494 = tpu.memref_slice %arg7[%dma_start3A_489, %dma_start3A_493] : memref<16x100xi32, #tpu.memory_space<vmem>> -> memref<1x100xi32, #tpu.memory_space<vmem>>
        %dma_start3A_495 = tpu.memref_squeeze %dma_start3A_494 : memref<1x100xi32, #tpu.memory_space<vmem>> -> memref<100xi32, #tpu.memory_space<vmem>>
        %dma_start3A_496 = arith.constant 0 : i32
        %dma_start3A_497 = arith.constant 0 : i32
        %dma_start3A_498 = tpu.memref_slice %arg3[%dma_start3A_496, %dma_start3A_497] : memref<1000000x16xf32, #tpu.memory_space<hbm>> -> memref<1000000x16xf32, #tpu.memory_space<hbm>>
        tpu.enqueue_indirect_dma source(%dma_start3A_498 : memref<1000000x16xf32, #tpu.memory_space<hbm>>) target(%dma_start3A_492 : memref<100x16xf32, #tpu.memory_space<vmem>>) offsets(%dma_start3A_495 : memref<100xi32, #tpu.memory_space<vmem>>) semaphore(%arg15 : memref<!tpu.dma_semaphore, #tpu.memory_space<semaphore_mem>>)
        %dma_start3A_499 = arith.constant 11 : i32
        %dma_start3A_500 = arith.constant 1100 : i32
        %dma_start3A_501 = arith.constant 0 : i32
        %dma_start3A_502 = tpu.memref_slice %arg9[%dma_start3A_500, %dma_start3A_501] : memref<1600x16xf32, #tpu.memory_space<vmem>> -> memref<100x16xf32, #tpu.memory_space<vmem>>
        %dma_start3A_503 = arith.constant 0 : i32
        %dma_start3A_504 = tpu.memref_slice %arg7[%dma_start3A_499, %dma_start3A_503] : memref<16x100xi32, #tpu.memory_space<vmem>> -> memref<1x100xi32, #tpu.memory_space<vmem>>
        %dma_start3A_505 = tpu.memref_squeeze %dma_start3A_504 : memref<1x100xi32, #tpu.memory_space<vmem>> -> memref<100xi32, #tpu.memory_space<vmem>>
        %dma_start3A_506 = arith.constant 0 : i32
        %dma_start3A_507 = arith.constant 0 : i32
        %dma_start3A_508 = tpu.memref_slice %arg3[%dma_start3A_506, %dma_start3A_507] : memref<1000000x16xf32, #tpu.memory_space<hbm>> -> memref<1000000x16xf32, #tpu.memory_space<hbm>>
        tpu.enqueue_indirect_dma source(%dma_start3A_508 : memref<1000000x16xf32, #tpu.memory_space<hbm>>) target(%dma_start3A_502 : memref<100x16xf32, #tpu.memory_space<vmem>>) offsets(%dma_start3A_505 : memref<100xi32, #tpu.memory_space<vmem>>) semaphore(%arg15 : memref<!tpu.dma_semaphore, #tpu.memory_space<semaphore_mem>>)
        %dma_start3A_509 = arith.constant 12 : i32
        %dma_start3A_510 = arith.constant 1200 : i32
        %dma_start3A_511 = arith.constant 0 : i32
        %dma_start3A_512 = tpu.memref_slice %arg9[%dma_start3A_510, %dma_start3A_511] : memref<1600x16xf32, #tpu.memory_space<vmem>> -> memref<100x16xf32, #tpu.memory_space<vmem>>
        %dma_start3A_513 = arith.constant 0 : i32
        %dma_start3A_514 = tpu.memref_slice %arg7[%dma_start3A_509, %dma_start3A_513] : memref<16x100xi32, #tpu.memory_space<vmem>> -> memref<1x100xi32, #tpu.memory_space<vmem>>
        %dma_start3A_515 = tpu.memref_squeeze %dma_start3A_514 : memref<1x100xi32, #tpu.memory_space<vmem>> -> memref<100xi32, #tpu.memory_space<vmem>>
        %dma_start3A_516 = arith.constant 0 : i32
        %dma_start3A_517 = arith.constant 0 : i32
        %dma_start3A_518 = tpu.memref_slice %arg3[%dma_start3A_516, %dma_start3A_517] : memref<1000000x16xf32, #tpu.memory_space<hbm>> -> memref<1000000x16xf32, #tpu.memory_space<hbm>>
        tpu.enqueue_indirect_dma source(%dma_start3A_518 : memref<1000000x16xf32, #tpu.memory_space<hbm>>) target(%dma_start3A_512 : memref<100x16xf32, #tpu.memory_space<vmem>>) offsets(%dma_start3A_515 : memref<100xi32, #tpu.memory_space<vmem>>) semaphore(%arg15 : memref<!tpu.dma_semaphore, #tpu.memory_space<semaphore_mem>>)
        %dma_start3A_519 = arith.constant 13 : i32
        %dma_start3A_520 = arith.constant 1300 : i32
        %dma_start3A_521 = arith.constant 0 : i32
        %dma_start3A_522 = tpu.memref_slice %arg9[%dma_start3A_520, %dma_start3A_521] : memref<1600x16xf32, #tpu.memory_space<vmem>> -> memref<100x16xf32, #tpu.memory_space<vmem>>
        %dma_start3A_523 = arith.constant 0 : i32
        %dma_start3A_524 = tpu.memref_slice %arg7[%dma_start3A_519, %dma_start3A_523] : memref<16x100xi32, #tpu.memory_space<vmem>> -> memref<1x100xi32, #tpu.memory_space<vmem>>
        %dma_start3A_525 = tpu.memref_squeeze %dma_start3A_524 : memref<1x100xi32, #tpu.memory_space<vmem>> -> memref<100xi32, #tpu.memory_space<vmem>>
        %dma_start3A_526 = arith.constant 0 : i32
        %dma_start3A_527 = arith.constant 0 : i32
        %dma_start3A_528 = tpu.memref_slice %arg3[%dma_start3A_526, %dma_start3A_527] : memref<1000000x16xf32, #tpu.memory_space<hbm>> -> memref<1000000x16xf32, #tpu.memory_space<hbm>>
        tpu.enqueue_indirect_dma source(%dma_start3A_528 : memref<1000000x16xf32, #tpu.memory_space<hbm>>) target(%dma_start3A_522 : memref<100x16xf32, #tpu.memory_space<vmem>>) offsets(%dma_start3A_525 : memref<100xi32, #tpu.memory_space<vmem>>) semaphore(%arg15 : memref<!tpu.dma_semaphore, #tpu.memory_space<semaphore_mem>>)
        %dma_start3A_529 = arith.constant 14 : i32
        %dma_start3A_530 = arith.constant 1400 : i32
        %dma_start3A_531 = arith.constant 0 : i32
        %dma_start3A_532 = tpu.memref_slice %arg9[%dma_start3A_530, %dma_start3A_531] : memref<1600x16xf32, #tpu.memory_space<vmem>> -> memref<100x16xf32, #tpu.memory_space<vmem>>
        %dma_start3A_533 = arith.constant 0 : i32
        %dma_start3A_534 = tpu.memref_slice %arg7[%dma_start3A_529, %dma_start3A_533] : memref<16x100xi32, #tpu.memory_space<vmem>> -> memref<1x100xi32, #tpu.memory_space<vmem>>
        %dma_start3A_535 = tpu.memref_squeeze %dma_start3A_534 : memref<1x100xi32, #tpu.memory_space<vmem>> -> memref<100xi32, #tpu.memory_space<vmem>>
        %dma_start3A_536 = arith.constant 0 : i32
        %dma_start3A_537 = arith.constant 0 : i32
        %dma_start3A_538 = tpu.memref_slice %arg3[%dma_start3A_536, %dma_start3A_537] : memref<1000000x16xf32, #tpu.memory_space<hbm>> -> memref<1000000x16xf32, #tpu.memory_space<hbm>>
        tpu.enqueue_indirect_dma source(%dma_start3A_538 : memref<1000000x16xf32, #tpu.memory_space<hbm>>) target(%dma_start3A_532 : memref<100x16xf32, #tpu.memory_space<vmem>>) offsets(%dma_start3A_535 : memref<100xi32, #tpu.memory_space<vmem>>) semaphore(%arg15 : memref<!tpu.dma_semaphore, #tpu.memory_space<semaphore_mem>>)
        %dma_start3A_539 = arith.constant 15 : i32
        %dma_start3A_540 = arith.constant 1500 : i32
        %dma_start3A_541 = arith.constant 0 : i32
        %dma_start3A_542 = tpu.memref_slice %arg9[%dma_start3A_540, %dma_start3A_541] : memref<1600x16xf32, #tpu.memory_space<vmem>> -> memref<100x16xf32, #tpu.memory_space<vmem>>
        %dma_start3A_543 = arith.constant 0 : i32
        %dma_start3A_544 = tpu.memref_slice %arg7[%dma_start3A_539, %dma_start3A_543] : memref<16x100xi32, #tpu.memory_space<vmem>> -> memref<1x100xi32, #tpu.memory_space<vmem>>
        %dma_start3A_545 = tpu.memref_squeeze %dma_start3A_544 : memref<1x100xi32, #tpu.memory_space<vmem>> -> memref<100xi32, #tpu.memory_space<vmem>>
        %dma_start3A_546 = arith.constant 0 : i32
        %dma_start3A_547 = arith.constant 0 : i32
        %dma_start3A_548 = tpu.memref_slice %arg3[%dma_start3A_546, %dma_start3A_547] : memref<1000000x16xf32, #tpu.memory_space<hbm>> -> memref<1000000x16xf32, #tpu.memory_space<hbm>>
        tpu.enqueue_indirect_dma source(%dma_start3A_548 : memref<1000000x16xf32, #tpu.memory_space<hbm>>) target(%dma_start3A_542 : memref<100x16xf32, #tpu.memory_space<vmem>>) offsets(%dma_start3A_545 : memref<100xi32, #tpu.memory_space<vmem>>) semaphore(%arg15 : memref<!tpu.dma_semaphore, #tpu.memory_space<semaphore_mem>>)
      } else {
      }
      %dma_wait3A_368 = arith.constant 0 : i32
      %dma_wait3A_369 = arith.constant 0 : i32
      %dma_wait3A_370 = tpu.memref_slice %arg3[%dma_wait3A_368, %dma_wait3A_369] : memref<1000000x16xf32, #tpu.memory_space<hbm>> -> memref<1600x16xf32, #tpu.memory_space<hbm>>
      %dma_wait3A_371 = arith.constant 0 : i32
      %dma_wait3A_372 = arith.constant 0 : i32
      %dma_wait3A_373 = tpu.memref_slice %arg3[%dma_wait3A_371, %dma_wait3A_372] : memref<1000000x16xf32, #tpu.memory_space<hbm>> -> memref<1600x16xf32, #tpu.memory_space<hbm>>
      tpu.wait_dma2 semaphore(%arg16 : memref<!tpu.dma_semaphore, #tpu.memory_space<semaphore_mem>>) src(%dma_wait3A_373 : memref<1600x16xf32, #tpu.memory_space<hbm>>) dst(%arg10 : memref<1600x16xf32, #tpu.memory_space<vmem>>)
      %add3A_374 = arith.constant 1 : i32
      %add3A_375 = arith.addi %mul3A_186, %add3A_374 : i32
      %scan3A_376 = arith.constant 0 : i32
      %scan3A_377 = arith.constant 0 : i32
      %scan3A_378 = arith.constant 2 : i32
      %scan3A_379 = arith.addi %scan3A_377, %scan3A_378 : i32
      %scan3A_380 = arith.constant 1 : i32
      %scan3A_381 = scf.for %scan3A_384 = %scan3A_377 to %scan3A_379 step %scan3A_380 iter_args(%scan3A_385 = %scan3A_376) -> (i32)  : i32 {
        %mul3A_386 = arith.constant 2 : i32
        %mul3A_387 = arith.muli %mul3A_386, %scan3A_384 : i32
        %broadcast_in_dim3A = arith.constant 0.000000e+00 : f32
        %broadcast_in_dim3A_388 = vector.broadcast %broadcast_in_dim3A : f32 to vector<16xf32>
        %scan3A_389 = arith.constant 0 : i32
        %scan3A_390 = arith.constant 50 : i32
        %scan3A_391 = arith.addi %scan3A_389, %scan3A_390 : i32
        %scan3A_392 = arith.constant 1 : i32
        %scan3A_393:24 = scf.for %scan3A_1365 = %scan3A_389 to %scan3A_391 step %scan3A_392 iter_args(%scan3A_1366 = %broadcast_in_dim3A_388, %scan3A_1367 = %broadcast_in_dim3A_388, %scan3A_1368 = %broadcast_in_dim3A_388, %scan3A_1369 = %broadcast_in_dim3A_388, %scan3A_1370 = %broadcast_in_dim3A_388, %scan3A_1371 = %broadcast_in_dim3A_388, %scan3A_1372 = %broadcast_in_dim3A_388, %scan3A_1373 = %broadcast_in_dim3A_388, %scan3A_1374 = %broadcast_in_dim3A_388, %scan3A_1375 = %broadcast_in_dim3A_388, %scan3A_1376 = %broadcast_in_dim3A_388, %scan3A_1377 = %broadcast_in_dim3A_388, %scan3A_1378 = %broadcast_in_dim3A_388, %scan3A_1379 = %broadcast_in_dim3A_388, %scan3A_1380 = %broadcast_in_dim3A_388, %scan3A_1381 = %broadcast_in_dim3A_388, %scan3A_1382 = %broadcast_in_dim3A_388, %scan3A_1383 = %broadcast_in_dim3A_388, %scan3A_1384 = %broadcast_in_dim3A_388, %scan3A_1385 = %broadcast_in_dim3A_388, %scan3A_1386 = %broadcast_in_dim3A_388, %scan3A_1387 = %broadcast_in_dim3A_388, %scan3A_1388 = %broadcast_in_dim3A_388, %scan3A_1389 = %broadcast_in_dim3A_388) -> (vector<16xf32>, vector<16xf32>, vector<16xf32>, vector<16xf32>, vector<16xf32>, vector<16xf32>, vector<16xf32>, vector<16xf32>, vector<16xf32>, vector<16xf32>, vector<16xf32>, vector<16xf32>, vector<16xf32>, vector<16xf32>, vector<16xf32>, vector<16xf32>, vector<16xf32>, vector<16xf32>, vector<16xf32>, vector<16xf32>, vector<16xf32>, vector<16xf32>, vector<16xf32>, vector<16xf32>)  : i32 {
          %get3A = arith.constant 0 : i32
          %get3A_1390 = arith.index_cast %get3A : i32 to index
          %get3A_1391 = arith.index_cast %scan3A_1365 : i32 to index
          %get3A_1392 = arith.constant 0 : index
          %get3A_1393 = tpu.vector_load %arg11[%get3A_1390, %get3A_1391, %get3A_1392] {strides = array<i32>} : memref<3x50x16xf32, #tpu.memory_space<vmem>>, vector<1x1x16xf32>,
          %get3A_1394 = vector.shape_cast %get3A_1393 : vector<1x1x16xf32> to vector<16xf32>
          %get3A_1395 = arith.constant 1 : i32
          %get3A_1396 = arith.index_cast %get3A_1395 : i32 to index
          %get3A_1397 = arith.index_cast %scan3A_1365 : i32 to index
          %get3A_1398 = arith.constant 0 : index
          %get3A_1399 = tpu.vector_load %arg11[%get3A_1396, %get3A_1397, %get3A_1398] {strides = array<i32>} : memref<3x50x16xf32, #tpu.memory_space<vmem>>, vector<1x1x16xf32>,
          %get3A_1400 = vector.shape_cast %get3A_1399 : vector<1x1x16xf32> to vector<16xf32>
          %get3A_1401 = arith.constant 2 : i32
          %get3A_1402 = arith.index_cast %get3A_1401 : i32 to index
          %get3A_1403 = arith.index_cast %scan3A_1365 : i32 to index
          %get3A_1404 = arith.constant 0 : index
          %get3A_1405 = tpu.vector_load %arg11[%get3A_1402, %get3A_1403, %get3A_1404] {strides = array<i32>} : memref<3x50x16xf32, #tpu.memory_space<vmem>>, vector<1x1x16xf32>,
          %get3A_1406 = vector.shape_cast %get3A_1405 : vector<1x1x16xf32> to vector<16xf32>
          %mul3A_1407 = arith.constant 400 : i32
          %mul3A_1408 = arith.muli %mul3A_387, %mul3A_1407 : i32
          %add3A_1409 = arith.addi %mul3A_1408, %scan3A_1365 : i32
          %add3A_1410 = arith.constant 0 : i32
          %add3A_1411 = arith.addi %add3A_1409, %add3A_1410 : i32
          %get3A_1412 = arith.index_cast %add3A_1411 : i32 to index
          %get3A_1413 = arith.constant 0 : index
          %get3A_1414 = tpu.vector_load %arg10[%get3A_1412, %get3A_1413] {strides = array<i32>} : memref<1600x16xf32, #tpu.memory_space<vmem>>, vector<1x16xf32>,
          %get3A_1415 = vector.shape_cast %get3A_1414 : vector<1x16xf32> to vector<16xf32>
          %mul3A_1416 = arith.mulf %get3A_1415, %get3A_1394 : vector<16xf32>
          %add3A_1417 = arith.addf %scan3A_1366, %mul3A_1416 : vector<16xf32>
          %mul3A_1418 = arith.mulf %get3A_1415, %get3A_1400 : vector<16xf32>
          %add3A_1419 = arith.addf %scan3A_1367, %mul3A_1418 : vector<16xf32>
          %mul3A_1420 = arith.mulf %get3A_1415, %get3A_1406 : vector<16xf32>
          %add3A_1421 = arith.addf %scan3A_1368, %mul3A_1420 : vector<16xf32>
          %add3A_1422 = arith.constant 50 : i32
          %add3A_1423 = arith.addi %add3A_1409, %add3A_1422 : i32
          %get3A_1424 = arith.index_cast %add3A_1423 : i32 to index
          %get3A_1425 = arith.constant 0 : index
          %get3A_1426 = tpu.vector_load %arg10[%get3A_1424, %get3A_1425] {strides = array<i32>} : memref<1600x16xf32, #tpu.memory_space<vmem>>, vector<1x16xf32>,
          %get3A_1427 = vector.shape_cast %get3A_1426 : vector<1x16xf32> to vector<16xf32>
          %mul3A_1428 = arith.mulf %get3A_1427, %get3A_1394 : vector<16xf32>
          %add3A_1429 = arith.addf %scan3A_1369, %mul3A_1428 : vector<16xf32>
          %mul3A_1430 = arith.mulf %get3A_1427, %get3A_1400 : vector<16xf32>
          %add3A_1431 = arith.addf %scan3A_1370, %mul3A_1430 : vector<16xf32>
          %mul3A_1432 = arith.mulf %get3A_1427, %get3A_1406 : vector<16xf32>
          %add3A_1433 = arith.addf %scan3A_1371, %mul3A_1432 : vector<16xf32>
          %add3A_1434 = arith.constant 100 : i32
          %add3A_1435 = arith.addi %add3A_1409, %add3A_1434 : i32
          %get3A_1436 = arith.index_cast %add3A_1435 : i32 to index
          %get3A_1437 = arith.constant 0 : index
          %get3A_1438 = tpu.vector_load %arg10[%get3A_1436, %get3A_1437] {strides = array<i32>} : memref<1600x16xf32, #tpu.memory_space<vmem>>, vector<1x16xf32>,
          %get3A_1439 = vector.shape_cast %get3A_1438 : vector<1x16xf32> to vector<16xf32>
          %mul3A_1440 = arith.mulf %get3A_1439, %get3A_1394 : vector<16xf32>
          %add3A_1441 = arith.addf %scan3A_1372, %mul3A_1440 : vector<16xf32>
          %mul3A_1442 = arith.mulf %get3A_1439, %get3A_1400 : vector<16xf32>
          %add3A_1443 = arith.addf %scan3A_1373, %mul3A_1442 : vector<16xf32>
          %mul3A_1444 = arith.mulf %get3A_1439, %get3A_1406 : vector<16xf32>
          %add3A_1445 = arith.addf %scan3A_1374, %mul3A_1444 : vector<16xf32>
          %add3A_1446 = arith.constant 150 : i32
          %add3A_1447 = arith.addi %add3A_1409, %add3A_1446 : i32
          %get3A_1448 = arith.index_cast %add3A_1447 : i32 to index
          %get3A_1449 = arith.constant 0 : index
          %get3A_1450 = tpu.vector_load %arg10[%get3A_1448, %get3A_1449] {strides = array<i32>} : memref<1600x16xf32, #tpu.memory_space<vmem>>, vector<1x16xf32>,
          %get3A_1451 = vector.shape_cast %get3A_1450 : vector<1x16xf32> to vector<16xf32>
          %mul3A_1452 = arith.mulf %get3A_1451, %get3A_1394 : vector<16xf32>
          %add3A_1453 = arith.addf %scan3A_1375, %mul3A_1452 : vector<16xf32>
          %mul3A_1454 = arith.mulf %get3A_1451, %get3A_1400 : vector<16xf32>
          %add3A_1455 = arith.addf %scan3A_1376, %mul3A_1454 : vector<16xf32>
          %mul3A_1456 = arith.mulf %get3A_1451, %get3A_1406 : vector<16xf32>
          %add3A_1457 = arith.addf %scan3A_1377, %mul3A_1456 : vector<16xf32>
          %add3A_1458 = arith.constant 200 : i32
          %add3A_1459 = arith.addi %add3A_1409, %add3A_1458 : i32
          %get3A_1460 = arith.index_cast %add3A_1459 : i32 to index
          %get3A_1461 = arith.constant 0 : index
          %get3A_1462 = tpu.vector_load %arg10[%get3A_1460, %get3A_1461] {strides = array<i32>} : memref<1600x16xf32, #tpu.memory_space<vmem>>, vector<1x16xf32>,
          %get3A_1463 = vector.shape_cast %get3A_1462 : vector<1x16xf32> to vector<16xf32>
          %mul3A_1464 = arith.mulf %get3A_1463, %get3A_1394 : vector<16xf32>
          %add3A_1465 = arith.addf %scan3A_1378, %mul3A_1464 : vector<16xf32>
          %mul3A_1466 = arith.mulf %get3A_1463, %get3A_1400 : vector<16xf32>
          %add3A_1467 = arith.addf %scan3A_1379, %mul3A_1466 : vector<16xf32>
          %mul3A_1468 = arith.mulf %get3A_1463, %get3A_1406 : vector<16xf32>
          %add3A_1469 = arith.addf %scan3A_1380, %mul3A_1468 : vector<16xf32>
          %add3A_1470 = arith.constant 250 : i32
          %add3A_1471 = arith.addi %add3A_1409, %add3A_1470 : i32
          %get3A_1472 = arith.index_cast %add3A_1471 : i32 to index
          %get3A_1473 = arith.constant 0 : index
          %get3A_1474 = tpu.vector_load %arg10[%get3A_1472, %get3A_1473] {strides = array<i32>} : memref<1600x16xf32, #tpu.memory_space<vmem>>, vector<1x16xf32>,
          %get3A_1475 = vector.shape_cast %get3A_1474 : vector<1x16xf32> to vector<16xf32>
          %mul3A_1476 = arith.mulf %get3A_1475, %get3A_1394 : vector<16xf32>
          %add3A_1477 = arith.addf %scan3A_1381, %mul3A_1476 : vector<16xf32>
          %mul3A_1478 = arith.mulf %get3A_1475, %get3A_1400 : vector<16xf32>
          %add3A_1479 = arith.addf %scan3A_1382, %mul3A_1478 : vector<16xf32>
          %mul3A_1480 = arith.mulf %get3A_1475, %get3A_1406 : vector<16xf32>
          %add3A_1481 = arith.addf %scan3A_1383, %mul3A_1480 : vector<16xf32>
          %add3A_1482 = arith.constant 300 : i32
          %add3A_1483 = arith.addi %add3A_1409, %add3A_1482 : i32
          %get3A_1484 = arith.index_cast %add3A_1483 : i32 to index
          %get3A_1485 = arith.constant 0 : index
          %get3A_1486 = tpu.vector_load %arg10[%get3A_1484, %get3A_1485] {strides = array<i32>} : memref<1600x16xf32, #tpu.memory_space<vmem>>, vector<1x16xf32>,
          %get3A_1487 = vector.shape_cast %get3A_1486 : vector<1x16xf32> to vector<16xf32>
          %mul3A_1488 = arith.mulf %get3A_1487, %get3A_1394 : vector<16xf32>
          %add3A_1489 = arith.addf %scan3A_1384, %mul3A_1488 : vector<16xf32>
          %mul3A_1490 = arith.mulf %get3A_1487, %get3A_1400 : vector<16xf32>
          %add3A_1491 = arith.addf %scan3A_1385, %mul3A_1490 : vector<16xf32>
          %mul3A_1492 = arith.mulf %get3A_1487, %get3A_1406 : vector<16xf32>
          %add3A_1493 = arith.addf %scan3A_1386, %mul3A_1492 : vector<16xf32>
          %add3A_1494 = arith.constant 350 : i32
          %add3A_1495 = arith.addi %add3A_1409, %add3A_1494 : i32
          %get3A_1496 = arith.index_cast %add3A_1495 : i32 to index
          %get3A_1497 = arith.constant 0 : index
          %get3A_1498 = tpu.vector_load %arg10[%get3A_1496, %get3A_1497] {strides = array<i32>} : memref<1600x16xf32, #tpu.memory_space<vmem>>, vector<1x16xf32>,
          %get3A_1499 = vector.shape_cast %get3A_1498 : vector<1x16xf32> to vector<16xf32>
          %mul3A_1500 = arith.mulf %get3A_1499, %get3A_1394 : vector<16xf32>
          %add3A_1501 = arith.addf %scan3A_1387, %mul3A_1500 : vector<16xf32>
          %mul3A_1502 = arith.mulf %get3A_1499, %get3A_1400 : vector<16xf32>
          %add3A_1503 = arith.addf %scan3A_1388, %mul3A_1502 : vector<16xf32>
          %mul3A_1504 = arith.mulf %get3A_1499, %get3A_1406 : vector<16xf32>
          %add3A_1505 = arith.addf %scan3A_1389, %mul3A_1504 : vector<16xf32>
          scf.yield %add3A_1417, %add3A_1419, %add3A_1421, %add3A_1429, %add3A_1431, %add3A_1433, %add3A_1441, %add3A_1443, %add3A_1445, %add3A_1453, %add3A_1455, %add3A_1457, %add3A_1465, %add3A_1467, %add3A_1469, %add3A_1477, %add3A_1479, %add3A_1481, %add3A_1489, %add3A_1491, %add3A_1493, %add3A_1501, %add3A_1503, %add3A_1505 : vector<16xf32>, vector<16xf32>, vector<16xf32>, vector<16xf32>, vector<16xf32>, vector<16xf32>, vector<16xf32>, vector<16xf32>, vector<16xf32>, vector<16xf32>, vector<16xf32>, vector<16xf32>, vector<16xf32>, vector<16xf32>, vector<16xf32>, vector<16xf32>, vector<16xf32>, vector<16xf32>, vector<16xf32>, vector<16xf32>, vector<16xf32>, vector<16xf32>, vector<16xf32>, vector<16xf32>
        }
        %scan3A_394 = arith.constant 50 : i32
        %and3A = arith.constant 1 : i32
        %and3A_395 = vector.broadcast %and3A : i32 to vector<16xi32>
        %and3A_396 = arith.andi %iota3A, %and3A_395 : vector<16xi32>
        %eq3A = arith.constant 0 : i32
        %eq3A_397 = vector.broadcast %eq3A : i32 to vector<16xi32>
        %eq3A_398 = arith.cmpi eq, %and3A_396, %eq3A_397 : vector<16xi32>
        %xor3A = arith.constant 1 : i32
        %xor3A_399 = vector.broadcast %xor3A : i32 to vector<16xi32>
        %xor3A_400 = arith.xori %iota3A, %xor3A_399 : vector<16xi32>
        %broadcast_in_dim3A_401 = vector.shape_cast %xor3A_400 : vector<16xi32> to vector<16x1xi32>
        %gather3A = vector.shape_cast %broadcast_in_dim3A_401 : vector<16x1xi32> to vector<16xi32>
        %gather3A_402 = tpu.dynamic_gather %scan3A_393#0[%gather3A] in [0] : vector<16xf32>, vector<16xi32> -> vector<16xf32>
        %add3A_403 = arith.addf %scan3A_393#0, %gather3A_402 : vector<16xf32>
        %xor3A_404 = arith.constant 1 : i32
        %xor3A_405 = vector.broadcast %xor3A_404 : i32 to vector<16xi32>
        %xor3A_406 = arith.xori %iota3A, %xor3A_405 : vector<16xi32>
        %broadcast_in_dim3A_407 = vector.shape_cast %xor3A_406 : vector<16xi32> to vector<16x1xi32>
        %gather3A_408 = vector.shape_cast %broadcast_in_dim3A_407 : vector<16x1xi32> to vector<16xi32>
        %gather3A_409 = tpu.dynamic_gather %scan3A_393#3[%gather3A_408] in [0] : vector<16xf32>, vector<16xi32> -> vector<16xf32>
        %add3A_410 = arith.addf %scan3A_393#3, %gather3A_409 : vector<16xf32>
        %select_n3A = arith.select %eq3A_398, %add3A_403, %add3A_410 : vector<16xi1>, vector<16xf32>
        %and3A_411 = arith.constant 1 : i32
        %and3A_412 = vector.broadcast %and3A_411 : i32 to vector<16xi32>
        %and3A_413 = arith.andi %iota3A, %and3A_412 : vector<16xi32>
        %eq3A_414 = arith.constant 0 : i32
        %eq3A_415 = vector.broadcast %eq3A_414 : i32 to vector<16xi32>
        %eq3A_416 = arith.cmpi eq, %and3A_413, %eq3A_415 : vector<16xi32>
        %xor3A_417 = arith.constant 1 : i32
        %xor3A_418 = vector.broadcast %xor3A_417 : i32 to vector<16xi32>
        %xor3A_419 = arith.xori %iota3A, %xor3A_418 : vector<16xi32>
        %broadcast_in_dim3A_420 = vector.shape_cast %xor3A_419 : vector<16xi32> to vector<16x1xi32>
        %gather3A_421 = vector.shape_cast %broadcast_in_dim3A_420 : vector<16x1xi32> to vector<16xi32>
        %gather3A_422 = tpu.dynamic_gather %scan3A_393#6[%gather3A_421] in [0] : vector<16xf32>, vector<16xi32> -> vector<16xf32>
        %add3A_423 = arith.addf %scan3A_393#6, %gather3A_422 : vector<16xf32>
        %xor3A_424 = arith.constant 1 : i32
        %xor3A_425 = vector.broadcast %xor3A_424 : i32 to vector<16xi32>
        %xor3A_426 = arith.xori %iota3A, %xor3A_425 : vector<16xi32>
        %broadcast_in_dim3A_427 = vector.shape_cast %xor3A_426 : vector<16xi32> to vector<16x1xi32>
        %gather3A_428 = vector.shape_cast %broadcast_in_dim3A_427 : vector<16x1xi32> to vector<16xi32>
        %gather3A_429 = tpu.dynamic_gather %scan3A_393#9[%gather3A_428] in [0] : vector<16xf32>, vector<16xi32> -> vector<16xf32>
        %add3A_430 = arith.addf %scan3A_393#9, %gather3A_429 : vector<16xf32>
        %select_n3A_431 = arith.select %eq3A_416, %add3A_423, %add3A_430 : vector<16xi1>, vector<16xf32>
        %and3A_432 = arith.constant 1 : i32
        %and3A_433 = vector.broadcast %and3A_432 : i32 to vector<16xi32>
        %and3A_434 = arith.andi %iota3A, %and3A_433 : vector<16xi32>
        %eq3A_435 = arith.constant 0 : i32
        %eq3A_436 = vector.broadcast %eq3A_435 : i32 to vector<16xi32>
        %eq3A_437 = arith.cmpi eq, %and3A_434, %eq3A_436 : vector<16xi32>
        %xor3A_438 = arith.constant 1 : i32
        %xor3A_439 = vector.broadcast %xor3A_438 : i32 to vector<16xi32>
        %xor3A_440 = arith.xori %iota3A, %xor3A_439 : vector<16xi32>
        %broadcast_in_dim3A_441 = vector.shape_cast %xor3A_440 : vector<16xi32> to vector<16x1xi32>
        %gather3A_442 = vector.shape_cast %broadcast_in_dim3A_441 : vector<16x1xi32> to vector<16xi32>
        %gather3A_443 = tpu.dynamic_gather %scan3A_393#12[%gather3A_442] in [0] : vector<16xf32>, vector<16xi32> -> vector<16xf32>
        %add3A_444 = arith.addf %scan3A_393#12, %gather3A_443 : vector<16xf32>
        %xor3A_445 = arith.constant 1 : i32
        %xor3A_446 = vector.broadcast %xor3A_445 : i32 to vector<16xi32>
        %xor3A_447 = arith.xori %iota3A, %xor3A_446 : vector<16xi32>
        %broadcast_in_dim3A_448 = vector.shape_cast %xor3A_447 : vector<16xi32> to vector<16x1xi32>
        %gather3A_449 = vector.shape_cast %broadcast_in_dim3A_448 : vector<16x1xi32> to vector<16xi32>
        %gather3A_450 = tpu.dynamic_gather %scan3A_393#15[%gather3A_449] in [0] : vector<16xf32>, vector<16xi32> -> vector<16xf32>
        %add3A_451 = arith.addf %scan3A_393#15, %gather3A_450 : vector<16xf32>
        %select_n3A_452 = arith.select %eq3A_437, %add3A_444, %add3A_451 : vector<16xi1>, vector<16xf32>
        %and3A_453 = arith.constant 1 : i32
        %and3A_454 = vector.broadcast %and3A_453 : i32 to vector<16xi32>
        %and3A_455 = arith.andi %iota3A, %and3A_454 : vector<16xi32>
        %eq3A_456 = arith.constant 0 : i32
        %eq3A_457 = vector.broadcast %eq3A_456 : i32 to vector<16xi32>
        %eq3A_458 = arith.cmpi eq, %and3A_455, %eq3A_457 : vector<16xi32>
        %xor3A_459 = arith.constant 1 : i32
        %xor3A_460 = vector.broadcast %xor3A_459 : i32 to vector<16xi32>
        %xor3A_461 = arith.xori %iota3A, %xor3A_460 : vector<16xi32>
        %broadcast_in_dim3A_462 = vector.shape_cast %xor3A_461 : vector<16xi32> to vector<16x1xi32>
        %gather3A_463 = vector.shape_cast %broadcast_in_dim3A_462 : vector<16x1xi32> to vector<16xi32>
        %gather3A_464 = tpu.dynamic_gather %scan3A_393#18[%gather3A_463] in [0] : vector<16xf32>, vector<16xi32> -> vector<16xf32>
        %add3A_465 = arith.addf %scan3A_393#18, %gather3A_464 : vector<16xf32>
        %xor3A_466 = arith.constant 1 : i32
        %xor3A_467 = vector.broadcast %xor3A_466 : i32 to vector<16xi32>
        %xor3A_468 = arith.xori %iota3A, %xor3A_467 : vector<16xi32>
        %broadcast_in_dim3A_469 = vector.shape_cast %xor3A_468 : vector<16xi32> to vector<16x1xi32>
        %gather3A_470 = vector.shape_cast %broadcast_in_dim3A_469 : vector<16x1xi32> to vector<16xi32>
        %gather3A_471 = tpu.dynamic_gather %scan3A_393#21[%gather3A_470] in [0] : vector<16xf32>, vector<16xi32> -> vector<16xf32>
        %add3A_472 = arith.addf %scan3A_393#21, %gather3A_471 : vector<16xf32>
        %select_n3A_473 = arith.select %eq3A_458, %add3A_465, %add3A_472 : vector<16xi1>, vector<16xf32>
        %and3A_474 = arith.constant 2 : i32
        %and3A_475 = vector.broadcast %and3A_474 : i32 to vector<16xi32>
        %and3A_476 = arith.andi %iota3A, %and3A_475 : vector<16xi32>
        %eq3A_477 = arith.constant 0 : i32
        %eq3A_478 = vector.broadcast %eq3A_477 : i32 to vector<16xi32>
        %eq3A_479 = arith.cmpi eq, %and3A_476, %eq3A_478 : vector<16xi32>
        %xor3A_480 = arith.constant 2 : i32
        %xor3A_481 = vector.broadcast %xor3A_480 : i32 to vector<16xi32>
        %xor3A_482 = arith.xori %iota3A, %xor3A_481 : vector<16xi32>
        %broadcast_in_dim3A_483 = vector.shape_cast %xor3A_482 : vector<16xi32> to vector<16x1xi32>
        %gather3A_484 = vector.shape_cast %broadcast_in_dim3A_483 : vector<16x1xi32> to vector<16xi32>
        %gather3A_485 = tpu.dynamic_gather %select_n3A[%gather3A_484] in [0] : vector<16xf32>, vector<16xi32> -> vector<16xf32>
        %add3A_486 = arith.addf %select_n3A, %gather3A_485 : vector<16xf32>
        %xor3A_487 = arith.constant 2 : i32
        %xor3A_488 = vector.broadcast %xor3A_487 : i32 to vector<16xi32>
        %xor3A_489 = arith.xori %iota3A, %xor3A_488 : vector<16xi32>
        %broadcast_in_dim3A_490 = vector.shape_cast %xor3A_489 : vector<16xi32> to vector<16x1xi32>
        %gather3A_491 = vector.shape_cast %broadcast_in_dim3A_490 : vector<16x1xi32> to vector<16xi32>
        %gather3A_492 = tpu.dynamic_gather %select_n3A_431[%gather3A_491] in [0] : vector<16xf32>, vector<16xi32> -> vector<16xf32>
        %add3A_493 = arith.addf %select_n3A_431, %gather3A_492 : vector<16xf32>
        %select_n3A_494 = arith.select %eq3A_479, %add3A_486, %add3A_493 : vector<16xi1>, vector<16xf32>
        %and3A_495 = arith.constant 2 : i32
        %and3A_496 = vector.broadcast %and3A_495 : i32 to vector<16xi32>
        %and3A_497 = arith.andi %iota3A, %and3A_496 : vector<16xi32>
        %eq3A_498 = arith.constant 0 : i32
        %eq3A_499 = vector.broadcast %eq3A_498 : i32 to vector<16xi32>
        %eq3A_500 = arith.cmpi eq, %and3A_497, %eq3A_499 : vector<16xi32>
        %xor3A_501 = arith.constant 2 : i32
        %xor3A_502 = vector.broadcast %xor3A_501 : i32 to vector<16xi32>
        %xor3A_503 = arith.xori %iota3A, %xor3A_502 : vector<16xi32>
        %broadcast_in_dim3A_504 = vector.shape_cast %xor3A_503 : vector<16xi32> to vector<16x1xi32>
        %gather3A_505 = vector.shape_cast %broadcast_in_dim3A_504 : vector<16x1xi32> to vector<16xi32>
        %gather3A_506 = tpu.dynamic_gather %select_n3A_452[%gather3A_505] in [0] : vector<16xf32>, vector<16xi32> -> vector<16xf32>
        %add3A_507 = arith.addf %select_n3A_452, %gather3A_506 : vector<16xf32>
        %xor3A_508 = arith.constant 2 : i32
        %xor3A_509 = vector.broadcast %xor3A_508 : i32 to vector<16xi32>
        %xor3A_510 = arith.xori %iota3A, %xor3A_509 : vector<16xi32>
        %broadcast_in_dim3A_511 = vector.shape_cast %xor3A_510 : vector<16xi32> to vector<16x1xi32>
        %gather3A_512 = vector.shape_cast %broadcast_in_dim3A_511 : vector<16x1xi32> to vector<16xi32>
        %gather3A_513 = tpu.dynamic_gather %select_n3A_473[%gather3A_512] in [0] : vector<16xf32>, vector<16xi32> -> vector<16xf32>
        %add3A_514 = arith.addf %select_n3A_473, %gather3A_513 : vector<16xf32>
        %select_n3A_515 = arith.select %eq3A_500, %add3A_507, %add3A_514 : vector<16xi1>, vector<16xf32>
        %and3A_516 = arith.constant 4 : i32
        %and3A_517 = vector.broadcast %and3A_516 : i32 to vector<16xi32>
        %and3A_518 = arith.andi %iota3A, %and3A_517 : vector<16xi32>
        %eq3A_519 = arith.constant 0 : i32
        %eq3A_520 = vector.broadcast %eq3A_519 : i32 to vector<16xi32>
        %eq3A_521 = arith.cmpi eq, %and3A_518, %eq3A_520 : vector<16xi32>
        %xor3A_522 = arith.constant 4 : i32
        %xor3A_523 = vector.broadcast %xor3A_522 : i32 to vector<16xi32>
        %xor3A_524 = arith.xori %iota3A, %xor3A_523 : vector<16xi32>
        %broadcast_in_dim3A_525 = vector.shape_cast %xor3A_524 : vector<16xi32> to vector<16x1xi32>
        %gather3A_526 = vector.shape_cast %broadcast_in_dim3A_525 : vector<16x1xi32> to vector<16xi32>
        %gather3A_527 = tpu.dynamic_gather %select_n3A_494[%gather3A_526] in [0] : vector<16xf32>, vector<16xi32> -> vector<16xf32>
        %add3A_528 = arith.addf %select_n3A_494, %gather3A_527 : vector<16xf32>
        %xor3A_529 = arith.constant 4 : i32
        %xor3A_530 = vector.broadcast %xor3A_529 : i32 to vector<16xi32>
        %xor3A_531 = arith.xori %iota3A, %xor3A_530 : vector<16xi32>
        %broadcast_in_dim3A_532 = vector.shape_cast %xor3A_531 : vector<16xi32> to vector<16x1xi32>
        %gather3A_533 = vector.shape_cast %broadcast_in_dim3A_532 : vector<16x1xi32> to vector<16xi32>
        %gather3A_534 = tpu.dynamic_gather %select_n3A_515[%gather3A_533] in [0] : vector<16xf32>, vector<16xi32> -> vector<16xf32>
        %add3A_535 = arith.addf %select_n3A_515, %gather3A_534 : vector<16xf32>
        %select_n3A_536 = arith.select %eq3A_521, %add3A_528, %add3A_535 : vector<16xi1>, vector<16xf32>
        %xor3A_537 = arith.constant 8 : i32
        %xor3A_538 = vector.broadcast %xor3A_537 : i32 to vector<16xi32>
        %xor3A_539 = arith.xori %iota3A, %xor3A_538 : vector<16xi32>
        %broadcast_in_dim3A_540 = vector.shape_cast %xor3A_539 : vector<16xi32> to vector<16x1xi32>
        %gather3A_541 = vector.shape_cast %broadcast_in_dim3A_540 : vector<16x1xi32> to vector<16xi32>
        %gather3A_542 = tpu.dynamic_gather %select_n3A_536[%gather3A_541] in [0] : vector<16xf32>, vector<16xi32> -> vector<16xf32>
        %add3A_543 = arith.addf %select_n3A_536, %gather3A_542 : vector<16xf32>
        %and3A_544 = arith.constant 1 : i32
        %and3A_545 = vector.broadcast %and3A_544 : i32 to vector<16xi32>
        %and3A_546 = arith.andi %iota3A, %and3A_545 : vector<16xi32>
        %eq3A_547 = arith.constant 0 : i32
        %eq3A_548 = vector.broadcast %eq3A_547 : i32 to vector<16xi32>
        %eq3A_549 = arith.cmpi eq, %and3A_546, %eq3A_548 : vector<16xi32>
        %xor3A_550 = arith.constant 1 : i32
        %xor3A_551 = vector.broadcast %xor3A_550 : i32 to vector<16xi32>
        %xor3A_552 = arith.xori %iota3A, %xor3A_551 : vector<16xi32>
        %broadcast_in_dim3A_553 = vector.shape_cast %xor3A_552 : vector<16xi32> to vector<16x1xi32>
        %gather3A_554 = vector.shape_cast %broadcast_in_dim3A_553 : vector<16x1xi32> to vector<16xi32>
        %gather3A_555 = tpu.dynamic_gather %scan3A_393#1[%gather3A_554] in [0] : vector<16xf32>, vector<16xi32> -> vector<16xf32>
        %add3A_556 = arith.addf %scan3A_393#1, %gather3A_555 : vector<16xf32>
        %xor3A_557 = arith.constant 1 : i32
        %xor3A_558 = vector.broadcast %xor3A_557 : i32 to vector<16xi32>
        %xor3A_559 = arith.xori %iota3A, %xor3A_558 : vector<16xi32>
        %broadcast_in_dim3A_560 = vector.shape_cast %xor3A_559 : vector<16xi32> to vector<16x1xi32>
        %gather3A_561 = vector.shape_cast %broadcast_in_dim3A_560 : vector<16x1xi32> to vector<16xi32>
        %gather3A_562 = tpu.dynamic_gather %scan3A_393#4[%gather3A_561] in [0] : vector<16xf32>, vector<16xi32> -> vector<16xf32>
        %add3A_563 = arith.addf %scan3A_393#4, %gather3A_562 : vector<16xf32>
        %select_n3A_564 = arith.select %eq3A_549, %add3A_556, %add3A_563 : vector<16xi1>, vector<16xf32>
        %and3A_565 = arith.constant 1 : i32
        %and3A_566 = vector.broadcast %and3A_565 : i32 to vector<16xi32>
        %and3A_567 = arith.andi %iota3A, %and3A_566 : vector<16xi32>
        %eq3A_568 = arith.constant 0 : i32
        %eq3A_569 = vector.broadcast %eq3A_568 : i32 to vector<16xi32>
        %eq3A_570 = arith.cmpi eq, %and3A_567, %eq3A_569 : vector<16xi32>
        %xor3A_571 = arith.constant 1 : i32
        %xor3A_572 = vector.broadcast %xor3A_571 : i32 to vector<16xi32>
        %xor3A_573 = arith.xori %iota3A, %xor3A_572 : vector<16xi32>
        %broadcast_in_dim3A_574 = vector.shape_cast %xor3A_573 : vector<16xi32> to vector<16x1xi32>
        %gather3A_575 = vector.shape_cast %broadcast_in_dim3A_574 : vector<16x1xi32> to vector<16xi32>
        %gather3A_576 = tpu.dynamic_gather %scan3A_393#7[%gather3A_575] in [0] : vector<16xf32>, vector<16xi32> -> vector<16xf32>
        %add3A_577 = arith.addf %scan3A_393#7, %gather3A_576 : vector<16xf32>
        %xor3A_578 = arith.constant 1 : i32
        %xor3A_579 = vector.broadcast %xor3A_578 : i32 to vector<16xi32>
        %xor3A_580 = arith.xori %iota3A, %xor3A_579 : vector<16xi32>
        %broadcast_in_dim3A_581 = vector.shape_cast %xor3A_580 : vector<16xi32> to vector<16x1xi32>
        %gather3A_582 = vector.shape_cast %broadcast_in_dim3A_581 : vector<16x1xi32> to vector<16xi32>
        %gather3A_583 = tpu.dynamic_gather %scan3A_393#10[%gather3A_582] in [0] : vector<16xf32>, vector<16xi32> -> vector<16xf32>
        %add3A_584 = arith.addf %scan3A_393#10, %gather3A_583 : vector<16xf32>
        %select_n3A_585 = arith.select %eq3A_570, %add3A_577, %add3A_584 : vector<16xi1>, vector<16xf32>
        %and3A_586 = arith.constant 1 : i32
        %and3A_587 = vector.broadcast %and3A_586 : i32 to vector<16xi32>
        %and3A_588 = arith.andi %iota3A, %and3A_587 : vector<16xi32>
        %eq3A_589 = arith.constant 0 : i32
        %eq3A_590 = vector.broadcast %eq3A_589 : i32 to vector<16xi32>
        %eq3A_591 = arith.cmpi eq, %and3A_588, %eq3A_590 : vector<16xi32>
        %xor3A_592 = arith.constant 1 : i32
        %xor3A_593 = vector.broadcast %xor3A_592 : i32 to vector<16xi32>
        %xor3A_594 = arith.xori %iota3A, %xor3A_593 : vector<16xi32>
        %broadcast_in_dim3A_595 = vector.shape_cast %xor3A_594 : vector<16xi32> to vector<16x1xi32>
        %gather3A_596 = vector.shape_cast %broadcast_in_dim3A_595 : vector<16x1xi32> to vector<16xi32>
        %gather3A_597 = tpu.dynamic_gather %scan3A_393#13[%gather3A_596] in [0] : vector<16xf32>, vector<16xi32> -> vector<16xf32>
        %add3A_598 = arith.addf %scan3A_393#13, %gather3A_597 : vector<16xf32>
        %xor3A_599 = arith.constant 1 : i32
        %xor3A_600 = vector.broadcast %xor3A_599 : i32 to vector<16xi32>
        %xor3A_601 = arith.xori %iota3A, %xor3A_600 : vector<16xi32>
        %broadcast_in_dim3A_602 = vector.shape_cast %xor3A_601 : vector<16xi32> to vector<16x1xi32>
        %gather3A_603 = vector.shape_cast %broadcast_in_dim3A_602 : vector<16x1xi32> to vector<16xi32>
        %gather3A_604 = tpu.dynamic_gather %scan3A_393#16[%gather3A_603] in [0] : vector<16xf32>, vector<16xi32> -> vector<16xf32>
        %add3A_605 = arith.addf %scan3A_393#16, %gather3A_604 : vector<16xf32>
        %select_n3A_606 = arith.select %eq3A_591, %add3A_598, %add3A_605 : vector<16xi1>, vector<16xf32>
        %and3A_607 = arith.constant 1 : i32
        %and3A_608 = vector.broadcast %and3A_607 : i32 to vector<16xi32>
        %and3A_609 = arith.andi %iota3A, %and3A_608 : vector<16xi32>
        %eq3A_610 = arith.constant 0 : i32
        %eq3A_611 = vector.broadcast %eq3A_610 : i32 to vector<16xi32>
        %eq3A_612 = arith.cmpi eq, %and3A_609, %eq3A_611 : vector<16xi32>
        %xor3A_613 = arith.constant 1 : i32
        %xor3A_614 = vector.broadcast %xor3A_613 : i32 to vector<16xi32>
        %xor3A_615 = arith.xori %iota3A, %xor3A_614 : vector<16xi32>
        %broadcast_in_dim3A_616 = vector.shape_cast %xor3A_615 : vector<16xi32> to vector<16x1xi32>
        %gather3A_617 = vector.shape_cast %broadcast_in_dim3A_616 : vector<16x1xi32> to vector<16xi32>
        %gather3A_618 = tpu.dynamic_gather %scan3A_393#19[%gather3A_617] in [0] : vector<16xf32>, vector<16xi32> -> vector<16xf32>
        %add3A_619 = arith.addf %scan3A_393#19, %gather3A_618 : vector<16xf32>
        %xor3A_620 = arith.constant 1 : i32
        %xor3A_621 = vector.broadcast %xor3A_620 : i32 to vector<16xi32>
        %xor3A_622 = arith.xori %iota3A, %xor3A_621 : vector<16xi32>
        %broadcast_in_dim3A_623 = vector.shape_cast %xor3A_622 : vector<16xi32> to vector<16x1xi32>
        %gather3A_624 = vector.shape_cast %broadcast_in_dim3A_623 : vector<16x1xi32> to vector<16xi32>
        %gather3A_625 = tpu.dynamic_gather %scan3A_393#22[%gather3A_624] in [0] : vector<16xf32>, vector<16xi32> -> vector<16xf32>
        %add3A_626 = arith.addf %scan3A_393#22, %gather3A_625 : vector<16xf32>
        %select_n3A_627 = arith.select %eq3A_612, %add3A_619, %add3A_626 : vector<16xi1>, vector<16xf32>
        %and3A_628 = arith.constant 2 : i32
        %and3A_629 = vector.broadcast %and3A_628 : i32 to vector<16xi32>
        %and3A_630 = arith.andi %iota3A, %and3A_629 : vector<16xi32>
        %eq3A_631 = arith.constant 0 : i32
        %eq3A_632 = vector.broadcast %eq3A_631 : i32 to vector<16xi32>
        %eq3A_633 = arith.cmpi eq, %and3A_630, %eq3A_632 : vector<16xi32>
        %xor3A_634 = arith.constant 2 : i32
        %xor3A_635 = vector.broadcast %xor3A_634 : i32 to vector<16xi32>
        %xor3A_636 = arith.xori %iota3A, %xor3A_635 : vector<16xi32>
        %broadcast_in_dim3A_637 = vector.shape_cast %xor3A_636 : vector<16xi32> to vector<16x1xi32>
        %gather3A_638 = vector.shape_cast %broadcast_in_dim3A_637 : vector<16x1xi32> to vector<16xi32>
        %gather3A_639 = tpu.dynamic_gather %select_n3A_564[%gather3A_638] in [0] : vector<16xf32>, vector<16xi32> -> vector<16xf32>
        %add3A_640 = arith.addf %select_n3A_564, %gather3A_639 : vector<16xf32>
        %xor3A_641 = arith.constant 2 : i32
        %xor3A_642 = vector.broadcast %xor3A_641 : i32 to vector<16xi32>
        %xor3A_643 = arith.xori %iota3A, %xor3A_642 : vector<16xi32>
        %broadcast_in_dim3A_644 = vector.shape_cast %xor3A_643 : vector<16xi32> to vector<16x1xi32>
        %gather3A_645 = vector.shape_cast %broadcast_in_dim3A_644 : vector<16x1xi32> to vector<16xi32>
        %gather3A_646 = tpu.dynamic_gather %select_n3A_585[%gather3A_645] in [0] : vector<16xf32>, vector<16xi32> -> vector<16xf32>
        %add3A_647 = arith.addf %select_n3A_585, %gather3A_646 : vector<16xf32>
        %select_n3A_648 = arith.select %eq3A_633, %add3A_640, %add3A_647 : vector<16xi1>, vector<16xf32>
        %and3A_649 = arith.constant 2 : i32
        %and3A_650 = vector.broadcast %and3A_649 : i32 to vector<16xi32>
        %and3A_651 = arith.andi %iota3A, %and3A_650 : vector<16xi32>
        %eq3A_652 = arith.constant 0 : i32
        %eq3A_653 = vector.broadcast %eq3A_652 : i32 to vector<16xi32>
        %eq3A_654 = arith.cmpi eq, %and3A_651, %eq3A_653 : vector<16xi32>
        %xor3A_655 = arith.constant 2 : i32
        %xor3A_656 = vector.broadcast %xor3A_655 : i32 to vector<16xi32>
        %xor3A_657 = arith.xori %iota3A, %xor3A_656 : vector<16xi32>
        %broadcast_in_dim3A_658 = vector.shape_cast %xor3A_657 : vector<16xi32> to vector<16x1xi32>
        %gather3A_659 = vector.shape_cast %broadcast_in_dim3A_658 : vector<16x1xi32> to vector<16xi32>
        %gather3A_660 = tpu.dynamic_gather %select_n3A_606[%gather3A_659] in [0] : vector<16xf32>, vector<16xi32> -> vector<16xf32>
        %add3A_661 = arith.addf %select_n3A_606, %gather3A_660 : vector<16xf32>
        %xor3A_662 = arith.constant 2 : i32
        %xor3A_663 = vector.broadcast %xor3A_662 : i32 to vector<16xi32>
        %xor3A_664 = arith.xori %iota3A, %xor3A_663 : vector<16xi32>
        %broadcast_in_dim3A_665 = vector.shape_cast %xor3A_664 : vector<16xi32> to vector<16x1xi32>
        %gather3A_666 = vector.shape_cast %broadcast_in_dim3A_665 : vector<16x1xi32> to vector<16xi32>
        %gather3A_667 = tpu.dynamic_gather %select_n3A_627[%gather3A_666] in [0] : vector<16xf32>, vector<16xi32> -> vector<16xf32>
        %add3A_668 = arith.addf %select_n3A_627, %gather3A_667 : vector<16xf32>
        %select_n3A_669 = arith.select %eq3A_654, %add3A_661, %add3A_668 : vector<16xi1>, vector<16xf32>
        %and3A_670 = arith.constant 4 : i32
        %and3A_671 = vector.broadcast %and3A_670 : i32 to vector<16xi32>
        %and3A_672 = arith.andi %iota3A, %and3A_671 : vector<16xi32>
        %eq3A_673 = arith.constant 0 : i32
        %eq3A_674 = vector.broadcast %eq3A_673 : i32 to vector<16xi32>
        %eq3A_675 = arith.cmpi eq, %and3A_672, %eq3A_674 : vector<16xi32>
        %xor3A_676 = arith.constant 4 : i32
        %xor3A_677 = vector.broadcast %xor3A_676 : i32 to vector<16xi32>
        %xor3A_678 = arith.xori %iota3A, %xor3A_677 : vector<16xi32>
        %broadcast_in_dim3A_679 = vector.shape_cast %xor3A_678 : vector<16xi32> to vector<16x1xi32>
        %gather3A_680 = vector.shape_cast %broadcast_in_dim3A_679 : vector<16x1xi32> to vector<16xi32>
        %gather3A_681 = tpu.dynamic_gather %select_n3A_648[%gather3A_680] in [0] : vector<16xf32>, vector<16xi32> -> vector<16xf32>
        %add3A_682 = arith.addf %select_n3A_648, %gather3A_681 : vector<16xf32>
        %xor3A_683 = arith.constant 4 : i32
        %xor3A_684 = vector.broadcast %xor3A_683 : i32 to vector<16xi32>
        %xor3A_685 = arith.xori %iota3A, %xor3A_684 : vector<16xi32>
        %broadcast_in_dim3A_686 = vector.shape_cast %xor3A_685 : vector<16xi32> to vector<16x1xi32>
        %gather3A_687 = vector.shape_cast %broadcast_in_dim3A_686 : vector<16x1xi32> to vector<16xi32>
        %gather3A_688 = tpu.dynamic_gather %select_n3A_669[%gather3A_687] in [0] : vector<16xf32>, vector<16xi32> -> vector<16xf32>
        %add3A_689 = arith.addf %select_n3A_669, %gather3A_688 : vector<16xf32>
        %select_n3A_690 = arith.select %eq3A_675, %add3A_682, %add3A_689 : vector<16xi1>, vector<16xf32>
        %xor3A_691 = arith.constant 8 : i32
        %xor3A_692 = vector.broadcast %xor3A_691 : i32 to vector<16xi32>
        %xor3A_693 = arith.xori %iota3A, %xor3A_692 : vector<16xi32>
        %broadcast_in_dim3A_694 = vector.shape_cast %xor3A_693 : vector<16xi32> to vector<16x1xi32>
        %gather3A_695 = vector.shape_cast %broadcast_in_dim3A_694 : vector<16x1xi32> to vector<16xi32>
        %gather3A_696 = tpu.dynamic_gather %select_n3A_690[%gather3A_695] in [0] : vector<16xf32>, vector<16xi32> -> vector<16xf32>
        %add3A_697 = arith.addf %select_n3A_690, %gather3A_696 : vector<16xf32>
        %and3A_698 = arith.constant 1 : i32
        %and3A_699 = vector.broadcast %and3A_698 : i32 to vector<16xi32>
        %and3A_700 = arith.andi %iota3A, %and3A_699 : vector<16xi32>
        %eq3A_701 = arith.constant 0 : i32
        %eq3A_702 = vector.broadcast %eq3A_701 : i32 to vector<16xi32>
        %eq3A_703 = arith.cmpi eq, %and3A_700, %eq3A_702 : vector<16xi32>
        %xor3A_704 = arith.constant 1 : i32
        %xor3A_705 = vector.broadcast %xor3A_704 : i32 to vector<16xi32>
        %xor3A_706 = arith.xori %iota3A, %xor3A_705 : vector<16xi32>
        %broadcast_in_dim3A_707 = vector.shape_cast %xor3A_706 : vector<16xi32> to vector<16x1xi32>
        %gather3A_708 = vector.shape_cast %broadcast_in_dim3A_707 : vector<16x1xi32> to vector<16xi32>
        %gather3A_709 = tpu.dynamic_gather %scan3A_393#2[%gather3A_708] in [0] : vector<16xf32>, vector<16xi32> -> vector<16xf32>
        %add3A_710 = arith.addf %scan3A_393#2, %gather3A_709 : vector<16xf32>
        %xor3A_711 = arith.constant 1 : i32
        %xor3A_712 = vector.broadcast %xor3A_711 : i32 to vector<16xi32>
        %xor3A_713 = arith.xori %iota3A, %xor3A_712 : vector<16xi32>
        %broadcast_in_dim3A_714 = vector.shape_cast %xor3A_713 : vector<16xi32> to vector<16x1xi32>
        %gather3A_715 = vector.shape_cast %broadcast_in_dim3A_714 : vector<16x1xi32> to vector<16xi32>
        %gather3A_716 = tpu.dynamic_gather %scan3A_393#5[%gather3A_715] in [0] : vector<16xf32>, vector<16xi32> -> vector<16xf32>
        %add3A_717 = arith.addf %scan3A_393#5, %gather3A_716 : vector<16xf32>
        %select_n3A_718 = arith.select %eq3A_703, %add3A_710, %add3A_717 : vector<16xi1>, vector<16xf32>
        %and3A_719 = arith.constant 1 : i32
        %and3A_720 = vector.broadcast %and3A_719 : i32 to vector<16xi32>
        %and3A_721 = arith.andi %iota3A, %and3A_720 : vector<16xi32>
        %eq3A_722 = arith.constant 0 : i32
        %eq3A_723 = vector.broadcast %eq3A_722 : i32 to vector<16xi32>
        %eq3A_724 = arith.cmpi eq, %and3A_721, %eq3A_723 : vector<16xi32>
        %xor3A_725 = arith.constant 1 : i32
        %xor3A_726 = vector.broadcast %xor3A_725 : i32 to vector<16xi32>
        %xor3A_727 = arith.xori %iota3A, %xor3A_726 : vector<16xi32>
        %broadcast_in_dim3A_728 = vector.shape_cast %xor3A_727 : vector<16xi32> to vector<16x1xi32>
        %gather3A_729 = vector.shape_cast %broadcast_in_dim3A_728 : vector<16x1xi32> to vector<16xi32>
        %gather3A_730 = tpu.dynamic_gather %scan3A_393#8[%gather3A_729] in [0] : vector<16xf32>, vector<16xi32> -> vector<16xf32>
        %add3A_731 = arith.addf %scan3A_393#8, %gather3A_730 : vector<16xf32>
        %xor3A_732 = arith.constant 1 : i32
        %xor3A_733 = vector.broadcast %xor3A_732 : i32 to vector<16xi32>
        %xor3A_734 = arith.xori %iota3A, %xor3A_733 : vector<16xi32>
        %broadcast_in_dim3A_735 = vector.shape_cast %xor3A_734 : vector<16xi32> to vector<16x1xi32>
        %gather3A_736 = vector.shape_cast %broadcast_in_dim3A_735 : vector<16x1xi32> to vector<16xi32>
        %gather3A_737 = tpu.dynamic_gather %scan3A_393#11[%gather3A_736] in [0] : vector<16xf32>, vector<16xi32> -> vector<16xf32>
        %add3A_738 = arith.addf %scan3A_393#11, %gather3A_737 : vector<16xf32>
        %select_n3A_739 = arith.select %eq3A_724, %add3A_731, %add3A_738 : vector<16xi1>, vector<16xf32>
        %and3A_740 = arith.constant 1 : i32
        %and3A_741 = vector.broadcast %and3A_740 : i32 to vector<16xi32>
        %and3A_742 = arith.andi %iota3A, %and3A_741 : vector<16xi32>
        %eq3A_743 = arith.constant 0 : i32
        %eq3A_744 = vector.broadcast %eq3A_743 : i32 to vector<16xi32>
        %eq3A_745 = arith.cmpi eq, %and3A_742, %eq3A_744 : vector<16xi32>
        %xor3A_746 = arith.constant 1 : i32
        %xor3A_747 = vector.broadcast %xor3A_746 : i32 to vector<16xi32>
        %xor3A_748 = arith.xori %iota3A, %xor3A_747 : vector<16xi32>
        %broadcast_in_dim3A_749 = vector.shape_cast %xor3A_748 : vector<16xi32> to vector<16x1xi32>
        %gather3A_750 = vector.shape_cast %broadcast_in_dim3A_749 : vector<16x1xi32> to vector<16xi32>
        %gather3A_751 = tpu.dynamic_gather %scan3A_393#14[%gather3A_750] in [0] : vector<16xf32>, vector<16xi32> -> vector<16xf32>
        %add3A_752 = arith.addf %scan3A_393#14, %gather3A_751 : vector<16xf32>
        %xor3A_753 = arith.constant 1 : i32
        %xor3A_754 = vector.broadcast %xor3A_753 : i32 to vector<16xi32>
        %xor3A_755 = arith.xori %iota3A, %xor3A_754 : vector<16xi32>
        %broadcast_in_dim3A_756 = vector.shape_cast %xor3A_755 : vector<16xi32> to vector<16x1xi32>
        %gather3A_757 = vector.shape_cast %broadcast_in_dim3A_756 : vector<16x1xi32> to vector<16xi32>
        %gather3A_758 = tpu.dynamic_gather %scan3A_393#17[%gather3A_757] in [0] : vector<16xf32>, vector<16xi32> -> vector<16xf32>
        %add3A_759 = arith.addf %scan3A_393#17, %gather3A_758 : vector<16xf32>
        %select_n3A_760 = arith.select %eq3A_745, %add3A_752, %add3A_759 : vector<16xi1>, vector<16xf32>
        %and3A_761 = arith.constant 1 : i32
        %and3A_762 = vector.broadcast %and3A_761 : i32 to vector<16xi32>
        %and3A_763 = arith.andi %iota3A, %and3A_762 : vector<16xi32>
        %eq3A_764 = arith.constant 0 : i32
        %eq3A_765 = vector.broadcast %eq3A_764 : i32 to vector<16xi32>
        %eq3A_766 = arith.cmpi eq, %and3A_763, %eq3A_765 : vector<16xi32>
        %xor3A_767 = arith.constant 1 : i32
        %xor3A_768 = vector.broadcast %xor3A_767 : i32 to vector<16xi32>
        %xor3A_769 = arith.xori %iota3A, %xor3A_768 : vector<16xi32>
        %broadcast_in_dim3A_770 = vector.shape_cast %xor3A_769 : vector<16xi32> to vector<16x1xi32>
        %gather3A_771 = vector.shape_cast %broadcast_in_dim3A_770 : vector<16x1xi32> to vector<16xi32>
        %gather3A_772 = tpu.dynamic_gather %scan3A_393#20[%gather3A_771] in [0] : vector<16xf32>, vector<16xi32> -> vector<16xf32>
        %add3A_773 = arith.addf %scan3A_393#20, %gather3A_772 : vector<16xf32>
        %xor3A_774 = arith.constant 1 : i32
        %xor3A_775 = vector.broadcast %xor3A_774 : i32 to vector<16xi32>
        %xor3A_776 = arith.xori %iota3A, %xor3A_775 : vector<16xi32>
        %broadcast_in_dim3A_777 = vector.shape_cast %xor3A_776 : vector<16xi32> to vector<16x1xi32>
        %gather3A_778 = vector.shape_cast %broadcast_in_dim3A_777 : vector<16x1xi32> to vector<16xi32>
        %gather3A_779 = tpu.dynamic_gather %scan3A_393#23[%gather3A_778] in [0] : vector<16xf32>, vector<16xi32> -> vector<16xf32>
        %add3A_780 = arith.addf %scan3A_393#23, %gather3A_779 : vector<16xf32>
        %select_n3A_781 = arith.select %eq3A_766, %add3A_773, %add3A_780 : vector<16xi1>, vector<16xf32>
        %and3A_782 = arith.constant 2 : i32
        %and3A_783 = vector.broadcast %and3A_782 : i32 to vector<16xi32>
        %and3A_784 = arith.andi %iota3A, %and3A_783 : vector<16xi32>
        %eq3A_785 = arith.constant 0 : i32
        %eq3A_786 = vector.broadcast %eq3A_785 : i32 to vector<16xi32>
        %eq3A_787 = arith.cmpi eq, %and3A_784, %eq3A_786 : vector<16xi32>
        %xor3A_788 = arith.constant 2 : i32
        %xor3A_789 = vector.broadcast %xor3A_788 : i32 to vector<16xi32>
        %xor3A_790 = arith.xori %iota3A, %xor3A_789 : vector<16xi32>
        %broadcast_in_dim3A_791 = vector.shape_cast %xor3A_790 : vector<16xi32> to vector<16x1xi32>
        %gather3A_792 = vector.shape_cast %broadcast_in_dim3A_791 : vector<16x1xi32> to vector<16xi32>
        %gather3A_793 = tpu.dynamic_gather %select_n3A_718[%gather3A_792] in [0] : vector<16xf32>, vector<16xi32> -> vector<16xf32>
        %add3A_794 = arith.addf %select_n3A_718, %gather3A_793 : vector<16xf32>
        %xor3A_795 = arith.constant 2 : i32
        %xor3A_796 = vector.broadcast %xor3A_795 : i32 to vector<16xi32>
        %xor3A_797 = arith.xori %iota3A, %xor3A_796 : vector<16xi32>
        %broadcast_in_dim3A_798 = vector.shape_cast %xor3A_797 : vector<16xi32> to vector<16x1xi32>
        %gather3A_799 = vector.shape_cast %broadcast_in_dim3A_798 : vector<16x1xi32> to vector<16xi32>
        %gather3A_800 = tpu.dynamic_gather %select_n3A_739[%gather3A_799] in [0] : vector<16xf32>, vector<16xi32> -> vector<16xf32>
        %add3A_801 = arith.addf %select_n3A_739, %gather3A_800 : vector<16xf32>
        %select_n3A_802 = arith.select %eq3A_787, %add3A_794, %add3A_801 : vector<16xi1>, vector<16xf32>
        %and3A_803 = arith.constant 2 : i32
        %and3A_804 = vector.broadcast %and3A_803 : i32 to vector<16xi32>
        %and3A_805 = arith.andi %iota3A, %and3A_804 : vector<16xi32>
        %eq3A_806 = arith.constant 0 : i32
        %eq3A_807 = vector.broadcast %eq3A_806 : i32 to vector<16xi32>
        %eq3A_808 = arith.cmpi eq, %and3A_805, %eq3A_807 : vector<16xi32>
        %xor3A_809 = arith.constant 2 : i32
        %xor3A_810 = vector.broadcast %xor3A_809 : i32 to vector<16xi32>
        %xor3A_811 = arith.xori %iota3A, %xor3A_810 : vector<16xi32>
        %broadcast_in_dim3A_812 = vector.shape_cast %xor3A_811 : vector<16xi32> to vector<16x1xi32>
        %gather3A_813 = vector.shape_cast %broadcast_in_dim3A_812 : vector<16x1xi32> to vector<16xi32>
        %gather3A_814 = tpu.dynamic_gather %select_n3A_760[%gather3A_813] in [0] : vector<16xf32>, vector<16xi32> -> vector<16xf32>
        %add3A_815 = arith.addf %select_n3A_760, %gather3A_814 : vector<16xf32>
        %xor3A_816 = arith.constant 2 : i32
        %xor3A_817 = vector.broadcast %xor3A_816 : i32 to vector<16xi32>
        %xor3A_818 = arith.xori %iota3A, %xor3A_817 : vector<16xi32>
        %broadcast_in_dim3A_819 = vector.shape_cast %xor3A_818 : vector<16xi32> to vector<16x1xi32>
        %gather3A_820 = vector.shape_cast %broadcast_in_dim3A_819 : vector<16x1xi32> to vector<16xi32>
        %gather3A_821 = tpu.dynamic_gather %select_n3A_781[%gather3A_820] in [0] : vector<16xf32>, vector<16xi32> -> vector<16xf32>
        %add3A_822 = arith.addf %select_n3A_781, %gather3A_821 : vector<16xf32>
        %select_n3A_823 = arith.select %eq3A_808, %add3A_815, %add3A_822 : vector<16xi1>, vector<16xf32>
        %and3A_824 = arith.constant 4 : i32
        %and3A_825 = vector.broadcast %and3A_824 : i32 to vector<16xi32>
        %and3A_826 = arith.andi %iota3A, %and3A_825 : vector<16xi32>
        %eq3A_827 = arith.constant 0 : i32
        %eq3A_828 = vector.broadcast %eq3A_827 : i32 to vector<16xi32>
        %eq3A_829 = arith.cmpi eq, %and3A_826, %eq3A_828 : vector<16xi32>
        %xor3A_830 = arith.constant 4 : i32
        %xor3A_831 = vector.broadcast %xor3A_830 : i32 to vector<16xi32>
        %xor3A_832 = arith.xori %iota3A, %xor3A_831 : vector<16xi32>
        %broadcast_in_dim3A_833 = vector.shape_cast %xor3A_832 : vector<16xi32> to vector<16x1xi32>
        %gather3A_834 = vector.shape_cast %broadcast_in_dim3A_833 : vector<16x1xi32> to vector<16xi32>
        %gather3A_835 = tpu.dynamic_gather %select_n3A_802[%gather3A_834] in [0] : vector<16xf32>, vector<16xi32> -> vector<16xf32>
        %add3A_836 = arith.addf %select_n3A_802, %gather3A_835 : vector<16xf32>
        %xor3A_837 = arith.constant 4 : i32
        %xor3A_838 = vector.broadcast %xor3A_837 : i32 to vector<16xi32>
        %xor3A_839 = arith.xori %iota3A, %xor3A_838 : vector<16xi32>
        %broadcast_in_dim3A_840 = vector.shape_cast %xor3A_839 : vector<16xi32> to vector<16x1xi32>
        %gather3A_841 = vector.shape_cast %broadcast_in_dim3A_840 : vector<16x1xi32> to vector<16xi32>
        %gather3A_842 = tpu.dynamic_gather %select_n3A_823[%gather3A_841] in [0] : vector<16xf32>, vector<16xi32> -> vector<16xf32>
        %add3A_843 = arith.addf %select_n3A_823, %gather3A_842 : vector<16xf32>
        %select_n3A_844 = arith.select %eq3A_829, %add3A_836, %add3A_843 : vector<16xi1>, vector<16xf32>
        %xor3A_845 = arith.constant 8 : i32
        %xor3A_846 = vector.broadcast %xor3A_845 : i32 to vector<16xi32>
        %xor3A_847 = arith.xori %iota3A, %xor3A_846 : vector<16xi32>
        %broadcast_in_dim3A_848 = vector.shape_cast %xor3A_847 : vector<16xi32> to vector<16x1xi32>
        %gather3A_849 = vector.shape_cast %broadcast_in_dim3A_848 : vector<16x1xi32> to vector<16xi32>
        %gather3A_850 = tpu.dynamic_gather %select_n3A_844[%gather3A_849] in [0] : vector<16xf32>, vector<16xi32> -> vector<16xf32>
        %add3A_851 = arith.addf %select_n3A_844, %gather3A_850 : vector<16xf32>
        %mul3A_852 = arith.constant 2 : i32
        %mul3A_853 = arith.muli %mul3A_852, %scan3A_384 : i32
        %add3A_854 = arith.constant 1 : i32
        %add3A_855 = arith.addi %mul3A_853, %add3A_854 : i32
        %broadcast_in_dim3A_856 = arith.constant 0.000000e+00 : f32
        %broadcast_in_dim3A_857 = vector.broadcast %broadcast_in_dim3A_856 : f32 to vector<16xf32>
        %scan3A_858 = arith.constant 0 : i32
        %scan3A_859 = arith.constant 50 : i32
        %scan3A_860 = arith.addi %scan3A_858, %scan3A_859 : i32
        %scan3A_861 = arith.constant 1 : i32
        %scan3A_862:24 = scf.for %scan3A_1365 = %scan3A_858 to %scan3A_860 step %scan3A_861 iter_args(%scan3A_1366 = %broadcast_in_dim3A_857, %scan3A_1367 = %broadcast_in_dim3A_857, %scan3A_1368 = %broadcast_in_dim3A_857, %scan3A_1369 = %broadcast_in_dim3A_857, %scan3A_1370 = %broadcast_in_dim3A_857, %scan3A_1371 = %broadcast_in_dim3A_857, %scan3A_1372 = %broadcast_in_dim3A_857, %scan3A_1373 = %broadcast_in_dim3A_857, %scan3A_1374 = %broadcast_in_dim3A_857, %scan3A_1375 = %broadcast_in_dim3A_857, %scan3A_1376 = %broadcast_in_dim3A_857, %scan3A_1377 = %broadcast_in_dim3A_857, %scan3A_1378 = %broadcast_in_dim3A_857, %scan3A_1379 = %broadcast_in_dim3A_857, %scan3A_1380 = %broadcast_in_dim3A_857, %scan3A_1381 = %broadcast_in_dim3A_857, %scan3A_1382 = %broadcast_in_dim3A_857, %scan3A_1383 = %broadcast_in_dim3A_857, %scan3A_1384 = %broadcast_in_dim3A_857, %scan3A_1385 = %broadcast_in_dim3A_857, %scan3A_1386 = %broadcast_in_dim3A_857, %scan3A_1387 = %broadcast_in_dim3A_857, %scan3A_1388 = %broadcast_in_dim3A_857, %scan3A_1389 = %broadcast_in_dim3A_857) -> (vector<16xf32>, vector<16xf32>, vector<16xf32>, vector<16xf32>, vector<16xf32>, vector<16xf32>, vector<16xf32>, vector<16xf32>, vector<16xf32>, vector<16xf32>, vector<16xf32>, vector<16xf32>, vector<16xf32>, vector<16xf32>, vector<16xf32>, vector<16xf32>, vector<16xf32>, vector<16xf32>, vector<16xf32>, vector<16xf32>, vector<16xf32>, vector<16xf32>, vector<16xf32>, vector<16xf32>)  : i32 {
          %get3A = arith.constant 0 : i32
          %get3A_1390 = arith.index_cast %get3A : i32 to index
          %get3A_1391 = arith.index_cast %scan3A_1365 : i32 to index
          %get3A_1392 = arith.constant 0 : index
          %get3A_1393 = tpu.vector_load %arg11[%get3A_1390, %get3A_1391, %get3A_1392] {strides = array<i32>} : memref<3x50x16xf32, #tpu.memory_space<vmem>>, vector<1x1x16xf32>,
          %get3A_1394 = vector.shape_cast %get3A_1393 : vector<1x1x16xf32> to vector<16xf32>
          %get3A_1395 = arith.constant 1 : i32
          %get3A_1396 = arith.index_cast %get3A_1395 : i32 to index
          %get3A_1397 = arith.index_cast %scan3A_1365 : i32 to index
          %get3A_1398 = arith.constant 0 : index
          %get3A_1399 = tpu.vector_load %arg11[%get3A_1396, %get3A_1397, %get3A_1398] {strides = array<i32>} : memref<3x50x16xf32, #tpu.memory_space<vmem>>, vector<1x1x16xf32>,
          %get3A_1400 = vector.shape_cast %get3A_1399 : vector<1x1x16xf32> to vector<16xf32>
          %get3A_1401 = arith.constant 2 : i32
          %get3A_1402 = arith.index_cast %get3A_1401 : i32 to index
          %get3A_1403 = arith.index_cast %scan3A_1365 : i32 to index
          %get3A_1404 = arith.constant 0 : index
          %get3A_1405 = tpu.vector_load %arg11[%get3A_1402, %get3A_1403, %get3A_1404] {strides = array<i32>} : memref<3x50x16xf32, #tpu.memory_space<vmem>>, vector<1x1x16xf32>,
          %get3A_1406 = vector.shape_cast %get3A_1405 : vector<1x1x16xf32> to vector<16xf32>
          %mul3A_1407 = arith.constant 400 : i32
          %mul3A_1408 = arith.muli %add3A_855, %mul3A_1407 : i32
          %add3A_1409 = arith.addi %mul3A_1408, %scan3A_1365 : i32
          %add3A_1410 = arith.constant 0 : i32
          %add3A_1411 = arith.addi %add3A_1409, %add3A_1410 : i32
          %get3A_1412 = arith.index_cast %add3A_1411 : i32 to index
          %get3A_1413 = arith.constant 0 : index
          %get3A_1414 = tpu.vector_load %arg10[%get3A_1412, %get3A_1413] {strides = array<i32>} : memref<1600x16xf32, #tpu.memory_space<vmem>>, vector<1x16xf32>,
          %get3A_1415 = vector.shape_cast %get3A_1414 : vector<1x16xf32> to vector<16xf32>
          %mul3A_1416 = arith.mulf %get3A_1415, %get3A_1394 : vector<16xf32>
          %add3A_1417 = arith.addf %scan3A_1366, %mul3A_1416 : vector<16xf32>
          %mul3A_1418 = arith.mulf %get3A_1415, %get3A_1400 : vector<16xf32>
          %add3A_1419 = arith.addf %scan3A_1367, %mul3A_1418 : vector<16xf32>
          %mul3A_1420 = arith.mulf %get3A_1415, %get3A_1406 : vector<16xf32>
          %add3A_1421 = arith.addf %scan3A_1368, %mul3A_1420 : vector<16xf32>
          %add3A_1422 = arith.constant 50 : i32
          %add3A_1423 = arith.addi %add3A_1409, %add3A_1422 : i32
          %get3A_1424 = arith.index_cast %add3A_1423 : i32 to index
          %get3A_1425 = arith.constant 0 : index
          %get3A_1426 = tpu.vector_load %arg10[%get3A_1424, %get3A_1425] {strides = array<i32>} : memref<1600x16xf32, #tpu.memory_space<vmem>>, vector<1x16xf32>,
          %get3A_1427 = vector.shape_cast %get3A_1426 : vector<1x16xf32> to vector<16xf32>
          %mul3A_1428 = arith.mulf %get3A_1427, %get3A_1394 : vector<16xf32>
          %add3A_1429 = arith.addf %scan3A_1369, %mul3A_1428 : vector<16xf32>
          %mul3A_1430 = arith.mulf %get3A_1427, %get3A_1400 : vector<16xf32>
          %add3A_1431 = arith.addf %scan3A_1370, %mul3A_1430 : vector<16xf32>
          %mul3A_1432 = arith.mulf %get3A_1427, %get3A_1406 : vector<16xf32>
          %add3A_1433 = arith.addf %scan3A_1371, %mul3A_1432 : vector<16xf32>
          %add3A_1434 = arith.constant 100 : i32
          %add3A_1435 = arith.addi %add3A_1409, %add3A_1434 : i32
          %get3A_1436 = arith.index_cast %add3A_1435 : i32 to index
          %get3A_1437 = arith.constant 0 : index
          %get3A_1438 = tpu.vector_load %arg10[%get3A_1436, %get3A_1437] {strides = array<i32>} : memref<1600x16xf32, #tpu.memory_space<vmem>>, vector<1x16xf32>,
          %get3A_1439 = vector.shape_cast %get3A_1438 : vector<1x16xf32> to vector<16xf32>
          %mul3A_1440 = arith.mulf %get3A_1439, %get3A_1394 : vector<16xf32>
          %add3A_1441 = arith.addf %scan3A_1372, %mul3A_1440 : vector<16xf32>
          %mul3A_1442 = arith.mulf %get3A_1439, %get3A_1400 : vector<16xf32>
          %add3A_1443 = arith.addf %scan3A_1373, %mul3A_1442 : vector<16xf32>
          %mul3A_1444 = arith.mulf %get3A_1439, %get3A_1406 : vector<16xf32>
          %add3A_1445 = arith.addf %scan3A_1374, %mul3A_1444 : vector<16xf32>
          %add3A_1446 = arith.constant 150 : i32
          %add3A_1447 = arith.addi %add3A_1409, %add3A_1446 : i32
          %get3A_1448 = arith.index_cast %add3A_1447 : i32 to index
          %get3A_1449 = arith.constant 0 : index
          %get3A_1450 = tpu.vector_load %arg10[%get3A_1448, %get3A_1449] {strides = array<i32>} : memref<1600x16xf32, #tpu.memory_space<vmem>>, vector<1x16xf32>,
          %get3A_1451 = vector.shape_cast %get3A_1450 : vector<1x16xf32> to vector<16xf32>
          %mul3A_1452 = arith.mulf %get3A_1451, %get3A_1394 : vector<16xf32>
          %add3A_1453 = arith.addf %scan3A_1375, %mul3A_1452 : vector<16xf32>
          %mul3A_1454 = arith.mulf %get3A_1451, %get3A_1400 : vector<16xf32>
          %add3A_1455 = arith.addf %scan3A_1376, %mul3A_1454 : vector<16xf32>
          %mul3A_1456 = arith.mulf %get3A_1451, %get3A_1406 : vector<16xf32>
          %add3A_1457 = arith.addf %scan3A_1377, %mul3A_1456 : vector<16xf32>
          %add3A_1458 = arith.constant 200 : i32
          %add3A_1459 = arith.addi %add3A_1409, %add3A_1458 : i32
          %get3A_1460 = arith.index_cast %add3A_1459 : i32 to index
          %get3A_1461 = arith.constant 0 : index
          %get3A_1462 = tpu.vector_load %arg10[%get3A_1460, %get3A_1461] {strides = array<i32>} : memref<1600x16xf32, #tpu.memory_space<vmem>>, vector<1x16xf32>,
          %get3A_1463 = vector.shape_cast %get3A_1462 : vector<1x16xf32> to vector<16xf32>
          %mul3A_1464 = arith.mulf %get3A_1463, %get3A_1394 : vector<16xf32>
          %add3A_1465 = arith.addf %scan3A_1378, %mul3A_1464 : vector<16xf32>
          %mul3A_1466 = arith.mulf %get3A_1463, %get3A_1400 : vector<16xf32>
          %add3A_1467 = arith.addf %scan3A_1379, %mul3A_1466 : vector<16xf32>
          %mul3A_1468 = arith.mulf %get3A_1463, %get3A_1406 : vector<16xf32>
          %add3A_1469 = arith.addf %scan3A_1380, %mul3A_1468 : vector<16xf32>
          %add3A_1470 = arith.constant 250 : i32
          %add3A_1471 = arith.addi %add3A_1409, %add3A_1470 : i32
          %get3A_1472 = arith.index_cast %add3A_1471 : i32 to index
          %get3A_1473 = arith.constant 0 : index
          %get3A_1474 = tpu.vector_load %arg10[%get3A_1472, %get3A_1473] {strides = array<i32>} : memref<1600x16xf32, #tpu.memory_space<vmem>>, vector<1x16xf32>,
          %get3A_1475 = vector.shape_cast %get3A_1474 : vector<1x16xf32> to vector<16xf32>
          %mul3A_1476 = arith.mulf %get3A_1475, %get3A_1394 : vector<16xf32>
          %add3A_1477 = arith.addf %scan3A_1381, %mul3A_1476 : vector<16xf32>
          %mul3A_1478 = arith.mulf %get3A_1475, %get3A_1400 : vector<16xf32>
          %add3A_1479 = arith.addf %scan3A_1382, %mul3A_1478 : vector<16xf32>
          %mul3A_1480 = arith.mulf %get3A_1475, %get3A_1406 : vector<16xf32>
          %add3A_1481 = arith.addf %scan3A_1383, %mul3A_1480 : vector<16xf32>
          %add3A_1482 = arith.constant 300 : i32
          %add3A_1483 = arith.addi %add3A_1409, %add3A_1482 : i32
          %get3A_1484 = arith.index_cast %add3A_1483 : i32 to index
          %get3A_1485 = arith.constant 0 : index
          %get3A_1486 = tpu.vector_load %arg10[%get3A_1484, %get3A_1485] {strides = array<i32>} : memref<1600x16xf32, #tpu.memory_space<vmem>>, vector<1x16xf32>,
          %get3A_1487 = vector.shape_cast %get3A_1486 : vector<1x16xf32> to vector<16xf32>
          %mul3A_1488 = arith.mulf %get3A_1487, %get3A_1394 : vector<16xf32>
          %add3A_1489 = arith.addf %scan3A_1384, %mul3A_1488 : vector<16xf32>
          %mul3A_1490 = arith.mulf %get3A_1487, %get3A_1400 : vector<16xf32>
          %add3A_1491 = arith.addf %scan3A_1385, %mul3A_1490 : vector<16xf32>
          %mul3A_1492 = arith.mulf %get3A_1487, %get3A_1406 : vector<16xf32>
          %add3A_1493 = arith.addf %scan3A_1386, %mul3A_1492 : vector<16xf32>
          %add3A_1494 = arith.constant 350 : i32
          %add3A_1495 = arith.addi %add3A_1409, %add3A_1494 : i32
          %get3A_1496 = arith.index_cast %add3A_1495 : i32 to index
          %get3A_1497 = arith.constant 0 : index
          %get3A_1498 = tpu.vector_load %arg10[%get3A_1496, %get3A_1497] {strides = array<i32>} : memref<1600x16xf32, #tpu.memory_space<vmem>>, vector<1x16xf32>,
          %get3A_1499 = vector.shape_cast %get3A_1498 : vector<1x16xf32> to vector<16xf32>
          %mul3A_1500 = arith.mulf %get3A_1499, %get3A_1394 : vector<16xf32>
          %add3A_1501 = arith.addf %scan3A_1387, %mul3A_1500 : vector<16xf32>
          %mul3A_1502 = arith.mulf %get3A_1499, %get3A_1400 : vector<16xf32>
          %add3A_1503 = arith.addf %scan3A_1388, %mul3A_1502 : vector<16xf32>
          %mul3A_1504 = arith.mulf %get3A_1499, %get3A_1406 : vector<16xf32>
          %add3A_1505 = arith.addf %scan3A_1389, %mul3A_1504 : vector<16xf32>
          scf.yield %add3A_1417, %add3A_1419, %add3A_1421, %add3A_1429, %add3A_1431, %add3A_1433, %add3A_1441, %add3A_1443, %add3A_1445, %add3A_1453, %add3A_1455, %add3A_1457, %add3A_1465, %add3A_1467, %add3A_1469, %add3A_1477, %add3A_1479, %add3A_1481, %add3A_1489, %add3A_1491, %add3A_1493, %add3A_1501, %add3A_1503, %add3A_1505 : vector<16xf32>, vector<16xf32>, vector<16xf32>, vector<16xf32>, vector<16xf32>, vector<16xf32>, vector<16xf32>, vector<16xf32>, vector<16xf32>, vector<16xf32>, vector<16xf32>, vector<16xf32>, vector<16xf32>, vector<16xf32>, vector<16xf32>, vector<16xf32>, vector<16xf32>, vector<16xf32>, vector<16xf32>, vector<16xf32>, vector<16xf32>, vector<16xf32>, vector<16xf32>, vector<16xf32>
        }
        %scan3A_863 = arith.constant 50 : i32
        %and3A_864 = arith.constant 1 : i32
        %and3A_865 = vector.broadcast %and3A_864 : i32 to vector<16xi32>
        %and3A_866 = arith.andi %iota3A, %and3A_865 : vector<16xi32>
        %eq3A_867 = arith.constant 0 : i32
        %eq3A_868 = vector.broadcast %eq3A_867 : i32 to vector<16xi32>
        %eq3A_869 = arith.cmpi eq, %and3A_866, %eq3A_868 : vector<16xi32>
        %xor3A_870 = arith.constant 1 : i32
        %xor3A_871 = vector.broadcast %xor3A_870 : i32 to vector<16xi32>
        %xor3A_872 = arith.xori %iota3A, %xor3A_871 : vector<16xi32>
        %broadcast_in_dim3A_873 = vector.shape_cast %xor3A_872 : vector<16xi32> to vector<16x1xi32>
        %gather3A_874 = vector.shape_cast %broadcast_in_dim3A_873 : vector<16x1xi32> to vector<16xi32>
        %gather3A_875 = tpu.dynamic_gather %scan3A_862#0[%gather3A_874] in [0] : vector<16xf32>, vector<16xi32> -> vector<16xf32>
        %add3A_876 = arith.addf %scan3A_862#0, %gather3A_875 : vector<16xf32>
        %xor3A_877 = arith.constant 1 : i32
        %xor3A_878 = vector.broadcast %xor3A_877 : i32 to vector<16xi32>
        %xor3A_879 = arith.xori %iota3A, %xor3A_878 : vector<16xi32>
        %broadcast_in_dim3A_880 = vector.shape_cast %xor3A_879 : vector<16xi32> to vector<16x1xi32>
        %gather3A_881 = vector.shape_cast %broadcast_in_dim3A_880 : vector<16x1xi32> to vector<16xi32>
        %gather3A_882 = tpu.dynamic_gather %scan3A_862#3[%gather3A_881] in [0] : vector<16xf32>, vector<16xi32> -> vector<16xf32>
        %add3A_883 = arith.addf %scan3A_862#3, %gather3A_882 : vector<16xf32>
        %select_n3A_884 = arith.select %eq3A_869, %add3A_876, %add3A_883 : vector<16xi1>, vector<16xf32>
        %and3A_885 = arith.constant 1 : i32
        %and3A_886 = vector.broadcast %and3A_885 : i32 to vector<16xi32>
        %and3A_887 = arith.andi %iota3A, %and3A_886 : vector<16xi32>
        %eq3A_888 = arith.constant 0 : i32
        %eq3A_889 = vector.broadcast %eq3A_888 : i32 to vector<16xi32>
        %eq3A_890 = arith.cmpi eq, %and3A_887, %eq3A_889 : vector<16xi32>
        %xor3A_891 = arith.constant 1 : i32
        %xor3A_892 = vector.broadcast %xor3A_891 : i32 to vector<16xi32>
        %xor3A_893 = arith.xori %iota3A, %xor3A_892 : vector<16xi32>
        %broadcast_in_dim3A_894 = vector.shape_cast %xor3A_893 : vector<16xi32> to vector<16x1xi32>
        %gather3A_895 = vector.shape_cast %broadcast_in_dim3A_894 : vector<16x1xi32> to vector<16xi32>
        %gather3A_896 = tpu.dynamic_gather %scan3A_862#6[%gather3A_895] in [0] : vector<16xf32>, vector<16xi32> -> vector<16xf32>
        %add3A_897 = arith.addf %scan3A_862#6, %gather3A_896 : vector<16xf32>
        %xor3A_898 = arith.constant 1 : i32
        %xor3A_899 = vector.broadcast %xor3A_898 : i32 to vector<16xi32>
        %xor3A_900 = arith.xori %iota3A, %xor3A_899 : vector<16xi32>
        %broadcast_in_dim3A_901 = vector.shape_cast %xor3A_900 : vector<16xi32> to vector<16x1xi32>
        %gather3A_902 = vector.shape_cast %broadcast_in_dim3A_901 : vector<16x1xi32> to vector<16xi32>
        %gather3A_903 = tpu.dynamic_gather %scan3A_862#9[%gather3A_902] in [0] : vector<16xf32>, vector<16xi32> -> vector<16xf32>
        %add3A_904 = arith.addf %scan3A_862#9, %gather3A_903 : vector<16xf32>
        %select_n3A_905 = arith.select %eq3A_890, %add3A_897, %add3A_904 : vector<16xi1>, vector<16xf32>
        %and3A_906 = arith.constant 1 : i32
        %and3A_907 = vector.broadcast %and3A_906 : i32 to vector<16xi32>
        %and3A_908 = arith.andi %iota3A, %and3A_907 : vector<16xi32>
        %eq3A_909 = arith.constant 0 : i32
        %eq3A_910 = vector.broadcast %eq3A_909 : i32 to vector<16xi32>
        %eq3A_911 = arith.cmpi eq, %and3A_908, %eq3A_910 : vector<16xi32>
        %xor3A_912 = arith.constant 1 : i32
        %xor3A_913 = vector.broadcast %xor3A_912 : i32 to vector<16xi32>
        %xor3A_914 = arith.xori %iota3A, %xor3A_913 : vector<16xi32>
        %broadcast_in_dim3A_915 = vector.shape_cast %xor3A_914 : vector<16xi32> to vector<16x1xi32>
        %gather3A_916 = vector.shape_cast %broadcast_in_dim3A_915 : vector<16x1xi32> to vector<16xi32>
        %gather3A_917 = tpu.dynamic_gather %scan3A_862#12[%gather3A_916] in [0] : vector<16xf32>, vector<16xi32> -> vector<16xf32>
        %add3A_918 = arith.addf %scan3A_862#12, %gather3A_917 : vector<16xf32>
        %xor3A_919 = arith.constant 1 : i32
        %xor3A_920 = vector.broadcast %xor3A_919 : i32 to vector<16xi32>
        %xor3A_921 = arith.xori %iota3A, %xor3A_920 : vector<16xi32>
        %broadcast_in_dim3A_922 = vector.shape_cast %xor3A_921 : vector<16xi32> to vector<16x1xi32>
        %gather3A_923 = vector.shape_cast %broadcast_in_dim3A_922 : vector<16x1xi32> to vector<16xi32>
        %gather3A_924 = tpu.dynamic_gather %scan3A_862#15[%gather3A_923] in [0] : vector<16xf32>, vector<16xi32> -> vector<16xf32>
        %add3A_925 = arith.addf %scan3A_862#15, %gather3A_924 : vector<16xf32>
        %select_n3A_926 = arith.select %eq3A_911, %add3A_918, %add3A_925 : vector<16xi1>, vector<16xf32>
        %and3A_927 = arith.constant 1 : i32
        %and3A_928 = vector.broadcast %and3A_927 : i32 to vector<16xi32>
        %and3A_929 = arith.andi %iota3A, %and3A_928 : vector<16xi32>
        %eq3A_930 = arith.constant 0 : i32
        %eq3A_931 = vector.broadcast %eq3A_930 : i32 to vector<16xi32>
        %eq3A_932 = arith.cmpi eq, %and3A_929, %eq3A_931 : vector<16xi32>
        %xor3A_933 = arith.constant 1 : i32
        %xor3A_934 = vector.broadcast %xor3A_933 : i32 to vector<16xi32>
        %xor3A_935 = arith.xori %iota3A, %xor3A_934 : vector<16xi32>
        %broadcast_in_dim3A_936 = vector.shape_cast %xor3A_935 : vector<16xi32> to vector<16x1xi32>
        %gather3A_937 = vector.shape_cast %broadcast_in_dim3A_936 : vector<16x1xi32> to vector<16xi32>
        %gather3A_938 = tpu.dynamic_gather %scan3A_862#18[%gather3A_937] in [0] : vector<16xf32>, vector<16xi32> -> vector<16xf32>
        %add3A_939 = arith.addf %scan3A_862#18, %gather3A_938 : vector<16xf32>
        %xor3A_940 = arith.constant 1 : i32
        %xor3A_941 = vector.broadcast %xor3A_940 : i32 to vector<16xi32>
        %xor3A_942 = arith.xori %iota3A, %xor3A_941 : vector<16xi32>
        %broadcast_in_dim3A_943 = vector.shape_cast %xor3A_942 : vector<16xi32> to vector<16x1xi32>
        %gather3A_944 = vector.shape_cast %broadcast_in_dim3A_943 : vector<16x1xi32> to vector<16xi32>
        %gather3A_945 = tpu.dynamic_gather %scan3A_862#21[%gather3A_944] in [0] : vector<16xf32>, vector<16xi32> -> vector<16xf32>
        %add3A_946 = arith.addf %scan3A_862#21, %gather3A_945 : vector<16xf32>
        %select_n3A_947 = arith.select %eq3A_932, %add3A_939, %add3A_946 : vector<16xi1>, vector<16xf32>
        %and3A_948 = arith.constant 2 : i32
        %and3A_949 = vector.broadcast %and3A_948 : i32 to vector<16xi32>
        %and3A_950 = arith.andi %iota3A, %and3A_949 : vector<16xi32>
        %eq3A_951 = arith.constant 0 : i32
        %eq3A_952 = vector.broadcast %eq3A_951 : i32 to vector<16xi32>
        %eq3A_953 = arith.cmpi eq, %and3A_950, %eq3A_952 : vector<16xi32>
        %xor3A_954 = arith.constant 2 : i32
        %xor3A_955 = vector.broadcast %xor3A_954 : i32 to vector<16xi32>
        %xor3A_956 = arith.xori %iota3A, %xor3A_955 : vector<16xi32>
        %broadcast_in_dim3A_957 = vector.shape_cast %xor3A_956 : vector<16xi32> to vector<16x1xi32>
        %gather3A_958 = vector.shape_cast %broadcast_in_dim3A_957 : vector<16x1xi32> to vector<16xi32>
        %gather3A_959 = tpu.dynamic_gather %select_n3A_884[%gather3A_958] in [0] : vector<16xf32>, vector<16xi32> -> vector<16xf32>
        %add3A_960 = arith.addf %select_n3A_884, %gather3A_959 : vector<16xf32>
        %xor3A_961 = arith.constant 2 : i32
        %xor3A_962 = vector.broadcast %xor3A_961 : i32 to vector<16xi32>
        %xor3A_963 = arith.xori %iota3A, %xor3A_962 : vector<16xi32>
        %broadcast_in_dim3A_964 = vector.shape_cast %xor3A_963 : vector<16xi32> to vector<16x1xi32>
        %gather3A_965 = vector.shape_cast %broadcast_in_dim3A_964 : vector<16x1xi32> to vector<16xi32>
        %gather3A_966 = tpu.dynamic_gather %select_n3A_905[%gather3A_965] in [0] : vector<16xf32>, vector<16xi32> -> vector<16xf32>
        %add3A_967 = arith.addf %select_n3A_905, %gather3A_966 : vector<16xf32>
        %select_n3A_968 = arith.select %eq3A_953, %add3A_960, %add3A_967 : vector<16xi1>, vector<16xf32>
        %and3A_969 = arith.constant 2 : i32
        %and3A_970 = vector.broadcast %and3A_969 : i32 to vector<16xi32>
        %and3A_971 = arith.andi %iota3A, %and3A_970 : vector<16xi32>
        %eq3A_972 = arith.constant 0 : i32
        %eq3A_973 = vector.broadcast %eq3A_972 : i32 to vector<16xi32>
        %eq3A_974 = arith.cmpi eq, %and3A_971, %eq3A_973 : vector<16xi32>
        %xor3A_975 = arith.constant 2 : i32
        %xor3A_976 = vector.broadcast %xor3A_975 : i32 to vector<16xi32>
        %xor3A_977 = arith.xori %iota3A, %xor3A_976 : vector<16xi32>
        %broadcast_in_dim3A_978 = vector.shape_cast %xor3A_977 : vector<16xi32> to vector<16x1xi32>
        %gather3A_979 = vector.shape_cast %broadcast_in_dim3A_978 : vector<16x1xi32> to vector<16xi32>
        %gather3A_980 = tpu.dynamic_gather %select_n3A_926[%gather3A_979] in [0] : vector<16xf32>, vector<16xi32> -> vector<16xf32>
        %add3A_981 = arith.addf %select_n3A_926, %gather3A_980 : vector<16xf32>
        %xor3A_982 = arith.constant 2 : i32
        %xor3A_983 = vector.broadcast %xor3A_982 : i32 to vector<16xi32>
        %xor3A_984 = arith.xori %iota3A, %xor3A_983 : vector<16xi32>
        %broadcast_in_dim3A_985 = vector.shape_cast %xor3A_984 : vector<16xi32> to vector<16x1xi32>
        %gather3A_986 = vector.shape_cast %broadcast_in_dim3A_985 : vector<16x1xi32> to vector<16xi32>
        %gather3A_987 = tpu.dynamic_gather %select_n3A_947[%gather3A_986] in [0] : vector<16xf32>, vector<16xi32> -> vector<16xf32>
        %add3A_988 = arith.addf %select_n3A_947, %gather3A_987 : vector<16xf32>
        %select_n3A_989 = arith.select %eq3A_974, %add3A_981, %add3A_988 : vector<16xi1>, vector<16xf32>
        %and3A_990 = arith.constant 4 : i32
        %and3A_991 = vector.broadcast %and3A_990 : i32 to vector<16xi32>
        %and3A_992 = arith.andi %iota3A, %and3A_991 : vector<16xi32>
        %eq3A_993 = arith.constant 0 : i32
        %eq3A_994 = vector.broadcast %eq3A_993 : i32 to vector<16xi32>
        %eq3A_995 = arith.cmpi eq, %and3A_992, %eq3A_994 : vector<16xi32>
        %xor3A_996 = arith.constant 4 : i32
        %xor3A_997 = vector.broadcast %xor3A_996 : i32 to vector<16xi32>
        %xor3A_998 = arith.xori %iota3A, %xor3A_997 : vector<16xi32>
        %broadcast_in_dim3A_999 = vector.shape_cast %xor3A_998 : vector<16xi32> to vector<16x1xi32>
        %gather3A_1000 = vector.shape_cast %broadcast_in_dim3A_999 : vector<16x1xi32> to vector<16xi32>
        %gather3A_1001 = tpu.dynamic_gather %select_n3A_968[%gather3A_1000] in [0] : vector<16xf32>, vector<16xi32> -> vector<16xf32>
        %add3A_1002 = arith.addf %select_n3A_968, %gather3A_1001 : vector<16xf32>
        %xor3A_1003 = arith.constant 4 : i32
        %xor3A_1004 = vector.broadcast %xor3A_1003 : i32 to vector<16xi32>
        %xor3A_1005 = arith.xori %iota3A, %xor3A_1004 : vector<16xi32>
        %broadcast_in_dim3A_1006 = vector.shape_cast %xor3A_1005 : vector<16xi32> to vector<16x1xi32>
        %gather3A_1007 = vector.shape_cast %broadcast_in_dim3A_1006 : vector<16x1xi32> to vector<16xi32>
        %gather3A_1008 = tpu.dynamic_gather %select_n3A_989[%gather3A_1007] in [0] : vector<16xf32>, vector<16xi32> -> vector<16xf32>
        %add3A_1009 = arith.addf %select_n3A_989, %gather3A_1008 : vector<16xf32>
        %select_n3A_1010 = arith.select %eq3A_995, %add3A_1002, %add3A_1009 : vector<16xi1>, vector<16xf32>
        %xor3A_1011 = arith.constant 8 : i32
        %xor3A_1012 = vector.broadcast %xor3A_1011 : i32 to vector<16xi32>
        %xor3A_1013 = arith.xori %iota3A, %xor3A_1012 : vector<16xi32>
        %broadcast_in_dim3A_1014 = vector.shape_cast %xor3A_1013 : vector<16xi32> to vector<16x1xi32>
        %gather3A_1015 = vector.shape_cast %broadcast_in_dim3A_1014 : vector<16x1xi32> to vector<16xi32>
        %gather3A_1016 = tpu.dynamic_gather %select_n3A_1010[%gather3A_1015] in [0] : vector<16xf32>, vector<16xi32> -> vector<16xf32>
        %add3A_1017 = arith.addf %select_n3A_1010, %gather3A_1016 : vector<16xf32>
        %and3A_1018 = arith.constant 1 : i32
        %and3A_1019 = vector.broadcast %and3A_1018 : i32 to vector<16xi32>
        %and3A_1020 = arith.andi %iota3A, %and3A_1019 : vector<16xi32>
        %eq3A_1021 = arith.constant 0 : i32
        %eq3A_1022 = vector.broadcast %eq3A_1021 : i32 to vector<16xi32>
        %eq3A_1023 = arith.cmpi eq, %and3A_1020, %eq3A_1022 : vector<16xi32>
        %xor3A_1024 = arith.constant 1 : i32
        %xor3A_1025 = vector.broadcast %xor3A_1024 : i32 to vector<16xi32>
        %xor3A_1026 = arith.xori %iota3A, %xor3A_1025 : vector<16xi32>
        %broadcast_in_dim3A_1027 = vector.shape_cast %xor3A_1026 : vector<16xi32> to vector<16x1xi32>
        %gather3A_1028 = vector.shape_cast %broadcast_in_dim3A_1027 : vector<16x1xi32> to vector<16xi32>
        %gather3A_1029 = tpu.dynamic_gather %scan3A_862#1[%gather3A_1028] in [0] : vector<16xf32>, vector<16xi32> -> vector<16xf32>
        %add3A_1030 = arith.addf %scan3A_862#1, %gather3A_1029 : vector<16xf32>
        %xor3A_1031 = arith.constant 1 : i32
        %xor3A_1032 = vector.broadcast %xor3A_1031 : i32 to vector<16xi32>
        %xor3A_1033 = arith.xori %iota3A, %xor3A_1032 : vector<16xi32>
        %broadcast_in_dim3A_1034 = vector.shape_cast %xor3A_1033 : vector<16xi32> to vector<16x1xi32>
        %gather3A_1035 = vector.shape_cast %broadcast_in_dim3A_1034 : vector<16x1xi32> to vector<16xi32>
        %gather3A_1036 = tpu.dynamic_gather %scan3A_862#4[%gather3A_1035] in [0] : vector<16xf32>, vector<16xi32> -> vector<16xf32>
        %add3A_1037 = arith.addf %scan3A_862#4, %gather3A_1036 : vector<16xf32>
        %select_n3A_1038 = arith.select %eq3A_1023, %add3A_1030, %add3A_1037 : vector<16xi1>, vector<16xf32>
        %and3A_1039 = arith.constant 1 : i32
        %and3A_1040 = vector.broadcast %and3A_1039 : i32 to vector<16xi32>
        %and3A_1041 = arith.andi %iota3A, %and3A_1040 : vector<16xi32>
        %eq3A_1042 = arith.constant 0 : i32
        %eq3A_1043 = vector.broadcast %eq3A_1042 : i32 to vector<16xi32>
        %eq3A_1044 = arith.cmpi eq, %and3A_1041, %eq3A_1043 : vector<16xi32>
        %xor3A_1045 = arith.constant 1 : i32
        %xor3A_1046 = vector.broadcast %xor3A_1045 : i32 to vector<16xi32>
        %xor3A_1047 = arith.xori %iota3A, %xor3A_1046 : vector<16xi32>
        %broadcast_in_dim3A_1048 = vector.shape_cast %xor3A_1047 : vector<16xi32> to vector<16x1xi32>
        %gather3A_1049 = vector.shape_cast %broadcast_in_dim3A_1048 : vector<16x1xi32> to vector<16xi32>
        %gather3A_1050 = tpu.dynamic_gather %scan3A_862#7[%gather3A_1049] in [0] : vector<16xf32>, vector<16xi32> -> vector<16xf32>
        %add3A_1051 = arith.addf %scan3A_862#7, %gather3A_1050 : vector<16xf32>
        %xor3A_1052 = arith.constant 1 : i32
        %xor3A_1053 = vector.broadcast %xor3A_1052 : i32 to vector<16xi32>
        %xor3A_1054 = arith.xori %iota3A, %xor3A_1053 : vector<16xi32>
        %broadcast_in_dim3A_1055 = vector.shape_cast %xor3A_1054 : vector<16xi32> to vector<16x1xi32>
        %gather3A_1056 = vector.shape_cast %broadcast_in_dim3A_1055 : vector<16x1xi32> to vector<16xi32>
        %gather3A_1057 = tpu.dynamic_gather %scan3A_862#10[%gather3A_1056] in [0] : vector<16xf32>, vector<16xi32> -> vector<16xf32>
        %add3A_1058 = arith.addf %scan3A_862#10, %gather3A_1057 : vector<16xf32>
        %select_n3A_1059 = arith.select %eq3A_1044, %add3A_1051, %add3A_1058 : vector<16xi1>, vector<16xf32>
        %and3A_1060 = arith.constant 1 : i32
        %and3A_1061 = vector.broadcast %and3A_1060 : i32 to vector<16xi32>
        %and3A_1062 = arith.andi %iota3A, %and3A_1061 : vector<16xi32>
        %eq3A_1063 = arith.constant 0 : i32
        %eq3A_1064 = vector.broadcast %eq3A_1063 : i32 to vector<16xi32>
        %eq3A_1065 = arith.cmpi eq, %and3A_1062, %eq3A_1064 : vector<16xi32>
        %xor3A_1066 = arith.constant 1 : i32
        %xor3A_1067 = vector.broadcast %xor3A_1066 : i32 to vector<16xi32>
        %xor3A_1068 = arith.xori %iota3A, %xor3A_1067 : vector<16xi32>
        %broadcast_in_dim3A_1069 = vector.shape_cast %xor3A_1068 : vector<16xi32> to vector<16x1xi32>
        %gather3A_1070 = vector.shape_cast %broadcast_in_dim3A_1069 : vector<16x1xi32> to vector<16xi32>
        %gather3A_1071 = tpu.dynamic_gather %scan3A_862#13[%gather3A_1070] in [0] : vector<16xf32>, vector<16xi32> -> vector<16xf32>
        %add3A_1072 = arith.addf %scan3A_862#13, %gather3A_1071 : vector<16xf32>
        %xor3A_1073 = arith.constant 1 : i32
        %xor3A_1074 = vector.broadcast %xor3A_1073 : i32 to vector<16xi32>
        %xor3A_1075 = arith.xori %iota3A, %xor3A_1074 : vector<16xi32>
        %broadcast_in_dim3A_1076 = vector.shape_cast %xor3A_1075 : vector<16xi32> to vector<16x1xi32>
        %gather3A_1077 = vector.shape_cast %broadcast_in_dim3A_1076 : vector<16x1xi32> to vector<16xi32>
        %gather3A_1078 = tpu.dynamic_gather %scan3A_862#16[%gather3A_1077] in [0] : vector<16xf32>, vector<16xi32> -> vector<16xf32>
        %add3A_1079 = arith.addf %scan3A_862#16, %gather3A_1078 : vector<16xf32>
        %select_n3A_1080 = arith.select %eq3A_1065, %add3A_1072, %add3A_1079 : vector<16xi1>, vector<16xf32>
        %and3A_1081 = arith.constant 1 : i32
        %and3A_1082 = vector.broadcast %and3A_1081 : i32 to vector<16xi32>
        %and3A_1083 = arith.andi %iota3A, %and3A_1082 : vector<16xi32>
        %eq3A_1084 = arith.constant 0 : i32
        %eq3A_1085 = vector.broadcast %eq3A_1084 : i32 to vector<16xi32>
        %eq3A_1086 = arith.cmpi eq, %and3A_1083, %eq3A_1085 : vector<16xi32>
        %xor3A_1087 = arith.constant 1 : i32
        %xor3A_1088 = vector.broadcast %xor3A_1087 : i32 to vector<16xi32>
        %xor3A_1089 = arith.xori %iota3A, %xor3A_1088 : vector<16xi32>
        %broadcast_in_dim3A_1090 = vector.shape_cast %xor3A_1089 : vector<16xi32> to vector<16x1xi32>
        %gather3A_1091 = vector.shape_cast %broadcast_in_dim3A_1090 : vector<16x1xi32> to vector<16xi32>
        %gather3A_1092 = tpu.dynamic_gather %scan3A_862#19[%gather3A_1091] in [0] : vector<16xf32>, vector<16xi32> -> vector<16xf32>
        %add3A_1093 = arith.addf %scan3A_862#19, %gather3A_1092 : vector<16xf32>
        %xor3A_1094 = arith.constant 1 : i32
        %xor3A_1095 = vector.broadcast %xor3A_1094 : i32 to vector<16xi32>
        %xor3A_1096 = arith.xori %iota3A, %xor3A_1095 : vector<16xi32>
        %broadcast_in_dim3A_1097 = vector.shape_cast %xor3A_1096 : vector<16xi32> to vector<16x1xi32>
        %gather3A_1098 = vector.shape_cast %broadcast_in_dim3A_1097 : vector<16x1xi32> to vector<16xi32>
        %gather3A_1099 = tpu.dynamic_gather %scan3A_862#22[%gather3A_1098] in [0] : vector<16xf32>, vector<16xi32> -> vector<16xf32>
        %add3A_1100 = arith.addf %scan3A_862#22, %gather3A_1099 : vector<16xf32>
        %select_n3A_1101 = arith.select %eq3A_1086, %add3A_1093, %add3A_1100 : vector<16xi1>, vector<16xf32>
        %and3A_1102 = arith.constant 2 : i32
        %and3A_1103 = vector.broadcast %and3A_1102 : i32 to vector<16xi32>
        %and3A_1104 = arith.andi %iota3A, %and3A_1103 : vector<16xi32>
        %eq3A_1105 = arith.constant 0 : i32
        %eq3A_1106 = vector.broadcast %eq3A_1105 : i32 to vector<16xi32>
        %eq3A_1107 = arith.cmpi eq, %and3A_1104, %eq3A_1106 : vector<16xi32>
        %xor3A_1108 = arith.constant 2 : i32
        %xor3A_1109 = vector.broadcast %xor3A_1108 : i32 to vector<16xi32>
        %xor3A_1110 = arith.xori %iota3A, %xor3A_1109 : vector<16xi32>
        %broadcast_in_dim3A_1111 = vector.shape_cast %xor3A_1110 : vector<16xi32> to vector<16x1xi32>
        %gather3A_1112 = vector.shape_cast %broadcast_in_dim3A_1111 : vector<16x1xi32> to vector<16xi32>
        %gather3A_1113 = tpu.dynamic_gather %select_n3A_1038[%gather3A_1112] in [0] : vector<16xf32>, vector<16xi32> -> vector<16xf32>
        %add3A_1114 = arith.addf %select_n3A_1038, %gather3A_1113 : vector<16xf32>
        %xor3A_1115 = arith.constant 2 : i32
        %xor3A_1116 = vector.broadcast %xor3A_1115 : i32 to vector<16xi32>
        %xor3A_1117 = arith.xori %iota3A, %xor3A_1116 : vector<16xi32>
        %broadcast_in_dim3A_1118 = vector.shape_cast %xor3A_1117 : vector<16xi32> to vector<16x1xi32>
        %gather3A_1119 = vector.shape_cast %broadcast_in_dim3A_1118 : vector<16x1xi32> to vector<16xi32>
        %gather3A_1120 = tpu.dynamic_gather %select_n3A_1059[%gather3A_1119] in [0] : vector<16xf32>, vector<16xi32> -> vector<16xf32>
        %add3A_1121 = arith.addf %select_n3A_1059, %gather3A_1120 : vector<16xf32>
        %select_n3A_1122 = arith.select %eq3A_1107, %add3A_1114, %add3A_1121 : vector<16xi1>, vector<16xf32>
        %and3A_1123 = arith.constant 2 : i32
        %and3A_1124 = vector.broadcast %and3A_1123 : i32 to vector<16xi32>
        %and3A_1125 = arith.andi %iota3A, %and3A_1124 : vector<16xi32>
        %eq3A_1126 = arith.constant 0 : i32
        %eq3A_1127 = vector.broadcast %eq3A_1126 : i32 to vector<16xi32>
        %eq3A_1128 = arith.cmpi eq, %and3A_1125, %eq3A_1127 : vector<16xi32>
        %xor3A_1129 = arith.constant 2 : i32
        %xor3A_1130 = vector.broadcast %xor3A_1129 : i32 to vector<16xi32>
        %xor3A_1131 = arith.xori %iota3A, %xor3A_1130 : vector<16xi32>
        %broadcast_in_dim3A_1132 = vector.shape_cast %xor3A_1131 : vector<16xi32> to vector<16x1xi32>
        %gather3A_1133 = vector.shape_cast %broadcast_in_dim3A_1132 : vector<16x1xi32> to vector<16xi32>
        %gather3A_1134 = tpu.dynamic_gather %select_n3A_1080[%gather3A_1133] in [0] : vector<16xf32>, vector<16xi32> -> vector<16xf32>
        %add3A_1135 = arith.addf %select_n3A_1080, %gather3A_1134 : vector<16xf32>
        %xor3A_1136 = arith.constant 2 : i32
        %xor3A_1137 = vector.broadcast %xor3A_1136 : i32 to vector<16xi32>
        %xor3A_1138 = arith.xori %iota3A, %xor3A_1137 : vector<16xi32>
        %broadcast_in_dim3A_1139 = vector.shape_cast %xor3A_1138 : vector<16xi32> to vector<16x1xi32>
        %gather3A_1140 = vector.shape_cast %broadcast_in_dim3A_1139 : vector<16x1xi32> to vector<16xi32>
        %gather3A_1141 = tpu.dynamic_gather %select_n3A_1101[%gather3A_1140] in [0] : vector<16xf32>, vector<16xi32> -> vector<16xf32>
        %add3A_1142 = arith.addf %select_n3A_1101, %gather3A_1141 : vector<16xf32>
        %select_n3A_1143 = arith.select %eq3A_1128, %add3A_1135, %add3A_1142 : vector<16xi1>, vector<16xf32>
        %and3A_1144 = arith.constant 4 : i32
        %and3A_1145 = vector.broadcast %and3A_1144 : i32 to vector<16xi32>
        %and3A_1146 = arith.andi %iota3A, %and3A_1145 : vector<16xi32>
        %eq3A_1147 = arith.constant 0 : i32
        %eq3A_1148 = vector.broadcast %eq3A_1147 : i32 to vector<16xi32>
        %eq3A_1149 = arith.cmpi eq, %and3A_1146, %eq3A_1148 : vector<16xi32>
        %xor3A_1150 = arith.constant 4 : i32
        %xor3A_1151 = vector.broadcast %xor3A_1150 : i32 to vector<16xi32>
        %xor3A_1152 = arith.xori %iota3A, %xor3A_1151 : vector<16xi32>
        %broadcast_in_dim3A_1153 = vector.shape_cast %xor3A_1152 : vector<16xi32> to vector<16x1xi32>
        %gather3A_1154 = vector.shape_cast %broadcast_in_dim3A_1153 : vector<16x1xi32> to vector<16xi32>
        %gather3A_1155 = tpu.dynamic_gather %select_n3A_1122[%gather3A_1154] in [0] : vector<16xf32>, vector<16xi32> -> vector<16xf32>
        %add3A_1156 = arith.addf %select_n3A_1122, %gather3A_1155 : vector<16xf32>
        %xor3A_1157 = arith.constant 4 : i32
        %xor3A_1158 = vector.broadcast %xor3A_1157 : i32 to vector<16xi32>
        %xor3A_1159 = arith.xori %iota3A, %xor3A_1158 : vector<16xi32>
        %broadcast_in_dim3A_1160 = vector.shape_cast %xor3A_1159 : vector<16xi32> to vector<16x1xi32>
        %gather3A_1161 = vector.shape_cast %broadcast_in_dim3A_1160 : vector<16x1xi32> to vector<16xi32>
        %gather3A_1162 = tpu.dynamic_gather %select_n3A_1143[%gather3A_1161] in [0] : vector<16xf32>, vector<16xi32> -> vector<16xf32>
        %add3A_1163 = arith.addf %select_n3A_1143, %gather3A_1162 : vector<16xf32>
        %select_n3A_1164 = arith.select %eq3A_1149, %add3A_1156, %add3A_1163 : vector<16xi1>, vector<16xf32>
        %xor3A_1165 = arith.constant 8 : i32
        %xor3A_1166 = vector.broadcast %xor3A_1165 : i32 to vector<16xi32>
        %xor3A_1167 = arith.xori %iota3A, %xor3A_1166 : vector<16xi32>
        %broadcast_in_dim3A_1168 = vector.shape_cast %xor3A_1167 : vector<16xi32> to vector<16x1xi32>
        %gather3A_1169 = vector.shape_cast %broadcast_in_dim3A_1168 : vector<16x1xi32> to vector<16xi32>
        %gather3A_1170 = tpu.dynamic_gather %select_n3A_1164[%gather3A_1169] in [0] : vector<16xf32>, vector<16xi32> -> vector<16xf32>
        %add3A_1171 = arith.addf %select_n3A_1164, %gather3A_1170 : vector<16xf32>
        %and3A_1172 = arith.constant 1 : i32
        %and3A_1173 = vector.broadcast %and3A_1172 : i32 to vector<16xi32>
        %and3A_1174 = arith.andi %iota3A, %and3A_1173 : vector<16xi32>
        %eq3A_1175 = arith.constant 0 : i32
        %eq3A_1176 = vector.broadcast %eq3A_1175 : i32 to vector<16xi32>
        %eq3A_1177 = arith.cmpi eq, %and3A_1174, %eq3A_1176 : vector<16xi32>
        %xor3A_1178 = arith.constant 1 : i32
        %xor3A_1179 = vector.broadcast %xor3A_1178 : i32 to vector<16xi32>
        %xor3A_1180 = arith.xori %iota3A, %xor3A_1179 : vector<16xi32>
        %broadcast_in_dim3A_1181 = vector.shape_cast %xor3A_1180 : vector<16xi32> to vector<16x1xi32>
        %gather3A_1182 = vector.shape_cast %broadcast_in_dim3A_1181 : vector<16x1xi32> to vector<16xi32>
        %gather3A_1183 = tpu.dynamic_gather %scan3A_862#2[%gather3A_1182] in [0] : vector<16xf32>, vector<16xi32> -> vector<16xf32>
        %add3A_1184 = arith.addf %scan3A_862#2, %gather3A_1183 : vector<16xf32>
        %xor3A_1185 = arith.constant 1 : i32
        %xor3A_1186 = vector.broadcast %xor3A_1185 : i32 to vector<16xi32>
        %xor3A_1187 = arith.xori %iota3A, %xor3A_1186 : vector<16xi32>
        %broadcast_in_dim3A_1188 = vector.shape_cast %xor3A_1187 : vector<16xi32> to vector<16x1xi32>
        %gather3A_1189 = vector.shape_cast %broadcast_in_dim3A_1188 : vector<16x1xi32> to vector<16xi32>
        %gather3A_1190 = tpu.dynamic_gather %scan3A_862#5[%gather3A_1189] in [0] : vector<16xf32>, vector<16xi32> -> vector<16xf32>
        %add3A_1191 = arith.addf %scan3A_862#5, %gather3A_1190 : vector<16xf32>
        %select_n3A_1192 = arith.select %eq3A_1177, %add3A_1184, %add3A_1191 : vector<16xi1>, vector<16xf32>
        %and3A_1193 = arith.constant 1 : i32
        %and3A_1194 = vector.broadcast %and3A_1193 : i32 to vector<16xi32>
        %and3A_1195 = arith.andi %iota3A, %and3A_1194 : vector<16xi32>
        %eq3A_1196 = arith.constant 0 : i32
        %eq3A_1197 = vector.broadcast %eq3A_1196 : i32 to vector<16xi32>
        %eq3A_1198 = arith.cmpi eq, %and3A_1195, %eq3A_1197 : vector<16xi32>
        %xor3A_1199 = arith.constant 1 : i32
        %xor3A_1200 = vector.broadcast %xor3A_1199 : i32 to vector<16xi32>
        %xor3A_1201 = arith.xori %iota3A, %xor3A_1200 : vector<16xi32>
        %broadcast_in_dim3A_1202 = vector.shape_cast %xor3A_1201 : vector<16xi32> to vector<16x1xi32>
        %gather3A_1203 = vector.shape_cast %broadcast_in_dim3A_1202 : vector<16x1xi32> to vector<16xi32>
        %gather3A_1204 = tpu.dynamic_gather %scan3A_862#8[%gather3A_1203] in [0] : vector<16xf32>, vector<16xi32> -> vector<16xf32>
        %add3A_1205 = arith.addf %scan3A_862#8, %gather3A_1204 : vector<16xf32>
        %xor3A_1206 = arith.constant 1 : i32
        %xor3A_1207 = vector.broadcast %xor3A_1206 : i32 to vector<16xi32>
        %xor3A_1208 = arith.xori %iota3A, %xor3A_1207 : vector<16xi32>
        %broadcast_in_dim3A_1209 = vector.shape_cast %xor3A_1208 : vector<16xi32> to vector<16x1xi32>
        %gather3A_1210 = vector.shape_cast %broadcast_in_dim3A_1209 : vector<16x1xi32> to vector<16xi32>
        %gather3A_1211 = tpu.dynamic_gather %scan3A_862#11[%gather3A_1210] in [0] : vector<16xf32>, vector<16xi32> -> vector<16xf32>
        %add3A_1212 = arith.addf %scan3A_862#11, %gather3A_1211 : vector<16xf32>
        %select_n3A_1213 = arith.select %eq3A_1198, %add3A_1205, %add3A_1212 : vector<16xi1>, vector<16xf32>
        %and3A_1214 = arith.constant 1 : i32
        %and3A_1215 = vector.broadcast %and3A_1214 : i32 to vector<16xi32>
        %and3A_1216 = arith.andi %iota3A, %and3A_1215 : vector<16xi32>
        %eq3A_1217 = arith.constant 0 : i32
        %eq3A_1218 = vector.broadcast %eq3A_1217 : i32 to vector<16xi32>
        %eq3A_1219 = arith.cmpi eq, %and3A_1216, %eq3A_1218 : vector<16xi32>
        %xor3A_1220 = arith.constant 1 : i32
        %xor3A_1221 = vector.broadcast %xor3A_1220 : i32 to vector<16xi32>
        %xor3A_1222 = arith.xori %iota3A, %xor3A_1221 : vector<16xi32>
        %broadcast_in_dim3A_1223 = vector.shape_cast %xor3A_1222 : vector<16xi32> to vector<16x1xi32>
        %gather3A_1224 = vector.shape_cast %broadcast_in_dim3A_1223 : vector<16x1xi32> to vector<16xi32>
        %gather3A_1225 = tpu.dynamic_gather %scan3A_862#14[%gather3A_1224] in [0] : vector<16xf32>, vector<16xi32> -> vector<16xf32>
        %add3A_1226 = arith.addf %scan3A_862#14, %gather3A_1225 : vector<16xf32>
        %xor3A_1227 = arith.constant 1 : i32
        %xor3A_1228 = vector.broadcast %xor3A_1227 : i32 to vector<16xi32>
        %xor3A_1229 = arith.xori %iota3A, %xor3A_1228 : vector<16xi32>
        %broadcast_in_dim3A_1230 = vector.shape_cast %xor3A_1229 : vector<16xi32> to vector<16x1xi32>
        %gather3A_1231 = vector.shape_cast %broadcast_in_dim3A_1230 : vector<16x1xi32> to vector<16xi32>
        %gather3A_1232 = tpu.dynamic_gather %scan3A_862#17[%gather3A_1231] in [0] : vector<16xf32>, vector<16xi32> -> vector<16xf32>
        %add3A_1233 = arith.addf %scan3A_862#17, %gather3A_1232 : vector<16xf32>
        %select_n3A_1234 = arith.select %eq3A_1219, %add3A_1226, %add3A_1233 : vector<16xi1>, vector<16xf32>
        %and3A_1235 = arith.constant 1 : i32
        %and3A_1236 = vector.broadcast %and3A_1235 : i32 to vector<16xi32>
        %and3A_1237 = arith.andi %iota3A, %and3A_1236 : vector<16xi32>
        %eq3A_1238 = arith.constant 0 : i32
        %eq3A_1239 = vector.broadcast %eq3A_1238 : i32 to vector<16xi32>
        %eq3A_1240 = arith.cmpi eq, %and3A_1237, %eq3A_1239 : vector<16xi32>
        %xor3A_1241 = arith.constant 1 : i32
        %xor3A_1242 = vector.broadcast %xor3A_1241 : i32 to vector<16xi32>
        %xor3A_1243 = arith.xori %iota3A, %xor3A_1242 : vector<16xi32>
        %broadcast_in_dim3A_1244 = vector.shape_cast %xor3A_1243 : vector<16xi32> to vector<16x1xi32>
        %gather3A_1245 = vector.shape_cast %broadcast_in_dim3A_1244 : vector<16x1xi32> to vector<16xi32>
        %gather3A_1246 = tpu.dynamic_gather %scan3A_862#20[%gather3A_1245] in [0] : vector<16xf32>, vector<16xi32> -> vector<16xf32>
        %add3A_1247 = arith.addf %scan3A_862#20, %gather3A_1246 : vector<16xf32>
        %xor3A_1248 = arith.constant 1 : i32
        %xor3A_1249 = vector.broadcast %xor3A_1248 : i32 to vector<16xi32>
        %xor3A_1250 = arith.xori %iota3A, %xor3A_1249 : vector<16xi32>
        %broadcast_in_dim3A_1251 = vector.shape_cast %xor3A_1250 : vector<16xi32> to vector<16x1xi32>
        %gather3A_1252 = vector.shape_cast %broadcast_in_dim3A_1251 : vector<16x1xi32> to vector<16xi32>
        %gather3A_1253 = tpu.dynamic_gather %scan3A_862#23[%gather3A_1252] in [0] : vector<16xf32>, vector<16xi32> -> vector<16xf32>
        %add3A_1254 = arith.addf %scan3A_862#23, %gather3A_1253 : vector<16xf32>
        %select_n3A_1255 = arith.select %eq3A_1240, %add3A_1247, %add3A_1254 : vector<16xi1>, vector<16xf32>
        %and3A_1256 = arith.constant 2 : i32
        %and3A_1257 = vector.broadcast %and3A_1256 : i32 to vector<16xi32>
        %and3A_1258 = arith.andi %iota3A, %and3A_1257 : vector<16xi32>
        %eq3A_1259 = arith.constant 0 : i32
        %eq3A_1260 = vector.broadcast %eq3A_1259 : i32 to vector<16xi32>
        %eq3A_1261 = arith.cmpi eq, %and3A_1258, %eq3A_1260 : vector<16xi32>
        %xor3A_1262 = arith.constant 2 : i32
        %xor3A_1263 = vector.broadcast %xor3A_1262 : i32 to vector<16xi32>
        %xor3A_1264 = arith.xori %iota3A, %xor3A_1263 : vector<16xi32>
        %broadcast_in_dim3A_1265 = vector.shape_cast %xor3A_1264 : vector<16xi32> to vector<16x1xi32>
        %gather3A_1266 = vector.shape_cast %broadcast_in_dim3A_1265 : vector<16x1xi32> to vector<16xi32>
        %gather3A_1267 = tpu.dynamic_gather %select_n3A_1192[%gather3A_1266] in [0] : vector<16xf32>, vector<16xi32> -> vector<16xf32>
        %add3A_1268 = arith.addf %select_n3A_1192, %gather3A_1267 : vector<16xf32>
        %xor3A_1269 = arith.constant 2 : i32
        %xor3A_1270 = vector.broadcast %xor3A_1269 : i32 to vector<16xi32>
        %xor3A_1271 = arith.xori %iota3A, %xor3A_1270 : vector<16xi32>
        %broadcast_in_dim3A_1272 = vector.shape_cast %xor3A_1271 : vector<16xi32> to vector<16x1xi32>
        %gather3A_1273 = vector.shape_cast %broadcast_in_dim3A_1272 : vector<16x1xi32> to vector<16xi32>
        %gather3A_1274 = tpu.dynamic_gather %select_n3A_1213[%gather3A_1273] in [0] : vector<16xf32>, vector<16xi32> -> vector<16xf32>
        %add3A_1275 = arith.addf %select_n3A_1213, %gather3A_1274 : vector<16xf32>
        %select_n3A_1276 = arith.select %eq3A_1261, %add3A_1268, %add3A_1275 : vector<16xi1>, vector<16xf32>
        %and3A_1277 = arith.constant 2 : i32
        %and3A_1278 = vector.broadcast %and3A_1277 : i32 to vector<16xi32>
        %and3A_1279 = arith.andi %iota3A, %and3A_1278 : vector<16xi32>
        %eq3A_1280 = arith.constant 0 : i32
        %eq3A_1281 = vector.broadcast %eq3A_1280 : i32 to vector<16xi32>
        %eq3A_1282 = arith.cmpi eq, %and3A_1279, %eq3A_1281 : vector<16xi32>
        %xor3A_1283 = arith.constant 2 : i32
        %xor3A_1284 = vector.broadcast %xor3A_1283 : i32 to vector<16xi32>
        %xor3A_1285 = arith.xori %iota3A, %xor3A_1284 : vector<16xi32>
        %broadcast_in_dim3A_1286 = vector.shape_cast %xor3A_1285 : vector<16xi32> to vector<16x1xi32>
        %gather3A_1287 = vector.shape_cast %broadcast_in_dim3A_1286 : vector<16x1xi32> to vector<16xi32>
        %gather3A_1288 = tpu.dynamic_gather %select_n3A_1234[%gather3A_1287] in [0] : vector<16xf32>, vector<16xi32> -> vector<16xf32>
        %add3A_1289 = arith.addf %select_n3A_1234, %gather3A_1288 : vector<16xf32>
        %xor3A_1290 = arith.constant 2 : i32
        %xor3A_1291 = vector.broadcast %xor3A_1290 : i32 to vector<16xi32>
        %xor3A_1292 = arith.xori %iota3A, %xor3A_1291 : vector<16xi32>
        %broadcast_in_dim3A_1293 = vector.shape_cast %xor3A_1292 : vector<16xi32> to vector<16x1xi32>
        %gather3A_1294 = vector.shape_cast %broadcast_in_dim3A_1293 : vector<16x1xi32> to vector<16xi32>
        %gather3A_1295 = tpu.dynamic_gather %select_n3A_1255[%gather3A_1294] in [0] : vector<16xf32>, vector<16xi32> -> vector<16xf32>
        %add3A_1296 = arith.addf %select_n3A_1255, %gather3A_1295 : vector<16xf32>
        %select_n3A_1297 = arith.select %eq3A_1282, %add3A_1289, %add3A_1296 : vector<16xi1>, vector<16xf32>
        %and3A_1298 = arith.constant 4 : i32
        %and3A_1299 = vector.broadcast %and3A_1298 : i32 to vector<16xi32>
        %and3A_1300 = arith.andi %iota3A, %and3A_1299 : vector<16xi32>
        %eq3A_1301 = arith.constant 0 : i32
        %eq3A_1302 = vector.broadcast %eq3A_1301 : i32 to vector<16xi32>
        %eq3A_1303 = arith.cmpi eq, %and3A_1300, %eq3A_1302 : vector<16xi32>
        %xor3A_1304 = arith.constant 4 : i32
        %xor3A_1305 = vector.broadcast %xor3A_1304 : i32 to vector<16xi32>
        %xor3A_1306 = arith.xori %iota3A, %xor3A_1305 : vector<16xi32>
        %broadcast_in_dim3A_1307 = vector.shape_cast %xor3A_1306 : vector<16xi32> to vector<16x1xi32>
        %gather3A_1308 = vector.shape_cast %broadcast_in_dim3A_1307 : vector<16x1xi32> to vector<16xi32>
        %gather3A_1309 = tpu.dynamic_gather %select_n3A_1276[%gather3A_1308] in [0] : vector<16xf32>, vector<16xi32> -> vector<16xf32>
        %add3A_1310 = arith.addf %select_n3A_1276, %gather3A_1309 : vector<16xf32>
        %xor3A_1311 = arith.constant 4 : i32
        %xor3A_1312 = vector.broadcast %xor3A_1311 : i32 to vector<16xi32>
        %xor3A_1313 = arith.xori %iota3A, %xor3A_1312 : vector<16xi32>
        %broadcast_in_dim3A_1314 = vector.shape_cast %xor3A_1313 : vector<16xi32> to vector<16x1xi32>
        %gather3A_1315 = vector.shape_cast %broadcast_in_dim3A_1314 : vector<16x1xi32> to vector<16xi32>
        %gather3A_1316 = tpu.dynamic_gather %select_n3A_1297[%gather3A_1315] in [0] : vector<16xf32>, vector<16xi32> -> vector<16xf32>
        %add3A_1317 = arith.addf %select_n3A_1297, %gather3A_1316 : vector<16xf32>
        %select_n3A_1318 = arith.select %eq3A_1303, %add3A_1310, %add3A_1317 : vector<16xi1>, vector<16xf32>
        %xor3A_1319 = arith.constant 8 : i32
        %xor3A_1320 = vector.broadcast %xor3A_1319 : i32 to vector<16xi32>
        %xor3A_1321 = arith.xori %iota3A, %xor3A_1320 : vector<16xi32>
        %broadcast_in_dim3A_1322 = vector.shape_cast %xor3A_1321 : vector<16xi32> to vector<16x1xi32>
        %gather3A_1323 = vector.shape_cast %broadcast_in_dim3A_1322 : vector<16x1xi32> to vector<16xi32>
        %gather3A_1324 = tpu.dynamic_gather %select_n3A_1318[%gather3A_1323] in [0] : vector<16xf32>, vector<16xi32> -> vector<16xf32>
        %add3A_1325 = arith.addf %select_n3A_1318, %gather3A_1324 : vector<16xf32>
        %lt3A_1326 = arith.constant 8 : i32
        %lt3A_1327 = vector.broadcast %lt3A_1326 : i32 to vector<16xi32>
        %lt3A_1328 = arith.cmpi slt, %iota3A, %lt3A_1327 : vector<16xi32>
        %select_n3A_1329 = arith.select %lt3A_1328, %add3A_543, %add3A_1017 : vector<16xi1>, vector<16xf32>
        %mul3A_1330 = arith.constant 32 : i32
        %mul3A_1331 = arith.muli %add3A_375, %mul3A_1330 : i32
        %mul3A_1332 = arith.constant 16 : i32
        %mul3A_1333 = arith.muli %scan3A_384, %mul3A_1332 : i32
        %add3A_1334 = arith.addi %mul3A_1331, %mul3A_1333 : i32
        %swap3A = arith.constant 0 : i32
        %swap3A_1335 = arith.index_cast %swap3A : i32 to index
        %swap3A_1336 = arith.index_cast %add3A_1334 : i32 to index
        %swap3A_1337 = tpu.vector_load %arg13[%swap3A_1335, %swap3A_1336] {strides = array<i32>} : memref<3x512xf32, #tpu.memory_space<vmem>>, vector<1x16xf32>,
        %swap3A_1338 = vector.shape_cast %swap3A_1337 : vector<1x16xf32> to vector<16xf32>
        %swap3A_1339 = vector.shape_cast %select_n3A_1329 : vector<16xf32> to vector<1x16xf32>
        tpu.vector_store %arg13[%swap3A_1335, %swap3A_1336], %swap3A_1339 {strides = array<i32>} : memref<3x512xf32, #tpu.memory_space<vmem>>, vector<1x16xf32>,
        %select_n3A_1340 = arith.select %lt3A_1328, %add3A_697, %add3A_1171 : vector<16xi1>, vector<16xf32>
        %mul3A_1341 = arith.constant 32 : i32
        %mul3A_1342 = arith.muli %add3A_375, %mul3A_1341 : i32
        %mul3A_1343 = arith.constant 16 : i32
        %mul3A_1344 = arith.muli %scan3A_384, %mul3A_1343 : i32
        %add3A_1345 = arith.addi %mul3A_1342, %mul3A_1344 : i32
        %swap3A_1346 = arith.constant 1 : i32
        %swap3A_1347 = arith.index_cast %swap3A_1346 : i32 to index
        %swap3A_1348 = arith.index_cast %add3A_1345 : i32 to index
        %swap3A_1349 = tpu.vector_load %arg13[%swap3A_1347, %swap3A_1348] {strides = array<i32>} : memref<3x512xf32, #tpu.memory_space<vmem>>, vector<1x16xf32>,
        %swap3A_1350 = vector.shape_cast %swap3A_1349 : vector<1x16xf32> to vector<16xf32>
        %swap3A_1351 = vector.shape_cast %select_n3A_1340 : vector<16xf32> to vector<1x16xf32>
        tpu.vector_store %arg13[%swap3A_1347, %swap3A_1348], %swap3A_1351 {strides = array<i32>} : memref<3x512xf32, #tpu.memory_space<vmem>>, vector<1x16xf32>,
        %select_n3A_1352 = arith.select %lt3A_1328, %add3A_851, %add3A_1325 : vector<16xi1>, vector<16xf32>
        %mul3A_1353 = arith.constant 32 : i32
        %mul3A_1354 = arith.muli %add3A_375, %mul3A_1353 : i32
        %mul3A_1355 = arith.constant 16 : i32
        %mul3A_1356 = arith.muli %scan3A_384, %mul3A_1355 : i32
        %add3A_1357 = arith.addi %mul3A_1354, %mul3A_1356 : i32
        %swap3A_1358 = arith.constant 2 : i32
        %swap3A_1359 = arith.index_cast %swap3A_1358 : i32 to index
        %swap3A_1360 = arith.index_cast %add3A_1357 : i32 to index
        %swap3A_1361 = tpu.vector_load %arg13[%swap3A_1359, %swap3A_1360] {strides = array<i32>} : memref<3x512xf32, #tpu.memory_space<vmem>>, vector<1x16xf32>,
        %swap3A_1362 = vector.shape_cast %swap3A_1361 : vector<1x16xf32> to vector<16xf32>
        %swap3A_1363 = vector.shape_cast %select_n3A_1352 : vector<16xf32> to vector<1x16xf32>
        tpu.vector_store %arg13[%swap3A_1359, %swap3A_1360], %swap3A_1363 {strides = array<i32>} : memref<3x512xf32, #tpu.memory_space<vmem>>, vector<1x16xf32>,
        %scan3A_1364 = arith.constant 0 : i32
        scf.yield %scan3A_1364 : i32
      }
      %scan3A_382 = arith.constant 2 : i32
      %scan3A_383 = arith.constant 0 : i32
      scf.yield %scan3A_383 : i32
    }
    %scan3A_169 = arith.constant 8 : i32
    %scan3A_170 = arith.constant 0 : i32
    %scan3A_171 = arith.constant 0 : i32
    %scan3A_172 = arith.constant 32 : i32
    %scan3A_173 = arith.addi %scan3A_171, %scan3A_172 : i32
    %scan3A_174 = arith.constant 1 : i32
    %scan3A_175 = scf.for %scan3A_183 = %scan3A_171 to %scan3A_173 step %scan3A_174 iter_args(%scan3A_184 = %scan3A_170) -> (i32)  : i32 {
      %mul3A_185 = arith.constant 16 : i32
      %mul3A_186 = arith.muli %scan3A_183, %mul3A_185 : i32
      %get3A = arith.constant 0 : i32
      %get3A_187 = arith.index_cast %get3A : i32 to index
      %get3A_188 = arith.index_cast %mul3A_186 : i32 to index
      %get3A_189 = tpu.vector_load %arg13[%get3A_187, %get3A_188] {strides = array<i32>} : memref<3x512xf32, #tpu.memory_space<vmem>>, vector<1x16xf32>,
      %get3A_190 = vector.shape_cast %get3A_189 : vector<1x16xf32> to vector<16xf32>
      %get3A_191 = arith.constant 0 : i32
      %get3A_192 = arith.index_cast %get3A_191 : i32 to index
      %get3A_193 = arith.constant 0 : index
      %get3A_194 = tpu.vector_load %arg12[%get3A_192, %get3A_193] {strides = array<i32>} : memref<3x16xf32, #tpu.memory_space<vmem>>, vector<1x16xf32>,
      %get3A_195 = vector.shape_cast %get3A_194 : vector<1x16xf32> to vector<16xf32>
      %add3A_196 = arith.addf %get3A_190, %get3A_195 : vector<16xf32>
      %get3A_197 = arith.constant 1 : i32
      %get3A_198 = arith.index_cast %get3A_197 : i32 to index
      %get3A_199 = arith.index_cast %mul3A_186 : i32 to index
      %get3A_200 = tpu.vector_load %arg13[%get3A_198, %get3A_199] {strides = array<i32>} : memref<3x512xf32, #tpu.memory_space<vmem>>, vector<1x16xf32>,
      %get3A_201 = vector.shape_cast %get3A_200 : vector<1x16xf32> to vector<16xf32>
      %get3A_202 = arith.constant 1 : i32
      %get3A_203 = arith.index_cast %get3A_202 : i32 to index
      %get3A_204 = arith.constant 0 : index
      %get3A_205 = tpu.vector_load %arg12[%get3A_203, %get3A_204] {strides = array<i32>} : memref<3x16xf32, #tpu.memory_space<vmem>>, vector<1x16xf32>,
      %get3A_206 = vector.shape_cast %get3A_205 : vector<1x16xf32> to vector<16xf32>
      %add3A_207 = arith.addf %get3A_201, %get3A_206 : vector<16xf32>
      %get3A_208 = arith.constant 2 : i32
      %get3A_209 = arith.index_cast %get3A_208 : i32 to index
      %get3A_210 = arith.index_cast %mul3A_186 : i32 to index
      %get3A_211 = tpu.vector_load %arg13[%get3A_209, %get3A_210] {strides = array<i32>} : memref<3x512xf32, #tpu.memory_space<vmem>>, vector<1x16xf32>,
      %get3A_212 = vector.shape_cast %get3A_211 : vector<1x16xf32> to vector<16xf32>
      %get3A_213 = arith.constant 2 : i32
      %get3A_214 = arith.index_cast %get3A_213 : i32 to index
      %get3A_215 = arith.constant 0 : index
      %get3A_216 = tpu.vector_load %arg12[%get3A_214, %get3A_215] {strides = array<i32>} : memref<3x16xf32, #tpu.memory_space<vmem>>, vector<1x16xf32>,
      %get3A_217 = vector.shape_cast %get3A_216 : vector<1x16xf32> to vector<16xf32>
      %add3A_218 = arith.addf %get3A_212, %get3A_217 : vector<16xf32>
      %max3A = arith.maximumf %add3A_196, %add3A_207 : vector<16xf32>
      %max3A_219 = arith.maximumf %max3A, %add3A_218 : vector<16xf32>
      %sub3A = arith.subf %add3A_196, %max3A_219 : vector<16xf32>
      %exp3A = math.exp %sub3A : vector<16xf32>
      %sub3A_220 = arith.subf %add3A_207, %max3A_219 : vector<16xf32>
      %exp3A_221 = math.exp %sub3A_220 : vector<16xf32>
      %add3A_222 = arith.addf %exp3A, %exp3A_221 : vector<16xf32>
      %sub3A_223 = arith.subf %add3A_218, %max3A_219 : vector<16xf32>
      %exp3A_224 = math.exp %sub3A_223 : vector<16xf32>
      %add3A_225 = arith.addf %add3A_222, %exp3A_224 : vector<16xf32>
      %sub3A_226 = arith.constant 1.000000e+00 : f32
      %sub3A_227 = vector.broadcast %sub3A_226 : f32 to vector<16xf32>
      %sub3A_228 = arith.subf %add3A_225, %sub3A_227 : vector<16xf32>
      %add3A_229 = arith.constant 1.000000e+00 : f32
      %add3A_230 = vector.broadcast %add3A_229 : f32 to vector<16xf32>
      %add3A_231 = arith.addf %add3A_225, %add3A_230 : vector<16xf32>
      %div3A = arith.divf %sub3A_228, %add3A_231 : vector<16xf32>
      %mul3A_232 = arith.mulf %div3A, %div3A : vector<16xf32>
      %mul3A_233 = arith.constant 2.000000e+00 : f32
      %mul3A_234 = vector.broadcast %mul3A_233 : f32 to vector<16xf32>
      %mul3A_235 = arith.mulf %mul3A_234, %div3A : vector<16xf32>
      %mul3A_236 = arith.constant 2.000000e-01 : f32
      %mul3A_237 = vector.broadcast %mul3A_236 : f32 to vector<16xf32>
      %mul3A_238 = arith.mulf %mul3A_232, %mul3A_237 : vector<16xf32>
      %add3A_239 = arith.constant 0.333333343 : f32
      %add3A_240 = vector.broadcast %add3A_239 : f32 to vector<16xf32>
      %add3A_241 = arith.addf %add3A_240, %mul3A_238 : vector<16xf32>
      %mul3A_242 = arith.mulf %mul3A_232, %add3A_241 : vector<16xf32>
      %add3A_243 = arith.constant 1.000000e+00 : f32
      %add3A_244 = vector.broadcast %add3A_243 : f32 to vector<16xf32>
      %add3A_245 = arith.addf %add3A_244, %mul3A_242 : vector<16xf32>
      %mul3A_246 = arith.mulf %mul3A_235, %add3A_245 : vector<16xf32>
      %neg3A = arith.constant 0.000000e+00 : f32
      %neg3A_247 = vector.broadcast %neg3A : f32 to vector<16xf32>
      %neg3A_248 = arith.subf %neg3A_247, %mul3A_246 : vector<16xf32>
      %exp3A_249 = math.exp %neg3A_248 : vector<16xf32>
      %mul3A_250 = arith.mulf %add3A_225, %exp3A_249 : vector<16xf32>
      %add3A_251 = arith.addf %mul3A_246, %mul3A_250 : vector<16xf32>
      %sub3A_252 = arith.constant 1.000000e+00 : f32
      %sub3A_253 = vector.broadcast %sub3A_252 : f32 to vector<16xf32>
      %sub3A_254 = arith.subf %add3A_251, %sub3A_253 : vector<16xf32>
      %neg3A_255 = arith.constant 0.000000e+00 : f32
      %neg3A_256 = vector.broadcast %neg3A_255 : f32 to vector<16xf32>
      %neg3A_257 = arith.subf %neg3A_256, %sub3A_254 : vector<16xf32>
      %exp3A_258 = math.exp %neg3A_257 : vector<16xf32>
      %mul3A_259 = arith.mulf %add3A_225, %exp3A_258 : vector<16xf32>
      %add3A_260 = arith.addf %sub3A_254, %mul3A_259 : vector<16xf32>
      %sub3A_261 = arith.constant 1.000000e+00 : f32
      %sub3A_262 = vector.broadcast %sub3A_261 : f32 to vector<16xf32>
      %sub3A_263 = arith.subf %add3A_260, %sub3A_262 : vector<16xf32>
      %sub3A_264 = arith.subf %add3A_196, %max3A_219 : vector<16xf32>
      %sub3A_265 = arith.subf %sub3A_264, %sub3A_263 : vector<16xf32>
      %swap3A = arith.constant 0 : i32
      %swap3A_266 = arith.index_cast %swap3A : i32 to index
      %swap3A_267 = arith.index_cast %mul3A_186 : i32 to index
      %swap3A_268 = tpu.vector_load %arg14[%swap3A_266, %swap3A_267] {strides = array<i32>} : memref<3x512xf32, #tpu.memory_space<vmem>>, vector<1x16xf32>,
      %swap3A_269 = vector.shape_cast %swap3A_268 : vector<1x16xf32> to vector<16xf32>
      %swap3A_270 = vector.shape_cast %sub3A_265 : vector<16xf32> to vector<1x16xf32>
      tpu.vector_store %arg14[%swap3A_266, %swap3A_267], %swap3A_270 {strides = array<i32>} : memref<3x512xf32, #tpu.memory_space<vmem>>, vector<1x16xf32>,
      %sub3A_271 = arith.subf %add3A_207, %max3A_219 : vector<16xf32>
      %sub3A_272 = arith.subf %sub3A_271, %sub3A_263 : vector<16xf32>
      %swap3A_273 = arith.constant 1 : i32
      %swap3A_274 = arith.index_cast %swap3A_273 : i32 to index
      %swap3A_275 = arith.index_cast %mul3A_186 : i32 to index
      %swap3A_276 = tpu.vector_load %arg14[%swap3A_274, %swap3A_275] {strides = array<i32>} : memref<3x512xf32, #tpu.memory_space<vmem>>, vector<1x16xf32>,
      %swap3A_277 = vector.shape_cast %swap3A_276 : vector<1x16xf32> to vector<16xf32>
      %swap3A_278 = vector.shape_cast %sub3A_272 : vector<16xf32> to vector<1x16xf32>
      tpu.vector_store %arg14[%swap3A_274, %swap3A_275], %swap3A_278 {strides = array<i32>} : memref<3x512xf32, #tpu.memory_space<vmem>>, vector<1x16xf32>,
      %sub3A_279 = arith.subf %add3A_218, %max3A_219 : vector<16xf32>
      %sub3A_280 = arith.subf %sub3A_279, %sub3A_263 : vector<16xf32>
      %swap3A_281 = arith.constant 2 : i32
      %swap3A_282 = arith.index_cast %swap3A_281 : i32 to index
      %swap3A_283 = arith.index_cast %mul3A_186 : i32 to index
      %swap3A_284 = tpu.vector_load %arg14[%swap3A_282, %swap3A_283] {strides = array<i32>} : memref<3x512xf32, #tpu.memory_space<vmem>>, vector<1x16xf32>,
      %swap3A_285 = vector.shape_cast %swap3A_284 : vector<1x16xf32> to vector<16xf32>
      %swap3A_286 = vector.shape_cast %sub3A_280 : vector<16xf32> to vector<1x16xf32>
      tpu.vector_store %arg14[%swap3A_282, %swap3A_283], %swap3A_286 {strides = array<i32>} : memref<3x512xf32, #tpu.memory_space<vmem>>, vector<1x16xf32>,
      %scan3A_287 = arith.constant 0 : i32
      scf.yield %scan3A_287 : i32
    }
    %scan3A_176 = arith.constant 32 : i32
    %mul3A_177 = arith.constant 512 : i32
    %mul3A_178 = arith.muli %add3A, %mul3A_177 : i32
    "tpu.region"() ({
      %run_scoped3A = tpu.sem_alloc : memref<!tpu.dma_semaphore, #tpu.memory_space<semaphore_mem>>
      %dma_start3A_183 = arith.constant 0 : i32
      %dma_start3A_184 = arith.constant 0 : i32
      %dma_start3A_185 = tpu.memref_slice %arg14[%dma_start3A_183, %dma_start3A_184] : memref<3x512xf32, #tpu.memory_space<vmem>> -> memref<1x512xf32, #tpu.memory_space<vmem>>
      %dma_start3A_186 = arith.constant 0 : i32
      %dma_start3A_187 = tpu.memref_slice %arg6[%dma_start3A_186, %mul3A_178] : memref<3x16384xf32, #tpu.memory_space<hbm>> -> memref<1x512xf32, #tpu.memory_space<hbm>>
      %dma_start3A_188 = arith.constant 0 : i32
      %dma_start3A_189 = tpu.memref_slice %arg6[%dma_start3A_188, %mul3A_178] : memref<3x16384xf32, #tpu.memory_space<hbm>> -> memref<1x512xf32, #tpu.memory_space<hbm>>
      %dma_start3A_190 = arith.constant 0 : i32
      %dma_start3A_191 = arith.constant 0 : i32
      %dma_start3A_192 = tpu.memref_slice %arg14[%dma_start3A_190, %dma_start3A_191] : memref<3x512xf32, #tpu.memory_space<vmem>> -> memref<1x512xf32, #tpu.memory_space<vmem>>
      tpu.enqueue_dma source(%dma_start3A_192 : memref<1x512xf32, #tpu.memory_space<vmem>>) target(%dma_start3A_189 : memref<1x512xf32, #tpu.memory_space<hbm>>) target_semaphore(%run_scoped3A : memref<!tpu.dma_semaphore, #tpu.memory_space<semaphore_mem>>)
      %dma_wait3A = arith.constant 0 : i32
      %dma_wait3A_193 = arith.constant 0 : i32
      %dma_wait3A_194 = tpu.memref_slice %arg14[%dma_wait3A, %dma_wait3A_193] : memref<3x512xf32, #tpu.memory_space<vmem>> -> memref<1x512xf32, #tpu.memory_space<vmem>>
      %dma_wait3A_195 = arith.constant 0 : i32
      %dma_wait3A_196 = tpu.memref_slice %arg6[%dma_wait3A_195, %mul3A_178] : memref<3x16384xf32, #tpu.memory_space<hbm>> -> memref<1x512xf32, #tpu.memory_space<hbm>>
      %dma_wait3A_197 = arith.constant 0 : i32
      %dma_wait3A_198 = tpu.memref_slice %arg6[%dma_wait3A_197, %mul3A_178] : memref<3x16384xf32, #tpu.memory_space<hbm>> -> memref<1x512xf32, #tpu.memory_space<hbm>>
      %dma_wait3A_199 = arith.constant 0 : i32
      %dma_wait3A_200 = arith.constant 0 : i32
      %dma_wait3A_201 = tpu.memref_slice %arg14[%dma_wait3A_199, %dma_wait3A_200] : memref<3x512xf32, #tpu.memory_space<vmem>> -> memref<1x512xf32, #tpu.memory_space<vmem>>
      tpu.wait_dma2 semaphore(%run_scoped3A : memref<!tpu.dma_semaphore, #tpu.memory_space<semaphore_mem>>) src(%dma_wait3A_201 : memref<1x512xf32, #tpu.memory_space<vmem>>) dst(%dma_wait3A_198 : memref<1x512xf32, #tpu.memory_space<hbm>>)
      tpu.yield
    }) : () -> ()
    %mul3A_179 = arith.constant 512 : i32
    %mul3A_180 = arith.muli %add3A, %mul3A_179 : i32
    "tpu.region"() ({
      %run_scoped3A = tpu.sem_alloc : memref<!tpu.dma_semaphore, #tpu.memory_space<semaphore_mem>>
      %dma_start3A_183 = arith.constant 1 : i32
      %dma_start3A_184 = arith.constant 0 : i32
      %dma_start3A_185 = tpu.memref_slice %arg14[%dma_start3A_183, %dma_start3A_184] : memref<3x512xf32, #tpu.memory_space<vmem>> -> memref<1x512xf32, #tpu.memory_space<vmem>>
      %dma_start3A_186 = arith.constant 1 : i32
      %dma_start3A_187 = tpu.memref_slice %arg6[%dma_start3A_186, %mul3A_180] : memref<3x16384xf32, #tpu.memory_space<hbm>> -> memref<1x512xf32, #tpu.memory_space<hbm>>
      %dma_start3A_188 = arith.constant 1 : i32
      %dma_start3A_189 = tpu.memref_slice %arg6[%dma_start3A_188, %mul3A_180] : memref<3x16384xf32, #tpu.memory_space<hbm>> -> memref<1x512xf32, #tpu.memory_space<hbm>>
      %dma_start3A_190 = arith.constant 1 : i32
      %dma_start3A_191 = arith.constant 0 : i32
      %dma_start3A_192 = tpu.memref_slice %arg14[%dma_start3A_190, %dma_start3A_191] : memref<3x512xf32, #tpu.memory_space<vmem>> -> memref<1x512xf32, #tpu.memory_space<vmem>>
      tpu.enqueue_dma source(%dma_start3A_192 : memref<1x512xf32, #tpu.memory_space<vmem>>) target(%dma_start3A_189 : memref<1x512xf32, #tpu.memory_space<hbm>>) target_semaphore(%run_scoped3A : memref<!tpu.dma_semaphore, #tpu.memory_space<semaphore_mem>>)
      %dma_wait3A = arith.constant 1 : i32
      %dma_wait3A_193 = arith.constant 0 : i32
      %dma_wait3A_194 = tpu.memref_slice %arg14[%dma_wait3A, %dma_wait3A_193] : memref<3x512xf32, #tpu.memory_space<vmem>> -> memref<1x512xf32, #tpu.memory_space<vmem>>
      %dma_wait3A_195 = arith.constant 1 : i32
      %dma_wait3A_196 = tpu.memref_slice %arg6[%dma_wait3A_195, %mul3A_180] : memref<3x16384xf32, #tpu.memory_space<hbm>> -> memref<1x512xf32, #tpu.memory_space<hbm>>
      %dma_wait3A_197 = arith.constant 1 : i32
      %dma_wait3A_198 = tpu.memref_slice %arg6[%dma_wait3A_197, %mul3A_180] : memref<3x16384xf32, #tpu.memory_space<hbm>> -> memref<1x512xf32, #tpu.memory_space<hbm>>
      %dma_wait3A_199 = arith.constant 1 : i32
      %dma_wait3A_200 = arith.constant 0 : i32
      %dma_wait3A_201 = tpu.memref_slice %arg14[%dma_wait3A_199, %dma_wait3A_200] : memref<3x512xf32, #tpu.memory_space<vmem>> -> memref<1x512xf32, #tpu.memory_space<vmem>>
      tpu.wait_dma2 semaphore(%run_scoped3A : memref<!tpu.dma_semaphore, #tpu.memory_space<semaphore_mem>>) src(%dma_wait3A_201 : memref<1x512xf32, #tpu.memory_space<vmem>>) dst(%dma_wait3A_198 : memref<1x512xf32, #tpu.memory_space<hbm>>)
      tpu.yield
    }) : () -> ()
    %mul3A_181 = arith.constant 512 : i32
    %mul3A_182 = arith.muli %add3A, %mul3A_181 : i32
    "tpu.region"() ({
      %run_scoped3A = tpu.sem_alloc : memref<!tpu.dma_semaphore, #tpu.memory_space<semaphore_mem>>
      %dma_start3A_183 = arith.constant 2 : i32
      %dma_start3A_184 = arith.constant 0 : i32
      %dma_start3A_185 = tpu.memref_slice %arg14[%dma_start3A_183, %dma_start3A_184] : memref<3x512xf32, #tpu.memory_space<vmem>> -> memref<1x512xf32, #tpu.memory_space<vmem>>
      %dma_start3A_186 = arith.constant 2 : i32
      %dma_start3A_187 = tpu.memref_slice %arg6[%dma_start3A_186, %mul3A_182] : memref<3x16384xf32, #tpu.memory_space<hbm>> -> memref<1x512xf32, #tpu.memory_space<hbm>>
      %dma_start3A_188 = arith.constant 2 : i32
      %dma_start3A_189 = tpu.memref_slice %arg6[%dma_start3A_188, %mul3A_182] : memref<3x16384xf32, #tpu.memory_space<hbm>> -> memref<1x512xf32, #tpu.memory_space<hbm>>
      %dma_start3A_190 = arith.constant 2 : i32
      %dma_start3A_191 = arith.constant 0 : i32
      %dma_start3A_192 = tpu.memref_slice %arg14[%dma_start3A_190, %dma_start3A_191] : memref<3x512xf32, #tpu.memory_space<vmem>> -> memref<1x512xf32, #tpu.memory_space<vmem>>
      tpu.enqueue_dma source(%dma_start3A_192 : memref<1x512xf32, #tpu.memory_space<vmem>>) target(%dma_start3A_189 : memref<1x512xf32, #tpu.memory_space<hbm>>) target_semaphore(%run_scoped3A : memref<!tpu.dma_semaphore, #tpu.memory_space<semaphore_mem>>)
      %dma_wait3A = arith.constant 2 : i32
      %dma_wait3A_193 = arith.constant 0 : i32
      %dma_wait3A_194 = tpu.memref_slice %arg14[%dma_wait3A, %dma_wait3A_193] : memref<3x512xf32, #tpu.memory_space<vmem>> -> memref<1x512xf32, #tpu.memory_space<vmem>>
      %dma_wait3A_195 = arith.constant 2 : i32
      %dma_wait3A_196 = tpu.memref_slice %arg6[%dma_wait3A_195, %mul3A_182] : memref<3x16384xf32, #tpu.memory_space<hbm>> -> memref<1x512xf32, #tpu.memory_space<hbm>>
      %dma_wait3A_197 = arith.constant 2 : i32
      %dma_wait3A_198 = tpu.memref_slice %arg6[%dma_wait3A_197, %mul3A_182] : memref<3x16384xf32, #tpu.memory_space<hbm>> -> memref<1x512xf32, #tpu.memory_space<hbm>>
      %dma_wait3A_199 = arith.constant 2 : i32
      %dma_wait3A_200 = arith.constant 0 : i32
      %dma_wait3A_201 = tpu.memref_slice %arg14[%dma_wait3A_199, %dma_wait3A_200] : memref<3x512xf32, #tpu.memory_space<vmem>> -> memref<1x512xf32, #tpu.memory_space<vmem>>
      tpu.wait_dma2 semaphore(%run_scoped3A : memref<!tpu.dma_semaphore, #tpu.memory_space<semaphore_mem>>) src(%dma_wait3A_201 : memref<1x512xf32, #tpu.memory_space<vmem>>) dst(%dma_wait3A_198 : memref<1x512xf32, #tpu.memory_space<hbm>>)
      tpu.yield
    }) : () -> ()
    return
  }
}

</mosaic_0001>

<sc_bundles>
// kernel: kernel.3.cloned.1.call-start
scs
__scs_entry_jumppad:
0x0: {  	(pc) =	sbr.rel $0x88, $3  }
0x1: {  	(tag) =	ssettag $0x0;
	lr =	simm.s32 $0x1  }
0x2: {  	[smem:$0x3F9D] =	sst lr;
	_ =	strace $0xD0000000  }
0x3: {  	_ = 	snop  }
0x4: {  	_ = 	snop  }
0x5: {  	_ = 	snop  }
0x6: {  	_ = 	snop  }
0x7: {  	_ = 	snop  }
__scs_overlays_trampoline_lowered:
0x8: {  	[smem:$0x3FAC] =	sst s0  }
0x9: {  	[smem:$0x3FAD] =	sst s1  }
0xa: {  	[smem:$0x3FAE] =	sst s2  }
0xb: {  	[smem:$0x3FAF] =	sst s3  }
0xc: {  	[smem:$0x3FB0] =	sst s4  }
0xd: {  	[smem:$0x3FB1] =	sst s5  }
0xe: {  	[smem:$0x3FB2] =	sst s6  }
0xf: {  	[smem:$0x3FB3] =	sst s7  }
0x10: {  	[smem:$0x3FB4] =	sst s8  }
0x11: {  	[smem:$0x3FB5] =	sst s9;
	s0 =	simm.s32 @!p0 $0x0  }
0x12: {  	s1 =	sld [smem:$0x3F9B];
	s0 =	simm.s32 @p0 $0x1  }
0x13: {  	[smem:$0x3FB6] =	sst s0;
	s0 =	simm.s32 @!p1 $0x0  }
0x14: {  	s2 =	sld [smem:$0x3F9A];
	s0 =	simm.s32 @p1 $0x1  }
0x15: {  	[smem:$0x3FB7] =	sst s0;
	s0 =	simm.s32 @!p2 $0x0  }
0x16: {  	s3 =	sld [smem:$0x3FDB];
	s0 =	simm.s32 @p2 $0x1  }
0x17: {  	s4 =	simm.s32 $0x1BF5;
	[smem:$0x3FB9] =	sst s0  }
0x18: {  	s0 =	sld [smem:$0x3F9C];
	_ =	swait.ge [sflag:s4], $0x0  }
0x19: {  	s7 =	sld [smem:$0x3F9D]  }
0x1a: {  	s8 =	sadd.s32 $0xFFFFE003, lr  }
0x1b: {  	s9 =	sadd.s32 $0xFFFFFEF7, lr;
	s5 =	simm.s32 $0xFFFFFFFF;
	p2 =	slt.u32 s8, $0xFFFFF086  }
0x1c: {  	p1 =	slt.u32 s9, $0xF7A;
	s5 =	simm.s32 @!p2 $0x0  }
0x1d: {  	s5 =	simm.s32 @p1 $0x1;
	p0 =	seq.s32 s7, s2  }
0x1e: {  	s7 =	smul.u32 @!p0 $0xF7A, s2;
	p2 =	seq.s32 @!p0 s5, $0x0  }
0x1f: {  	s9 =	smul.u32 $0xF7A, s1;
	s8 =	simm.s32 @!p0 $0x1BF5;
	p2 =	por !p2, p0  }
0x20: {  	[sflag:s8] =	ssyncset.s32 @!p0 $0xFFFFF086;
	s6 =	sadd.s32 @!p0 s3, s7;
	s7 =	simm.s32 @!p0 $0x108  }
0x21: {  	s3 =	sadd.s32 s3, s9;
	s6 =	sadd.s32 @!p0 $0x88, s6;
	s7 =	simm.s32 @p2 $0x1082  }
0x22: {  	[simem:s7], [sflag:s8] =	dma.local @!p0 [hbm:s6], $0xF7A  }
0x23: {  	s9 =	sor.u32 $0xD0000000, s2;
	s6 =	simm.s32 $0x108;
	_ =	swait.ge @!p0 [sflag:s8], $0x0  }
0x24: {  	s3 =	sadd.s32 $0x88, s3;
	s6 =	simm.s32 @!p1 $0x1082;
	[sflag:s4] =	ssyncset.s32 $0xFFFFF086  }
0x25: {  	[simem:s6], [sflag:s4] =	dma.local [hbm:s3], $0xF7A  }
0x26: {  	[smem:$0x3F9D] =	sst s1;
	(tag) =	ssettag s2;
	_ =	strace s9  }
0x27: {  	s1 =	sld [smem:$0x3FAD]  }
0x28: {  	s2 =	sld [smem:$0x3FAE]  }
0x29: {  	s4 =	sld [smem:$0x3FB0]  }
0x2a: {  	p0 =	seq.s32 s5, $0x0;
	s5 =	sld [smem:$0x3FB1]  }
0x2b: {  	s6 =	sld [smem:$0x3FB2]  }
0x2c: {  	s7 =	sld [smem:$0x3FB3]  }
0x2d: {  	s3 =	simm.s32 $0x108;
	s8 =	sld [smem:$0x3FB4]  }
0x2e: {  	s3 =	simm.s32 @!p0 $0x1082;
	s9 =	sld [smem:$0x3FB5]  }
0x2f: {  	lr =	sadd.s32 s0, s3;
	s0 =	sld [smem:$0x3FAC]  }
0x30: {  	s3 =	sld [smem:$0x3FAF]  }
0x31: {  	[smem:$0x3FB8] =	sst s10  }
0x32: {  	s10 =	sld [smem:$0x3FB6];
	_ =	sdelay $0x3  }
0x33: {  	p0 =	seq.s32 s10, $0x1;
	s10 =	sld [smem:$0x3FB8];
	_ =	sdelay $0x3  }
0x34: {  	[smem:$0x3FB8] =	sst s10  }
0x35: {  	s10 =	sld [smem:$0x3FB7];
	_ =	sdelay $0x3  }
0x36: {  	p1 =	seq.s32 s10, $0x1;
	s10 =	sld [smem:$0x3FB8];
	_ =	sdelay $0x3  }
0x37: {  	[smem:$0x3FB8] =	sst s10  }
0x38: {  	s10 =	sld [smem:$0x3FB9]  }
0x39: {  	_ = 	snop;
	(pc) =	sbr.ind lr, $3  }
0x3a: {  	_ = 	snop  }
0x3b: {  	_ = 	snop  }
0x3c: {  	p2 =	seq.s32 s10, $0x1;
	s10 =	sld [smem:$0x3FB8]  }
0x3d: {  	_ =	shalt  }
0x3e: {  	_ =	shalt  }
0x3f: {  	_ =	shalt  }
0x40: {  	_ =	shalt  }
0x41: {  	_ =	shalt  }
0x42: {  	_ =	shalt  }
0x43: {  	_ =	shalt  }
0x44: {  	_ =	shalt  }
0x45: {  	_ =	shalt  }
0x46: {  	_ =	shalt  }
0x47: {  	_ =	shalt  }
0x48: {  	_ =	shalt  }
0x49: {  	_ =	shalt  }
0x4a: {  	_ =	shalt  }
0x4b: {  	_ =	shalt  }
0x4c: {  	_ =	shalt  }
0x4d: {  	_ =	shalt  }
0x4e: {  	_ =	shalt  }
0x4f: {  	_ =	shalt  }
0x50: {  	_ =	shalt  }
0x51: {  	_ =	shalt  }
0x52: {  	_ =	shalt  }
0x53: {  	_ =	shalt  }
0x54: {  	_ =	shalt  }
0x55: {  	_ =	shalt  }
0x56: {  	_ =	shalt  }
0x57: {  	_ =	shalt  }
0x58: {  	_ =	shalt  }
0x59: {  	_ =	shalt  }
0x5a: {  	_ =	shalt  }
0x5b: {  	_ =	shalt  }
0x5c: {  	_ =	shalt  }
0x5d: {  	_ =	shalt  }
0x5e: {  	_ =	shalt  }
0x5f: {  	_ =	shalt  }
0x60: {  	_ =	shalt  }
0x61: {  	_ =	shalt  }
0x62: {  	_ =	shalt  }
0x63: {  	_ =	shalt  }
0x64: {  	_ =	shalt  }
0x65: {  	_ =	shalt  }
0x66: {  	_ =	shalt  }
0x67: {  	_ =	shalt  }
0x68: {  	_ =	shalt  }
0x69: {  	_ =	shalt  }
0x6a: {  	_ =	shalt  }
0x6b: {  	_ =	shalt  }
0x6c: {  	_ =	shalt  }
0x6d: {  	_ =	shalt  }
0x6e: {  	_ =	shalt  }
0x6f: {  	_ =	shalt  }
0x70: {  	_ =	shalt  }
0x71: {  	_ =	shalt  }
0x72: {  	_ =	shalt  }
0x73: {  	_ =	shalt  }
0x74: {  	_ =	shalt  }
0x75: {  	_ =	shalt  }
0x76: {  	_ =	shalt  }
0x77: {  	_ =	shalt  }
0x78: {  	_ =	shalt  }
0x79: {  	_ =	shalt  }
0x7a: {  	_ =	shalt  }
0x7b: {  	_ =	shalt  }
0x7c: {  	_ =	shalt  }
0x7d: {  	_ =	shalt  }
0x7e: {  	_ =	shalt  }
0x7f: {  	_ =	shalt  }
0x80: {  	_ =	shalt  }
0x81: {  	_ =	shalt  }
0x82: {  	_ =	shalt  }
0x83: {  	_ =	shalt  }
0x84: {  	_ =	shalt  }
0x85: {  	_ =	shalt  }
0x86: {  	_ =	shalt  }
0x87: {  	_ =	shalt  }
.Lfunc_end0:
.L_simem_size_0:
called_computation_lowered:
.L_overlay_start_0:
0x88: {  	s2 =	sld [smem:$0x3FD9]  }
0x89: {  	s3 =	sld [smem:$0x3FFE];
	_ =	sdelay $0x1  }
0x8a: {  	s1 =	srdreg.scid  }
0x8b: {  	s0 =	sand.u32 $0x1, s1  }
0x8c: {  	s17 =	sshll.u32 s0, $0xA;
	s2 =	sadd.s32 s3, s2  }
0x8d: {  	s2 =	sadd.s32 s2, s17  }
0x8e: {  	[smem:$0x3FC4] =	sst s2  }
0x8f: {  	_ = 	snop  }
0x90: {  	s2 =	sld [smem:$0x3FD0];
	(tm) =	ssettm $0x1  }
0x91: {  	s18 =	sld [smem:$0x3FFB];
	_ =	sdelay $0x3  }
0x92: {  	_ =	strace s18  }
0x93: {  	s3 =	sld [smem:$0x3FFC];
	_ =	sdelay $0x3  }
0x94: {  	_ =	strace s3  }
0x95: {  	s3 =	sld [smem:$0x3FFD];
	_ =	sdelay $0x3  }
0x96: {  	_ =	strace s3  }
0x97: {  	_ =	strace $0x8FFFFFFF  }
0x98: {  	s19 =	sld [smem:$0x3FDB];
	_ =	sdelay $0x1  }
0x99: {  	s4 =	simm.s32 $_scs_section_size  }
0x9a: {  	s5 =	simm.s32 $_size__tile_overlayer_lowered;
	s6 =	simm.s32 $_tile_overlayer_lowered  }
0x9b: {  	s22 =	simm.s32 $0x1BFF;
	s21 =	sshll.u32 s6, $0x1;
	s3 =	sadd.s32 s4, s19  }
0x9c: {  	s7 =	simm.s32 $0x0;
	s20 =	sshll.u32 s5, $0x1;
	s5 =	sadd.s32 s21, s3  }
0x9d: {  	[timem:s7], [sflag:s22] =	dma.local [hbm:s5], s20  }
0x9e: {  	_ =	swait.ge [sflag:s22], s20  }
0x9f: {  	s4 =	ssub.s32 $0x0, s20;
	[sflag:s22] =	ssyncset.done $0x0  }
0xa0: {  	[sflag:s22] =	ssyncadd.s32 s4;
	_ =	sdelay $0x1  }
0xa1: {  	s23 =	simm.s32 $0x1B8B  }
0xa2: {  	_ =	swait.ge [sflag:s23], $0x1  }
0xa3: {  	[sflag:s23] =	ssyncset.done $0x0  }
0xa4: {  	s25 =	simm.s32 $0x1B8E;
	s24 =	sld [smem:$0x3FFE];
	[sflag:s23] =	ssyncadd.s32 $0xFFFFFFFF  }
0xa5: {  	s26 =	simm.s32 $execute0_lowered;
	[smem:$0x3FD2] =	sst s25  }
0xa6: {  	s5 =	sshll.u32 s26, $0x1;
	_ =	strace $0x80000046;
	[dreg:$0x1] =	wrdreg $0xFFFFFFFF  }
0xa7: {  	s28 =	simm.s32 $_size_execute0_lowered;
	s3 =	sadd.s32 s3, s5;
	[dreg:$0x0] =	wrdreg $0x0  }
0xa8: {  	s5 =	sshll.u32 s28, $0x1;
	[dreg:$0x2] =	wrdreg s3  }
0xa9: {  	[dreg:$0x3] =	wrdreg s5  }
0xaa: {  	[dreg:$0x4] =	wrdreg $0xC0  }
0xab: {  	_ =	task [dreg:s7], $0x5FFFF  }
0xac: {  	[dreg:$0x1] =	wrdreg $0xFFFFFFFF  }
0xad: {  	[dreg:$0x0] =	wrdreg $0x60  }
0xae: {  	[dreg:$0x2] =	wrdreg s24  }
0xaf: {  	[dreg:$0x3] =	wrdreg s2  }
0xb0: {  	[dreg:$0x4] =	wrdreg $0x9  }
0xb1: {  	_ =	task.clear_ibuf [dreg:s7], $0x5FFFF;
	_ =	strace $0x90000046  }
0xb2: {  	s29 =	simm.s32 $0x9;
	_ =	strace $0x80000048  }
0xb3: {  	_ =	swait.ge [sflag:s29], $0x1  }
0xb4: {  	[sflag:s29] =	ssyncadd.s32 $0xFFFFFFFF  }
0xb5: {  	_ =	strace $0x90000048  }
0xb6: {  	_ =	sfence  }
0xb7: {  	s30 =	sld [smem:$0x0];
	_ =	sdelay $0x2  }
0xb8: {  	s31 =	sshll.u32 s1, $0xD;
	s1 =	sshrl.u32 s1, $0x2  }
0xb9: {  	s3 =	sand.u32 $0x4000, s31;
	s1 =	sadd.s32 s1, s30  }
0xba: {  	s0 =	sor.u32 s3, s0;
	s1 =	sshll.u32 s1, $0x11  }
0xbb: {  	s0 =	sor.u32 s1, s0  }
0xbc: {  	s0 =	sadd.s32 $0x8F2B, s0  }
0xbd: {  	[sflag:s0] =	ssyncadd.remote.s32 $0x1  }
0xbe: {  	_ =	sfence.sel $0xFFFF  }
0xbf: {  	[dreg:$0x0] =	wrdreg $0xFFFFFFFF;
	(pc) =	sbr.abs _section_cstart, $3  }
0xc0: {  	[dreg:$0x1] =	wrdreg $0xFFFFFFFF  }
0xc1: {  	_ =	task.clear_ibuf [dreg:s7], $0x2FFFF;
	_ =	strace $0x9FFFFFFF  }
0xc2: {  	(tm) =	ssettm $0x7FFFFFFF  }
0xc3: {  	_ =	shalt  }
tec
execute0_lowered:
.L_overlay_start_1:
0x0: {  	(tag) =	ssettag $0x1  }
0x1: {  	v0 =	vimm.s32 $0xEFCDAB89  }
0x2: {  	v1 =	vimm.s32 $0x67452301;
	vm0 =	vcmask $0xB08;
	vm1 =	vcmask $0x300  }
0x3: {  	s0 =	rddreg [dreg:$0x0];
	s24 =	simm.s32 $0x0;
	v2 =	vimm.s32 $0xDCFE98BA;
	v3 =	vimm.s32 $0xBA98FEDC;
	v4 =	vimm.s32 $0x32107654  }
0x4: {  	s1 =	srdreg.scid;
	s2 =	stileid.u32;
	s15 =	simm.s32 $0x3;
	vm2 =	vcmask $0x1710;
	v0 =	vunpack.c.l.s4.s8 v0;
	v1 =	vunpack.c.l.s4.s8 v1  }
0x5: {  	s17 =	simm.s32 $0x64;
	vm3 =	vcmask $0x700;
	s30 =	simm.s32 $0x9C0;
	s31 =	simm.s32 $0xA300;
	vm0 =	vmor vm1, vm0;
	vm1 =	vcmask $0x1310  }
0x6: {  	s8 =	simm.s32 $0xA940;
	s10 =	simm.s32 $0xA90;
	s11 =	simm.s32 $0xAF80;
	v2 =	vunpack.c.l.s4.s8 v2;
	v0 =	vunpack.c.0.s8.s32 v0;
	v1 =	vunpack.c.0.s8.s32 v1  }
0x7: {  	s12 =	simm.s32 $0xAF8;
	s13 =	simm.s32 $0xB5C0;
	s14 =	simm.s32 $0xC240;
	v3 =	vunpack.c.l.s4.s8 v3;
	v4 =	vunpack.c.l.s4.s8 v4;
	vm2 =	vmor vm3, vm2  }
0x8: {  	s16 =	simm.s32 $0xC30;
	s18 =	simm.s32 $0xC880;
	s19 =	simm.s32 $0xC98;
	vm3 =	vcmask $0x2720;
	v0 =	vcombine.low v1, v0;
	v1 =	vimm.s32 $0x54761032  }
0x9: {  	s20 =	simm.s32 $0xCEC0;
	s21 =	simm.s32 $0x1;
	s22 =	simm.s32 $0x2;
	vm0 =	vmor vm0, vm1;
	vm1 =	vcmask $0x1B18;
	v1 =	vunpack.c.l.s4.s8 v1  }
0xa: {  	[smem:$0x7FF] =	sst s24;
	s1 =	sand.u32 $0x1, s1;
	s2 =	sshll.u32 s2, $0x1;
	vm0 =	vmor vm0, vm1;
	vm1 =	vcmask $0x2320;
	v2 =	vunpack.c.0.s8.s32 v2  }
0xb: {  	s4 =	sadd.s32 $0xA00, s0;
	s5 =	sadd.s32 $0xF42E00, s0;
	s7 =	sadd.s32 $0x1AA00, s0;
	vm0 =	vmor vm0, vm1;
	vm1 =	vcmask $0x2B28;
	v1 =	vunpack.c.0.s8.s32 v1  }
0xc: {  	_ =	strace $0x80000047;
	s2 =	sor.u32 s1, s2;
	s1 =	ssub.s32 $0x2, s1;
	vm2 =	vmor vm2, vm3;
	vm0 =	vmor vm0, vm1;
	vm1 =	vcmask $0x3330  }
0xd: {  	[dreg:$0x3] =	wrdreg s7;
	s3 =	sshll.u32 s2, $0x6;
	s6 =	smul.u32 $0xD00, s2;
	v1 =	vcombine.low v1, v2;
	v2 =	vunpack.c.0.s8.s32 v3;
	v3 =	vunpack.c.0.s8.s32 v4  }
0xe: {  	s23 =	sshrl.u32 s1, $0x1;
	s7 =	sshll.u32 s2, $0x8;
	s2 =	simm.s32 $0xBC00;
	vm0 =	vmor vm0, vm1;
	vm1 =	vcmask $0x3B38;
	v4 =	vimm.s32 $0xFEDCBA98  }
0xf: {  	s0 =	sadd.s32 s3, s0;
	s1 =	ssub.s32 s1, s23;
	s25 =	sadd.s32 s4, s6;
	v4 =	vunpack.c.l.s4.s8 v4;
	v2 =	vcombine.low v3, v2;
	v3 =	vimm.s32 $0x76543210  }
0x10: {  	vm3 =	vcmask $0x3730;
	s9 =	sor.u32 $0x20, s7;
	s26 =	sadd.s32 $0x1AC00, s0;
	[dreg:$0x4] =	wrdreg s25;
	vm0 =	vmor vm0, vm1;
	v3 =	vunpack.c.l.s4.s8 v3  }
0x11: {  	s3 =	simm.s32 $0xB60;
	s28 =	sadd.s32 $0x1B400, s0;
	[dreg:$0x5] =	wrdreg s26;
	vm1 =	vmor vm2, vm3;
	vm2 =	vcmask $0x2F20;
	v4 =	vunpack.c.0.s8.s32 v4  }
0x12: {  	s0 =	sadd.s32 $0x1BC00, s0;
	s29 =	smax.u32 s1, $0x1;
	[dreg:$0x6] =	wrdreg s28;
	vm3 =	vcmask $0xF00;
	v0 =	vand.u32 $0xF, v0;
	v3 =	vunpack.c.0.s8.s32 v3  }
0x13: {  	s6 =	simm.s32 $0xA28;
	s1 =	simm.s32 $0xBC8;
	[dreg:$0x7] =	wrdreg s0;
	vm2 =	vmor vm3, vm2;
	vm3 =	vmmov $0xff;
	v4 =	vand.u32 $0xF, v4  }
0x14: {  	[dreg:$0x8] =	wrdreg s29;
	s0 =	simm.s32 $0x680;
	s25 =	simm.s32 $0x0;
	v1 =	vand.u32 $0xF, v1;
	v2 =	vand.u32 $0xF, v2;
	v3 =	vcombine.low v4, v3  }
.LBB2_1:
0x15: {  	[dreg:$0x9] =	wrdreg s25  }
0x16: {  	s23 =	rddreg [dreg:$0x1];
	s26 =	simm.s32 $0xD500  }
0x17: {  	[tilespmem:s26], [sflag:$0x3] =	stream.linear.gather [hbm4b:s23+s24], $0x960, $0x38;
	[tilespmem:$0xEA90] =	vst v63  }
0x18: {  	_ =	swait.ge [sflag:s15], $0x960  }
0x19: {  	[sflag:s15] =	ssyncset.done $0x0  }
0x1a: {  	s29 =	simm.s32 $0xDE60;
	s28 =	rddreg [dreg:$0x3];
	[sflag:s15] =	ssyncadd.s32 $0xFFFFF6A0  }
0x1b: {  	[tilespmem:s29], [sflag:$0x3] =	stream.linear.gather [hbm4b:s28+s24], $0x30, $0x38;
	[tilespmem:$0xEA90] =	vst v63  }
0x1c: {  	_ =	swait.ge [sflag:s15], $0x30  }
0x1d: {  	[sflag:s15] =	ssyncset.done $0x0  }
0x1e: {  	s25 =	rddreg [dreg:$0x4];
	[sflag:s15] =	ssyncadd.s32 $0xFFFFFFD0  }
0x1f: {  	[tilespmem:s24], [sflag:$0x3] =	stream.linear.gather [hbm4b:s25+s24], $0x680, $0x38;
	[tilespmem:$0xEA90] =	vst v63  }
0x20: {  	_ =	swait.ge [sflag:s15], $0x680  }
0x21: {  	[sflag:s15] =	ssyncset.done $0x0  }
0x22: {  	s26 =	simm.s32 $0xD00;
	[sflag:s15] =	ssyncadd.s32 $0xFFFFF980  }
0x23: {  	[tilespmem:s26], [sflag:$0x1] =	stream.indirect.gather [hbm4b:s5+s17], $0x10, s24, s17, $0xb8;
	[tilespmem:$0xEA90] =	vst v63  }
0x24: {  	s28 =	simm.s32 $0x68;
	s29 =	simm.s32 $0x1340  }
0x25: {  	[tilespmem:s29], [sflag:$0x1] =	stream.indirect.gather [hbm4b:s5+s17], $0x10, s28, s17, $0xb8;
	[tilespmem:$0xEA90] =	vst v63  }
0x26: {  	s25 =	simm.s32 $0xD0;
	s26 =	simm.s32 $0x1980  }
0x27: {  	[tilespmem:s26], [sflag:$0x1] =	stream.indirect.gather [hbm4b:s5+s17], $0x10, s25, s17, $0xb8;
	[tilespmem:$0xEA90] =	vst v63  }
0x28: {  	s28 =	simm.s32 $0x138;
	s29 =	simm.s32 $0x1FC0  }
0x29: {  	[tilespmem:s29], [sflag:$0x1] =	stream.indirect.gather [hbm4b:s5+s17], $0x10, s28, s17, $0xb8;
	[tilespmem:$0xEA90] =	vst v63  }
0x2a: {  	s25 =	simm.s32 $0x1A0;
	s26 =	simm.s32 $0x2600  }
0x2b: {  	[tilespmem:s26], [sflag:$0x1] =	stream.indirect.gather [hbm4b:s5+s17], $0x10, s25, s17, $0xb8;
	[tilespmem:$0xEA90] =	vst v63  }
0x2c: {  	s28 =	simm.s32 $0x208;
	s29 =	simm.s32 $0x2C40  }
0x2d: {  	[tilespmem:s29], [sflag:$0x1] =	stream.indirect.gather [hbm4b:s5+s17], $0x10, s28, s17, $0xb8;
	[tilespmem:$0xEA90] =	vst v63  }
0x2e: {  	s25 =	simm.s32 $0x270;
	s26 =	simm.s32 $0x3280  }
0x2f: {  	[tilespmem:s26], [sflag:$0x1] =	stream.indirect.gather [hbm4b:s5+s17], $0x10, s25, s17, $0xb8;
	[tilespmem:$0xEA90] =	vst v63  }
0x30: {  	s28 =	simm.s32 $0x2D8;
	s29 =	simm.s32 $0x38C0  }
0x31: {  	[tilespmem:s29], [sflag:$0x1] =	stream.indirect.gather [hbm4b:s5+s17], $0x10, s28, s17, $0xb8;
	[tilespmem:$0xEA90] =	vst v63  }
0x32: {  	s25 =	simm.s32 $0x340;
	s26 =	simm.s32 $0x3F00  }
0x33: {  	[tilespmem:s26], [sflag:$0x1] =	stream.indirect.gather [hbm4b:s5+s17], $0x10, s25, s17, $0xb8;
	[tilespmem:$0xEA90] =	vst v63  }
0x34: {  	s28 =	simm.s32 $0x3A8;
	s29 =	simm.s32 $0x4540  }
0x35: {  	[tilespmem:s29], [sflag:$0x1] =	stream.indirect.gather [hbm4b:s5+s17], $0x10, s28, s17, $0xb8;
	[tilespmem:$0xEA90] =	vst v63  }
0x36: {  	s25 =	simm.s32 $0x410;
	s26 =	simm.s32 $0x4B80  }
0x37: {  	[tilespmem:s26], [sflag:$0x1] =	stream.indirect.gather [hbm4b:s5+s17], $0x10, s25, s17, $0xb8;
	[tilespmem:$0xEA90] =	vst v63  }
0x38: {  	s28 =	simm.s32 $0x478;
	s29 =	simm.s32 $0x51C0  }
0x39: {  	[tilespmem:s29], [sflag:$0x1] =	stream.indirect.gather [hbm4b:s5+s17], $0x10, s28, s17, $0xb8;
	[tilespmem:$0xEA90] =	vst v63  }
0x3a: {  	s25 =	simm.s32 $0x4E0;
	s26 =	simm.s32 $0x5800  }
0x3b: {  	[tilespmem:s26], [sflag:$0x1] =	stream.indirect.gather [hbm4b:s5+s17], $0x10, s25, s17, $0xb8;
	[tilespmem:$0xEA90] =	vst v63  }
0x3c: {  	s28 =	simm.s32 $0x548;
	s29 =	simm.s32 $0x5E40  }
0x3d: {  	[tilespmem:s29], [sflag:$0x1] =	stream.indirect.gather [hbm4b:s5+s17], $0x10, s28, s17, $0xb8;
	[tilespmem:$0xEA90] =	vst v63  }
0x3e: {  	s25 =	simm.s32 $0x5B0;
	s26 =	simm.s32 $0x6480  }
0x3f: {  	[tilespmem:s26], [sflag:$0x1] =	stream.indirect.gather [hbm4b:s5+s17], $0x10, s25, s17, $0xb8;
	[tilespmem:$0xEA90] =	vst v63  }
0x40: {  	s23 =	simm.s32 $0x0;
	s28 =	simm.s32 $0x618;
	s29 =	simm.s32 $0x6AC0  }
0x41: {  	[tilespmem:s29], [sflag:$0x1] =	stream.indirect.gather [hbm4b:s5+s17], $0x10, s28, s17, $0xb8;
	[tilespmem:$0xEA90] =	vst v63  }
.LBB2_2:
0x42: {  	s24 =	sshllo.u32 s23, $0x1  }
0x43: {  	s25 =	sshll.u32 s24, $0x4  }
0x44: {  	s25 =	sadd.s32 s7, s25  }
0x45: {  	s25 =	smul.u32 $0xD, s25;
	_ =	sdelay $0x1  }
0x46: {  	s26 =	sadd.s32 s4, s25;
	s25 =	simm.s32 $0x0  }
0x47: {  	[tilespmem:s0], [sflag:$0x3] =	stream.linear.gather [hbm4b:s26+s25], $0x680, $0x38;
	[tilespmem:$0xEA90] =	vst v63  }
0x48: {  	_ =	swait.ge [sflag:s15], $0x680  }
0x49: {  	[sflag:s15] =	ssyncset.done $0x0  }
0x4a: {  	s28 =	simm.s32 $0x7100;
	[sflag:s15] =	ssyncadd.s32 $0xFFFFF980  }
0x4b: {  	[tilespmem:s28], [sflag:$0x2] =	stream.indirect.gather [hbm4b:s5+s17], $0x10, s0, s17, $0xb8;
	[tilespmem:$0xEA90] =	vst v63  }
0x4c: {  	s29 =	simm.s32 $0x6E8;
	s28 =	simm.s32 $0x7740  }
0x4d: {  	[tilespmem:s28], [sflag:$0x2] =	stream.indirect.gather [hbm4b:s5+s17], $0x10, s29, s17, $0xb8;
	[tilespmem:$0xEA90] =	vst v63  }
0x4e: {  	s26 =	simm.s32 $0x750;
	s29 =	simm.s32 $0x7D80  }
0x4f: {  	[tilespmem:s29], [sflag:$0x2] =	stream.indirect.gather [hbm4b:s5+s17], $0x10, s26, s17, $0xb8;
	[tilespmem:$0xEA90] =	vst v63  }
0x50: {  	s26 =	simm.s32 $0x7B8;
	s29 =	simm.s32 $0x83C0  }
0x51: {  	[tilespmem:s29], [sflag:$0x2] =	stream.indirect.gather [hbm4b:s5+s17], $0x10, s26, s17, $0xb8;
	[tilespmem:$0xEA90] =	vst v63  }
0x52: {  	s26 =	simm.s32 $0x820;
	s29 =	simm.s32 $0x8A00  }
0x53: {  	[tilespmem:s29], [sflag:$0x2] =	stream.indirect.gather [hbm4b:s5+s17], $0x10, s26, s17, $0xb8;
	[tilespmem:$0xEA90] =	vst v63  }
0x54: {  	s26 =	simm.s32 $0x888;
	s29 =	simm.s32 $0x9040  }
0x55: {  	[tilespmem:s29], [sflag:$0x2] =	stream.indirect.gather [hbm4b:s5+s17], $0x10, s26, s17, $0xb8;
	[tilespmem:$0xEA90] =	vst v63  }
0x56: {  	s26 =	simm.s32 $0x8F0;
	s29 =	simm.s32 $0x9680  }
0x57: {  	[tilespmem:s29], [sflag:$0x2] =	stream.indirect.gather [hbm4b:s5+s17], $0x10, s26, s17, $0xb8;
	[tilespmem:$0xEA90] =	vst v63  }
0x58: {  	s26 =	simm.s32 $0x958;
	s29 =	simm.s32 $0x9CC0  }
0x59: {  	[tilespmem:s29], [sflag:$0x2] =	stream.indirect.gather [hbm4b:s5+s17], $0x10, s26, s17, $0xb8;
	[tilespmem:$0xEA90] =	vst v63  }
0x5a: {  	_ = 	snop  }
0x5b: {  	[tilespmem:s31], [sflag:$0x2] =	stream.indirect.gather [hbm4b:s5+s17], $0x10, s30, s17, $0xb8;
	[tilespmem:$0xEA90] =	vst v63  }
0x5c: {  	_ = 	snop  }
0x5d: {  	[tilespmem:s8], [sflag:$0x2] =	stream.indirect.gather [hbm4b:s5+s17], $0x10, s6, s17, $0xb8;
	[tilespmem:$0xEA90] =	vst v63  }
0x5e: {  	_ = 	snop  }
0x5f: {  	[tilespmem:s11], [sflag:$0x2] =	stream.indirect.gather [hbm4b:s5+s17], $0x10, s10, s17, $0xb8;
	[tilespmem:$0xEA90] =	vst v63  }
0x60: {  	_ = 	snop  }
0x61: {  	[tilespmem:s13], [sflag:$0x2] =	stream.indirect.gather [hbm4b:s5+s17], $0x10, s12, s17, $0xb8;
	[tilespmem:$0xEA90] =	vst v63  }
0x62: {  	_ = 	snop  }
0x63: {  	[tilespmem:s2], [sflag:$0x2] =	stream.indirect.gather [hbm4b:s5+s17], $0x10, s3, s17, $0xb8;
	[tilespmem:$0xEA90] =	vst v63  }
0x64: {  	_ = 	snop  }
0x65: {  	[tilespmem:s14], [sflag:$0x2] =	stream.indirect.gather [hbm4b:s5+s17], $0x10, s1, s17, $0xb8;
	[tilespmem:$0xEA90] =	vst v63  }
0x66: {  	_ = 	snop  }
0x67: {  	[tilespmem:s18], [sflag:$0x2] =	stream.indirect.gather [hbm4b:s5+s17], $0x10, s16, s17, $0xb8;
	[tilespmem:$0xEA90] =	vst v63  }
0x68: {  	s29 =	sshll.u32 s23, $0x6  }
0x69: {  	[tilespmem:s20], [sflag:$0x2] =	stream.indirect.gather [hbm4b:s5+s17], $0x10, s19, s17, $0xb8;
	[tilespmem:$0xEA90] =	vst v63  }
0x6a: {  	s26 =	sand.u32 $0x3FFFFFC0, s29;
	_ =	swait.ge [sflag:s21], $0x6400  }
0x6b: {  	s26 =	sadd.s32 $0xDE90, s26;
	[sflag:s21] =	ssyncset.done $0x0  }
0x6c: {  	p1 =	por $0x1, $0x1;
	v4 =	vmov s26;
	[sflag:s21] =	ssyncadd.s32 $0xFFFF9C00  }
.LBB2_3:
0x6d: {  	s26 =	smul.u32 $0xC800, s25;
	_ =	sdelay $0x1  }
0x6e: {  	s26 =	sshra.s32 s26, $0x2  }
0x6f: {  	s28 =	sadd.s32 $0x1980, s26  }
0x70: {  	v20 =	vmov s28;
	_ =	sdelay $0x1  }
0x71: {  	s29 =	simm.s32 $0x0  }
0x72: {  	v10 =	vld [tilespmem:s29+$0xDB40]  }
0x73: {  	v17 =	vld [tilespmem:s29+$0xD820]  }
0x74: {  	v39 =	vld.idx.msk [tilespmem:v20+s29+$0x0 ss:$0x1], $0xffff  }
0x75: {  	v25 =	vimm.f32 $0.0e+00;
	v21 =	vld.idx.msk [tilespmem:v20+s29+$0x960 ss:$0x1], $0xffff  }
0x76: {  	v38 =	vimm.f32 $0.0e+00;
	v37 =	vimm.f32 $0.0e+00;
	v35 =	vimm.f32 $0.0e+00;
	v16 =	vld.idx.msk [tilespmem:v20+s29+$0xFFFFFCE0 ss:$0x1], $0xffff  }
0x77: {  	v33 =	vimm.f32 $0.0e+00;
	v34 =	vimm.f32 $0.0e+00;
	v31 =	vimm.f32 $0.0e+00;
	v18 =	vld [tilespmem:s29+$0xD500]  }
0x78: {  	v32 =	vimm.f32 $0.0e+00;
	v29 =	vimm.f32 $0.0e+00;
	v30 =	vimm.f32 $0.0e+00;
	v13 =	vld.idx.msk [tilespmem:v20+s29+$0x640 ss:$0x1], $0xffff  }
0x79: {  	v26 =	vimm.f32 $0.0e+00;
	v27 =	vimm.f32 $0.0e+00;
	v28 =	vimm.f32 $0.0e+00;
	v24 =	vld.idx.msk [tilespmem:v20+s29+$0xFFFFF6A0 ss:$0x1], $0xffff  }
0x7a: {  	v22 =	vimm.f32 $0.0e+00;
	v23 =	vimm.f32 $0.0e+00;
	v19 =	vld.idx.msk [tilespmem:v20+s29+$0xFFFFF9C0 ss:$0x1], $0xffff;
	v5 =	vmul.f32 v39, v10  }
0x7b: {  	v36 =	vimm.f32 $0.0e+00;
	v6 =	vmul.f32 v21, v10;
	v7 =	vmul.f32 v16, v10  }
0x7c: {  	v15 =	vimm.f32 $0.0e+00;
	v14 =	vld.idx.msk [tilespmem:v20+s29+$0xFFFFF380 ss:$0x1], $0xffff;
	v40 =	vmul.f32 v21, v17;
	v8 =	vmul.f32 v16, v17  }
0x7d: {  	v12 =	vimm.f32 $0.0e+00;
	v43 =	vld.idx.msk [tilespmem:v20+s29+$0x320 ss:$0x1], $0xffff;
	v42 =	vmul.f32 v13, v17;
	v11 =	vmul.f32 v13, v10  }
0x7e: {  	v44 =	vmul.f32 v24, v10;
	v45 =	vmul.f32 v24, v18;
	v5 =	vadd.f32 v5, v25  }
0x7f: {  	v41 =	vmul.f32 v19, v18;
	v7 =	vadd.f32 v7, v25;
	v9 =	vadd.f32 v8, v25  }
0x80: {  	p0 =	por p1, p1;
	s28 =	simm.s32 $0x40;
	v6 =	vadd.f32 v6, v25;
	v8 =	vadd.f32 v11, v25;
	v11 =	vimm.f32 $0.0e+00  }
.LBB2_4:
0x81: {  	s29 =	sshra.s32 s28, $0x2;
	p1 =	sne.s32 s28, $0xC40;
	s28 =	sadd.s32 $0x40, s28;
	v46 =	vmul.f32 v14, v18;
	v25 =	vadd.f32 v44, v25;
	v44 =	vmul.f32 v39, v17  }
0x82: {  	v48 =	vmul.f32 v43, v17;
	v47 =	vld.idx.msk [tilespmem:v20+s29+$0x0 ss:$0x1], $0xffff;
	v38 =	vadd.f32 v45, v38;
	v45 =	vmul.f32 v19, v17  }
0x83: {  	v49 =	vld.idx.msk [tilespmem:v20+s29+$0x960 ss:$0x1], $0xffff;
	v37 =	vadd.f32 v46, v37;
	v46 =	vmul.f32 v19, v10;
	v19 =	vmul.f32 v43, v10  }
0x84: {  	v50 =	vmul.f32 v16, v18;
	v51 =	vmul.f32 v39, v18;
	v35 =	vadd.f32 v42, v35;
	v16 =	vld.idx.msk [tilespmem:v20+s29+$0xFFFFFCE0 ss:$0x1], $0xffff  }
0x85: {  	v39 =	vmul.f32 v24, v17;
	v34 =	vadd.f32 v48, v34;
	v33 =	vadd.f32 v45, v33;
	v52 =	vld [tilespmem:s29+$0xDB40]  }
0x86: {  	v42 =	vmul.f32 v43, v18;
	v31 =	vadd.f32 v40, v31;
	v43 =	vmul.f32 v13, v18;
	v13 =	vld.idx.msk [tilespmem:v20+s29+$0x640 ss:$0x1], $0xffff  }
0x87: {  	v32 =	vadd.f32 v41, v32;
	v18 =	vmul.f32 v21, v18;
	v29 =	vadd.f32 v19, v29;
	v45 =	vld [tilespmem:s29+$0xD820]  }
0x88: {  	v17 =	vmul.f32 v14, v17;
	v30 =	vadd.f32 v50, v30;
	v26 =	vadd.f32 v44, v26;
	v19 =	vld.idx.msk [tilespmem:v20+s29+$0xFFFFF9C0 ss:$0x1], $0xffff  }
0x89: {  	v10 =	vmul.f32 v14, v10;
	v27 =	vadd.f32 v42, v27;
	v28 =	vadd.f32 v43, v28;
	v24 =	vld.idx.msk [tilespmem:v20+s29+$0xFFFFF6A0 ss:$0x1], $0xffff  }
0x8a: {  	v22 =	vadd.f32 v18, v22;
	v14 =	vld.idx.msk [tilespmem:v20+s29+$0xFFFFF380 ss:$0x1], $0xffff;
	v44 =	vmul.f32 v47, v52;
	v41 =	vmul.f32 v49, v52  }
0x8b: {  	v23 =	vadd.f32 v39, v23;
	v11 =	vadd.f32 v46, v11;
	v39 =	vmovc v47;
	v42 =	vmul.f32 v16, v52;
	v18 =	vld [tilespmem:s29+$0xD500]  }
.Ltmp0:
0x8c: {  	v36 =	vadd.f32 v51, v36;
	v5 =	vadd.f32 v44, v5;
	v43 =	vld.idx.msk [tilespmem:v20+s29+$0x320 ss:$0x1], $0xffff;
	v40 =	vmul.f32 v49, v45;
	(pc) =	sbr.rel @p1 .LBB2_4-.Ltmp0, $4  }
0x8d: {  	v15 =	vadd.f32 v17, v15;
	v21 =	vmovc v49;
	v46 =	vmul.f32 v16, v45;
	v7 =	vadd.f32 v42, v7  }
0x8e: {  	v12 =	vadd.f32 v10, v12;
	v10 =	vmovc v52;
	v47 =	vmul.f32 v13, v52;
	v42 =	vmul.f32 v13, v45  }
0x8f: {  	v6 =	vadd.f32 v41, v6;
	v17 =	vmovc v45;
	v44 =	vmul.f32 v24, v10;
	v9 =	vadd.f32 v46, v9  }
0x90: {  	v8 =	vadd.f32 v47, v8;
	v45 =	vmul.f32 v24, v18;
	v41 =	vmul.f32 v19, v18  }
0x91: {  	v20 =	vmul.f32 v14, v18  }
0x92: {  	v57 =	vmul.f32 v39, v17;
	v58 =	vmul.f32 v19, v17  }
0x93: {  	v46 =	vmul.f32 v43, v17;
	v59 =	vmul.f32 v43, v10  }
0x94: {  	v25 =	vadd.f32 v44, v25;
	v16 =	vmul.f32 v16, v18;
	v60 =	vmul.f32 v39, v18  }
0x95: {  	v35 =	vadd.f32 v42, v35;
	v61 =	vmul.f32 v43, v18;
	v13 =	vmul.f32 v13, v18  }
0x96: {  	v31 =	vadd.f32 v40, v31;
	v24 =	vmul.f32 v24, v17;
	v18 =	vmul.f32 v21, v18  }
0x97: {  	v19 =	vmul.f32 v19, v10;
	v17 =	vmul.f32 v14, v17;
	v38 =	vadd.f32 v45, v38  }
0x98: {  	v10 =	vmul.f32 v14, v10;
	v32 =	vadd.f32 v41, v32;
	v20 =	vadd.f32 v20, v37  }
0x99: {  	v44 =	vimm.f32 $0.0e+00;
	v33 =	vadd.f32 v58, v33;
	v34 =	vadd.f32 v46, v34  }
0x9a: {  	v40 =	vimm.f32 $0.0e+00;
	v29 =	vadd.f32 v59, v29;
	v16 =	vadd.f32 v16, v30  }
0x9b: {  	v39 =	vimm.f32 $0.0e+00;
	v26 =	vadd.f32 v57, v26;
	v27 =	vadd.f32 v61, v27  }
0x9c: {  	v43 =	vimm.f32 $0.0e+00;
	v13 =	vadd.f32 v13, v28;
	v36 =	vadd.f32 v60, v36  }
0x9d: {  	v45 =	vimm.f32 $0.0e+00;
	v18 =	vadd.f32 v18, v22;
	v22 =	vadd.f32 v24, v23  }
0x9e: {  	v41 =	vimm.f32 $0.0e+00;
	v11 =	vadd.f32 v19, v11;
	v15 =	vadd.f32 v17, v15  }
0x9f: {  	v10 =	vadd.f32 v10, v12;
	v30 =	vperm.xlane v38, v0;
	v28 =	vperm.xlane v20, v0  }
0xa0: {  	v37 =	vimm.f32 $0.0e+00;
	v62 =	vperm.xlane v32, v0;
	v63 =	vperm.xlane v16, v0  }
0xa1: {  	v23 =	vperm.xlane v36, v0;
	v21 =	vadd.f32 v30, v38;
	v20 =	vadd.f32 v28, v20  }
0xa2: {  	v24 =	vperm.xlane v13, v0;
	v28 =	vadd.f32 v62, v32;
	v16 =	vadd.f32 v63, v16  }
0xa3: {  	v19 =	vperm.xlane v22, v0;
	v38 =	vimm.f32 $0.0e+00;
	v23 =	vadd.f32 v23, v36  }
0xa4: {  	v20 =	vsel vm0, v20, v21;
	v16 =	vsel vm0, v28, v16;
	v21 =	vperm.xlane v27, v0  }
0xa5: {  	v13 =	vadd.f32 v24, v13;
	v28 =	vperm.xlane v18, v0;
	v30 =	vperm.xlane v16, v1  }
0xa6: {  	v32 =	vimm.f32 $0.0e+00;
	v21 =	vadd.f32 v21, v27;
	v27 =	vperm.xlane v20, v1  }
0xa7: {  	v36 =	vimm.f32 $0.0e+00;
	v18 =	vadd.f32 v28, v18;
	v16 =	vadd.f32 v30, v16  }
0xa8: {  	v30 =	vimm.f32 $0.0e+00;
	v14 =	vadd.f32 v27, v20;
	v17 =	vsel vm0, v23, v21  }
0xa9: {  	v13 =	vsel vm0, v13, v18;
	v20 =	vperm.xlane v34, v0;
	v21 =	vperm.xlane v31, v0  }
0xaa: {  	v12 =	vperm.xlane v13, v1;
	v14 =	vsel vm1, v14, v16;
	v16 =	vperm.xlane v17, v1  }
0xab: {  	v20 =	vadd.f32 v20, v34;
	v34 =	vimm.f32 $0.0e+00;
	v18 =	vperm.xlane v14, v2  }
0xac: {  	v12 =	vadd.f32 v12, v13;
	v17 =	vadd.f32 v16, v17;
	v16 =	vperm.xlane v15, v0  }
0xad: {  	v13 =	vadd.f32 v18, v14;
	v14 =	vperm.xlane v33, v0;
	v18 =	vperm.xlane v9, v0  }
0xae: {  	v15 =	vadd.f32 v16, v15;
	v16 =	vadd.f32 v19, v22;
	v19 =	vperm.xlane v26, v0  }
0xaf: {  	v22 =	vperm.xlane v6, v0;
	v9 =	vadd.f32 v18, v9;
	v18 =	vperm.xlane v35, v0  }
0xb0: {  	v12 =	vsel vm1, v17, v12;
	v14 =	vadd.f32 v14, v33;
	v19 =	vadd.f32 v19, v26  }
0xb1: {  	v15 =	vsel vm0, v15, v16;
	v16 =	vadd.f32 v18, v35;
	v18 =	vadd.f32 v21, v31  }
0xb2: {  	v9 =	vsel vm0, v14, v9;
	v14 =	vsel vm0, v19, v20;
	v19 =	vperm.xlane v15, v1  }
0xb3: {  	v18 =	vsel vm0, v16, v18;
	v16 =	vperm.xlane v9, v1;
	v20 =	vperm.xlane v14, v1  }
0xb4: {  	v21 =	vperm.xlane v25, v0;
	v15 =	vadd.f32 v19, v15;
	v19 =	vperm.xlane v10, v0  }
0xb5: {  	v9 =	vadd.f32 v16, v9;
	v14 =	vadd.f32 v20, v14;
	v16 =	vperm.xlane v11, v0  }
0xb6: {  	v20 =	vperm.xlane v7, v0;
	v10 =	vadd.f32 v19, v10;
	v19 =	vadd.f32 v21, v25  }
0xb7: {  	v21 =	vperm.xlane v29, v0;
	v11 =	vadd.f32 v16, v11;
	v16 =	vperm.xlane v5, v0  }
0xb8: {  	v6 =	vadd.f32 v22, v6;
	v7 =	vadd.f32 v20, v7;
	v20 =	vperm.xlane v8, v0  }
0xb9: {  	s26 =	sadd.s32 $0x2600, s26;
	v33 =	vimm.f32 $0.0e+00;
	v21 =	vadd.f32 v21, v29;
	v5 =	vadd.f32 v16, v5  }
0xba: {  	v8 =	vadd.f32 v20, v8;
	v16 =	vmov s26;
	v7 =	vsel vm0, v11, v7  }
0xbb: {  	s28 =	simm.s32 $0x0;
	v23 =	vperm.xlane v18, v1;
	v10 =	vsel vm0, v10, v19;
	v11 =	vperm.xlane v7, v1  }
0xbc: {  	v24 =	vld [tilespmem:s28+$0xD820];
	v5 =	vsel vm0, v5, v21;
	v6 =	vsel vm0, v8, v6;
	v8 =	vperm.xlane v10, v1  }
0xbd: {  	v28 =	vld [tilespmem:s28+$0xD500];
	v18 =	vadd.f32 v23, v18;
	v19 =	vperm.xlane v5, v1;
	v20 =	vperm.xlane v6, v1  }
0xbe: {  	v17 =	vld [tilespmem:s28+$0xDB40];
	v22 =	vimm.f32 $0.0e+00;
	v7 =	vadd.f32 v11, v7;
	v8 =	vadd.f32 v8, v10  }
0xbf: {  	v9 =	vsel vm1, v15, v9;
	v5 =	vadd.f32 v19, v5;
	v6 =	vadd.f32 v20, v6;
	v31 =	vld.idx.msk [tilespmem:v16+s28+$0xC80 ss:$0x1], $0xffff  }
0xc0: {  	v11 =	vsel vm1, v14, v18;
	v14 =	vperm.xlane v9, v2;
	v10 =	vperm.xlane v12, v2;
	v23 =	vld.idx.msk [tilespmem:v16+s28+$0x15E0 ss:$0x1], $0xffff  }
0xc1: {  	v15 =	vperm.xlane v11, v2;
	v19 =	vld.idx.msk [tilespmem:v16+s28+$0x960 ss:$0x1], $0xffff;
	v7 =	vsel vm1, v8, v7;
	v5 =	vsel vm1, v5, v6  }
0xc2: {  	v18 =	vld.idx.msk [tilespmem:v16+s28+$0x12C0 ss:$0x1], $0xffff;
	v6 =	vadd.f32 v10, v12;
	v8 =	vperm.xlane v7, v2;
	v10 =	vperm.xlane v5, v2  }
0xc3: {  	v35 =	vimm.f32 $0.0e+00;
	v9 =	vadd.f32 v14, v9;
	v27 =	vld.idx.msk [tilespmem:v16+s28+$0x320 ss:$0x1], $0xffff;
	v11 =	vadd.f32 v15, v11  }
0xc4: {  	v42 =	vld.idx.msk [tilespmem:v16+s28+$0x640 ss:$0x1], $0xffff;
	v8 =	vadd.f32 v8, v7;
	v7 =	vsel vm2, v13, v6;
	v12 =	vadd.f32 v10, v5  }
0xc5: {  	v5 =	vsel vm2, v9, v11;
	v10 =	vperm.xlane v7, v3;
	v11 =	vmul.f32 v31, v17  }
0xc6: {  	v25 =	vimm.f32 $0.0e+00;
	v13 =	vmul.f32 v19, v17;
	v46 =	vmul.f32 v23, v24  }
0xc7: {  	v29 =	vimm.f32 $0.0e+00;
	v14 =	vmul.f32 v19, v24;
	v48 =	vmul.f32 v18, v24  }
0xc8: {  	v21 =	vimm.f32 $0.0e+00;
	v26 =	vld.idx.msk [tilespmem:v16+s28+$0x0 ss:$0x1], $0xffff;
	v20 =	vmul.f32 v18, v17;
	v50 =	vmul.f32 v27, v17  }
0xc9: {  	v49 =	vld.idx.msk [tilespmem:v16+s28+$0xFA0 ss:$0x1], $0xffff;
	v51 =	vmul.f32 v27, v28;
	v47 =	vmul.f32 v42, v28;
	v6 =	vsel vm2, v8, v12  }
0xca: {  	v12 =	vmul.f32 v23, v17;
	v11 =	vadd.f32 v11, v32;
	v13 =	vadd.f32 v13, v32  }
0xcb: {  	v9 =	vperm.xlane v5, v3;
	v15 =	vadd.f32 v14, v32;
	v14 =	vadd.f32 v20, v32  }
0xcc: {  	s26 =	simm.s32 $0x40;
	v20 =	vimm.f32 $0.0e+00;
	v8 =	vperm.xlane v6, v3;
	v12 =	vadd.f32 v12, v32  }
.LBB2_6:
0xcd: {  	s28 =	sshra.s32 s26, $0x2;
	p1 =	sne.s32 s26, $0xC40;
	s26 =	sadd.s32 $0x40, s26;
	v52 =	vmul.f32 v26, v28;
	v32 =	vadd.f32 v50, v32;
	v50 =	vmul.f32 v31, v24  }
0xce: {  	v54 =	vmul.f32 v49, v24;
	v53 =	vld.idx.msk [tilespmem:v16+s28+$0xC80 ss:$0x1], $0xffff;
	v45 =	vadd.f32 v51, v45;
	v51 =	vmul.f32 v42, v24  }
0xcf: {  	v55 =	vld.idx.msk [tilespmem:v16+s28+$0x15E0 ss:$0x1], $0xffff;
	v44 =	vadd.f32 v52, v44;
	v52 =	vmul.f32 v42, v17;
	v42 =	vmul.f32 v49, v17  }
0xd0: {  	v56 =	vmul.f32 v19, v28;
	v57 =	vmul.f32 v31, v28;
	v40 =	vadd.f32 v48, v40;
	v19 =	vld.idx.msk [tilespmem:v16+s28+$0x960 ss:$0x1], $0xffff  }
0xd1: {  	v31 =	vmul.f32 v27, v24;
	v38 =	vadd.f32 v54, v38;
	v41 =	vadd.f32 v51, v41;
	v58 =	vld [tilespmem:s28+$0xDB40]  }
0xd2: {  	v48 =	vmul.f32 v49, v28;
	v39 =	vadd.f32 v46, v39;
	v49 =	vmul.f32 v18, v28;
	v18 =	vld.idx.msk [tilespmem:v16+s28+$0x12C0 ss:$0x1], $0xffff  }
0xd3: {  	v23 =	vmul.f32 v23, v28;
	v36 =	vadd.f32 v47, v36;
	v37 =	vadd.f32 v42, v37;
	v51 =	vld [tilespmem:s28+$0xD820]  }
0xd4: {  	v24 =	vmul.f32 v26, v24;
	v33 =	vadd.f32 v56, v33;
	v34 =	vadd.f32 v50, v34;
	v42 =	vld.idx.msk [tilespmem:v16+s28+$0x640 ss:$0x1], $0xffff  }
0xd5: {  	v17 =	vmul.f32 v26, v17;
	v35 =	vadd.f32 v48, v35;
	v29 =	vadd.f32 v49, v29;
	v27 =	vld.idx.msk [tilespmem:v16+s28+$0x320 ss:$0x1], $0xffff  }
0xd6: {  	v30 =	vadd.f32 v23, v30;
	v26 =	vld.idx.msk [tilespmem:v16+s28+$0x0 ss:$0x1], $0xffff;
	v46 =	vmul.f32 v53, v58;
	v47 =	vmul.f32 v55, v58  }
0xd7: {  	v22 =	vadd.f32 v31, v22;
	v20 =	vadd.f32 v52, v20;
	v31 =	vmovc v53;
	v48 =	vmul.f32 v19, v58;
	v28 =	vld [tilespmem:s28+$0xD500]  }
.Ltmp1:
0xd8: {  	v43 =	vadd.f32 v57, v43;
	v11 =	vadd.f32 v46, v11;
	v49 =	vld.idx.msk [tilespmem:v16+s28+$0xFA0 ss:$0x1], $0xffff;
	v46 =	vmul.f32 v55, v51;
	(pc) =	sbr.rel @p1 .LBB2_6-.Ltmp1, $4  }
0xd9: {  	v25 =	vadd.f32 v24, v25;
	v23 =	vmovc v55;
	v52 =	vmul.f32 v19, v51;
	v13 =	vadd.f32 v48, v13  }
0xda: {  	v21 =	vadd.f32 v17, v21;
	v17 =	vmovc v58;
	v53 =	vmul.f32 v18, v58;
	v48 =	vmul.f32 v18, v51  }
0xdb: {  	v12 =	vadd.f32 v47, v12;
	v24 =	vmovc v51;
	v50 =	vmul.f32 v27, v17;
	v15 =	vadd.f32 v52, v15  }
0xdc: {  	v14 =	vadd.f32 v53, v14;
	v51 =	vmul.f32 v27, v28;
	v47 =	vmul.f32 v42, v28  }
0xdd: {  	v16 =	vmul.f32 v26, v28  }
0xde: {  	v62 =	vmul.f32 v31, v24;
	v63 =	vmul.f32 v42, v24  }
0xdf: {  	v52 =	vmul.f32 v49, v24;
	v42 =	vmul.f32 v42, v17  }
0xe0: {  	v32 =	vadd.f32 v50, v32;
	v56 =	vmul.f32 v49, v17;
	v19 =	vmul.f32 v19, v28  }
0xe1: {  	v40 =	vadd.f32 v48, v40;
	v57 =	vmul.f32 v31, v28;
	v39 =	vadd.f32 v46, v39  }
0xe2: {  	v58 =	vmul.f32 v49, v28;
	v18 =	vmul.f32 v18, v28;
	v45 =	vadd.f32 v51, v45  }
0xe3: {  	v23 =	vmul.f32 v23, v28;
	v36 =	vadd.f32 v47, v36;
	v16 =	vadd.f32 v16, v44  }
0xe4: {  	v27 =	vmul.f32 v27, v24;
	v41 =	vadd.f32 v63, v41;
	v38 =	vadd.f32 v52, v38  }
0xe5: {  	v54 =	vmul.f32 v26, v24;
	v37 =	vadd.f32 v56, v37;
	v19 =	vadd.f32 v19, v33  }
0xe6: {  	v55 =	vmul.f32 v26, v17;
	v33 =	vadd.f32 v62, v34;
	v59 =	vadd.f32 v58, v35  }
0xe7: {  	v46 =	vperm.xlane v12, v0;
	v31 =	vadd.f32 v57, v43;
	v18 =	vadd.f32 v18, v29  }
0xe8: {  	v23 =	vadd.f32 v23, v30;
	v22 =	vadd.f32 v27, v22;
	v30 =	vperm.xlane v40, v0  }
0xe9: {  	v20 =	vadd.f32 v42, v20;
	v42 =	vperm.xlane v13, v0;
	v43 =	vperm.xlane v11, v0  }
0xea: {  	v24 =	vadd.f32 v54, v25;
	v61 =	vperm.xlane v45, v0;
	v62 =	vperm.xlane v36, v0  }
0xeb: {  	v17 =	vadd.f32 v55, v21;
	v60 =	vperm.xlane v16, v0;
	v63 =	vperm.xlane v19, v0  }
0xec: {  	v12 =	vadd.f32 v46, v12;
	v49 =	vperm.xlane v31, v0;
	v50 =	vperm.xlane v59, v0  }
0xed: {  	v51 =	vperm.xlane v18, v0;
	v52 =	vperm.xlane v23, v0;
	v13 =	vadd.f32 v42, v13  }
0xee: {  	v44 =	vperm.xlane v37, v0;
	v11 =	vadd.f32 v43, v11;
	v47 =	vadd.f32 v61, v45  }
0xef: {  	v48 =	vadd.f32 v62, v36;
	v61 =	vperm.xlane v41, v0;
	v16 =	vadd.f32 v60, v16  }
0xf0: {  	v62 =	vperm.xlane v15, v0;
	v19 =	vadd.f32 v63, v19;
	v29 =	vadd.f32 v49, v31  }
0xf1: {  	v45 =	vperm.xlane v14, v0;
	v28 =	vadd.f32 v50, v59;
	v18 =	vadd.f32 v51, v18  }
0xf2: {  	v23 =	vadd.f32 v52, v23;
	v59 =	vperm.xlane v24, v0;
	v60 =	vperm.xlane v22, v0  }
0xf3: {  	v63 =	vperm.xlane v33, v0;
	v31 =	vperm.xlane v39, v0;
	v15 =	vadd.f32 v62, v15  }
0xf4: {  	v14 =	vadd.f32 v45, v14;
	v16 =	vsel vm0, v16, v47;
	v19 =	vsel vm0, v48, v19  }
0xf5: {  	v56 =	vsel vm0, v29, v28;
	v18 =	vsel vm0, v18, v23;
	v21 =	vadd.f32 v59, v24  }
0xf6: {  	v22 =	vadd.f32 v60, v22;
	v28 =	vperm.xlane v38, v0;
	v24 =	vadd.f32 v61, v41  }
0xf7: {  	v47 =	vadd.f32 v44, v37;
	v53 =	vperm.xlane v16, v1;
	v35 =	vperm.xlane v19, v1  }
0xf8: {  	v57 =	vperm.xlane v56, v1;
	v23 =	vperm.xlane v18, v1;
	v12 =	vsel vm0, v14, v12  }
0xf9: {  	v29 =	vadd.f32 v28, v38;
	v21 =	vsel vm0, v21, v22;
	v15 =	vsel vm0, v24, v15  }
0xfa: {  	v22 =	vadd.f32 v31, v39;
	v38 =	vperm.xlane v17, v0;
	v39 =	vperm.xlane v32, v0  }
0xfb: {  	v11 =	vsel vm0, v11, v47;
	v16 =	vadd.f32 v53, v16;
	v19 =	vadd.f32 v35, v19  }
0xfc: {  	v50 =	vperm.xlane v12, v1;
	v18 =	vadd.f32 v23, v18;
	v23 =	vadd.f32 v63, v33  }
0xfd: {  	v33 =	vadd.f32 v30, v40;
	v34 =	vperm.xlane v21, v1;
	v35 =	vperm.xlane v15, v1  }
0xfe: {  	v40 =	vperm.xlane v20, v0;
	v24 =	vperm.xlane v11, v1;
	v17 =	vadd.f32 v38, v17  }
0xff: {  	v41 =	vadd.f32 v39, v32;
	v12 =	vadd.f32 v50, v12;
	v16 =	vsel vm1, v16, v19  }
0x100: {  	v19 =	vadd.f32 v57, v56;
	v23 =	vsel vm0, v23, v29;
	v21 =	vadd.f32 v34, v21  }
0x101: {  	v15 =	vadd.f32 v35, v15;
	v20 =	vadd.f32 v40, v20;
	v22 =	vsel vm0, v33, v22  }
0x102: {  	v11 =	vadd.f32 v24, v11;
	v58 =	vperm.xlane v16, v2;
	v36 =	vperm.xlane v23, v1  }
0x103: {  	v48 =	vperm.xlane v22, v1;
	v17 =	vsel vm0, v17, v41;
	v13 =	vsel vm0, v20, v13  }
0x104: {  	v49 =	vperm.xlane v17, v1;
	v18 =	vsel vm1, v19, v18;
	v20 =	vperm.xlane v13, v1  }
0x105: {  	v15 =	vsel vm1, v21, v15;
	v23 =	vadd.f32 v36, v23;
	v22 =	vadd.f32 v48, v22  }
0x106: {  	v11 =	vsel vm1, v11, v12;
	v14 =	vadd.f32 v49, v17;
	v13 =	vadd.f32 v20, v13  }
0x107: {  	v16 =	vadd.f32 v58, v16;
	v51 =	vperm.xlane v18, v2;
	v52 =	vsel vm1, v23, v22  }
0x108: {  	v53 =	vperm.xlane v15, v2;
	v54 =	vperm.xlane v52, v2;
	v13 =	vsel vm1, v14, v13  }
0x109: {  	v56 =	vperm.xlane v11, v2;
	v55 =	vadd.f32 v51, v18;
	v14 =	vperm.xlane v13, v2  }
0x10a: {  	v15 =	vadd.f32 v53, v15;
	v57 =	vadd.f32 v54, v52  }
0x10b: {  	v11 =	vadd.f32 v56, v11;
	v12 =	vsel vm2, v16, v55;
	v13 =	vadd.f32 v14, v13  }
0x10c: {  	v58 =	vperm.xlane v12, v3;
	v15 =	vsel vm2, v15, v57  }
0x10d: {  	v59 =	vperm.xlane v15, v3;
	v11 =	vsel vm2, v13, v11  }
0x10e: {  	v7 =	vadd.f32 v7, v10;
	v60 =	vadd.f32 v12, v58;
	v61 =	vperm.xlane v11, v3  }
.Ltmp2:
0x10f: {  	v5 =	vadd.f32 v5, v9;
	s25 =	sshll.u32 s25, $0x4;
	v62 =	vadd.f32 v15, v59;
	(pc) =	sbr.rel @p0 .LBB2_3-.Ltmp2, $4  }
0x110: {  	v6 =	vadd.f32 v6, v8;
	s25 =	sand.u32 $0x3FFFFFF0, s25;
	v7 =	vsel vm3, v7, v60;
	v63 =	vadd.f32 v11, v61  }
0x111: {  	[tilespmem:v4+s25+$0x0 ss:$0x1] =	vst.idx.msk $0xffff, v7;
	v5 =	vsel vm3, v5, v62  }
0x112: {  	[tilespmem:v4+s25+$0x200 ss:$0x1] =	vst.idx.msk $0xffff, v5;
	v5 =	vsel vm3, v6, v63  }
0x113: {  	p1 =	por $0x0, $0x0;
	[tilespmem:v4+s25+$0x400 ss:$0x1] =	vst.idx.msk $0xffff, v5;
	s25 =	simm.s32 $0x1  }
0x114: {  	p0 =	seq.s32 s23, $0x7  }
0x115: {  	s25 =	sshll.u32 @!p0 s23, $0x5  }
0x116: {  	s25 =	sadd.s32 @!p0 s25, s9  }
0x117: {  	s25 =	smul.u32 @!p0 $0xD, s25;
	_ =	sdelay $0x1  }
0x118: {  	s26 =	simm.s32 @!p0 $0x0;
	s25 =	sadd.s32 @!p0 s4, s25  }
0x119: {  	[tilespmem:s26], [sflag:$0x3] =	stream.linear.gather @!p0 [hbm4b:s25+s26], $0x680, $0x38;
	[tilespmem:$0xEA90] =	vst v63  }
0x11a: {  	s25 =	simm.s32 @!p0 $0x3  }
0x11b: {  	_ =	swait.ge @!p0 [sflag:s25], $0x680  }
0x11c: {  	[sflag:s25] =	ssyncset.done @!p0 $0x0  }
0x11d: {  	s28 =	simm.s32 @!p0 $0xD00;
	[sflag:s25] =	ssyncadd.s32 @!p0 $0xFFFFF980;
	s25 =	simm.s32 @!p0 $0x64  }
0x11e: {  	[tilespmem:s28], [sflag:$0x1] =	stream.indirect.gather @!p0 [hbm4b:s5+s25], $0x10, s26, s25, $0xb8;
	[tilespmem:$0xEA90] =	vst v63  }
0x11f: {  	s26 =	simm.s32 @!p0 $0x68;
	s28 =	simm.s32 @!p0 $0x1340  }
0x120: {  	[tilespmem:s28], [sflag:$0x1] =	stream.indirect.gather @!p0 [hbm4b:s5+s25], $0x10, s26, s25, $0xb8;
	[tilespmem:$0xEA90] =	vst v63  }
0x121: {  	s26 =	simm.s32 @!p0 $0xD0;
	s28 =	simm.s32 @!p0 $0x1980  }
0x122: {  	[tilespmem:s28], [sflag:$0x1] =	stream.indirect.gather @!p0 [hbm4b:s5+s25], $0x10, s26, s25, $0xb8;
	[tilespmem:$0xEA90] =	vst v63  }
0x123: {  	s26 =	simm.s32 @!p0 $0x138;
	s28 =	simm.s32 @!p0 $0x1FC0  }
0x124: {  	[tilespmem:s28], [sflag:$0x1] =	stream.indirect.gather @!p0 [hbm4b:s5+s25], $0x10, s26, s25, $0xb8;
	[tilespmem:$0xEA90] =	vst v63  }
0x125: {  	s26 =	simm.s32 @!p0 $0x1A0;
	s28 =	simm.s32 @!p0 $0x2600  }
0x126: {  	[tilespmem:s28], [sflag:$0x1] =	stream.indirect.gather @!p0 [hbm4b:s5+s25], $0x10, s26, s25, $0xb8;
	[tilespmem:$0xEA90] =	vst v63  }
0x127: {  	s26 =	simm.s32 @!p0 $0x208;
	s28 =	simm.s32 @!p0 $0x2C40  }
0x128: {  	[tilespmem:s28], [sflag:$0x1] =	stream.indirect.gather @!p0 [hbm4b:s5+s25], $0x10, s26, s25, $0xb8;
	[tilespmem:$0xEA90] =	vst v63  }
0x129: {  	s26 =	simm.s32 @!p0 $0x270;
	s28 =	simm.s32 @!p0 $0x3280  }
0x12a: {  	[tilespmem:s28], [sflag:$0x1] =	stream.indirect.gather @!p0 [hbm4b:s5+s25], $0x10, s26, s25, $0xb8;
	[tilespmem:$0xEA90] =	vst v63  }
0x12b: {  	s26 =	simm.s32 @!p0 $0x2D8;
	s28 =	simm.s32 @!p0 $0x38C0  }
0x12c: {  	[tilespmem:s28], [sflag:$0x1] =	stream.indirect.gather @!p0 [hbm4b:s5+s25], $0x10, s26, s25, $0xb8;
	[tilespmem:$0xEA90] =	vst v63  }
0x12d: {  	s26 =	simm.s32 @!p0 $0x340;
	s28 =	simm.s32 @!p0 $0x3F00  }
0x12e: {  	[tilespmem:s28], [sflag:$0x1] =	stream.indirect.gather @!p0 [hbm4b:s5+s25], $0x10, s26, s25, $0xb8;
	[tilespmem:$0xEA90] =	vst v63  }
0x12f: {  	s26 =	simm.s32 @!p0 $0x3A8;
	s28 =	simm.s32 @!p0 $0x4540  }
0x130: {  	[tilespmem:s28], [sflag:$0x1] =	stream.indirect.gather @!p0 [hbm4b:s5+s25], $0x10, s26, s25, $0xb8;
	[tilespmem:$0xEA90] =	vst v63  }
0x131: {  	s26 =	simm.s32 @!p0 $0x410;
	s28 =	simm.s32 @!p0 $0x4B80  }
0x132: {  	[tilespmem:s28], [sflag:$0x1] =	stream.indirect.gather @!p0 [hbm4b:s5+s25], $0x10, s26, s25, $0xb8;
	[tilespmem:$0xEA90] =	vst v63  }
0x133: {  	s26 =	simm.s32 @!p0 $0x478;
	s28 =	simm.s32 @!p0 $0x51C0  }
0x134: {  	[tilespmem:s28], [sflag:$0x1] =	stream.indirect.gather @!p0 [hbm4b:s5+s25], $0x10, s26, s25, $0xb8;
	[tilespmem:$0xEA90] =	vst v63  }
0x135: {  	s26 =	simm.s32 @!p0 $0x4E0;
	s28 =	simm.s32 @!p0 $0x5800  }
0x136: {  	[tilespmem:s28], [sflag:$0x1] =	stream.indirect.gather @!p0 [hbm4b:s5+s25], $0x10, s26, s25, $0xb8;
	[tilespmem:$0xEA90] =	vst v63  }
0x137: {  	s26 =	simm.s32 @!p0 $0x548;
	s28 =	simm.s32 @!p0 $0x5E40  }
0x138: {  	[tilespmem:s28], [sflag:$0x1] =	stream.indirect.gather @!p0 [hbm4b:s5+s25], $0x10, s26, s25, $0xb8;
	[tilespmem:$0xEA90] =	vst v63  }
0x139: {  	s26 =	simm.s32 @!p0 $0x5B0;
	s28 =	simm.s32 @!p0 $0x6480  }
0x13a: {  	[tilespmem:s28], [sflag:$0x1] =	stream.indirect.gather @!p0 [hbm4b:s5+s25], $0x10, s26, s25, $0xb8;
	[tilespmem:$0xEA90] =	vst v63  }
0x13b: {  	s24 =	sshll.u32 s24, $0x5;
	s26 =	simm.s32 @!p0 $0x618;
	s28 =	simm.s32 @!p0 $0x6AC0  }
0x13c: {  	[tilespmem:s28], [sflag:$0x1] =	stream.indirect.gather @!p0 [hbm4b:s5+s25], $0x10, s26, s25, $0xb8;
	[tilespmem:$0xEA90] =	vst v63  }
0x13d: {  	s24 =	sand.u32 $0x3FFFFFE0, s24;
	_ =	swait.ge [sflag:s22], $0x6400  }
0x13e: {  	s29 =	sadd.s32 $0xDE90, s24;
	[sflag:s22] =	ssyncset.done $0x0  }
0x13f: {  	p1 =	por $0x1, $0x1;
	s24 =	simm.s32 $0x0;
	v4 =	vmov s29;
	[sflag:s22] =	ssyncadd.s32 $0xFFFF9C00  }
.LBB2_9:
0x140: {  	s25 =	smul.u32 $0xC800, s24;
	_ =	sdelay $0x1  }
0x141: {  	s25 =	sshra.s32 s25, $0x2  }
0x142: {  	s26 =	sadd.s32 $0x7D80, s25  }
0x143: {  	v20 =	vmov s26;
	_ =	sdelay $0x1  }
0x144: {  	s28 =	simm.s32 $0x0  }
0x145: {  	v10 =	vld [tilespmem:s28+$0xDB40]  }
0x146: {  	v17 =	vld [tilespmem:s28+$0xD820]  }
0x147: {  	v39 =	vld.idx.msk [tilespmem:v20+s28+$0x0 ss:$0x1], $0xffff  }
0x148: {  	v25 =	vimm.f32 $0.0e+00;
	v21 =	vld.idx.msk [tilespmem:v20+s28+$0x960 ss:$0x1], $0xffff  }
0x149: {  	v38 =	vimm.f32 $0.0e+00;
	v37 =	vimm.f32 $0.0e+00;
	v35 =	vimm.f32 $0.0e+00;
	v16 =	vld.idx.msk [tilespmem:v20+s28+$0xFFFFFCE0 ss:$0x1], $0xffff  }
0x14a: {  	v33 =	vimm.f32 $0.0e+00;
	v34 =	vimm.f32 $0.0e+00;
	v31 =	vimm.f32 $0.0e+00;
	v18 =	vld [tilespmem:s28+$0xD500]  }
0x14b: {  	v32 =	vimm.f32 $0.0e+00;
	v29 =	vimm.f32 $0.0e+00;
	v30 =	vimm.f32 $0.0e+00;
	v13 =	vld.idx.msk [tilespmem:v20+s28+$0x640 ss:$0x1], $0xffff  }
0x14c: {  	v26 =	vimm.f32 $0.0e+00;
	v27 =	vimm.f32 $0.0e+00;
	v28 =	vimm.f32 $0.0e+00;
	v24 =	vld.idx.msk [tilespmem:v20+s28+$0xFFFFF6A0 ss:$0x1], $0xffff  }
0x14d: {  	v22 =	vimm.f32 $0.0e+00;
	v23 =	vimm.f32 $0.0e+00;
	v19 =	vld.idx.msk [tilespmem:v20+s28+$0xFFFFF9C0 ss:$0x1], $0xffff;
	v5 =	vmul.f32 v39, v10  }
0x14e: {  	v36 =	vimm.f32 $0.0e+00;
	v6 =	vmul.f32 v21, v10;
	v7 =	vmul.f32 v16, v10  }
0x14f: {  	v15 =	vimm.f32 $0.0e+00;
	v14 =	vld.idx.msk [tilespmem:v20+s28+$0xFFFFF380 ss:$0x1], $0xffff;
	v40 =	vmul.f32 v21, v17;
	v8 =	vmul.f32 v16, v17  }
0x150: {  	v12 =	vimm.f32 $0.0e+00;
	v43 =	vld.idx.msk [tilespmem:v20+s28+$0x320 ss:$0x1], $0xffff;
	v42 =	vmul.f32 v13, v17;
	v11 =	vmul.f32 v13, v10  }
0x151: {  	v44 =	vmul.f32 v24, v10;
	v45 =	vmul.f32 v24, v18;
	v5 =	vadd.f32 v5, v25  }
0x152: {  	v41 =	vmul.f32 v19, v18;
	v7 =	vadd.f32 v7, v25;
	v9 =	vadd.f32 v8, v25  }
0x153: {  	p0 =	por p1, p1;
	s26 =	simm.s32 $0x40;
	v6 =	vadd.f32 v6, v25;
	v8 =	vadd.f32 v11, v25;
	v11 =	vimm.f32 $0.0e+00  }
.LBB2_10:
0x154: {  	s28 =	sshra.s32 s26, $0x2;
	p1 =	sne.s32 s26, $0xC40;
	s26 =	sadd.s32 $0x40, s26;
	v46 =	vmul.f32 v14, v18;
	v25 =	vadd.f32 v44, v25;
	v44 =	vmul.f32 v39, v17  }
0x155: {  	v48 =	vmul.f32 v43, v17;
	v47 =	vld.idx.msk [tilespmem:v20+s28+$0x0 ss:$0x1], $0xffff;
	v38 =	vadd.f32 v45, v38;
	v45 =	vmul.f32 v19, v17  }
0x156: {  	v49 =	vld.idx.msk [tilespmem:v20+s28+$0x960 ss:$0x1], $0xffff;
	v37 =	vadd.f32 v46, v37;
	v46 =	vmul.f32 v19, v10;
	v19 =	vmul.f32 v43, v10  }
0x157: {  	v50 =	vmul.f32 v16, v18;
	v51 =	vmul.f32 v39, v18;
	v35 =	vadd.f32 v42, v35;
	v16 =	vld.idx.msk [tilespmem:v20+s28+$0xFFFFFCE0 ss:$0x1], $0xffff  }
0x158: {  	v39 =	vmul.f32 v24, v17;
	v34 =	vadd.f32 v48, v34;
	v33 =	vadd.f32 v45, v33;
	v52 =	vld [tilespmem:s28+$0xDB40]  }
0x159: {  	v42 =	vmul.f32 v43, v18;
	v31 =	vadd.f32 v40, v31;
	v43 =	vmul.f32 v13, v18;
	v13 =	vld.idx.msk [tilespmem:v20+s28+$0x640 ss:$0x1], $0xffff  }
0x15a: {  	v32 =	vadd.f32 v41, v32;
	v18 =	vmul.f32 v21, v18;
	v29 =	vadd.f32 v19, v29;
	v45 =	vld [tilespmem:s28+$0xD820]  }
0x15b: {  	v17 =	vmul.f32 v14, v17;
	v30 =	vadd.f32 v50, v30;
	v26 =	vadd.f32 v44, v26;
	v19 =	vld.idx.msk [tilespmem:v20+s28+$0xFFFFF9C0 ss:$0x1], $0xffff  }
0x15c: {  	v10 =	vmul.f32 v14, v10;
	v27 =	vadd.f32 v42, v27;
	v28 =	vadd.f32 v43, v28;
	v24 =	vld.idx.msk [tilespmem:v20+s28+$0xFFFFF6A0 ss:$0x1], $0xffff  }
0x15d: {  	v22 =	vadd.f32 v18, v22;
	v14 =	vld.idx.msk [tilespmem:v20+s28+$0xFFFFF380 ss:$0x1], $0xffff;
	v44 =	vmul.f32 v47, v52;
	v41 =	vmul.f32 v49, v52  }
0x15e: {  	v23 =	vadd.f32 v39, v23;
	v11 =	vadd.f32 v46, v11;
	v39 =	vmovc v47;
	v42 =	vmul.f32 v16, v52;
	v18 =	vld [tilespmem:s28+$0xD500]  }
.Ltmp3:
0x15f: {  	v36 =	vadd.f32 v51, v36;
	v5 =	vadd.f32 v44, v5;
	v43 =	vld.idx.msk [tilespmem:v20+s28+$0x320 ss:$0x1], $0xffff;
	v40 =	vmul.f32 v49, v45;
	(pc) =	sbr.rel @p1 .LBB2_10-.Ltmp3, $4  }
0x160: {  	v15 =	vadd.f32 v17, v15;
	v21 =	vmovc v49;
	v46 =	vmul.f32 v16, v45;
	v7 =	vadd.f32 v42, v7  }
0x161: {  	v12 =	vadd.f32 v10, v12;
	v10 =	vmovc v52;
	v47 =	vmul.f32 v13, v52;
	v42 =	vmul.f32 v13, v45  }
0x162: {  	v6 =	vadd.f32 v41, v6;
	v17 =	vmovc v45;
	v44 =	vmul.f32 v24, v10;
	v9 =	vadd.f32 v46, v9  }
0x163: {  	v8 =	vadd.f32 v47, v8;
	v45 =	vmul.f32 v24, v18;
	v41 =	vmul.f32 v19, v18  }
0x164: {  	v20 =	vmul.f32 v14, v18  }
0x165: {  	v57 =	vmul.f32 v39, v17;
	v58 =	vmul.f32 v19, v17  }
0x166: {  	v46 =	vmul.f32 v43, v17;
	v59 =	vmul.f32 v43, v10  }
0x167: {  	v25 =	vadd.f32 v44, v25;
	v16 =	vmul.f32 v16, v18;
	v60 =	vmul.f32 v39, v18  }
0x168: {  	v35 =	vadd.f32 v42, v35;
	v61 =	vmul.f32 v43, v18;
	v13 =	vmul.f32 v13, v18  }
0x169: {  	v31 =	vadd.f32 v40, v31;
	v24 =	vmul.f32 v24, v17;
	v18 =	vmul.f32 v21, v18  }
0x16a: {  	v19 =	vmul.f32 v19, v10;
	v17 =	vmul.f32 v14, v17;
	v38 =	vadd.f32 v45, v38  }
0x16b: {  	v10 =	vmul.f32 v14, v10;
	v32 =	vadd.f32 v41, v32;
	v20 =	vadd.f32 v20, v37  }
0x16c: {  	v44 =	vimm.f32 $0.0e+00;
	v33 =	vadd.f32 v58, v33;
	v34 =	vadd.f32 v46, v34  }
0x16d: {  	v40 =	vimm.f32 $0.0e+00;
	v29 =	vadd.f32 v59, v29;
	v16 =	vadd.f32 v16, v30  }
0x16e: {  	v39 =	vimm.f32 $0.0e+00;
	v26 =	vadd.f32 v57, v26;
	v27 =	vadd.f32 v61, v27  }
0x16f: {  	v43 =	vimm.f32 $0.0e+00;
	v13 =	vadd.f32 v13, v28;
	v36 =	vadd.f32 v60, v36  }
0x170: {  	v45 =	vimm.f32 $0.0e+00;
	v18 =	vadd.f32 v18, v22;
	v22 =	vadd.f32 v24, v23  }
0x171: {  	v41 =	vimm.f32 $0.0e+00;
	v11 =	vadd.f32 v19, v11;
	v15 =	vadd.f32 v17, v15  }
0x172: {  	v10 =	vadd.f32 v10, v12;
	v30 =	vperm.xlane v38, v0;
	v28 =	vperm.xlane v20, v0  }
0x173: {  	v37 =	vimm.f32 $0.0e+00;
	v62 =	vperm.xlane v32, v0;
	v63 =	vperm.xlane v16, v0  }
0x174: {  	v23 =	vperm.xlane v36, v0;
	v21 =	vadd.f32 v30, v38;
	v20 =	vadd.f32 v28, v20  }
0x175: {  	v24 =	vperm.xlane v13, v0;
	v28 =	vadd.f32 v62, v32;
	v16 =	vadd.f32 v63, v16  }
0x176: {  	v19 =	vperm.xlane v22, v0;
	v38 =	vimm.f32 $0.0e+00;
	v23 =	vadd.f32 v23, v36  }
0x177: {  	v20 =	vsel vm0, v20, v21;
	v16 =	vsel vm0, v28, v16;
	v21 =	vperm.xlane v27, v0  }
0x178: {  	v13 =	vadd.f32 v24, v13;
	v28 =	vperm.xlane v18, v0;
	v30 =	vperm.xlane v16, v1  }
0x179: {  	v32 =	vimm.f32 $0.0e+00;
	v21 =	vadd.f32 v21, v27;
	v27 =	vperm.xlane v20, v1  }
0x17a: {  	v36 =	vimm.f32 $0.0e+00;
	v18 =	vadd.f32 v28, v18;
	v16 =	vadd.f32 v30, v16  }
0x17b: {  	v30 =	vimm.f32 $0.0e+00;
	v14 =	vadd.f32 v27, v20;
	v17 =	vsel vm0, v23, v21  }
0x17c: {  	v13 =	vsel vm0, v13, v18;
	v20 =	vperm.xlane v34, v0;
	v21 =	vperm.xlane v31, v0  }
0x17d: {  	v12 =	vperm.xlane v13, v1;
	v14 =	vsel vm1, v14, v16;
	v16 =	vperm.xlane v17, v1  }
0x17e: {  	v20 =	vadd.f32 v20, v34;
	v34 =	vimm.f32 $0.0e+00;
	v18 =	vperm.xlane v14, v2  }
0x17f: {  	v12 =	vadd.f32 v12, v13;
	v17 =	vadd.f32 v16, v17;
	v16 =	vperm.xlane v15, v0  }
0x180: {  	v13 =	vadd.f32 v18, v14;
	v14 =	vperm.xlane v33, v0;
	v18 =	vperm.xlane v9, v0  }
0x181: {  	v15 =	vadd.f32 v16, v15;
	v16 =	vadd.f32 v19, v22;
	v19 =	vperm.xlane v26, v0  }
0x182: {  	v22 =	vperm.xlane v6, v0;
	v9 =	vadd.f32 v18, v9;
	v18 =	vperm.xlane v35, v0  }
0x183: {  	v12 =	vsel vm1, v17, v12;
	v14 =	vadd.f32 v14, v33;
	v19 =	vadd.f32 v19, v26  }
0x184: {  	v15 =	vsel vm0, v15, v16;
	v16 =	vadd.f32 v18, v35;
	v18 =	vadd.f32 v21, v31  }
0x185: {  	v9 =	vsel vm0, v14, v9;
	v14 =	vsel vm0, v19, v20;
	v19 =	vperm.xlane v15, v1  }
0x186: {  	v18 =	vsel vm0, v16, v18;
	v16 =	vperm.xlane v9, v1;
	v20 =	vperm.xlane v14, v1  }
0x187: {  	v21 =	vperm.xlane v25, v0;
	v15 =	vadd.f32 v19, v15;
	v19 =	vperm.xlane v10, v0  }
0x188: {  	v9 =	vadd.f32 v16, v9;
	v14 =	vadd.f32 v20, v14;
	v16 =	vperm.xlane v11, v0  }
0x189: {  	v20 =	vperm.xlane v7, v0;
	v10 =	vadd.f32 v19, v10;
	v19 =	vadd.f32 v21, v25  }
0x18a: {  	v21 =	vperm.xlane v29, v0;
	v11 =	vadd.f32 v16, v11;
	v16 =	vperm.xlane v5, v0  }
0x18b: {  	v6 =	vadd.f32 v22, v6;
	v7 =	vadd.f32 v20, v7;
	v20 =	vperm.xlane v8, v0  }
0x18c: {  	s25 =	sadd.s32 $0x8A00, s25;
	v33 =	vimm.f32 $0.0e+00;
	v21 =	vadd.f32 v21, v29;
	v5 =	vadd.f32 v16, v5  }
0x18d: {  	v8 =	vadd.f32 v20, v8;
	v16 =	vmov s25;
	v7 =	vsel vm0, v11, v7  }
0x18e: {  	s26 =	simm.s32 $0x0;
	v23 =	vperm.xlane v18, v1;
	v10 =	vsel vm0, v10, v19;
	v11 =	vperm.xlane v7, v1  }
0x18f: {  	v24 =	vld [tilespmem:s26+$0xD820];
	v5 =	vsel vm0, v5, v21;
	v6 =	vsel vm0, v8, v6;
	v8 =	vperm.xlane v10, v1  }
0x190: {  	v28 =	vld [tilespmem:s26+$0xD500];
	v18 =	vadd.f32 v23, v18;
	v19 =	vperm.xlane v5, v1;
	v20 =	vperm.xlane v6, v1  }
0x191: {  	v17 =	vld [tilespmem:s26+$0xDB40];
	v22 =	vimm.f32 $0.0e+00;
	v7 =	vadd.f32 v11, v7;
	v8 =	vadd.f32 v8, v10  }
0x192: {  	v9 =	vsel vm1, v15, v9;
	v5 =	vadd.f32 v19, v5;
	v6 =	vadd.f32 v20, v6;
	v31 =	vld.idx.msk [tilespmem:v16+s26+$0xC80 ss:$0x1], $0xffff  }
0x193: {  	v11 =	vsel vm1, v14, v18;
	v14 =	vperm.xlane v9, v2;
	v10 =	vperm.xlane v12, v2;
	v23 =	vld.idx.msk [tilespmem:v16+s26+$0x15E0 ss:$0x1], $0xffff  }
0x194: {  	v15 =	vperm.xlane v11, v2;
	v19 =	vld.idx.msk [tilespmem:v16+s26+$0x960 ss:$0x1], $0xffff;
	v7 =	vsel vm1, v8, v7;
	v5 =	vsel vm1, v5, v6  }
0x195: {  	v18 =	vld.idx.msk [tilespmem:v16+s26+$0x12C0 ss:$0x1], $0xffff;
	v6 =	vadd.f32 v10, v12;
	v8 =	vperm.xlane v7, v2;
	v10 =	vperm.xlane v5, v2  }
0x196: {  	v35 =	vimm.f32 $0.0e+00;
	v9 =	vadd.f32 v14, v9;
	v27 =	vld.idx.msk [tilespmem:v16+s26+$0x320 ss:$0x1], $0xffff;
	v11 =	vadd.f32 v15, v11  }
0x197: {  	v42 =	vld.idx.msk [tilespmem:v16+s26+$0x640 ss:$0x1], $0xffff;
	v12 =	vadd.f32 v8, v7;
	v7 =	vsel vm2, v13, v6;
	v14 =	vadd.f32 v10, v5  }
0x198: {  	v5 =	vsel vm2, v9, v11;
	v10 =	vperm.xlane v7, v3;
	v11 =	vmul.f32 v31, v17  }
0x199: {  	v25 =	vimm.f32 $0.0e+00;
	v13 =	vmul.f32 v19, v17;
	v46 =	vmul.f32 v23, v24  }
0x19a: {  	v29 =	vimm.f32 $0.0e+00;
	v48 =	vmul.f32 v18, v24;
	v20 =	vmul.f32 v18, v17  }
0x19b: {  	v21 =	vimm.f32 $0.0e+00;
	v26 =	vld.idx.msk [tilespmem:v16+s26+$0x0 ss:$0x1], $0xffff;
	v50 =	vmul.f32 v27, v17;
	v51 =	vmul.f32 v27, v28  }
0x19c: {  	v49 =	vld.idx.msk [tilespmem:v16+s26+$0xFA0 ss:$0x1], $0xffff;
	v47 =	vmul.f32 v42, v28;
	v6 =	vsel vm2, v12, v14;
	v14 =	vmul.f32 v19, v24  }
0x19d: {  	v8 =	vperm.xlane v5, v3;
	v12 =	vmul.f32 v23, v17;
	v11 =	vadd.f32 v11, v32  }
0x19e: {  	v13 =	vadd.f32 v13, v32;
	v9 =	vperm.xlane v6, v3;
	v15 =	vadd.f32 v14, v32  }
0x19f: {  	s25 =	simm.s32 $0x40;
	v12 =	vadd.f32 v12, v32;
	v14 =	vadd.f32 v20, v32;
	v20 =	vimm.f32 $0.0e+00  }
.LBB2_12:
0x1a0: {  	s26 =	sshra.s32 s25, $0x2;
	p1 =	sne.s32 s25, $0xC40;
	s25 =	sadd.s32 $0x40, s25;
	v52 =	vmul.f32 v26, v28;
	v32 =	vadd.f32 v50, v32;
	v50 =	vmul.f32 v31, v24  }
0x1a1: {  	v54 =	vmul.f32 v49, v24;
	v53 =	vld.idx.msk [tilespmem:v16+s26+$0xC80 ss:$0x1], $0xffff;
	v45 =	vadd.f32 v51, v45;
	v51 =	vmul.f32 v42, v24  }
0x1a2: {  	v55 =	vld.idx.msk [tilespmem:v16+s26+$0x15E0 ss:$0x1], $0xffff;
	v44 =	vadd.f32 v52, v44;
	v52 =	vmul.f32 v42, v17;
	v42 =	vmul.f32 v49, v17  }
0x1a3: {  	v56 =	vmul.f32 v19, v28;
	v57 =	vmul.f32 v31, v28;
	v40 =	vadd.f32 v48, v40;
	v19 =	vld.idx.msk [tilespmem:v16+s26+$0x960 ss:$0x1], $0xffff  }
0x1a4: {  	v31 =	vmul.f32 v27, v24;
	v38 =	vadd.f32 v54, v38;
	v41 =	vadd.f32 v51, v41;
	v58 =	vld [tilespmem:s26+$0xDB40]  }
0x1a5: {  	v48 =	vmul.f32 v49, v28;
	v39 =	vadd.f32 v46, v39;
	v49 =	vmul.f32 v18, v28;
	v18 =	vld.idx.msk [tilespmem:v16+s26+$0x12C0 ss:$0x1], $0xffff  }
0x1a6: {  	v23 =	vmul.f32 v23, v28;
	v36 =	vadd.f32 v47, v36;
	v37 =	vadd.f32 v42, v37;
	v51 =	vld [tilespmem:s26+$0xD820]  }
0x1a7: {  	v24 =	vmul.f32 v26, v24;
	v33 =	vadd.f32 v56, v33;
	v34 =	vadd.f32 v50, v34;
	v42 =	vld.idx.msk [tilespmem:v16+s26+$0x640 ss:$0x1], $0xffff  }
0x1a8: {  	v17 =	vmul.f32 v26, v17;
	v35 =	vadd.f32 v48, v35;
	v29 =	vadd.f32 v49, v29;
	v27 =	vld.idx.msk [tilespmem:v16+s26+$0x320 ss:$0x1], $0xffff  }
0x1a9: {  	v30 =	vadd.f32 v23, v30;
	v26 =	vld.idx.msk [tilespmem:v16+s26+$0x0 ss:$0x1], $0xffff;
	v46 =	vmul.f32 v53, v58;
	v47 =	vmul.f32 v55, v58  }
0x1aa: {  	v22 =	vadd.f32 v31, v22;
	v20 =	vadd.f32 v52, v20;
	v31 =	vmovc v53;
	v48 =	vmul.f32 v19, v58;
	v28 =	vld [tilespmem:s26+$0xD500]  }
.Ltmp4:
0x1ab: {  	v43 =	vadd.f32 v57, v43;
	v11 =	vadd.f32 v46, v11;
	v49 =	vld.idx.msk [tilespmem:v16+s26+$0xFA0 ss:$0x1], $0xffff;
	v46 =	vmul.f32 v55, v51;
	(pc) =	sbr.rel @p1 .LBB2_12-.Ltmp4, $4  }
0x1ac: {  	v25 =	vadd.f32 v24, v25;
	v23 =	vmovc v55;
	v52 =	vmul.f32 v19, v51;
	v13 =	vadd.f32 v48, v13  }
0x1ad: {  	v21 =	vadd.f32 v17, v21;
	v17 =	vmovc v58;
	v53 =	vmul.f32 v18, v58;
	v48 =	vmul.f32 v18, v51  }
0x1ae: {  	v12 =	vadd.f32 v47, v12;
	v24 =	vmovc v51;
	v50 =	vmul.f32 v27, v17;
	v15 =	vadd.f32 v52, v15  }
0x1af: {  	v14 =	vadd.f32 v53, v14;
	v51 =	vmul.f32 v27, v28;
	v47 =	vmul.f32 v42, v28  }
0x1b0: {  	v16 =	vmul.f32 v26, v28  }
0x1b1: {  	v62 =	vmul.f32 v31, v24;
	v63 =	vmul.f32 v42, v24  }
0x1b2: {  	v52 =	vmul.f32 v49, v24;
	v42 =	vmul.f32 v42, v17  }
0x1b3: {  	v32 =	vadd.f32 v50, v32;
	v56 =	vmul.f32 v49, v17;
	v19 =	vmul.f32 v19, v28  }
0x1b4: {  	v40 =	vadd.f32 v48, v40;
	v57 =	vmul.f32 v31, v28;
	v39 =	vadd.f32 v46, v39  }
0x1b5: {  	v58 =	vmul.f32 v49, v28;
	v18 =	vmul.f32 v18, v28;
	v45 =	vadd.f32 v51, v45  }
0x1b6: {  	v23 =	vmul.f32 v23, v28;
	v36 =	vadd.f32 v47, v36;
	v16 =	vadd.f32 v16, v44  }
0x1b7: {  	v27 =	vmul.f32 v27, v24;
	v41 =	vadd.f32 v63, v41;
	v38 =	vadd.f32 v52, v38  }
0x1b8: {  	v54 =	vmul.f32 v26, v24;
	v37 =	vadd.f32 v56, v37;
	v19 =	vadd.f32 v19, v33  }
0x1b9: {  	v55 =	vmul.f32 v26, v17;
	v33 =	vadd.f32 v62, v34;
	v59 =	vadd.f32 v58, v35  }
0x1ba: {  	v46 =	vperm.xlane v12, v0;
	v31 =	vadd.f32 v57, v43;
	v18 =	vadd.f32 v18, v29  }
0x1bb: {  	v23 =	vadd.f32 v23, v30;
	v22 =	vadd.f32 v27, v22;
	v30 =	vperm.xlane v40, v0  }
0x1bc: {  	v20 =	vadd.f32 v42, v20;
	v42 =	vperm.xlane v13, v0;
	v43 =	vperm.xlane v11, v0  }
0x1bd: {  	v24 =	vadd.f32 v54, v25;
	v61 =	vperm.xlane v45, v0;
	v62 =	vperm.xlane v36, v0  }
0x1be: {  	v17 =	vadd.f32 v55, v21;
	v60 =	vperm.xlane v16, v0;
	v63 =	vperm.xlane v19, v0  }
0x1bf: {  	v12 =	vadd.f32 v46, v12;
	v49 =	vperm.xlane v31, v0;
	v50 =	vperm.xlane v59, v0  }
0x1c0: {  	v51 =	vperm.xlane v18, v0;
	v52 =	vperm.xlane v23, v0;
	v13 =	vadd.f32 v42, v13  }
0x1c1: {  	v44 =	vperm.xlane v37, v0;
	v11 =	vadd.f32 v43, v11;
	v47 =	vadd.f32 v61, v45  }
0x1c2: {  	v48 =	vadd.f32 v62, v36;
	v61 =	vperm.xlane v41, v0;
	v16 =	vadd.f32 v60, v16  }
0x1c3: {  	v62 =	vperm.xlane v15, v0;
	v19 =	vadd.f32 v63, v19;
	v29 =	vadd.f32 v49, v31  }
0x1c4: {  	v45 =	vperm.xlane v14, v0;
	v28 =	vadd.f32 v50, v59;
	v18 =	vadd.f32 v51, v18  }
0x1c5: {  	v23 =	vadd.f32 v52, v23;
	v59 =	vperm.xlane v24, v0;
	v60 =	vperm.xlane v22, v0  }
0x1c6: {  	v63 =	vperm.xlane v33, v0;
	v31 =	vperm.xlane v39, v0;
	v15 =	vadd.f32 v62, v15  }
0x1c7: {  	v14 =	vadd.f32 v45, v14;
	v16 =	vsel vm0, v16, v47;
	v19 =	vsel vm0, v48, v19  }
0x1c8: {  	v56 =	vsel vm0, v29, v28;
	v18 =	vsel vm0, v18, v23;
	v21 =	vadd.f32 v59, v24  }
0x1c9: {  	v22 =	vadd.f32 v60, v22;
	v28 =	vperm.xlane v38, v0;
	v24 =	vadd.f32 v61, v41  }
0x1ca: {  	v47 =	vadd.f32 v44, v37;
	v53 =	vperm.xlane v16, v1;
	v35 =	vperm.xlane v19, v1  }
0x1cb: {  	v57 =	vperm.xlane v56, v1;
	v23 =	vperm.xlane v18, v1;
	v12 =	vsel vm0, v14, v12  }
0x1cc: {  	v29 =	vadd.f32 v28, v38;
	v21 =	vsel vm0, v21, v22;
	v15 =	vsel vm0, v24, v15  }
0x1cd: {  	v22 =	vadd.f32 v31, v39;
	v38 =	vperm.xlane v17, v0;
	v39 =	vperm.xlane v32, v0  }
0x1ce: {  	v11 =	vsel vm0, v11, v47;
	v16 =	vadd.f32 v53, v16;
	v19 =	vadd.f32 v35, v19  }
0x1cf: {  	v50 =	vperm.xlane v12, v1;
	v18 =	vadd.f32 v23, v18;
	v23 =	vadd.f32 v63, v33  }
0x1d0: {  	v33 =	vadd.f32 v30, v40;
	v34 =	vperm.xlane v21, v1;
	v35 =	vperm.xlane v15, v1  }
0x1d1: {  	v40 =	vperm.xlane v20, v0;
	v24 =	vperm.xlane v11, v1;
	v17 =	vadd.f32 v38, v17  }
0x1d2: {  	v41 =	vadd.f32 v39, v32;
	v12 =	vadd.f32 v50, v12;
	v16 =	vsel vm1, v16, v19  }
0x1d3: {  	v19 =	vadd.f32 v57, v56;
	v23 =	vsel vm0, v23, v29;
	v21 =	vadd.f32 v34, v21  }
0x1d4: {  	v15 =	vadd.f32 v35, v15;
	v20 =	vadd.f32 v40, v20;
	v22 =	vsel vm0, v33, v22  }
0x1d5: {  	v11 =	vadd.f32 v24, v11;
	v58 =	vperm.xlane v16, v2;
	v36 =	vperm.xlane v23, v1  }
0x1d6: {  	v48 =	vperm.xlane v22, v1;
	v17 =	vsel vm0, v17, v41;
	v13 =	vsel vm0, v20, v13  }
0x1d7: {  	v49 =	vperm.xlane v17, v1;
	v18 =	vsel vm1, v19, v18;
	v20 =	vperm.xlane v13, v1  }
0x1d8: {  	v15 =	vsel vm1, v21, v15;
	v23 =	vadd.f32 v36, v23;
	v22 =	vadd.f32 v48, v22  }
0x1d9: {  	v11 =	vsel vm1, v11, v12;
	v14 =	vadd.f32 v49, v17;
	v13 =	vadd.f32 v20, v13  }
0x1da: {  	v16 =	vadd.f32 v58, v16;
	v51 =	vperm.xlane v18, v2;
	v52 =	vsel vm1, v23, v22  }
0x1db: {  	v53 =	vperm.xlane v15, v2;
	v54 =	vperm.xlane v52, v2;
	v13 =	vsel vm1, v14, v13  }
0x1dc: {  	v56 =	vperm.xlane v11, v2;
	v55 =	vadd.f32 v51, v18;
	v14 =	vperm.xlane v13, v2  }
0x1dd: {  	v15 =	vadd.f32 v53, v15;
	v57 =	vadd.f32 v54, v52  }
0x1de: {  	v11 =	vadd.f32 v56, v11;
	v12 =	vsel vm2, v16, v55;
	v13 =	vadd.f32 v14, v13  }
0x1df: {  	v58 =	vperm.xlane v12, v3;
	v15 =	vsel vm2, v15, v57  }
0x1e0: {  	v59 =	vperm.xlane v15, v3;
	v11 =	vsel vm2, v13, v11  }
0x1e1: {  	v7 =	vadd.f32 v7, v10;
	v60 =	vadd.f32 v12, v58;
	v61 =	vperm.xlane v11, v3  }
.Ltmp5:
0x1e2: {  	v5 =	vadd.f32 v5, v8;
	s24 =	sshll.u32 s24, $0x4;
	v62 =	vadd.f32 v15, v59;
	(pc) =	sbr.rel @p0 .LBB2_9-.Ltmp5, $4  }
0x1e3: {  	v6 =	vadd.f32 v6, v9;
	s24 =	sand.u32 $0x3FFFFFF0, s24;
	v7 =	vsel vm3, v7, v60;
	v63 =	vadd.f32 v11, v61  }
0x1e4: {  	[tilespmem:v4+s24+$0x0 ss:$0x1] =	vst.idx.msk $0xffff, v7;
	v5 =	vsel vm3, v5, v62  }
0x1e5: {  	[tilespmem:v4+s24+$0x200 ss:$0x1] =	vst.idx.msk $0xffff, v5;
	v5 =	vsel vm3, v6, v63  }
0x1e6: {  	p1 =	por $0x0, $0x0;
	[tilespmem:v4+s24+$0x400 ss:$0x1] =	vst.idx.msk $0xffff, v5;
	s24 =	simm.s32 $0x1  }
0x1e7: {  	s23 =	sadd.s32 $0x1, s23  }
0x1e8: {  	p0 =	sne.s32 s23, $0x8  }
.Ltmp6:
0x1e9: {  	_ = 	snop;
	(pc) =	sbr.rel @p0 .LBB2_2-.Ltmp6, $1  }
0x1ea: {  	_ =	sdelay $0x3  }
0x1eb: {  	v7 =	vld [tilespmem:$0xDE70]  }
0x1ec: {  	s23 =	simm.s32 $0x0;
	v8 =	vld [tilespmem:$0xDE60]  }
0x1ed: {  	v4 =	vld [tilespmem:s23+$0xE290]  }
0x1ee: {  	v5 =	vld [tilespmem:s23+$0xDE90]  }
0x1ef: {  	s24 =	simm.s32 $0x40;
	v6 =	vld [tilespmem:s23+$0xE090]  }
.LBB2_16:
0x1f0: {  	p0 =	sne.s32 s24, $0x7C0;
	v9 =	vld [tilespmem:$0xDE80];
	_ =	sdelay $0x3  }
0x1f1: {  	v6 =	vadd.f32 v7, v6;
	v5 =	vadd.f32 v8, v5  }
0x1f2: {  	v7 =	vadd.f32 v9, v4  }
0x1f3: {  	v4 =	vmax.f32 v5, v6  }
0x1f4: {  	v8 =	vmax.f32 v4, v7  }
0x1f5: {  	v4 =	vsub.f32 v5, v8  }
0x1f6: {  	v5 =	vsub.f32 v6, v8  }
0x1f7: {  	v6 =	vmul.f32 $1.442695020e+00, v4  }
0x1f8: {  	v7 =	vsub.f32 v7, v8;
	v9 =	vmul.f32 $1.442695020e+00, v5  }
0x1f9: {  	(erf) = vpow2.f32 v6  }
0x1fa: {  	v6 =	vmul.f32 $1.442695020e+00, v7;
	(erf) = vpow2.f32 v9;
	_ =	sdelay $0x1  }
0x1fb: {  	(erf) = vpow2.f32 v6;
	_ =	sdelay $0x5  }
0x1fc: {  	v6 =	vpop (erf)  }
0x1fd: {  	v8 =	vpop (erf)  }
0x1fe: {  	v6 =	vadd.f32 v8, v6  }
0x1ff: {  	v8 =	vpop (erf)  }
0x200: {  	v6 =	vadd.f32 v6, v8;
	_ =	sdelay $0x1  }
0x201: {  	v8 =	vadd.f32 $1.000000000e+00, v6;
	_ =	sdelay $0x1  }
0x202: {  	(erf) = vrcp.f32 v8;
	_ =	sdelay $0x7  }
0x203: {  	v8 =	vadd.f32 $-1.000000000e+00, v6  }
0x204: {  	v9 =	vpop (erf)  }
0x205: {  	v8 =	vmul.f32 v9, v8;
	_ =	sdelay $0x1  }
0x206: {  	v9 =	vmul.f32 v8, v8;
	_ =	sdelay $0x1  }
0x207: {  	v10 =	vmul.f32 $2.000000030e-01, v9;
	_ =	sdelay $0x1  }
0x208: {  	v10 =	vadd.f32 $3.333333430e-01, v10;
	_ =	sdelay $0x1  }
0x209: {  	v9 =	vmul.f32 v10, v9;
	_ =	sdelay $0x1  }
0x20a: {  	v8 =	vadd.f32 v8, v8;
	v9 =	vadd.f32 $1.000000000e+00, v9;
	_ =	sdelay $0x1  }
0x20b: {  	v8 =	vmul.f32 v9, v8;
	_ =	sdelay $0x1  }
0x20c: {  	v9 =	vsub.f32 $0.0e+00, v8;
	_ =	sdelay $0x1  }
0x20d: {  	v9 =	vmul.f32 $1.442695020e+00, v9;
	_ =	sdelay $0x1  }
0x20e: {  	(erf) = vpow2.f32 v9;
	_ =	sdelay $0x8  }
0x20f: {  	v9 =	vpop (erf)  }
0x210: {  	v9 =	vmul.f32 v9, v6;
	_ =	sdelay $0x1  }
0x211: {  	v8 =	vadd.f32 v9, v8;
	_ =	sdelay $0x1  }
0x212: {  	v8 =	vadd.f32 $-1.000000000e+00, v8;
	_ =	sdelay $0x1  }
0x213: {  	v9 =	vsub.f32 $0.0e+00, v8;
	_ =	sdelay $0x1  }
0x214: {  	v9 =	vmul.f32 $1.442695020e+00, v9;
	_ =	sdelay $0x1  }
0x215: {  	(erf) = vpow2.f32 v9;
	_ =	sdelay $0x8  }
0x216: {  	v9 =	vpop (erf)  }
0x217: {  	v6 =	vmul.f32 v9, v6;
	_ =	sdelay $0x1  }
0x218: {  	v6 =	vadd.f32 v6, v8;
	_ =	sdelay $0x1  }
0x219: {  	v6 =	vadd.f32 $-1.000000000e+00, v6;
	_ =	sdelay $0x1  }
0x21a: {  	v8 =	vsub.f32 v5, v6;
	v5 =	vsub.f32 v7, v6  }
0x21b: {  	s25 =	sshra.s32 s24, $0x2;
	v7 =	vsub.f32 v4, v6  }
.Ltmp7:
0x21c: {  	v4 =	vld [tilespmem:s25+$0xE290];
	[tilespmem:s23+$0xE890] =	vst v5;
	(pc) =	sbr.rel @p0 .LBB2_16-.Ltmp7, $4  }
0x21d: {  	v5 =	vld [tilespmem:s25+$0xDE90];
	[tilespmem:s23+$0xE690] =	vst v8  }
0x21e: {  	v6 =	vld [tilespmem:s25+$0xE090];
	[tilespmem:s23+$0xE490] =	vst v7;
	s23 =	smov.u32 s25  }
0x21f: {  	v7 =	vld [tilespmem:$0xDE70]  }
0x220: {  	s24 =	sadd.s32 $0x40, s24;
	v8 =	vld [tilespmem:$0xDE60]  }
0x221: {  	v9 =	vld [tilespmem:$0xDE80];
	_ =	sdelay $0x3  }
0x222: {  	v6 =	vadd.f32 v7, v6;
	v5 =	vadd.f32 v8, v5  }
0x223: {  	v4 =	vadd.f32 v9, v4  }
0x224: {  	v7 =	vmax.f32 v5, v6  }
0x225: {  	v7 =	vmax.f32 v7, v4  }
0x226: {  	v5 =	vsub.f32 v5, v7  }
0x227: {  	v6 =	vsub.f32 v6, v7  }
0x228: {  	v56 =	vmul.f32 $1.442695020e+00, v5  }
0x229: {  	v4 =	vsub.f32 v4, v7;
	v57 =	vmul.f32 $1.442695020e+00, v6  }
0x22a: {  	(erf) = vpow2.f32 v56  }
0x22b: {  	v7 =	vmul.f32 $1.442695020e+00, v4;
	(erf) = vpow2.f32 v57;
	_ =	sdelay $0x1  }
0x22c: {  	(erf) = vpow2.f32 v7;
	_ =	sdelay $0x5  }
0x22d: {  	v58 =	vpop (erf)  }
0x22e: {  	v59 =	vpop (erf)  }
0x22f: {  	v7 =	vadd.f32 v59, v58  }
0x230: {  	v60 =	vpop (erf)  }
0x231: {  	v7 =	vadd.f32 v7, v60;
	_ =	sdelay $0x1  }
0x232: {  	v8 =	vadd.f32 $1.000000000e+00, v7;
	_ =	sdelay $0x1  }
0x233: {  	(erf) = vrcp.f32 v8;
	_ =	sdelay $0x7  }
0x234: {  	v61 =	vadd.f32 $-1.000000000e+00, v7  }
0x235: {  	v62 =	vpop (erf)  }
0x236: {  	v8 =	vmul.f32 v62, v61;
	_ =	sdelay $0x1  }
0x237: {  	v9 =	vmul.f32 v8, v8;
	_ =	sdelay $0x1  }
0x238: {  	v10 =	vmul.f32 $2.000000030e-01, v9;
	_ =	sdelay $0x1  }
0x239: {  	v10 =	vadd.f32 $3.333333430e-01, v10;
	_ =	sdelay $0x1  }
0x23a: {  	v9 =	vmul.f32 v10, v9;
	_ =	sdelay $0x1  }
0x23b: {  	v8 =	vadd.f32 v8, v8;
	v9 =	vadd.f32 $1.000000000e+00, v9;
	_ =	sdelay $0x1  }
0x23c: {  	v8 =	vmul.f32 v9, v8;
	_ =	sdelay $0x1  }
0x23d: {  	v9 =	vsub.f32 $0.0e+00, v8;
	_ =	sdelay $0x1  }
0x23e: {  	v9 =	vmul.f32 $1.442695020e+00, v9;
	_ =	sdelay $0x1  }
0x23f: {  	(erf) = vpow2.f32 v9;
	_ =	sdelay $0x8  }
0x240: {  	v9 =	vpop (erf)  }
0x241: {  	v9 =	vmul.f32 v9, v7;
	_ =	sdelay $0x1  }
0x242: {  	v8 =	vadd.f32 v9, v8;
	_ =	sdelay $0x1  }
0x243: {  	v8 =	vadd.f32 $-1.000000000e+00, v8;
	_ =	sdelay $0x1  }
0x244: {  	v63 =	vsub.f32 $0.0e+00, v8;
	_ =	sdelay $0x1  }
0x245: {  	v9 =	vmul.f32 $1.442695020e+00, v63;
	_ =	sdelay $0x1  }
0x246: {  	(erf) = vpow2.f32 v9;
	_ =	sdelay $0x8  }
0x247: {  	v9 =	vpop (erf)  }
0x248: {  	v7 =	vmul.f32 v9, v7;
	_ =	sdelay $0x1  }
0x249: {  	v7 =	vadd.f32 v7, v8;
	_ =	sdelay $0x1  }
0x24a: {  	v7 =	vadd.f32 $-1.000000000e+00, v7;
	_ =	sdelay $0x1  }
0x24b: {  	v4 =	vsub.f32 v4, v7  }
0x24c: {  	v6 =	vsub.f32 v6, v7  }
0x24d: {  	v5 =	vsub.f32 v5, v7;
	[tilespmem:s23+$0xE890] =	vst v4  }
0x24e: {  	[tilespmem:s23+$0xE690] =	vst v6  }
0x24f: {  	s24 =	simm.s32 $0x0;
	s26 =	rddreg [dreg:$0x5];
	s25 =	simm.s32 $0xE490;
	[tilespmem:s23+$0xE490] =	vst v5  }
0x250: {  	[hbm4b:s26+s24] =	stream.linear.scatter [tilespmem:s25], [sflag:$0x3], $0x200, $0x38;
	[tilespmem:$0xEA90] =	vst v63  }
0x251: {  	_ =	swait.ge [sflag:s15], $0x200  }
0x252: {  	[sflag:s15] =	ssyncset.done $0x0  }
0x253: {  	s29 =	simm.s32 $0xE690;
	s28 =	rddreg [dreg:$0x6];
	[sflag:s15] =	ssyncadd.s32 $0xFFFFFE00  }
0x254: {  	[hbm4b:s28+s24] =	stream.linear.scatter [tilespmem:s29], [sflag:$0x3], $0x200, $0x38;
	[tilespmem:$0xEA90] =	vst v63  }
0x255: {  	_ =	swait.ge [sflag:s15], $0x200  }
0x256: {  	[sflag:s15] =	ssyncset.done $0x0  }
0x257: {  	s26 =	simm.s32 $0xE890;
	s25 =	rddreg [dreg:$0x7];
	[sflag:s15] =	ssyncadd.s32 $0xFFFFFE00  }
0x258: {  	[hbm4b:s25+s24] =	stream.linear.scatter [tilespmem:s26], [sflag:$0x3], $0x200, $0x38;
	[tilespmem:$0xEA90] =	vst v63  }
0x259: {  	_ =	swait.ge [sflag:s15], $0x200  }
0x25a: {  	s28 =	rddreg [dreg:$0x9]  }
0x25b: {  	s29 =	rddreg [dreg:$0x8];
	s25 =	sadd.s32 $0x1, s28  }
0x25c: {  	p0 =	sne.s32 s25, s29  }
.Ltmp8:
0x25d: {  	_ = 	snop;
	(pc) =	sbr.rel @p0 .LBB2_1-.Ltmp8, $3  }
0x25e: {  	_ =	sdelay $0x1  }
0x25f: {  	[sflag:s15] =	ssyncset.done $0x0  }
0x260: {  	[sflag:s15] =	ssyncadd.s32 $0xFFFFFE00  }
0x261: {  	_ =	sfence.sel $0x180000  }
0x262: {  	[bflag:$0x0] =	sbarrier.arrive $0xFFFF  }
0x263: {  	_ =	strace $0x90000047  }
0x264: {  	s0 =	stileid.u32;
	[bflag:$0x2] =	sbarrier.arrive $0xFFFF  }
0x265: {  	p0 =	sne.s32 s0, $0x0;
	s0 =	rddreg [dreg:$0x2]  }
0x266: {  	s0 =	sadd.s32 @!p0 $0x100000, s0  }
0x267: {  	[sflag:s0] =	ssyncadd.tile.s32 @!p0 $0x1;
	_ =	shalt  }
.Lfunc_end2:
_tile_overlayer_lowered:
.L_overlay_start_2:
0x268: {  	(tag) =	ssettag $0x2  }
0x269: {  	s0 =	rddreg [dreg:$0x0];
	s2 =	stileid.u32  }
0x26a: {  	s1 =	rddreg [dreg:$0x1];
	p0 =	sne.s32 s2, $0x0  }
0x26b: {  	s3 =	rddreg [dreg:$0x2];
	[bflag:$0x3] =	sbarrier.arrive $0xFFFF;
	s2 =	simm.s32 @!p0 $0x1C03  }
0x26c: {  	[timem:s3], [sflag:s2] =	dma.local @!p0 [hbm:s0], s1  }
0x26d: {  	s0 =	simm.s32 @!p0 $0x3  }
0x26e: {  	_ =	swait.ge @!p0 [sflag:s0], s1  }
0x26f: {  	s1 =	ssub.s32 @!p0 $0x0, s1;
	[sflag:s0] =	ssyncset.done @!p0 $0x0  }
0x270: {  	[sflag:s0] =	ssyncadd.s32 @!p0 s1  }
0x271: {  	[bflag:$0x3] =	sbarrier.arrive $0xFFFF  }
0x272: {  	_ =	shalt  }

</sc_bundles>
